<compile_context>
chip_gen: v7x
topology: tpu7x:2x2x1
jax: 0.10.2.dev20260603
libtpu: 0.0.44.dev20260713+nightly
codegen_flags: <defaults>
</compile_context>

<pallas_src>
import functools

import jax
import jax.numpy as jnp
from jax import lax
from jax.experimental import pallas as pl
from jax.experimental.pallas import tpu as pltpu
from jax.experimental.pallas import tpu_sc as plsc

NC, NS, LANES = 2, 16, 16
NW = NC * NS
CH_ROWS = 2
RING = 8
PF = 4


def kernel(x, pe_table):
    bs, t, d = x.shape
    rows_per_w = t // NW
    nchunks = rows_per_w // CH_ROWS
    ngroups = nchunks // RING
    assert rows_per_w * NW == t and ngroups * RING == nchunks

    mesh = plsc.VectorSubcoreMesh(
        core_axis_name="c", subcore_axis_name="s", num_cores=NC, num_subcores=NS
    )

    @functools.partial(
        pl.kernel,
        out_type=jax.ShapeDtypeStruct((bs, t, d), jnp.float32),
        mesh=mesh,
        scratch_types=[
            pltpu.VMEM((RING, CH_ROWS, d), jnp.float32),
            pltpu.VMEM((RING, bs, CH_ROWS, d), jnp.float32),
            pltpu.SemaphoreType.DMA((RING,)),
            pltpu.SemaphoreType.DMA((RING,)),
        ],
    )
    def pe_add(x_hbm, pe_hbm, out_hbm, pe_v, x_v, load_sem, store_sem):
        wid = lax.axis_index("s") * NC + lax.axis_index("c")
        row0 = wid * rows_per_w

        def start_loads(c, s):
            rows = pl.ds(row0 + c * CH_ROWS, CH_ROWS)
            pltpu.async_copy(pe_hbm.at[rows, :], pe_v.at[s], load_sem.at[s])
            pltpu.async_copy(x_hbm.at[:, rows, :], x_v.at[s], load_sem.at[s])

        def start_store(c, s):
            rows = pl.ds(row0 + c * CH_ROWS, CH_ROWS)
            pltpu.async_copy(x_v.at[s], out_hbm.at[:, rows, :], store_sem.at[s])

        rows0 = pl.ds(row0, CH_ROWS)

        def wait_loads(s):
            pltpu.make_async_copy(
                pe_hbm.at[rows0, :], pe_v.at[s], load_sem.at[s]
            ).wait()
            pltpu.make_async_copy(
                x_hbm.at[:, rows0, :], x_v.at[s], load_sem.at[s]
            ).wait()

        def wait_store(s):
            pltpu.make_async_copy(
                x_v.at[s], out_hbm.at[:, rows0, :], store_sem.at[s]
            ).wait()

        def compute(s):
            @plsc.parallel_loop(0, d, step=LANES, unroll=2)
            def slice_body(i):
                sl = pl.ds(i, LANES)
                for r in range(CH_ROWS):
                    pv = pe_v[s, r, sl]
                    for b in range(bs):
                        x_v[s, b, r, sl] = x_v[s, b, r, sl] + pv

        for i in range(PF):
            start_loads(i, i)

        def group_body(k, _):
            for j in range(RING):
                c = RING * k + j
                tgt = (j + PF) % RING
                if j < RING - PF:
                    @pl.when(k > 0)
                    def _():
                        wait_store(tgt)

                    start_loads(c + PF, tgt)
                else:
                    wait_store(tgt)

                    @pl.when(k + 1 < ngroups)
                    def _():
                        start_loads(c + PF, tgt)

                wait_loads(j)
                compute(j)
                start_store(c, j)
            return 0

        lax.fori_loop(0, ngroups, group_body, 0)
        for i in range(PF):
            wait_store((nchunks - PF + i) % RING)

    return pe_add(x, pe_table)

# --- scband reference (transcript-rebuilt; emitter-appended) ---
"""Pipeline reference for scband-positional-encoding-tf-28613072126642 (READ-ONLY COPY).

The authoritative reference and input builder live on the scoring server;
editing this copy changes nothing except your own understanding.
"""

import jax, jax.numpy as jnp
import numpy as np

D_PE = 1024
MAX_LEN = 8192
BS, T, D_MODEL = 4, 4096, 1024

def setup_inputs(seed: int = 0) -> dict:
    key = jax.random.key(seed)
    kx, kpe = jax.random.split(key)
    x = jax.random.normal(kx, (BS, T, D_MODEL), dtype=jnp.float32)
    pe_table = jax.random.normal(kpe, (MAX_LEN, D_PE), dtype=jnp.float32) * 0.02
    return {"x": x, "pe_table": pe_table}

def reference(x, pe_table):
    bs, t, d_model = x.shape
    pos_ids = jnp.arange(t, dtype=jnp.int64 if jax.config.jax_enable_x64 else jnp.int32)
    pos_ids = jnp.broadcast_to(pos_ids[None, :], (bs, t))
    pos_emb = jnp.take(pe_table, pos_ids, axis=0)  # [bs, t, d_pe]
    return x + pos_emb

if __name__ == "__main__":
    import jax
    _d = setup_inputs()
    print(jax.jit(kernel)(*tuple(_d.values())))

</pallas_src>

<mosaic_0001>
#map = affine_map<(d0, d1) -> (0, 0, 0)>
#map1 = affine_map<(d0, d1) -> (0, 0)>
module attributes {stable_mosaic.version = 14 : i64} {
  func.func @pe_add(%arg0: i32, %arg1: i32, %arg2: memref<4x4096x1024xf32, #tpu.memory_space<hbm>>, %arg3: memref<8192x1024xf32, #tpu.memory_space<hbm>>, %arg4: memref<4x4096x1024xf32, #tpu.memory_space<hbm>>, %arg5: memref<8x2x1024xf32, #tpu.memory_space<vmem>>, %arg6: memref<8x4x2x1024xf32, #tpu.memory_space<vmem>>, %arg7: memref<8x!tpu.dma_semaphore, #tpu.memory_space<semaphore_mem>>, %arg8: memref<8x!tpu.dma_semaphore, #tpu.memory_space<semaphore_mem>>) attributes {dimension_semantics = [#tpu.dimension_semantics<core_parallel>, #tpu.dimension_semantics<subcore_parallel>], iteration_bounds = array<i64: 2, 16>, scalar_prefetch = 0 : i64, scratch_operands = 4 : i64, tpu.core_type = #tpu.core_type<sc_vector_subcore>, window_params = [{transform_indices = #map}, {transform_indices = #map1}, {transform_indices = #map}]} {
    %mul3A = arith.constant 2 : i32
    %mul3A_0 = arith.muli %arg1, %mul3A : i32
    %add3A = arith.addi %mul3A_0, %arg0 : i32
    %mul3A_1 = arith.constant 128 : i32
    %mul3A_2 = arith.muli %add3A, %mul3A_1 : i32
    %add3A_3 = arith.constant 0 : i32
    %add3A_4 = arith.addi %mul3A_2, %add3A_3 : i32
    %dma_start3A = arith.constant 0 : i32
    %dma_start3A_5 = arith.constant 0 : i32
    %dma_start3A_6 = arith.constant 0 : i32
    %dma_start3A_7 = arith.constant 0 : i32
    %dma_start3A_8 = tpu.memref_slice %arg5[%dma_start3A, %dma_start3A_6, %dma_start3A_7] : memref<8x2x1024xf32, #tpu.memory_space<vmem>> -> memref<1x2x1024xf32, #tpu.memory_space<vmem>>
    %dma_start3A_9 = tpu.memref_squeeze %dma_start3A_8 : memref<1x2x1024xf32, #tpu.memory_space<vmem>> -> memref<2x1024xf32, #tpu.memory_space<vmem>>
    %dma_start3A_10 = arith.constant 0 : i32
    %dma_start3A_11 = tpu.memref_slice %arg3[%add3A_4, %dma_start3A_10] : memref<8192x1024xf32, #tpu.memory_space<hbm>> -> memref<2x1024xf32, #tpu.memory_space<hbm>>
    %dma_start3A_12 = tpu.memref_slice %arg7[%dma_start3A_5] : memref<8x!tpu.dma_semaphore, #tpu.memory_space<semaphore_mem>> -> memref<1x!tpu.dma_semaphore, #tpu.memory_space<semaphore_mem>>
    %dma_start3A_13 = tpu.memref_squeeze %dma_start3A_12 : memref<1x!tpu.dma_semaphore, #tpu.memory_space<semaphore_mem>> -> memref<!tpu.dma_semaphore, #tpu.memory_space<semaphore_mem>>
    %dma_start3A_14 = arith.constant 0 : i32
    %dma_start3A_15 = arith.constant 0 : i32
    %dma_start3A_16 = tpu.memref_slice %arg5[%dma_start3A, %dma_start3A_14, %dma_start3A_15] : memref<8x2x1024xf32, #tpu.memory_space<vmem>> -> memref<1x2x1024xf32, #tpu.memory_space<vmem>>
    %dma_start3A_17 = tpu.memref_squeeze %dma_start3A_16 : memref<1x2x1024xf32, #tpu.memory_space<vmem>> -> memref<2x1024xf32, #tpu.memory_space<vmem>>
    %dma_start3A_18 = arith.constant 0 : i32
    %dma_start3A_19 = tpu.memref_slice %arg3[%add3A_4, %dma_start3A_18] : memref<8192x1024xf32, #tpu.memory_space<hbm>> -> memref<2x1024xf32, #tpu.memory_space<hbm>>
    tpu.enqueue_dma source(%dma_start3A_19 : memref<2x1024xf32, #tpu.memory_space<hbm>>) target(%dma_start3A_17 : memref<2x1024xf32, #tpu.memory_space<vmem>>) target_semaphore(%dma_start3A_13 : memref<!tpu.dma_semaphore, #tpu.memory_space<semaphore_mem>>)
    %dma_start3A_20 = arith.constant 0 : i32
    %dma_start3A_21 = arith.constant 0 : i32
    %dma_start3A_22 = arith.constant 0 : i32
    %dma_start3A_23 = arith.constant 0 : i32
    %dma_start3A_24 = arith.constant 0 : i32
    %dma_start3A_25 = tpu.memref_slice %arg6[%dma_start3A_20, %dma_start3A_22, %dma_start3A_23, %dma_start3A_24] : memref<8x4x2x1024xf32, #tpu.memory_space<vmem>> -> memref<1x4x2x1024xf32, #tpu.memory_space<vmem>>
    %dma_start3A_26 = tpu.memref_squeeze %dma_start3A_25 : memref<1x4x2x1024xf32, #tpu.memory_space<vmem>> -> memref<4x2x1024xf32, #tpu.memory_space<vmem>>
    %dma_start3A_27 = arith.constant 0 : i32
    %dma_start3A_28 = arith.constant 0 : i32
    %dma_start3A_29 = tpu.memref_slice %arg2[%dma_start3A_27, %add3A_4, %dma_start3A_28] : memref<4x4096x1024xf32, #tpu.memory_space<hbm>> -> memref<4x2x1024xf32, #tpu.memory_space<hbm>>
    %dma_start3A_30 = tpu.memref_slice %arg7[%dma_start3A_21] : memref<8x!tpu.dma_semaphore, #tpu.memory_space<semaphore_mem>> -> memref<1x!tpu.dma_semaphore, #tpu.memory_space<semaphore_mem>>
    %dma_start3A_31 = tpu.memref_squeeze %dma_start3A_30 : memref<1x!tpu.dma_semaphore, #tpu.memory_space<semaphore_mem>> -> memref<!tpu.dma_semaphore, #tpu.memory_space<semaphore_mem>>
    %dma_start3A_32 = arith.constant 0 : i32
    %dma_start3A_33 = arith.constant 0 : i32
    %dma_start3A_34 = arith.constant 0 : i32
    %dma_start3A_35 = tpu.memref_slice %arg6[%dma_start3A_20, %dma_start3A_32, %dma_start3A_33, %dma_start3A_34] : memref<8x4x2x1024xf32, #tpu.memory_space<vmem>> -> memref<1x4x2x1024xf32, #tpu.memory_space<vmem>>
    %dma_start3A_36 = tpu.memref_squeeze %dma_start3A_35 : memref<1x4x2x1024xf32, #tpu.memory_space<vmem>> -> memref<4x2x1024xf32, #tpu.memory_space<vmem>>
    %dma_start3A_37 = arith.constant 0 : i32
    %dma_start3A_38 = arith.constant 0 : i32
    %dma_start3A_39 = tpu.memref_slice %arg2[%dma_start3A_37, %add3A_4, %dma_start3A_38] : memref<4x4096x1024xf32, #tpu.memory_space<hbm>> -> memref<4x2x1024xf32, #tpu.memory_space<hbm>>
    tpu.enqueue_dma source(%dma_start3A_39 : memref<4x2x1024xf32, #tpu.memory_space<hbm>>) target(%dma_start3A_36 : memref<4x2x1024xf32, #tpu.memory_space<vmem>>) target_semaphore(%dma_start3A_31 : memref<!tpu.dma_semaphore, #tpu.memory_space<semaphore_mem>>)
    %add3A_40 = arith.constant 2 : i32
    %add3A_41 = arith.addi %mul3A_2, %add3A_40 : i32
    %dma_start3A_42 = arith.constant 1 : i32
    %dma_start3A_43 = arith.constant 1 : i32
    %dma_start3A_44 = arith.constant 0 : i32
    %dma_start3A_45 = arith.constant 0 : i32
    %dma_start3A_46 = tpu.memref_slice %arg5[%dma_start3A_42, %dma_start3A_44, %dma_start3A_45] : memref<8x2x1024xf32, #tpu.memory_space<vmem>> -> memref<1x2x1024xf32, #tpu.memory_space<vmem>>
    %dma_start3A_47 = tpu.memref_squeeze %dma_start3A_46 : memref<1x2x1024xf32, #tpu.memory_space<vmem>> -> memref<2x1024xf32, #tpu.memory_space<vmem>>
    %dma_start3A_48 = arith.constant 0 : i32
    %dma_start3A_49 = tpu.memref_slice %arg3[%add3A_41, %dma_start3A_48] : memref<8192x1024xf32, #tpu.memory_space<hbm>> -> memref<2x1024xf32, #tpu.memory_space<hbm>>
    %dma_start3A_50 = tpu.memref_slice %arg7[%dma_start3A_43] : memref<8x!tpu.dma_semaphore, #tpu.memory_space<semaphore_mem>> -> memref<1x!tpu.dma_semaphore, #tpu.memory_space<semaphore_mem>>
    %dma_start3A_51 = tpu.memref_squeeze %dma_start3A_50 : memref<1x!tpu.dma_semaphore, #tpu.memory_space<semaphore_mem>> -> memref<!tpu.dma_semaphore, #tpu.memory_space<semaphore_mem>>
    %dma_start3A_52 = arith.constant 0 : i32
    %dma_start3A_53 = arith.constant 0 : i32
    %dma_start3A_54 = tpu.memref_slice %arg5[%dma_start3A_42, %dma_start3A_52, %dma_start3A_53] : memref<8x2x1024xf32, #tpu.memory_space<vmem>> -> memref<1x2x1024xf32, #tpu.memory_space<vmem>>
    %dma_start3A_55 = tpu.memref_squeeze %dma_start3A_54 : memref<1x2x1024xf32, #tpu.memory_space<vmem>> -> memref<2x1024xf32, #tpu.memory_space<vmem>>
    %dma_start3A_56 = arith.constant 0 : i32
    %dma_start3A_57 = tpu.memref_slice %arg3[%add3A_41, %dma_start3A_56] : memref<8192x1024xf32, #tpu.memory_space<hbm>> -> memref<2x1024xf32, #tpu.memory_space<hbm>>
    tpu.enqueue_dma source(%dma_start3A_57 : memref<2x1024xf32, #tpu.memory_space<hbm>>) target(%dma_start3A_55 : memref<2x1024xf32, #tpu.memory_space<vmem>>) target_semaphore(%dma_start3A_51 : memref<!tpu.dma_semaphore, #tpu.memory_space<semaphore_mem>>)
    %dma_start3A_58 = arith.constant 1 : i32
    %dma_start3A_59 = arith.constant 1 : i32
    %dma_start3A_60 = arith.constant 0 : i32
    %dma_start3A_61 = arith.constant 0 : i32
    %dma_start3A_62 = arith.constant 0 : i32
    %dma_start3A_63 = tpu.memref_slice %arg6[%dma_start3A_58, %dma_start3A_60, %dma_start3A_61, %dma_start3A_62] : memref<8x4x2x1024xf32, #tpu.memory_space<vmem>> -> memref<1x4x2x1024xf32, #tpu.memory_space<vmem>>
    %dma_start3A_64 = tpu.memref_squeeze %dma_start3A_63 : memref<1x4x2x1024xf32, #tpu.memory_space<vmem>> -> memref<4x2x1024xf32, #tpu.memory_space<vmem>>
    %dma_start3A_65 = arith.constant 0 : i32
    %dma_start3A_66 = arith.constant 0 : i32
    %dma_start3A_67 = tpu.memref_slice %arg2[%dma_start3A_65, %add3A_41, %dma_start3A_66] : memref<4x4096x1024xf32, #tpu.memory_space<hbm>> -> memref<4x2x1024xf32, #tpu.memory_space<hbm>>
    %dma_start3A_68 = tpu.memref_slice %arg7[%dma_start3A_59] : memref<8x!tpu.dma_semaphore, #tpu.memory_space<semaphore_mem>> -> memref<1x!tpu.dma_semaphore, #tpu.memory_space<semaphore_mem>>
    %dma_start3A_69 = tpu.memref_squeeze %dma_start3A_68 : memref<1x!tpu.dma_semaphore, #tpu.memory_space<semaphore_mem>> -> memref<!tpu.dma_semaphore, #tpu.memory_space<semaphore_mem>>
    %dma_start3A_70 = arith.constant 0 : i32
    %dma_start3A_71 = arith.constant 0 : i32
    %dma_start3A_72 = arith.constant 0 : i32
    %dma_start3A_73 = tpu.memref_slice %arg6[%dma_start3A_58, %dma_start3A_70, %dma_start3A_71, %dma_start3A_72] : memref<8x4x2x1024xf32, #tpu.memory_space<vmem>> -> memref<1x4x2x1024xf32, #tpu.memory_space<vmem>>
    %dma_start3A_74 = tpu.memref_squeeze %dma_start3A_73 : memref<1x4x2x1024xf32, #tpu.memory_space<vmem>> -> memref<4x2x1024xf32, #tpu.memory_space<vmem>>
    %dma_start3A_75 = arith.constant 0 : i32
    %dma_start3A_76 = arith.constant 0 : i32
    %dma_start3A_77 = tpu.memref_slice %arg2[%dma_start3A_75, %add3A_41, %dma_start3A_76] : memref<4x4096x1024xf32, #tpu.memory_space<hbm>> -> memref<4x2x1024xf32, #tpu.memory_space<hbm>>
    tpu.enqueue_dma source(%dma_start3A_77 : memref<4x2x1024xf32, #tpu.memory_space<hbm>>) target(%dma_start3A_74 : memref<4x2x1024xf32, #tpu.memory_space<vmem>>) target_semaphore(%dma_start3A_69 : memref<!tpu.dma_semaphore, #tpu.memory_space<semaphore_mem>>)
    %add3A_78 = arith.constant 4 : i32
    %add3A_79 = arith.addi %mul3A_2, %add3A_78 : i32
    %dma_start3A_80 = arith.constant 2 : i32
    %dma_start3A_81 = arith.constant 2 : i32
    %dma_start3A_82 = arith.constant 0 : i32
    %dma_start3A_83 = arith.constant 0 : i32
    %dma_start3A_84 = tpu.memref_slice %arg5[%dma_start3A_80, %dma_start3A_82, %dma_start3A_83] : memref<8x2x1024xf32, #tpu.memory_space<vmem>> -> memref<1x2x1024xf32, #tpu.memory_space<vmem>>
    %dma_start3A_85 = tpu.memref_squeeze %dma_start3A_84 : memref<1x2x1024xf32, #tpu.memory_space<vmem>> -> memref<2x1024xf32, #tpu.memory_space<vmem>>
    %dma_start3A_86 = arith.constant 0 : i32
    %dma_start3A_87 = tpu.memref_slice %arg3[%add3A_79, %dma_start3A_86] : memref<8192x1024xf32, #tpu.memory_space<hbm>> -> memref<2x1024xf32, #tpu.memory_space<hbm>>
    %dma_start3A_88 = tpu.memref_slice %arg7[%dma_start3A_81] : memref<8x!tpu.dma_semaphore, #tpu.memory_space<semaphore_mem>> -> memref<1x!tpu.dma_semaphore, #tpu.memory_space<semaphore_mem>>
    %dma_start3A_89 = tpu.memref_squeeze %dma_start3A_88 : memref<1x!tpu.dma_semaphore, #tpu.memory_space<semaphore_mem>> -> memref<!tpu.dma_semaphore, #tpu.memory_space<semaphore_mem>>
    %dma_start3A_90 = arith.constant 0 : i32
    %dma_start3A_91 = arith.constant 0 : i32
    %dma_start3A_92 = tpu.memref_slice %arg5[%dma_start3A_80, %dma_start3A_90, %dma_start3A_91] : memref<8x2x1024xf32, #tpu.memory_space<vmem>> -> memref<1x2x1024xf32, #tpu.memory_space<vmem>>
    %dma_start3A_93 = tpu.memref_squeeze %dma_start3A_92 : memref<1x2x1024xf32, #tpu.memory_space<vmem>> -> memref<2x1024xf32, #tpu.memory_space<vmem>>
    %dma_start3A_94 = arith.constant 0 : i32
    %dma_start3A_95 = tpu.memref_slice %arg3[%add3A_79, %dma_start3A_94] : memref<8192x1024xf32, #tpu.memory_space<hbm>> -> memref<2x1024xf32, #tpu.memory_space<hbm>>
    tpu.enqueue_dma source(%dma_start3A_95 : memref<2x1024xf32, #tpu.memory_space<hbm>>) target(%dma_start3A_93 : memref<2x1024xf32, #tpu.memory_space<vmem>>) target_semaphore(%dma_start3A_89 : memref<!tpu.dma_semaphore, #tpu.memory_space<semaphore_mem>>)
    %dma_start3A_96 = arith.constant 2 : i32
    %dma_start3A_97 = arith.constant 2 : i32
    %dma_start3A_98 = arith.constant 0 : i32
    %dma_start3A_99 = arith.constant 0 : i32
    %dma_start3A_100 = arith.constant 0 : i32
    %dma_start3A_101 = tpu.memref_slice %arg6[%dma_start3A_96, %dma_start3A_98, %dma_start3A_99, %dma_start3A_100] : memref<8x4x2x1024xf32, #tpu.memory_space<vmem>> -> memref<1x4x2x1024xf32, #tpu.memory_space<vmem>>
    %dma_start3A_102 = tpu.memref_squeeze %dma_start3A_101 : memref<1x4x2x1024xf32, #tpu.memory_space<vmem>> -> memref<4x2x1024xf32, #tpu.memory_space<vmem>>
    %dma_start3A_103 = arith.constant 0 : i32
    %dma_start3A_104 = arith.constant 0 : i32
    %dma_start3A_105 = tpu.memref_slice %arg2[%dma_start3A_103, %add3A_79, %dma_start3A_104] : memref<4x4096x1024xf32, #tpu.memory_space<hbm>> -> memref<4x2x1024xf32, #tpu.memory_space<hbm>>
    %dma_start3A_106 = tpu.memref_slice %arg7[%dma_start3A_97] : memref<8x!tpu.dma_semaphore, #tpu.memory_space<semaphore_mem>> -> memref<1x!tpu.dma_semaphore, #tpu.memory_space<semaphore_mem>>
    %dma_start3A_107 = tpu.memref_squeeze %dma_start3A_106 : memref<1x!tpu.dma_semaphore, #tpu.memory_space<semaphore_mem>> -> memref<!tpu.dma_semaphore, #tpu.memory_space<semaphore_mem>>
    %dma_start3A_108 = arith.constant 0 : i32
    %dma_start3A_109 = arith.constant 0 : i32
    %dma_start3A_110 = arith.constant 0 : i32
    %dma_start3A_111 = tpu.memref_slice %arg6[%dma_start3A_96, %dma_start3A_108, %dma_start3A_109, %dma_start3A_110] : memref<8x4x2x1024xf32, #tpu.memory_space<vmem>> -> memref<1x4x2x1024xf32, #tpu.memory_space<vmem>>
    %dma_start3A_112 = tpu.memref_squeeze %dma_start3A_111 : memref<1x4x2x1024xf32, #tpu.memory_space<vmem>> -> memref<4x2x1024xf32, #tpu.memory_space<vmem>>
    %dma_start3A_113 = arith.constant 0 : i32
    %dma_start3A_114 = arith.constant 0 : i32
    %dma_start3A_115 = tpu.memref_slice %arg2[%dma_start3A_113, %add3A_79, %dma_start3A_114] : memref<4x4096x1024xf32, #tpu.memory_space<hbm>> -> memref<4x2x1024xf32, #tpu.memory_space<hbm>>
    tpu.enqueue_dma source(%dma_start3A_115 : memref<4x2x1024xf32, #tpu.memory_space<hbm>>) target(%dma_start3A_112 : memref<4x2x1024xf32, #tpu.memory_space<vmem>>) target_semaphore(%dma_start3A_107 : memref<!tpu.dma_semaphore, #tpu.memory_space<semaphore_mem>>)
    %add3A_116 = arith.constant 6 : i32
    %add3A_117 = arith.addi %mul3A_2, %add3A_116 : i32
    %dma_start3A_118 = arith.constant 3 : i32
    %dma_start3A_119 = arith.constant 3 : i32
    %dma_start3A_120 = arith.constant 0 : i32
    %dma_start3A_121 = arith.constant 0 : i32
    %dma_start3A_122 = tpu.memref_slice %arg5[%dma_start3A_118, %dma_start3A_120, %dma_start3A_121] : memref<8x2x1024xf32, #tpu.memory_space<vmem>> -> memref<1x2x1024xf32, #tpu.memory_space<vmem>>
    %dma_start3A_123 = tpu.memref_squeeze %dma_start3A_122 : memref<1x2x1024xf32, #tpu.memory_space<vmem>> -> memref<2x1024xf32, #tpu.memory_space<vmem>>
    %dma_start3A_124 = arith.constant 0 : i32
    %dma_start3A_125 = tpu.memref_slice %arg3[%add3A_117, %dma_start3A_124] : memref<8192x1024xf32, #tpu.memory_space<hbm>> -> memref<2x1024xf32, #tpu.memory_space<hbm>>
    %dma_start3A_126 = tpu.memref_slice %arg7[%dma_start3A_119] : memref<8x!tpu.dma_semaphore, #tpu.memory_space<semaphore_mem>> -> memref<1x!tpu.dma_semaphore, #tpu.memory_space<semaphore_mem>>
    %dma_start3A_127 = tpu.memref_squeeze %dma_start3A_126 : memref<1x!tpu.dma_semaphore, #tpu.memory_space<semaphore_mem>> -> memref<!tpu.dma_semaphore, #tpu.memory_space<semaphore_mem>>
    %dma_start3A_128 = arith.constant 0 : i32
    %dma_start3A_129 = arith.constant 0 : i32
    %dma_start3A_130 = tpu.memref_slice %arg5[%dma_start3A_118, %dma_start3A_128, %dma_start3A_129] : memref<8x2x1024xf32, #tpu.memory_space<vmem>> -> memref<1x2x1024xf32, #tpu.memory_space<vmem>>
    %dma_start3A_131 = tpu.memref_squeeze %dma_start3A_130 : memref<1x2x1024xf32, #tpu.memory_space<vmem>> -> memref<2x1024xf32, #tpu.memory_space<vmem>>
    %dma_start3A_132 = arith.constant 0 : i32
    %dma_start3A_133 = tpu.memref_slice %arg3[%add3A_117, %dma_start3A_132] : memref<8192x1024xf32, #tpu.memory_space<hbm>> -> memref<2x1024xf32, #tpu.memory_space<hbm>>
    tpu.enqueue_dma source(%dma_start3A_133 : memref<2x1024xf32, #tpu.memory_space<hbm>>) target(%dma_start3A_131 : memref<2x1024xf32, #tpu.memory_space<vmem>>) target_semaphore(%dma_start3A_127 : memref<!tpu.dma_semaphore, #tpu.memory_space<semaphore_mem>>)
    %dma_start3A_134 = arith.constant 3 : i32
    %dma_start3A_135 = arith.constant 3 : i32
    %dma_start3A_136 = arith.constant 0 : i32
    %dma_start3A_137 = arith.constant 0 : i32
    %dma_start3A_138 = arith.constant 0 : i32
    %dma_start3A_139 = tpu.memref_slice %arg6[%dma_start3A_134, %dma_start3A_136, %dma_start3A_137, %dma_start3A_138] : memref<8x4x2x1024xf32, #tpu.memory_space<vmem>> -> memref<1x4x2x1024xf32, #tpu.memory_space<vmem>>
    %dma_start3A_140 = tpu.memref_squeeze %dma_start3A_139 : memref<1x4x2x1024xf32, #tpu.memory_space<vmem>> -> memref<4x2x1024xf32, #tpu.memory_space<vmem>>
    %dma_start3A_141 = arith.constant 0 : i32
    %dma_start3A_142 = arith.constant 0 : i32
    %dma_start3A_143 = tpu.memref_slice %arg2[%dma_start3A_141, %add3A_117, %dma_start3A_142] : memref<4x4096x1024xf32, #tpu.memory_space<hbm>> -> memref<4x2x1024xf32, #tpu.memory_space<hbm>>
    %dma_start3A_144 = tpu.memref_slice %arg7[%dma_start3A_135] : memref<8x!tpu.dma_semaphore, #tpu.memory_space<semaphore_mem>> -> memref<1x!tpu.dma_semaphore, #tpu.memory_space<semaphore_mem>>
    %dma_start3A_145 = tpu.memref_squeeze %dma_start3A_144 : memref<1x!tpu.dma_semaphore, #tpu.memory_space<semaphore_mem>> -> memref<!tpu.dma_semaphore, #tpu.memory_space<semaphore_mem>>
    %dma_start3A_146 = arith.constant 0 : i32
    %dma_start3A_147 = arith.constant 0 : i32
    %dma_start3A_148 = arith.constant 0 : i32
    %dma_start3A_149 = tpu.memref_slice %arg6[%dma_start3A_134, %dma_start3A_146, %dma_start3A_147, %dma_start3A_148] : memref<8x4x2x1024xf32, #tpu.memory_space<vmem>> -> memref<1x4x2x1024xf32, #tpu.memory_space<vmem>>
    %dma_start3A_150 = tpu.memref_squeeze %dma_start3A_149 : memref<1x4x2x1024xf32, #tpu.memory_space<vmem>> -> memref<4x2x1024xf32, #tpu.memory_space<vmem>>
    %dma_start3A_151 = arith.constant 0 : i32
    %dma_start3A_152 = arith.constant 0 : i32
    %dma_start3A_153 = tpu.memref_slice %arg2[%dma_start3A_151, %add3A_117, %dma_start3A_152] : memref<4x4096x1024xf32, #tpu.memory_space<hbm>> -> memref<4x2x1024xf32, #tpu.memory_space<hbm>>
    tpu.enqueue_dma source(%dma_start3A_153 : memref<4x2x1024xf32, #tpu.memory_space<hbm>>) target(%dma_start3A_150 : memref<4x2x1024xf32, #tpu.memory_space<vmem>>) target_semaphore(%dma_start3A_145 : memref<!tpu.dma_semaphore, #tpu.memory_space<semaphore_mem>>)
    %scan3A = arith.constant 0 : i32
    %scan3A_154 = arith.constant 0 : i32
    %scan3A_155 = arith.constant 8 : i32
    %scan3A_156 = arith.addi %scan3A_154, %scan3A_155 : i32
    %scan3A_157 = arith.constant 1 : i32
    %scan3A_158 = scf.for %scan3A_239 = %scan3A_154 to %scan3A_156 step %scan3A_157 iter_args(%scan3A_240 = %scan3A) -> (i32)  : i32 {
      %mul3A_241 = arith.constant 8 : i32
      %mul3A_242 = arith.muli %mul3A_241, %scan3A_239 : i32
      %add3A_243 = arith.constant 0 : i32
      %add3A_244 = arith.addi %mul3A_242, %add3A_243 : i32
      %gt3A = arith.constant 0 : i32
      %gt3A_245 = arith.cmpi sgt, %scan3A_239, %gt3A : i32
      %convert_element_type3A = arith.extui %gt3A_245 : i1 to i32
      %cond3A = arith.constant 0 : i32
      %cond3A_246 = arith.cmpi ne, %convert_element_type3A, %cond3A : i32
      scf.if %cond3A_246 {
        %dma_wait3A_1057 = arith.constant 4 : i32
        %dma_wait3A_1058 = arith.constant 4 : i32
        %dma_wait3A_1059 = arith.constant 0 : i32
        %dma_wait3A_1060 = arith.constant 0 : i32
        %dma_wait3A_1061 = arith.constant 0 : i32
        %dma_wait3A_1062 = tpu.memref_slice %arg6[%dma_wait3A_1057, %dma_wait3A_1059, %dma_wait3A_1060, %dma_wait3A_1061] : memref<8x4x2x1024xf32, #tpu.memory_space<vmem>> -> memref<1x4x2x1024xf32, #tpu.memory_space<vmem>>
        %dma_wait3A_1063 = tpu.memref_squeeze %dma_wait3A_1062 : memref<1x4x2x1024xf32, #tpu.memory_space<vmem>> -> memref<4x2x1024xf32, #tpu.memory_space<vmem>>
        %dma_wait3A_1064 = arith.constant 0 : i32
        %dma_wait3A_1065 = arith.constant 0 : i32
        %dma_wait3A_1066 = tpu.memref_slice %arg4[%dma_wait3A_1064, %mul3A_2, %dma_wait3A_1065] : memref<4x4096x1024xf32, #tpu.memory_space<hbm>> -> memref<4x2x1024xf32, #tpu.memory_space<hbm>>
        %dma_wait3A_1067 = tpu.memref_slice %arg8[%dma_wait3A_1058] : memref<8x!tpu.dma_semaphore, #tpu.memory_space<semaphore_mem>> -> memref<1x!tpu.dma_semaphore, #tpu.memory_space<semaphore_mem>>
        %dma_wait3A_1068 = tpu.memref_squeeze %dma_wait3A_1067 : memref<1x!tpu.dma_semaphore, #tpu.memory_space<semaphore_mem>> -> memref<!tpu.dma_semaphore, #tpu.memory_space<semaphore_mem>>
        %dma_wait3A_1069 = arith.constant 0 : i32
        %dma_wait3A_1070 = arith.constant 0 : i32
        %dma_wait3A_1071 = tpu.memref_slice %arg4[%dma_wait3A_1069, %mul3A_2, %dma_wait3A_1070] : memref<4x4096x1024xf32, #tpu.memory_space<hbm>> -> memref<4x2x1024xf32, #tpu.memory_space<hbm>>
        %dma_wait3A_1072 = arith.constant 0 : i32
        %dma_wait3A_1073 = arith.constant 0 : i32
        %dma_wait3A_1074 = arith.constant 0 : i32
        %dma_wait3A_1075 = tpu.memref_slice %arg6[%dma_wait3A_1057, %dma_wait3A_1072, %dma_wait3A_1073, %dma_wait3A_1074] : memref<8x4x2x1024xf32, #tpu.memory_space<vmem>> -> memref<1x4x2x1024xf32, #tpu.memory_space<vmem>>
        %dma_wait3A_1076 = tpu.memref_squeeze %dma_wait3A_1075 : memref<1x4x2x1024xf32, #tpu.memory_space<vmem>> -> memref<4x2x1024xf32, #tpu.memory_space<vmem>>
        tpu.wait_dma2 semaphore(%dma_wait3A_1068 : memref<!tpu.dma_semaphore, #tpu.memory_space<semaphore_mem>>) src(%dma_wait3A_1076 : memref<4x2x1024xf32, #tpu.memory_space<vmem>>) dst(%dma_wait3A_1071 : memref<4x2x1024xf32, #tpu.memory_space<hbm>>)
      } else {
      }
      %add3A_247 = arith.constant 4 : i32
      %add3A_248 = arith.addi %add3A_244, %add3A_247 : i32
      %mul3A_249 = arith.constant 2 : i32
      %mul3A_250 = arith.muli %add3A_248, %mul3A_249 : i32
      %add3A_251 = arith.addi %mul3A_2, %mul3A_250 : i32
      %dma_start3A_252 = arith.constant 4 : i32
      %dma_start3A_253 = arith.constant 4 : i32
      %dma_start3A_254 = arith.constant 0 : i32
      %dma_start3A_255 = arith.constant 0 : i32
      %dma_start3A_256 = tpu.memref_slice %arg5[%dma_start3A_252, %dma_start3A_254, %dma_start3A_255] : memref<8x2x1024xf32, #tpu.memory_space<vmem>> -> memref<1x2x1024xf32, #tpu.memory_space<vmem>>
      %dma_start3A_257 = tpu.memref_squeeze %dma_start3A_256 : memref<1x2x1024xf32, #tpu.memory_space<vmem>> -> memref<2x1024xf32, #tpu.memory_space<vmem>>
      %dma_start3A_258 = arith.constant 0 : i32
      %dma_start3A_259 = tpu.memref_slice %arg3[%add3A_251, %dma_start3A_258] : memref<8192x1024xf32, #tpu.memory_space<hbm>> -> memref<2x1024xf32, #tpu.memory_space<hbm>>
      %dma_start3A_260 = tpu.memref_slice %arg7[%dma_start3A_253] : memref<8x!tpu.dma_semaphore, #tpu.memory_space<semaphore_mem>> -> memref<1x!tpu.dma_semaphore, #tpu.memory_space<semaphore_mem>>
      %dma_start3A_261 = tpu.memref_squeeze %dma_start3A_260 : memref<1x!tpu.dma_semaphore, #tpu.memory_space<semaphore_mem>> -> memref<!tpu.dma_semaphore, #tpu.memory_space<semaphore_mem>>
      %dma_start3A_262 = arith.constant 0 : i32
      %dma_start3A_263 = arith.constant 0 : i32
      %dma_start3A_264 = tpu.memref_slice %arg5[%dma_start3A_252, %dma_start3A_262, %dma_start3A_263] : memref<8x2x1024xf32, #tpu.memory_space<vmem>> -> memref<1x2x1024xf32, #tpu.memory_space<vmem>>
      %dma_start3A_265 = tpu.memref_squeeze %dma_start3A_264 : memref<1x2x1024xf32, #tpu.memory_space<vmem>> -> memref<2x1024xf32, #tpu.memory_space<vmem>>
      %dma_start3A_266 = arith.constant 0 : i32
      %dma_start3A_267 = tpu.memref_slice %arg3[%add3A_251, %dma_start3A_266] : memref<8192x1024xf32, #tpu.memory_space<hbm>> -> memref<2x1024xf32, #tpu.memory_space<hbm>>
      tpu.enqueue_dma source(%dma_start3A_267 : memref<2x1024xf32, #tpu.memory_space<hbm>>) target(%dma_start3A_265 : memref<2x1024xf32, #tpu.memory_space<vmem>>) target_semaphore(%dma_start3A_261 : memref<!tpu.dma_semaphore, #tpu.memory_space<semaphore_mem>>)
      %dma_start3A_268 = arith.constant 4 : i32
      %dma_start3A_269 = arith.constant 4 : i32
      %dma_start3A_270 = arith.constant 0 : i32
      %dma_start3A_271 = arith.constant 0 : i32
      %dma_start3A_272 = arith.constant 0 : i32
      %dma_start3A_273 = tpu.memref_slice %arg6[%dma_start3A_268, %dma_start3A_270, %dma_start3A_271, %dma_start3A_272] : memref<8x4x2x1024xf32, #tpu.memory_space<vmem>> -> memref<1x4x2x1024xf32, #tpu.memory_space<vmem>>
      %dma_start3A_274 = tpu.memref_squeeze %dma_start3A_273 : memref<1x4x2x1024xf32, #tpu.memory_space<vmem>> -> memref<4x2x1024xf32, #tpu.memory_space<vmem>>
      %dma_start3A_275 = arith.constant 0 : i32
      %dma_start3A_276 = arith.constant 0 : i32
      %dma_start3A_277 = tpu.memref_slice %arg2[%dma_start3A_275, %add3A_251, %dma_start3A_276] : memref<4x4096x1024xf32, #tpu.memory_space<hbm>> -> memref<4x2x1024xf32, #tpu.memory_space<hbm>>
      %dma_start3A_278 = tpu.memref_slice %arg7[%dma_start3A_269] : memref<8x!tpu.dma_semaphore, #tpu.memory_space<semaphore_mem>> -> memref<1x!tpu.dma_semaphore, #tpu.memory_space<semaphore_mem>>
      %dma_start3A_279 = tpu.memref_squeeze %dma_start3A_278 : memref<1x!tpu.dma_semaphore, #tpu.memory_space<semaphore_mem>> -> memref<!tpu.dma_semaphore, #tpu.memory_space<semaphore_mem>>
      %dma_start3A_280 = arith.constant 0 : i32
      %dma_start3A_281 = arith.constant 0 : i32
      %dma_start3A_282 = arith.constant 0 : i32
      %dma_start3A_283 = tpu.memref_slice %arg6[%dma_start3A_268, %dma_start3A_280, %dma_start3A_281, %dma_start3A_282] : memref<8x4x2x1024xf32, #tpu.memory_space<vmem>> -> memref<1x4x2x1024xf32, #tpu.memory_space<vmem>>
      %dma_start3A_284 = tpu.memref_squeeze %dma_start3A_283 : memref<1x4x2x1024xf32, #tpu.memory_space<vmem>> -> memref<4x2x1024xf32, #tpu.memory_space<vmem>>
      %dma_start3A_285 = arith.constant 0 : i32
      %dma_start3A_286 = arith.constant 0 : i32
      %dma_start3A_287 = tpu.memref_slice %arg2[%dma_start3A_285, %add3A_251, %dma_start3A_286] : memref<4x4096x1024xf32, #tpu.memory_space<hbm>> -> memref<4x2x1024xf32, #tpu.memory_space<hbm>>
      tpu.enqueue_dma source(%dma_start3A_287 : memref<4x2x1024xf32, #tpu.memory_space<hbm>>) target(%dma_start3A_284 : memref<4x2x1024xf32, #tpu.memory_space<vmem>>) target_semaphore(%dma_start3A_279 : memref<!tpu.dma_semaphore, #tpu.memory_space<semaphore_mem>>)
      %dma_wait3A_288 = arith.constant 0 : i32
      %dma_wait3A_289 = arith.constant 0 : i32
      %dma_wait3A_290 = arith.constant 0 : i32
      %dma_wait3A_291 = arith.constant 0 : i32
      %dma_wait3A_292 = tpu.memref_slice %arg5[%dma_wait3A_288, %dma_wait3A_290, %dma_wait3A_291] : memref<8x2x1024xf32, #tpu.memory_space<vmem>> -> memref<1x2x1024xf32, #tpu.memory_space<vmem>>
      %dma_wait3A_293 = tpu.memref_squeeze %dma_wait3A_292 : memref<1x2x1024xf32, #tpu.memory_space<vmem>> -> memref<2x1024xf32, #tpu.memory_space<vmem>>
      %dma_wait3A_294 = arith.constant 0 : i32
      %dma_wait3A_295 = tpu.memref_slice %arg3[%mul3A_2, %dma_wait3A_294] : memref<8192x1024xf32, #tpu.memory_space<hbm>> -> memref<2x1024xf32, #tpu.memory_space<hbm>>
      %dma_wait3A_296 = tpu.memref_slice %arg7[%dma_wait3A_289] : memref<8x!tpu.dma_semaphore, #tpu.memory_space<semaphore_mem>> -> memref<1x!tpu.dma_semaphore, #tpu.memory_space<semaphore_mem>>
      %dma_wait3A_297 = tpu.memref_squeeze %dma_wait3A_296 : memref<1x!tpu.dma_semaphore, #tpu.memory_space<semaphore_mem>> -> memref<!tpu.dma_semaphore, #tpu.memory_space<semaphore_mem>>
      %dma_wait3A_298 = arith.constant 0 : i32
      %dma_wait3A_299 = arith.constant 0 : i32
      %dma_wait3A_300 = tpu.memref_slice %arg5[%dma_wait3A_288, %dma_wait3A_298, %dma_wait3A_299] : memref<8x2x1024xf32, #tpu.memory_space<vmem>> -> memref<1x2x1024xf32, #tpu.memory_space<vmem>>
      %dma_wait3A_301 = tpu.memref_squeeze %dma_wait3A_300 : memref<1x2x1024xf32, #tpu.memory_space<vmem>> -> memref<2x1024xf32, #tpu.memory_space<vmem>>
      %dma_wait3A_302 = arith.constant 0 : i32
      %dma_wait3A_303 = tpu.memref_slice %arg3[%mul3A_2, %dma_wait3A_302] : memref<8192x1024xf32, #tpu.memory_space<hbm>> -> memref<2x1024xf32, #tpu.memory_space<hbm>>
      tpu.wait_dma2 semaphore(%dma_wait3A_297 : memref<!tpu.dma_semaphore, #tpu.memory_space<semaphore_mem>>) src(%dma_wait3A_303 : memref<2x1024xf32, #tpu.memory_space<hbm>>) dst(%dma_wait3A_301 : memref<2x1024xf32, #tpu.memory_space<vmem>>)
      %dma_wait3A_304 = arith.constant 0 : i32
      %dma_wait3A_305 = arith.constant 0 : i32
      %dma_wait3A_306 = arith.constant 0 : i32
      %dma_wait3A_307 = arith.constant 0 : i32
      %dma_wait3A_308 = arith.constant 0 : i32
      %dma_wait3A_309 = tpu.memref_slice %arg6[%dma_wait3A_304, %dma_wait3A_306, %dma_wait3A_307, %dma_wait3A_308] : memref<8x4x2x1024xf32, #tpu.memory_space<vmem>> -> memref<1x4x2x1024xf32, #tpu.memory_space<vmem>>
      %dma_wait3A_310 = tpu.memref_squeeze %dma_wait3A_309 : memref<1x4x2x1024xf32, #tpu.memory_space<vmem>> -> memref<4x2x1024xf32, #tpu.memory_space<vmem>>
      %dma_wait3A_311 = arith.constant 0 : i32
      %dma_wait3A_312 = arith.constant 0 : i32
      %dma_wait3A_313 = tpu.memref_slice %arg2[%dma_wait3A_311, %mul3A_2, %dma_wait3A_312] : memref<4x4096x1024xf32, #tpu.memory_space<hbm>> -> memref<4x2x1024xf32, #tpu.memory_space<hbm>>
      %dma_wait3A_314 = tpu.memref_slice %arg7[%dma_wait3A_305] : memref<8x!tpu.dma_semaphore, #tpu.memory_space<semaphore_mem>> -> memref<1x!tpu.dma_semaphore, #tpu.memory_space<semaphore_mem>>
      %dma_wait3A_315 = tpu.memref_squeeze %dma_wait3A_314 : memref<1x!tpu.dma_semaphore, #tpu.memory_space<semaphore_mem>> -> memref<!tpu.dma_semaphore, #tpu.memory_space<semaphore_mem>>
      %dma_wait3A_316 = arith.constant 0 : i32
      %dma_wait3A_317 = arith.constant 0 : i32
      %dma_wait3A_318 = arith.constant 0 : i32
      %dma_wait3A_319 = tpu.memref_slice %arg6[%dma_wait3A_304, %dma_wait3A_316, %dma_wait3A_317, %dma_wait3A_318] : memref<8x4x2x1024xf32, #tpu.memory_space<vmem>> -> memref<1x4x2x1024xf32, #tpu.memory_space<vmem>>
      %dma_wait3A_320 = tpu.memref_squeeze %dma_wait3A_319 : memref<1x4x2x1024xf32, #tpu.memory_space<vmem>> -> memref<4x2x1024xf32, #tpu.memory_space<vmem>>
      %dma_wait3A_321 = arith.constant 0 : i32
      %dma_wait3A_322 = arith.constant 0 : i32
      %dma_wait3A_323 = tpu.memref_slice %arg2[%dma_wait3A_321, %mul3A_2, %dma_wait3A_322] : memref<4x4096x1024xf32, #tpu.memory_space<hbm>> -> memref<4x2x1024xf32, #tpu.memory_space<hbm>>
      tpu.wait_dma2 semaphore(%dma_wait3A_315 : memref<!tpu.dma_semaphore, #tpu.memory_space<semaphore_mem>>) src(%dma_wait3A_323 : memref<4x2x1024xf32, #tpu.memory_space<hbm>>) dst(%dma_wait3A_320 : memref<4x2x1024xf32, #tpu.memory_space<vmem>>)
      %parallel_loop3A = arith.constant 0 : i32
      %parallel_loop3A_324 = arith.constant 1024 : i32
      %parallel_loop3A_325 = arith.constant 16 : i32
      scf.for %parallel_loop3A_1057 = %parallel_loop3A to %parallel_loop3A_324 step %parallel_loop3A_325  : i32 {
        %parallel_loop3A_1058 = arith.constant 0 : i32
        %parallel_loop3A_1059 = arith.constant 0 : i32
        %parallel_loop3A_1060 = arith.index_cast %parallel_loop3A_1058 : i32 to index
        %parallel_loop3A_1061 = arith.index_cast %parallel_loop3A_1059 : i32 to index
        %parallel_loop3A_1062 = arith.index_cast %parallel_loop3A_1057 : i32 to index
        %parallel_loop3A_1063 = tpu.vector_load %arg5[%parallel_loop3A_1060, %parallel_loop3A_1061, %parallel_loop3A_1062] {strides = array<i32>} : memref<8x2x1024xf32, #tpu.memory_space<vmem>>, vector<1x1x16xf32>,
        %parallel_loop3A_1064 = vector.shape_cast %parallel_loop3A_1063 : vector<1x1x16xf32> to vector<16xf32>
        %parallel_loop3A_1065 = arith.constant 0 : i32
        %parallel_loop3A_1066 = arith.constant 0 : i32
        %parallel_loop3A_1067 = arith.constant 0 : i32
        %parallel_loop3A_1068 = arith.index_cast %parallel_loop3A_1065 : i32 to index
        %parallel_loop3A_1069 = arith.index_cast %parallel_loop3A_1066 : i32 to index
        %parallel_loop3A_1070 = arith.index_cast %parallel_loop3A_1067 : i32 to index
        %parallel_loop3A_1071 = arith.index_cast %parallel_loop3A_1057 : i32 to index
        %parallel_loop3A_1072 = tpu.vector_load %arg6[%parallel_loop3A_1068, %parallel_loop3A_1069, %parallel_loop3A_1070, %parallel_loop3A_1071] {strides = array<i32>} : memref<8x4x2x1024xf32, #tpu.memory_space<vmem>>, vector<1x1x1x16xf32>,
        %parallel_loop3A_1073 = vector.shape_cast %parallel_loop3A_1072 : vector<1x1x1x16xf32> to vector<16xf32>
        %parallel_loop3A_1074 = arith.addf %parallel_loop3A_1073, %parallel_loop3A_1064 : vector<16xf32>
        %parallel_loop3A_1075 = arith.constant 0 : i32
        %parallel_loop3A_1076 = arith.constant 0 : i32
        %parallel_loop3A_1077 = arith.constant 0 : i32
        %parallel_loop3A_1078 = arith.index_cast %parallel_loop3A_1075 : i32 to index
        %parallel_loop3A_1079 = arith.index_cast %parallel_loop3A_1076 : i32 to index
        %parallel_loop3A_1080 = arith.index_cast %parallel_loop3A_1077 : i32 to index
        %parallel_loop3A_1081 = arith.index_cast %parallel_loop3A_1057 : i32 to index
        %parallel_loop3A_1082 = tpu.vector_load %arg6[%parallel_loop3A_1078, %parallel_loop3A_1079, %parallel_loop3A_1080, %parallel_loop3A_1081] {strides = array<i32>} : memref<8x4x2x1024xf32, #tpu.memory_space<vmem>>, vector<1x1x1x16xf32>,
        %parallel_loop3A_1083 = vector.shape_cast %parallel_loop3A_1082 : vector<1x1x1x16xf32> to vector<16xf32>
        %parallel_loop3A_1084 = vector.shape_cast %parallel_loop3A_1074 : vector<16xf32> to vector<1x1x1x16xf32>
        tpu.vector_store %arg6[%parallel_loop3A_1078, %parallel_loop3A_1079, %parallel_loop3A_1080, %parallel_loop3A_1081], %parallel_loop3A_1084 {strides = array<i32>} : memref<8x4x2x1024xf32, #tpu.memory_space<vmem>>, vector<1x1x1x16xf32>,
        %parallel_loop3A_1085 = arith.constant 0 : i32
        %parallel_loop3A_1086 = arith.constant 1 : i32
        %parallel_loop3A_1087 = arith.constant 0 : i32
        %parallel_loop3A_1088 = arith.index_cast %parallel_loop3A_1085 : i32 to index
        %parallel_loop3A_1089 = arith.index_cast %parallel_loop3A_1086 : i32 to index
        %parallel_loop3A_1090 = arith.index_cast %parallel_loop3A_1087 : i32 to index
        %parallel_loop3A_1091 = arith.index_cast %parallel_loop3A_1057 : i32 to index
        %parallel_loop3A_1092 = tpu.vector_load %arg6[%parallel_loop3A_1088, %parallel_loop3A_1089, %parallel_loop3A_1090, %parallel_loop3A_1091] {strides = array<i32>} : memref<8x4x2x1024xf32, #tpu.memory_space<vmem>>, vector<1x1x1x16xf32>,
        %parallel_loop3A_1093 = vector.shape_cast %parallel_loop3A_1092 : vector<1x1x1x16xf32> to vector<16xf32>
        %parallel_loop3A_1094 = arith.addf %parallel_loop3A_1093, %parallel_loop3A_1064 : vector<16xf32>
        %parallel_loop3A_1095 = arith.constant 0 : i32
        %parallel_loop3A_1096 = arith.constant 1 : i32
        %parallel_loop3A_1097 = arith.constant 0 : i32
        %parallel_loop3A_1098 = arith.index_cast %parallel_loop3A_1095 : i32 to index
        %parallel_loop3A_1099 = arith.index_cast %parallel_loop3A_1096 : i32 to index
        %parallel_loop3A_1100 = arith.index_cast %parallel_loop3A_1097 : i32 to index
        %parallel_loop3A_1101 = arith.index_cast %parallel_loop3A_1057 : i32 to index
        %parallel_loop3A_1102 = tpu.vector_load %arg6[%parallel_loop3A_1098, %parallel_loop3A_1099, %parallel_loop3A_1100, %parallel_loop3A_1101] {strides = array<i32>} : memref<8x4x2x1024xf32, #tpu.memory_space<vmem>>, vector<1x1x1x16xf32>,
        %parallel_loop3A_1103 = vector.shape_cast %parallel_loop3A_1102 : vector<1x1x1x16xf32> to vector<16xf32>
        %parallel_loop3A_1104 = vector.shape_cast %parallel_loop3A_1094 : vector<16xf32> to vector<1x1x1x16xf32>
        tpu.vector_store %arg6[%parallel_loop3A_1098, %parallel_loop3A_1099, %parallel_loop3A_1100, %parallel_loop3A_1101], %parallel_loop3A_1104 {strides = array<i32>} : memref<8x4x2x1024xf32, #tpu.memory_space<vmem>>, vector<1x1x1x16xf32>,
        %parallel_loop3A_1105 = arith.constant 0 : i32
        %parallel_loop3A_1106 = arith.constant 2 : i32
        %parallel_loop3A_1107 = arith.constant 0 : i32
        %parallel_loop3A_1108 = arith.index_cast %parallel_loop3A_1105 : i32 to index
        %parallel_loop3A_1109 = arith.index_cast %parallel_loop3A_1106 : i32 to index
        %parallel_loop3A_1110 = arith.index_cast %parallel_loop3A_1107 : i32 to index
        %parallel_loop3A_1111 = arith.index_cast %parallel_loop3A_1057 : i32 to index
        %parallel_loop3A_1112 = tpu.vector_load %arg6[%parallel_loop3A_1108, %parallel_loop3A_1109, %parallel_loop3A_1110, %parallel_loop3A_1111] {strides = array<i32>} : memref<8x4x2x1024xf32, #tpu.memory_space<vmem>>, vector<1x1x1x16xf32>,
        %parallel_loop3A_1113 = vector.shape_cast %parallel_loop3A_1112 : vector<1x1x1x16xf32> to vector<16xf32>
        %parallel_loop3A_1114 = arith.addf %parallel_loop3A_1113, %parallel_loop3A_1064 : vector<16xf32>
        %parallel_loop3A_1115 = arith.constant 0 : i32
        %parallel_loop3A_1116 = arith.constant 2 : i32
        %parallel_loop3A_1117 = arith.constant 0 : i32
        %parallel_loop3A_1118 = arith.index_cast %parallel_loop3A_1115 : i32 to index
        %parallel_loop3A_1119 = arith.index_cast %parallel_loop3A_1116 : i32 to index
        %parallel_loop3A_1120 = arith.index_cast %parallel_loop3A_1117 : i32 to index
        %parallel_loop3A_1121 = arith.index_cast %parallel_loop3A_1057 : i32 to index
        %parallel_loop3A_1122 = tpu.vector_load %arg6[%parallel_loop3A_1118, %parallel_loop3A_1119, %parallel_loop3A_1120, %parallel_loop3A_1121] {strides = array<i32>} : memref<8x4x2x1024xf32, #tpu.memory_space<vmem>>, vector<1x1x1x16xf32>,
        %parallel_loop3A_1123 = vector.shape_cast %parallel_loop3A_1122 : vector<1x1x1x16xf32> to vector<16xf32>
        %parallel_loop3A_1124 = vector.shape_cast %parallel_loop3A_1114 : vector<16xf32> to vector<1x1x1x16xf32>
        tpu.vector_store %arg6[%parallel_loop3A_1118, %parallel_loop3A_1119, %parallel_loop3A_1120, %parallel_loop3A_1121], %parallel_loop3A_1124 {strides = array<i32>} : memref<8x4x2x1024xf32, #tpu.memory_space<vmem>>, vector<1x1x1x16xf32>,
        %parallel_loop3A_1125 = arith.constant 0 : i32
        %parallel_loop3A_1126 = arith.constant 3 : i32
        %parallel_loop3A_1127 = arith.constant 0 : i32
        %parallel_loop3A_1128 = arith.index_cast %parallel_loop3A_1125 : i32 to index
        %parallel_loop3A_1129 = arith.index_cast %parallel_loop3A_1126 : i32 to index
        %parallel_loop3A_1130 = arith.index_cast %parallel_loop3A_1127 : i32 to index
        %parallel_loop3A_1131 = arith.index_cast %parallel_loop3A_1057 : i32 to index
        %parallel_loop3A_1132 = tpu.vector_load %arg6[%parallel_loop3A_1128, %parallel_loop3A_1129, %parallel_loop3A_1130, %parallel_loop3A_1131] {strides = array<i32>} : memref<8x4x2x1024xf32, #tpu.memory_space<vmem>>, vector<1x1x1x16xf32>,
        %parallel_loop3A_1133 = vector.shape_cast %parallel_loop3A_1132 : vector<1x1x1x16xf32> to vector<16xf32>
        %parallel_loop3A_1134 = arith.addf %parallel_loop3A_1133, %parallel_loop3A_1064 : vector<16xf32>
        %parallel_loop3A_1135 = arith.constant 0 : i32
        %parallel_loop3A_1136 = arith.constant 3 : i32
        %parallel_loop3A_1137 = arith.constant 0 : i32
        %parallel_loop3A_1138 = arith.index_cast %parallel_loop3A_1135 : i32 to index
        %parallel_loop3A_1139 = arith.index_cast %parallel_loop3A_1136 : i32 to index
        %parallel_loop3A_1140 = arith.index_cast %parallel_loop3A_1137 : i32 to index
        %parallel_loop3A_1141 = arith.index_cast %parallel_loop3A_1057 : i32 to index
        %parallel_loop3A_1142 = tpu.vector_load %arg6[%parallel_loop3A_1138, %parallel_loop3A_1139, %parallel_loop3A_1140, %parallel_loop3A_1141] {strides = array<i32>} : memref<8x4x2x1024xf32, #tpu.memory_space<vmem>>, vector<1x1x1x16xf32>,
        %parallel_loop3A_1143 = vector.shape_cast %parallel_loop3A_1142 : vector<1x1x1x16xf32> to vector<16xf32>
        %parallel_loop3A_1144 = vector.shape_cast %parallel_loop3A_1134 : vector<16xf32> to vector<1x1x1x16xf32>
        tpu.vector_store %arg6[%parallel_loop3A_1138, %parallel_loop3A_1139, %parallel_loop3A_1140, %parallel_loop3A_1141], %parallel_loop3A_1144 {strides = array<i32>} : memref<8x4x2x1024xf32, #tpu.memory_space<vmem>>, vector<1x1x1x16xf32>,
        %parallel_loop3A_1145 = arith.constant 0 : i32
        %parallel_loop3A_1146 = arith.constant 1 : i32
        %parallel_loop3A_1147 = arith.index_cast %parallel_loop3A_1145 : i32 to index
        %parallel_loop3A_1148 = arith.index_cast %parallel_loop3A_1146 : i32 to index
        %parallel_loop3A_1149 = arith.index_cast %parallel_loop3A_1057 : i32 to index
        %parallel_loop3A_1150 = tpu.vector_load %arg5[%parallel_loop3A_1147, %parallel_loop3A_1148, %parallel_loop3A_1149] {strides = array<i32>} : memref<8x2x1024xf32, #tpu.memory_space<vmem>>, vector<1x1x16xf32>,
        %parallel_loop3A_1151 = vector.shape_cast %parallel_loop3A_1150 : vector<1x1x16xf32> to vector<16xf32>
        %parallel_loop3A_1152 = arith.constant 0 : i32
        %parallel_loop3A_1153 = arith.constant 0 : i32
        %parallel_loop3A_1154 = arith.constant 1 : i32
        %parallel_loop3A_1155 = arith.index_cast %parallel_loop3A_1152 : i32 to index
        %parallel_loop3A_1156 = arith.index_cast %parallel_loop3A_1153 : i32 to index
        %parallel_loop3A_1157 = arith.index_cast %parallel_loop3A_1154 : i32 to index
        %parallel_loop3A_1158 = arith.index_cast %parallel_loop3A_1057 : i32 to index
        %parallel_loop3A_1159 = tpu.vector_load %arg6[%parallel_loop3A_1155, %parallel_loop3A_1156, %parallel_loop3A_1157, %parallel_loop3A_1158] {strides = array<i32>} : memref<8x4x2x1024xf32, #tpu.memory_space<vmem>>, vector<1x1x1x16xf32>,
        %parallel_loop3A_1160 = vector.shape_cast %parallel_loop3A_1159 : vector<1x1x1x16xf32> to vector<16xf32>
        %parallel_loop3A_1161 = arith.addf %parallel_loop3A_1160, %parallel_loop3A_1151 : vector<16xf32>
        %parallel_loop3A_1162 = arith.constant 0 : i32
        %parallel_loop3A_1163 = arith.constant 0 : i32
        %parallel_loop3A_1164 = arith.constant 1 : i32
        %parallel_loop3A_1165 = arith.index_cast %parallel_loop3A_1162 : i32 to index
        %parallel_loop3A_1166 = arith.index_cast %parallel_loop3A_1163 : i32 to index
        %parallel_loop3A_1167 = arith.index_cast %parallel_loop3A_1164 : i32 to index
        %parallel_loop3A_1168 = arith.index_cast %parallel_loop3A_1057 : i32 to index
        %parallel_loop3A_1169 = tpu.vector_load %arg6[%parallel_loop3A_1165, %parallel_loop3A_1166, %parallel_loop3A_1167, %parallel_loop3A_1168] {strides = array<i32>} : memref<8x4x2x1024xf32, #tpu.memory_space<vmem>>, vector<1x1x1x16xf32>,
        %parallel_loop3A_1170 = vector.shape_cast %parallel_loop3A_1169 : vector<1x1x1x16xf32> to vector<16xf32>
        %parallel_loop3A_1171 = vector.shape_cast %parallel_loop3A_1161 : vector<16xf32> to vector<1x1x1x16xf32>
        tpu.vector_store %arg6[%parallel_loop3A_1165, %parallel_loop3A_1166, %parallel_loop3A_1167, %parallel_loop3A_1168], %parallel_loop3A_1171 {strides = array<i32>} : memref<8x4x2x1024xf32, #tpu.memory_space<vmem>>, vector<1x1x1x16xf32>,
        %parallel_loop3A_1172 = arith.constant 0 : i32
        %parallel_loop3A_1173 = arith.constant 1 : i32
        %parallel_loop3A_1174 = arith.constant 1 : i32
        %parallel_loop3A_1175 = arith.index_cast %parallel_loop3A_1172 : i32 to index
        %parallel_loop3A_1176 = arith.index_cast %parallel_loop3A_1173 : i32 to index
        %parallel_loop3A_1177 = arith.index_cast %parallel_loop3A_1174 : i32 to index
        %parallel_loop3A_1178 = arith.index_cast %parallel_loop3A_1057 : i32 to index
        %parallel_loop3A_1179 = tpu.vector_load %arg6[%parallel_loop3A_1175, %parallel_loop3A_1176, %parallel_loop3A_1177, %parallel_loop3A_1178] {strides = array<i32>} : memref<8x4x2x1024xf32, #tpu.memory_space<vmem>>, vector<1x1x1x16xf32>,
        %parallel_loop3A_1180 = vector.shape_cast %parallel_loop3A_1179 : vector<1x1x1x16xf32> to vector<16xf32>
        %parallel_loop3A_1181 = arith.addf %parallel_loop3A_1180, %parallel_loop3A_1151 : vector<16xf32>
        %parallel_loop3A_1182 = arith.constant 0 : i32
        %parallel_loop3A_1183 = arith.constant 1 : i32
        %parallel_loop3A_1184 = arith.constant 1 : i32
        %parallel_loop3A_1185 = arith.index_cast %parallel_loop3A_1182 : i32 to index
        %parallel_loop3A_1186 = arith.index_cast %parallel_loop3A_1183 : i32 to index
        %parallel_loop3A_1187 = arith.index_cast %parallel_loop3A_1184 : i32 to index
        %parallel_loop3A_1188 = arith.index_cast %parallel_loop3A_1057 : i32 to index
        %parallel_loop3A_1189 = tpu.vector_load %arg6[%parallel_loop3A_1185, %parallel_loop3A_1186, %parallel_loop3A_1187, %parallel_loop3A_1188] {strides = array<i32>} : memref<8x4x2x1024xf32, #tpu.memory_space<vmem>>, vector<1x1x1x16xf32>,
        %parallel_loop3A_1190 = vector.shape_cast %parallel_loop3A_1189 : vector<1x1x1x16xf32> to vector<16xf32>
        %parallel_loop3A_1191 = vector.shape_cast %parallel_loop3A_1181 : vector<16xf32> to vector<1x1x1x16xf32>
        tpu.vector_store %arg6[%parallel_loop3A_1185, %parallel_loop3A_1186, %parallel_loop3A_1187, %parallel_loop3A_1188], %parallel_loop3A_1191 {strides = array<i32>} : memref<8x4x2x1024xf32, #tpu.memory_space<vmem>>, vector<1x1x1x16xf32>,
        %parallel_loop3A_1192 = arith.constant 0 : i32
        %parallel_loop3A_1193 = arith.constant 2 : i32
        %parallel_loop3A_1194 = arith.constant 1 : i32
        %parallel_loop3A_1195 = arith.index_cast %parallel_loop3A_1192 : i32 to index
        %parallel_loop3A_1196 = arith.index_cast %parallel_loop3A_1193 : i32 to index
        %parallel_loop3A_1197 = arith.index_cast %parallel_loop3A_1194 : i32 to index
        %parallel_loop3A_1198 = arith.index_cast %parallel_loop3A_1057 : i32 to index
        %parallel_loop3A_1199 = tpu.vector_load %arg6[%parallel_loop3A_1195, %parallel_loop3A_1196, %parallel_loop3A_1197, %parallel_loop3A_1198] {strides = array<i32>} : memref<8x4x2x1024xf32, #tpu.memory_space<vmem>>, vector<1x1x1x16xf32>,
        %parallel_loop3A_1200 = vector.shape_cast %parallel_loop3A_1199 : vector<1x1x1x16xf32> to vector<16xf32>
        %parallel_loop3A_1201 = arith.addf %parallel_loop3A_1200, %parallel_loop3A_1151 : vector<16xf32>
        %parallel_loop3A_1202 = arith.constant 0 : i32
        %parallel_loop3A_1203 = arith.constant 2 : i32
        %parallel_loop3A_1204 = arith.constant 1 : i32
        %parallel_loop3A_1205 = arith.index_cast %parallel_loop3A_1202 : i32 to index
        %parallel_loop3A_1206 = arith.index_cast %parallel_loop3A_1203 : i32 to index
        %parallel_loop3A_1207 = arith.index_cast %parallel_loop3A_1204 : i32 to index
        %parallel_loop3A_1208 = arith.index_cast %parallel_loop3A_1057 : i32 to index
        %parallel_loop3A_1209 = tpu.vector_load %arg6[%parallel_loop3A_1205, %parallel_loop3A_1206, %parallel_loop3A_1207, %parallel_loop3A_1208] {strides = array<i32>} : memref<8x4x2x1024xf32, #tpu.memory_space<vmem>>, vector<1x1x1x16xf32>,
        %parallel_loop3A_1210 = vector.shape_cast %parallel_loop3A_1209 : vector<1x1x1x16xf32> to vector<16xf32>
        %parallel_loop3A_1211 = vector.shape_cast %parallel_loop3A_1201 : vector<16xf32> to vector<1x1x1x16xf32>
        tpu.vector_store %arg6[%parallel_loop3A_1205, %parallel_loop3A_1206, %parallel_loop3A_1207, %parallel_loop3A_1208], %parallel_loop3A_1211 {strides = array<i32>} : memref<8x4x2x1024xf32, #tpu.memory_space<vmem>>, vector<1x1x1x16xf32>,
        %parallel_loop3A_1212 = arith.constant 0 : i32
        %parallel_loop3A_1213 = arith.constant 3 : i32
        %parallel_loop3A_1214 = arith.constant 1 : i32
        %parallel_loop3A_1215 = arith.index_cast %parallel_loop3A_1212 : i32 to index
        %parallel_loop3A_1216 = arith.index_cast %parallel_loop3A_1213 : i32 to index
        %parallel_loop3A_1217 = arith.index_cast %parallel_loop3A_1214 : i32 to index
        %parallel_loop3A_1218 = arith.index_cast %parallel_loop3A_1057 : i32 to index
        %parallel_loop3A_1219 = tpu.vector_load %arg6[%parallel_loop3A_1215, %parallel_loop3A_1216, %parallel_loop3A_1217, %parallel_loop3A_1218] {strides = array<i32>} : memref<8x4x2x1024xf32, #tpu.memory_space<vmem>>, vector<1x1x1x16xf32>,
        %parallel_loop3A_1220 = vector.shape_cast %parallel_loop3A_1219 : vector<1x1x1x16xf32> to vector<16xf32>
        %parallel_loop3A_1221 = arith.addf %parallel_loop3A_1220, %parallel_loop3A_1151 : vector<16xf32>
        %parallel_loop3A_1222 = arith.constant 0 : i32
        %parallel_loop3A_1223 = arith.constant 3 : i32
        %parallel_loop3A_1224 = arith.constant 1 : i32
        %parallel_loop3A_1225 = arith.index_cast %parallel_loop3A_1222 : i32 to index
        %parallel_loop3A_1226 = arith.index_cast %parallel_loop3A_1223 : i32 to index
        %parallel_loop3A_1227 = arith.index_cast %parallel_loop3A_1224 : i32 to index
        %parallel_loop3A_1228 = arith.index_cast %parallel_loop3A_1057 : i32 to index
        %parallel_loop3A_1229 = tpu.vector_load %arg6[%parallel_loop3A_1225, %parallel_loop3A_1226, %parallel_loop3A_1227, %parallel_loop3A_1228] {strides = array<i32>} : memref<8x4x2x1024xf32, #tpu.memory_space<vmem>>, vector<1x1x1x16xf32>,
        %parallel_loop3A_1230 = vector.shape_cast %parallel_loop3A_1229 : vector<1x1x1x16xf32> to vector<16xf32>
        %parallel_loop3A_1231 = vector.shape_cast %parallel_loop3A_1221 : vector<16xf32> to vector<1x1x1x16xf32>
        tpu.vector_store %arg6[%parallel_loop3A_1225, %parallel_loop3A_1226, %parallel_loop3A_1227, %parallel_loop3A_1228], %parallel_loop3A_1231 {strides = array<i32>} : memref<8x4x2x1024xf32, #tpu.memory_space<vmem>>, vector<1x1x1x16xf32>,
      } {sc.loop_unroll_factor = 2 : i64, sc.parallel_access}
      %mul3A_326 = arith.constant 2 : i32
      %mul3A_327 = arith.muli %add3A_244, %mul3A_326 : i32
      %add3A_328 = arith.addi %mul3A_2, %mul3A_327 : i32
      %dma_start3A_329 = arith.constant 0 : i32
      %dma_start3A_330 = arith.constant 0 : i32
      %dma_start3A_331 = arith.constant 0 : i32
      %dma_start3A_332 = arith.constant 0 : i32
      %dma_start3A_333 = arith.constant 0 : i32
      %dma_start3A_334 = tpu.memref_slice %arg6[%dma_start3A_329, %dma_start3A_331, %dma_start3A_332, %dma_start3A_333] : memref<8x4x2x1024xf32, #tpu.memory_space<vmem>> -> memref<1x4x2x1024xf32, #tpu.memory_space<vmem>>
      %dma_start3A_335 = tpu.memref_squeeze %dma_start3A_334 : memref<1x4x2x1024xf32, #tpu.memory_space<vmem>> -> memref<4x2x1024xf32, #tpu.memory_space<vmem>>
      %dma_start3A_336 = arith.constant 0 : i32
      %dma_start3A_337 = arith.constant 0 : i32
      %dma_start3A_338 = tpu.memref_slice %arg4[%dma_start3A_336, %add3A_328, %dma_start3A_337] : memref<4x4096x1024xf32, #tpu.memory_space<hbm>> -> memref<4x2x1024xf32, #tpu.memory_space<hbm>>
      %dma_start3A_339 = tpu.memref_slice %arg8[%dma_start3A_330] : memref<8x!tpu.dma_semaphore, #tpu.memory_space<semaphore_mem>> -> memref<1x!tpu.dma_semaphore, #tpu.memory_space<semaphore_mem>>
      %dma_start3A_340 = tpu.memref_squeeze %dma_start3A_339 : memref<1x!tpu.dma_semaphore, #tpu.memory_space<semaphore_mem>> -> memref<!tpu.dma_semaphore, #tpu.memory_space<semaphore_mem>>
      %dma_start3A_341 = arith.constant 0 : i32
      %dma_start3A_342 = arith.constant 0 : i32
      %dma_start3A_343 = tpu.memref_slice %arg4[%dma_start3A_341, %add3A_328, %dma_start3A_342] : memref<4x4096x1024xf32, #tpu.memory_space<hbm>> -> memref<4x2x1024xf32, #tpu.memory_space<hbm>>
      %dma_start3A_344 = arith.constant 0 : i32
      %dma_start3A_345 = arith.constant 0 : i32
      %dma_start3A_346 = arith.constant 0 : i32
      %dma_start3A_347 = tpu.memref_slice %arg6[%dma_start3A_329, %dma_start3A_344, %dma_start3A_345, %dma_start3A_346] : memref<8x4x2x1024xf32, #tpu.memory_space<vmem>> -> memref<1x4x2x1024xf32, #tpu.memory_space<vmem>>
      %dma_start3A_348 = tpu.memref_squeeze %dma_start3A_347 : memref<1x4x2x1024xf32, #tpu.memory_space<vmem>> -> memref<4x2x1024xf32, #tpu.memory_space<vmem>>
      tpu.enqueue_dma source(%dma_start3A_348 : memref<4x2x1024xf32, #tpu.memory_space<vmem>>) target(%dma_start3A_343 : memref<4x2x1024xf32, #tpu.memory_space<hbm>>) target_semaphore(%dma_start3A_340 : memref<!tpu.dma_semaphore, #tpu.memory_space<semaphore_mem>>)
      %mul3A_349 = arith.constant 8 : i32
      %mul3A_350 = arith.muli %mul3A_349, %scan3A_239 : i32
      %add3A_351 = arith.constant 1 : i32
      %add3A_352 = arith.addi %mul3A_350, %add3A_351 : i32
      %gt3A_353 = arith.constant 0 : i32
      %gt3A_354 = arith.cmpi sgt, %scan3A_239, %gt3A_353 : i32
      %convert_element_type3A_355 = arith.extui %gt3A_354 : i1 to i32
      %cond3A_356 = arith.constant 0 : i32
      %cond3A_357 = arith.cmpi ne, %convert_element_type3A_355, %cond3A_356 : i32
      scf.if %cond3A_357 {
        %dma_wait3A_1057 = arith.constant 5 : i32
        %dma_wait3A_1058 = arith.constant 5 : i32
        %dma_wait3A_1059 = arith.constant 0 : i32
        %dma_wait3A_1060 = arith.constant 0 : i32
        %dma_wait3A_1061 = arith.constant 0 : i32
        %dma_wait3A_1062 = tpu.memref_slice %arg6[%dma_wait3A_1057, %dma_wait3A_1059, %dma_wait3A_1060, %dma_wait3A_1061] : memref<8x4x2x1024xf32, #tpu.memory_space<vmem>> -> memref<1x4x2x1024xf32, #tpu.memory_space<vmem>>
        %dma_wait3A_1063 = tpu.memref_squeeze %dma_wait3A_1062 : memref<1x4x2x1024xf32, #tpu.memory_space<vmem>> -> memref<4x2x1024xf32, #tpu.memory_space<vmem>>
        %dma_wait3A_1064 = arith.constant 0 : i32
        %dma_wait3A_1065 = arith.constant 0 : i32
        %dma_wait3A_1066 = tpu.memref_slice %arg4[%dma_wait3A_1064, %mul3A_2, %dma_wait3A_1065] : memref<4x4096x1024xf32, #tpu.memory_space<hbm>> -> memref<4x2x1024xf32, #tpu.memory_space<hbm>>
        %dma_wait3A_1067 = tpu.memref_slice %arg8[%dma_wait3A_1058] : memref<8x!tpu.dma_semaphore, #tpu.memory_space<semaphore_mem>> -> memref<1x!tpu.dma_semaphore, #tpu.memory_space<semaphore_mem>>
        %dma_wait3A_1068 = tpu.memref_squeeze %dma_wait3A_1067 : memref<1x!tpu.dma_semaphore, #tpu.memory_space<semaphore_mem>> -> memref<!tpu.dma_semaphore, #tpu.memory_space<semaphore_mem>>
        %dma_wait3A_1069 = arith.constant 0 : i32
        %dma_wait3A_1070 = arith.constant 0 : i32
        %dma_wait3A_1071 = tpu.memref_slice %arg4[%dma_wait3A_1069, %mul3A_2, %dma_wait3A_1070] : memref<4x4096x1024xf32, #tpu.memory_space<hbm>> -> memref<4x2x1024xf32, #tpu.memory_space<hbm>>
        %dma_wait3A_1072 = arith.constant 0 : i32
        %dma_wait3A_1073 = arith.constant 0 : i32
        %dma_wait3A_1074 = arith.constant 0 : i32
        %dma_wait3A_1075 = tpu.memref_slice %arg6[%dma_wait3A_1057, %dma_wait3A_1072, %dma_wait3A_1073, %dma_wait3A_1074] : memref<8x4x2x1024xf32, #tpu.memory_space<vmem>> -> memref<1x4x2x1024xf32, #tpu.memory_space<vmem>>
        %dma_wait3A_1076 = tpu.memref_squeeze %dma_wait3A_1075 : memref<1x4x2x1024xf32, #tpu.memory_space<vmem>> -> memref<4x2x1024xf32, #tpu.memory_space<vmem>>
        tpu.wait_dma2 semaphore(%dma_wait3A_1068 : memref<!tpu.dma_semaphore, #tpu.memory_space<semaphore_mem>>) src(%dma_wait3A_1076 : memref<4x2x1024xf32, #tpu.memory_space<vmem>>) dst(%dma_wait3A_1071 : memref<4x2x1024xf32, #tpu.memory_space<hbm>>)
      } else {
      }
      %add3A_358 = arith.constant 4 : i32
      %add3A_359 = arith.addi %add3A_352, %add3A_358 : i32
      %mul3A_360 = arith.constant 2 : i32
      %mul3A_361 = arith.muli %add3A_359, %mul3A_360 : i32
      %add3A_362 = arith.addi %mul3A_2, %mul3A_361 : i32
      %dma_start3A_363 = arith.constant 5 : i32
      %dma_start3A_364 = arith.constant 5 : i32
      %dma_start3A_365 = arith.constant 0 : i32
      %dma_start3A_366 = arith.constant 0 : i32
      %dma_start3A_367 = tpu.memref_slice %arg5[%dma_start3A_363, %dma_start3A_365, %dma_start3A_366] : memref<8x2x1024xf32, #tpu.memory_space<vmem>> -> memref<1x2x1024xf32, #tpu.memory_space<vmem>>
      %dma_start3A_368 = tpu.memref_squeeze %dma_start3A_367 : memref<1x2x1024xf32, #tpu.memory_space<vmem>> -> memref<2x1024xf32, #tpu.memory_space<vmem>>
      %dma_start3A_369 = arith.constant 0 : i32
      %dma_start3A_370 = tpu.memref_slice %arg3[%add3A_362, %dma_start3A_369] : memref<8192x1024xf32, #tpu.memory_space<hbm>> -> memref<2x1024xf32, #tpu.memory_space<hbm>>
      %dma_start3A_371 = tpu.memref_slice %arg7[%dma_start3A_364] : memref<8x!tpu.dma_semaphore, #tpu.memory_space<semaphore_mem>> -> memref<1x!tpu.dma_semaphore, #tpu.memory_space<semaphore_mem>>
      %dma_start3A_372 = tpu.memref_squeeze %dma_start3A_371 : memref<1x!tpu.dma_semaphore, #tpu.memory_space<semaphore_mem>> -> memref<!tpu.dma_semaphore, #tpu.memory_space<semaphore_mem>>
      %dma_start3A_373 = arith.constant 0 : i32
      %dma_start3A_374 = arith.constant 0 : i32
      %dma_start3A_375 = tpu.memref_slice %arg5[%dma_start3A_363, %dma_start3A_373, %dma_start3A_374] : memref<8x2x1024xf32, #tpu.memory_space<vmem>> -> memref<1x2x1024xf32, #tpu.memory_space<vmem>>
      %dma_start3A_376 = tpu.memref_squeeze %dma_start3A_375 : memref<1x2x1024xf32, #tpu.memory_space<vmem>> -> memref<2x1024xf32, #tpu.memory_space<vmem>>
      %dma_start3A_377 = arith.constant 0 : i32
      %dma_start3A_378 = tpu.memref_slice %arg3[%add3A_362, %dma_start3A_377] : memref<8192x1024xf32, #tpu.memory_space<hbm>> -> memref<2x1024xf32, #tpu.memory_space<hbm>>
      tpu.enqueue_dma source(%dma_start3A_378 : memref<2x1024xf32, #tpu.memory_space<hbm>>) target(%dma_start3A_376 : memref<2x1024xf32, #tpu.memory_space<vmem>>) target_semaphore(%dma_start3A_372 : memref<!tpu.dma_semaphore, #tpu.memory_space<semaphore_mem>>)
      %dma_start3A_379 = arith.constant 5 : i32
      %dma_start3A_380 = arith.constant 5 : i32
      %dma_start3A_381 = arith.constant 0 : i32
      %dma_start3A_382 = arith.constant 0 : i32
      %dma_start3A_383 = arith.constant 0 : i32
      %dma_start3A_384 = tpu.memref_slice %arg6[%dma_start3A_379, %dma_start3A_381, %dma_start3A_382, %dma_start3A_383] : memref<8x4x2x1024xf32, #tpu.memory_space<vmem>> -> memref<1x4x2x1024xf32, #tpu.memory_space<vmem>>
      %dma_start3A_385 = tpu.memref_squeeze %dma_start3A_384 : memref<1x4x2x1024xf32, #tpu.memory_space<vmem>> -> memref<4x2x1024xf32, #tpu.memory_space<vmem>>
      %dma_start3A_386 = arith.constant 0 : i32
      %dma_start3A_387 = arith.constant 0 : i32
      %dma_start3A_388 = tpu.memref_slice %arg2[%dma_start3A_386, %add3A_362, %dma_start3A_387] : memref<4x4096x1024xf32, #tpu.memory_space<hbm>> -> memref<4x2x1024xf32, #tpu.memory_space<hbm>>
      %dma_start3A_389 = tpu.memref_slice %arg7[%dma_start3A_380] : memref<8x!tpu.dma_semaphore, #tpu.memory_space<semaphore_mem>> -> memref<1x!tpu.dma_semaphore, #tpu.memory_space<semaphore_mem>>
      %dma_start3A_390 = tpu.memref_squeeze %dma_start3A_389 : memref<1x!tpu.dma_semaphore, #tpu.memory_space<semaphore_mem>> -> memref<!tpu.dma_semaphore, #tpu.memory_space<semaphore_mem>>
      %dma_start3A_391 = arith.constant 0 : i32
      %dma_start3A_392 = arith.constant 0 : i32
      %dma_start3A_393 = arith.constant 0 : i32
      %dma_start3A_394 = tpu.memref_slice %arg6[%dma_start3A_379, %dma_start3A_391, %dma_start3A_392, %dma_start3A_393] : memref<8x4x2x1024xf32, #tpu.memory_space<vmem>> -> memref<1x4x2x1024xf32, #tpu.memory_space<vmem>>
      %dma_start3A_395 = tpu.memref_squeeze %dma_start3A_394 : memref<1x4x2x1024xf32, #tpu.memory_space<vmem>> -> memref<4x2x1024xf32, #tpu.memory_space<vmem>>
      %dma_start3A_396 = arith.constant 0 : i32
      %dma_start3A_397 = arith.constant 0 : i32
      %dma_start3A_398 = tpu.memref_slice %arg2[%dma_start3A_396, %add3A_362, %dma_start3A_397] : memref<4x4096x1024xf32, #tpu.memory_space<hbm>> -> memref<4x2x1024xf32, #tpu.memory_space<hbm>>
      tpu.enqueue_dma source(%dma_start3A_398 : memref<4x2x1024xf32, #tpu.memory_space<hbm>>) target(%dma_start3A_395 : memref<4x2x1024xf32, #tpu.memory_space<vmem>>) target_semaphore(%dma_start3A_390 : memref<!tpu.dma_semaphore, #tpu.memory_space<semaphore_mem>>)
      %dma_wait3A_399 = arith.constant 1 : i32
      %dma_wait3A_400 = arith.constant 1 : i32
      %dma_wait3A_401 = arith.constant 0 : i32
      %dma_wait3A_402 = arith.constant 0 : i32
      %dma_wait3A_403 = tpu.memref_slice %arg5[%dma_wait3A_399, %dma_wait3A_401, %dma_wait3A_402] : memref<8x2x1024xf32, #tpu.memory_space<vmem>> -> memref<1x2x1024xf32, #tpu.memory_space<vmem>>
      %dma_wait3A_404 = tpu.memref_squeeze %dma_wait3A_403 : memref<1x2x1024xf32, #tpu.memory_space<vmem>> -> memref<2x1024xf32, #tpu.memory_space<vmem>>
      %dma_wait3A_405 = arith.constant 0 : i32
      %dma_wait3A_406 = tpu.memref_slice %arg3[%mul3A_2, %dma_wait3A_405] : memref<8192x1024xf32, #tpu.memory_space<hbm>> -> memref<2x1024xf32, #tpu.memory_space<hbm>>
      %dma_wait3A_407 = tpu.memref_slice %arg7[%dma_wait3A_400] : memref<8x!tpu.dma_semaphore, #tpu.memory_space<semaphore_mem>> -> memref<1x!tpu.dma_semaphore, #tpu.memory_space<semaphore_mem>>
      %dma_wait3A_408 = tpu.memref_squeeze %dma_wait3A_407 : memref<1x!tpu.dma_semaphore, #tpu.memory_space<semaphore_mem>> -> memref<!tpu.dma_semaphore, #tpu.memory_space<semaphore_mem>>
      %dma_wait3A_409 = arith.constant 0 : i32
      %dma_wait3A_410 = arith.constant 0 : i32
      %dma_wait3A_411 = tpu.memref_slice %arg5[%dma_wait3A_399, %dma_wait3A_409, %dma_wait3A_410] : memref<8x2x1024xf32, #tpu.memory_space<vmem>> -> memref<1x2x1024xf32, #tpu.memory_space<vmem>>
      %dma_wait3A_412 = tpu.memref_squeeze %dma_wait3A_411 : memref<1x2x1024xf32, #tpu.memory_space<vmem>> -> memref<2x1024xf32, #tpu.memory_space<vmem>>
      %dma_wait3A_413 = arith.constant 0 : i32
      %dma_wait3A_414 = tpu.memref_slice %arg3[%mul3A_2, %dma_wait3A_413] : memref<8192x1024xf32, #tpu.memory_space<hbm>> -> memref<2x1024xf32, #tpu.memory_space<hbm>>
      tpu.wait_dma2 semaphore(%dma_wait3A_408 : memref<!tpu.dma_semaphore, #tpu.memory_space<semaphore_mem>>) src(%dma_wait3A_414 : memref<2x1024xf32, #tpu.memory_space<hbm>>) dst(%dma_wait3A_412 : memref<2x1024xf32, #tpu.memory_space<vmem>>)
      %dma_wait3A_415 = arith.constant 1 : i32
      %dma_wait3A_416 = arith.constant 1 : i32
      %dma_wait3A_417 = arith.constant 0 : i32
      %dma_wait3A_418 = arith.constant 0 : i32
      %dma_wait3A_419 = arith.constant 0 : i32
      %dma_wait3A_420 = tpu.memref_slice %arg6[%dma_wait3A_415, %dma_wait3A_417, %dma_wait3A_418, %dma_wait3A_419] : memref<8x4x2x1024xf32, #tpu.memory_space<vmem>> -> memref<1x4x2x1024xf32, #tpu.memory_space<vmem>>
      %dma_wait3A_421 = tpu.memref_squeeze %dma_wait3A_420 : memref<1x4x2x1024xf32, #tpu.memory_space<vmem>> -> memref<4x2x1024xf32, #tpu.memory_space<vmem>>
      %dma_wait3A_422 = arith.constant 0 : i32
      %dma_wait3A_423 = arith.constant 0 : i32
      %dma_wait3A_424 = tpu.memref_slice %arg2[%dma_wait3A_422, %mul3A_2, %dma_wait3A_423] : memref<4x4096x1024xf32, #tpu.memory_space<hbm>> -> memref<4x2x1024xf32, #tpu.memory_space<hbm>>
      %dma_wait3A_425 = tpu.memref_slice %arg7[%dma_wait3A_416] : memref<8x!tpu.dma_semaphore, #tpu.memory_space<semaphore_mem>> -> memref<1x!tpu.dma_semaphore, #tpu.memory_space<semaphore_mem>>
      %dma_wait3A_426 = tpu.memref_squeeze %dma_wait3A_425 : memref<1x!tpu.dma_semaphore, #tpu.memory_space<semaphore_mem>> -> memref<!tpu.dma_semaphore, #tpu.memory_space<semaphore_mem>>
      %dma_wait3A_427 = arith.constant 0 : i32
      %dma_wait3A_428 = arith.constant 0 : i32
      %dma_wait3A_429 = arith.constant 0 : i32
      %dma_wait3A_430 = tpu.memref_slice %arg6[%dma_wait3A_415, %dma_wait3A_427, %dma_wait3A_428, %dma_wait3A_429] : memref<8x4x2x1024xf32, #tpu.memory_space<vmem>> -> memref<1x4x2x1024xf32, #tpu.memory_space<vmem>>
      %dma_wait3A_431 = tpu.memref_squeeze %dma_wait3A_430 : memref<1x4x2x1024xf32, #tpu.memory_space<vmem>> -> memref<4x2x1024xf32, #tpu.memory_space<vmem>>
      %dma_wait3A_432 = arith.constant 0 : i32
      %dma_wait3A_433 = arith.constant 0 : i32
      %dma_wait3A_434 = tpu.memref_slice %arg2[%dma_wait3A_432, %mul3A_2, %dma_wait3A_433] : memref<4x4096x1024xf32, #tpu.memory_space<hbm>> -> memref<4x2x1024xf32, #tpu.memory_space<hbm>>
      tpu.wait_dma2 semaphore(%dma_wait3A_426 : memref<!tpu.dma_semaphore, #tpu.memory_space<semaphore_mem>>) src(%dma_wait3A_434 : memref<4x2x1024xf32, #tpu.memory_space<hbm>>) dst(%dma_wait3A_431 : memref<4x2x1024xf32, #tpu.memory_space<vmem>>)
      %parallel_loop3A_435 = arith.constant 0 : i32
      %parallel_loop3A_436 = arith.constant 1024 : i32
      %parallel_loop3A_437 = arith.constant 16 : i32
      scf.for %parallel_loop3A_1057 = %parallel_loop3A_435 to %parallel_loop3A_436 step %parallel_loop3A_437  : i32 {
        %parallel_loop3A_1058 = arith.constant 1 : i32
        %parallel_loop3A_1059 = arith.constant 0 : i32
        %parallel_loop3A_1060 = arith.index_cast %parallel_loop3A_1058 : i32 to index
        %parallel_loop3A_1061 = arith.index_cast %parallel_loop3A_1059 : i32 to index
        %parallel_loop3A_1062 = arith.index_cast %parallel_loop3A_1057 : i32 to index
        %parallel_loop3A_1063 = tpu.vector_load %arg5[%parallel_loop3A_1060, %parallel_loop3A_1061, %parallel_loop3A_1062] {strides = array<i32>} : memref<8x2x1024xf32, #tpu.memory_space<vmem>>, vector<1x1x16xf32>,
        %parallel_loop3A_1064 = vector.shape_cast %parallel_loop3A_1063 : vector<1x1x16xf32> to vector<16xf32>
        %parallel_loop3A_1065 = arith.constant 1 : i32
        %parallel_loop3A_1066 = arith.constant 0 : i32
        %parallel_loop3A_1067 = arith.constant 0 : i32
        %parallel_loop3A_1068 = arith.index_cast %parallel_loop3A_1065 : i32 to index
        %parallel_loop3A_1069 = arith.index_cast %parallel_loop3A_1066 : i32 to index
        %parallel_loop3A_1070 = arith.index_cast %parallel_loop3A_1067 : i32 to index
        %parallel_loop3A_1071 = arith.index_cast %parallel_loop3A_1057 : i32 to index
        %parallel_loop3A_1072 = tpu.vector_load %arg6[%parallel_loop3A_1068, %parallel_loop3A_1069, %parallel_loop3A_1070, %parallel_loop3A_1071] {strides = array<i32>} : memref<8x4x2x1024xf32, #tpu.memory_space<vmem>>, vector<1x1x1x16xf32>,
        %parallel_loop3A_1073 = vector.shape_cast %parallel_loop3A_1072 : vector<1x1x1x16xf32> to vector<16xf32>
        %parallel_loop3A_1074 = arith.addf %parallel_loop3A_1073, %parallel_loop3A_1064 : vector<16xf32>
        %parallel_loop3A_1075 = arith.constant 1 : i32
        %parallel_loop3A_1076 = arith.constant 0 : i32
        %parallel_loop3A_1077 = arith.constant 0 : i32
        %parallel_loop3A_1078 = arith.index_cast %parallel_loop3A_1075 : i32 to index
        %parallel_loop3A_1079 = arith.index_cast %parallel_loop3A_1076 : i32 to index
        %parallel_loop3A_1080 = arith.index_cast %parallel_loop3A_1077 : i32 to index
        %parallel_loop3A_1081 = arith.index_cast %parallel_loop3A_1057 : i32 to index
        %parallel_loop3A_1082 = tpu.vector_load %arg6[%parallel_loop3A_1078, %parallel_loop3A_1079, %parallel_loop3A_1080, %parallel_loop3A_1081] {strides = array<i32>} : memref<8x4x2x1024xf32, #tpu.memory_space<vmem>>, vector<1x1x1x16xf32>,
        %parallel_loop3A_1083 = vector.shape_cast %parallel_loop3A_1082 : vector<1x1x1x16xf32> to vector<16xf32>
        %parallel_loop3A_1084 = vector.shape_cast %parallel_loop3A_1074 : vector<16xf32> to vector<1x1x1x16xf32>
        tpu.vector_store %arg6[%parallel_loop3A_1078, %parallel_loop3A_1079, %parallel_loop3A_1080, %parallel_loop3A_1081], %parallel_loop3A_1084 {strides = array<i32>} : memref<8x4x2x1024xf32, #tpu.memory_space<vmem>>, vector<1x1x1x16xf32>,
        %parallel_loop3A_1085 = arith.constant 1 : i32
        %parallel_loop3A_1086 = arith.constant 1 : i32
        %parallel_loop3A_1087 = arith.constant 0 : i32
        %parallel_loop3A_1088 = arith.index_cast %parallel_loop3A_1085 : i32 to index
        %parallel_loop3A_1089 = arith.index_cast %parallel_loop3A_1086 : i32 to index
        %parallel_loop3A_1090 = arith.index_cast %parallel_loop3A_1087 : i32 to index
        %parallel_loop3A_1091 = arith.index_cast %parallel_loop3A_1057 : i32 to index
        %parallel_loop3A_1092 = tpu.vector_load %arg6[%parallel_loop3A_1088, %parallel_loop3A_1089, %parallel_loop3A_1090, %parallel_loop3A_1091] {strides = array<i32>} : memref<8x4x2x1024xf32, #tpu.memory_space<vmem>>, vector<1x1x1x16xf32>,
        %parallel_loop3A_1093 = vector.shape_cast %parallel_loop3A_1092 : vector<1x1x1x16xf32> to vector<16xf32>
        %parallel_loop3A_1094 = arith.addf %parallel_loop3A_1093, %parallel_loop3A_1064 : vector<16xf32>
        %parallel_loop3A_1095 = arith.constant 1 : i32
        %parallel_loop3A_1096 = arith.constant 1 : i32
        %parallel_loop3A_1097 = arith.constant 0 : i32
        %parallel_loop3A_1098 = arith.index_cast %parallel_loop3A_1095 : i32 to index
        %parallel_loop3A_1099 = arith.index_cast %parallel_loop3A_1096 : i32 to index
        %parallel_loop3A_1100 = arith.index_cast %parallel_loop3A_1097 : i32 to index
        %parallel_loop3A_1101 = arith.index_cast %parallel_loop3A_1057 : i32 to index
        %parallel_loop3A_1102 = tpu.vector_load %arg6[%parallel_loop3A_1098, %parallel_loop3A_1099, %parallel_loop3A_1100, %parallel_loop3A_1101] {strides = array<i32>} : memref<8x4x2x1024xf32, #tpu.memory_space<vmem>>, vector<1x1x1x16xf32>,
        %parallel_loop3A_1103 = vector.shape_cast %parallel_loop3A_1102 : vector<1x1x1x16xf32> to vector<16xf32>
        %parallel_loop3A_1104 = vector.shape_cast %parallel_loop3A_1094 : vector<16xf32> to vector<1x1x1x16xf32>
        tpu.vector_store %arg6[%parallel_loop3A_1098, %parallel_loop3A_1099, %parallel_loop3A_1100, %parallel_loop3A_1101], %parallel_loop3A_1104 {strides = array<i32>} : memref<8x4x2x1024xf32, #tpu.memory_space<vmem>>, vector<1x1x1x16xf32>,
        %parallel_loop3A_1105 = arith.constant 1 : i32
        %parallel_loop3A_1106 = arith.constant 2 : i32
        %parallel_loop3A_1107 = arith.constant 0 : i32
        %parallel_loop3A_1108 = arith.index_cast %parallel_loop3A_1105 : i32 to index
        %parallel_loop3A_1109 = arith.index_cast %parallel_loop3A_1106 : i32 to index
        %parallel_loop3A_1110 = arith.index_cast %parallel_loop3A_1107 : i32 to index
        %parallel_loop3A_1111 = arith.index_cast %parallel_loop3A_1057 : i32 to index
        %parallel_loop3A_1112 = tpu.vector_load %arg6[%parallel_loop3A_1108, %parallel_loop3A_1109, %parallel_loop3A_1110, %parallel_loop3A_1111] {strides = array<i32>} : memref<8x4x2x1024xf32, #tpu.memory_space<vmem>>, vector<1x1x1x16xf32>,
        %parallel_loop3A_1113 = vector.shape_cast %parallel_loop3A_1112 : vector<1x1x1x16xf32> to vector<16xf32>
        %parallel_loop3A_1114 = arith.addf %parallel_loop3A_1113, %parallel_loop3A_1064 : vector<16xf32>
        %parallel_loop3A_1115 = arith.constant 1 : i32
        %parallel_loop3A_1116 = arith.constant 2 : i32
        %parallel_loop3A_1117 = arith.constant 0 : i32
        %parallel_loop3A_1118 = arith.index_cast %parallel_loop3A_1115 : i32 to index
        %parallel_loop3A_1119 = arith.index_cast %parallel_loop3A_1116 : i32 to index
        %parallel_loop3A_1120 = arith.index_cast %parallel_loop3A_1117 : i32 to index
        %parallel_loop3A_1121 = arith.index_cast %parallel_loop3A_1057 : i32 to index
        %parallel_loop3A_1122 = tpu.vector_load %arg6[%parallel_loop3A_1118, %parallel_loop3A_1119, %parallel_loop3A_1120, %parallel_loop3A_1121] {strides = array<i32>} : memref<8x4x2x1024xf32, #tpu.memory_space<vmem>>, vector<1x1x1x16xf32>,
        %parallel_loop3A_1123 = vector.shape_cast %parallel_loop3A_1122 : vector<1x1x1x16xf32> to vector<16xf32>
        %parallel_loop3A_1124 = vector.shape_cast %parallel_loop3A_1114 : vector<16xf32> to vector<1x1x1x16xf32>
        tpu.vector_store %arg6[%parallel_loop3A_1118, %parallel_loop3A_1119, %parallel_loop3A_1120, %parallel_loop3A_1121], %parallel_loop3A_1124 {strides = array<i32>} : memref<8x4x2x1024xf32, #tpu.memory_space<vmem>>, vector<1x1x1x16xf32>,
        %parallel_loop3A_1125 = arith.constant 1 : i32
        %parallel_loop3A_1126 = arith.constant 3 : i32
        %parallel_loop3A_1127 = arith.constant 0 : i32
        %parallel_loop3A_1128 = arith.index_cast %parallel_loop3A_1125 : i32 to index
        %parallel_loop3A_1129 = arith.index_cast %parallel_loop3A_1126 : i32 to index
        %parallel_loop3A_1130 = arith.index_cast %parallel_loop3A_1127 : i32 to index
        %parallel_loop3A_1131 = arith.index_cast %parallel_loop3A_1057 : i32 to index
        %parallel_loop3A_1132 = tpu.vector_load %arg6[%parallel_loop3A_1128, %parallel_loop3A_1129, %parallel_loop3A_1130, %parallel_loop3A_1131] {strides = array<i32>} : memref<8x4x2x1024xf32, #tpu.memory_space<vmem>>, vector<1x1x1x16xf32>,
        %parallel_loop3A_1133 = vector.shape_cast %parallel_loop3A_1132 : vector<1x1x1x16xf32> to vector<16xf32>
        %parallel_loop3A_1134 = arith.addf %parallel_loop3A_1133, %parallel_loop3A_1064 : vector<16xf32>
        %parallel_loop3A_1135 = arith.constant 1 : i32
        %parallel_loop3A_1136 = arith.constant 3 : i32
        %parallel_loop3A_1137 = arith.constant 0 : i32
        %parallel_loop3A_1138 = arith.index_cast %parallel_loop3A_1135 : i32 to index
        %parallel_loop3A_1139 = arith.index_cast %parallel_loop3A_1136 : i32 to index
        %parallel_loop3A_1140 = arith.index_cast %parallel_loop3A_1137 : i32 to index
        %parallel_loop3A_1141 = arith.index_cast %parallel_loop3A_1057 : i32 to index
        %parallel_loop3A_1142 = tpu.vector_load %arg6[%parallel_loop3A_1138, %parallel_loop3A_1139, %parallel_loop3A_1140, %parallel_loop3A_1141] {strides = array<i32>} : memref<8x4x2x1024xf32, #tpu.memory_space<vmem>>, vector<1x1x1x16xf32>,
        %parallel_loop3A_1143 = vector.shape_cast %parallel_loop3A_1142 : vector<1x1x1x16xf32> to vector<16xf32>
        %parallel_loop3A_1144 = vector.shape_cast %parallel_loop3A_1134 : vector<16xf32> to vector<1x1x1x16xf32>
        tpu.vector_store %arg6[%parallel_loop3A_1138, %parallel_loop3A_1139, %parallel_loop3A_1140, %parallel_loop3A_1141], %parallel_loop3A_1144 {strides = array<i32>} : memref<8x4x2x1024xf32, #tpu.memory_space<vmem>>, vector<1x1x1x16xf32>,
        %parallel_loop3A_1145 = arith.constant 1 : i32
        %parallel_loop3A_1146 = arith.constant 1 : i32
        %parallel_loop3A_1147 = arith.index_cast %parallel_loop3A_1145 : i32 to index
        %parallel_loop3A_1148 = arith.index_cast %parallel_loop3A_1146 : i32 to index
        %parallel_loop3A_1149 = arith.index_cast %parallel_loop3A_1057 : i32 to index
        %parallel_loop3A_1150 = tpu.vector_load %arg5[%parallel_loop3A_1147, %parallel_loop3A_1148, %parallel_loop3A_1149] {strides = array<i32>} : memref<8x2x1024xf32, #tpu.memory_space<vmem>>, vector<1x1x16xf32>,
        %parallel_loop3A_1151 = vector.shape_cast %parallel_loop3A_1150 : vector<1x1x16xf32> to vector<16xf32>
        %parallel_loop3A_1152 = arith.constant 1 : i32
        %parallel_loop3A_1153 = arith.constant 0 : i32
        %parallel_loop3A_1154 = arith.constant 1 : i32
        %parallel_loop3A_1155 = arith.index_cast %parallel_loop3A_1152 : i32 to index
        %parallel_loop3A_1156 = arith.index_cast %parallel_loop3A_1153 : i32 to index
        %parallel_loop3A_1157 = arith.index_cast %parallel_loop3A_1154 : i32 to index
        %parallel_loop3A_1158 = arith.index_cast %parallel_loop3A_1057 : i32 to index
        %parallel_loop3A_1159 = tpu.vector_load %arg6[%parallel_loop3A_1155, %parallel_loop3A_1156, %parallel_loop3A_1157, %parallel_loop3A_1158] {strides = array<i32>} : memref<8x4x2x1024xf32, #tpu.memory_space<vmem>>, vector<1x1x1x16xf32>,
        %parallel_loop3A_1160 = vector.shape_cast %parallel_loop3A_1159 : vector<1x1x1x16xf32> to vector<16xf32>
        %parallel_loop3A_1161 = arith.addf %parallel_loop3A_1160, %parallel_loop3A_1151 : vector<16xf32>
        %parallel_loop3A_1162 = arith.constant 1 : i32
        %parallel_loop3A_1163 = arith.constant 0 : i32
        %parallel_loop3A_1164 = arith.constant 1 : i32
        %parallel_loop3A_1165 = arith.index_cast %parallel_loop3A_1162 : i32 to index
        %parallel_loop3A_1166 = arith.index_cast %parallel_loop3A_1163 : i32 to index
        %parallel_loop3A_1167 = arith.index_cast %parallel_loop3A_1164 : i32 to index
        %parallel_loop3A_1168 = arith.index_cast %parallel_loop3A_1057 : i32 to index
        %parallel_loop3A_1169 = tpu.vector_load %arg6[%parallel_loop3A_1165, %parallel_loop3A_1166, %parallel_loop3A_1167, %parallel_loop3A_1168] {strides = array<i32>} : memref<8x4x2x1024xf32, #tpu.memory_space<vmem>>, vector<1x1x1x16xf32>,
        %parallel_loop3A_1170 = vector.shape_cast %parallel_loop3A_1169 : vector<1x1x1x16xf32> to vector<16xf32>
        %parallel_loop3A_1171 = vector.shape_cast %parallel_loop3A_1161 : vector<16xf32> to vector<1x1x1x16xf32>
        tpu.vector_store %arg6[%parallel_loop3A_1165, %parallel_loop3A_1166, %parallel_loop3A_1167, %parallel_loop3A_1168], %parallel_loop3A_1171 {strides = array<i32>} : memref<8x4x2x1024xf32, #tpu.memory_space<vmem>>, vector<1x1x1x16xf32>,
        %parallel_loop3A_1172 = arith.constant 1 : i32
        %parallel_loop3A_1173 = arith.constant 1 : i32
        %parallel_loop3A_1174 = arith.constant 1 : i32
        %parallel_loop3A_1175 = arith.index_cast %parallel_loop3A_1172 : i32 to index
        %parallel_loop3A_1176 = arith.index_cast %parallel_loop3A_1173 : i32 to index
        %parallel_loop3A_1177 = arith.index_cast %parallel_loop3A_1174 : i32 to index
        %parallel_loop3A_1178 = arith.index_cast %parallel_loop3A_1057 : i32 to index
        %parallel_loop3A_1179 = tpu.vector_load %arg6[%parallel_loop3A_1175, %parallel_loop3A_1176, %parallel_loop3A_1177, %parallel_loop3A_1178] {strides = array<i32>} : memref<8x4x2x1024xf32, #tpu.memory_space<vmem>>, vector<1x1x1x16xf32>,
        %parallel_loop3A_1180 = vector.shape_cast %parallel_loop3A_1179 : vector<1x1x1x16xf32> to vector<16xf32>
        %parallel_loop3A_1181 = arith.addf %parallel_loop3A_1180, %parallel_loop3A_1151 : vector<16xf32>
        %parallel_loop3A_1182 = arith.constant 1 : i32
        %parallel_loop3A_1183 = arith.constant 1 : i32
        %parallel_loop3A_1184 = arith.constant 1 : i32
        %parallel_loop3A_1185 = arith.index_cast %parallel_loop3A_1182 : i32 to index
        %parallel_loop3A_1186 = arith.index_cast %parallel_loop3A_1183 : i32 to index
        %parallel_loop3A_1187 = arith.index_cast %parallel_loop3A_1184 : i32 to index
        %parallel_loop3A_1188 = arith.index_cast %parallel_loop3A_1057 : i32 to index
        %parallel_loop3A_1189 = tpu.vector_load %arg6[%parallel_loop3A_1185, %parallel_loop3A_1186, %parallel_loop3A_1187, %parallel_loop3A_1188] {strides = array<i32>} : memref<8x4x2x1024xf32, #tpu.memory_space<vmem>>, vector<1x1x1x16xf32>,
        %parallel_loop3A_1190 = vector.shape_cast %parallel_loop3A_1189 : vector<1x1x1x16xf32> to vector<16xf32>
        %parallel_loop3A_1191 = vector.shape_cast %parallel_loop3A_1181 : vector<16xf32> to vector<1x1x1x16xf32>
        tpu.vector_store %arg6[%parallel_loop3A_1185, %parallel_loop3A_1186, %parallel_loop3A_1187, %parallel_loop3A_1188], %parallel_loop3A_1191 {strides = array<i32>} : memref<8x4x2x1024xf32, #tpu.memory_space<vmem>>, vector<1x1x1x16xf32>,
        %parallel_loop3A_1192 = arith.constant 1 : i32
        %parallel_loop3A_1193 = arith.constant 2 : i32
        %parallel_loop3A_1194 = arith.constant 1 : i32
        %parallel_loop3A_1195 = arith.index_cast %parallel_loop3A_1192 : i32 to index
        %parallel_loop3A_1196 = arith.index_cast %parallel_loop3A_1193 : i32 to index
        %parallel_loop3A_1197 = arith.index_cast %parallel_loop3A_1194 : i32 to index
        %parallel_loop3A_1198 = arith.index_cast %parallel_loop3A_1057 : i32 to index
        %parallel_loop3A_1199 = tpu.vector_load %arg6[%parallel_loop3A_1195, %parallel_loop3A_1196, %parallel_loop3A_1197, %parallel_loop3A_1198] {strides = array<i32>} : memref<8x4x2x1024xf32, #tpu.memory_space<vmem>>, vector<1x1x1x16xf32>,
        %parallel_loop3A_1200 = vector.shape_cast %parallel_loop3A_1199 : vector<1x1x1x16xf32> to vector<16xf32>
        %parallel_loop3A_1201 = arith.addf %parallel_loop3A_1200, %parallel_loop3A_1151 : vector<16xf32>
        %parallel_loop3A_1202 = arith.constant 1 : i32
        %parallel_loop3A_1203 = arith.constant 2 : i32
        %parallel_loop3A_1204 = arith.constant 1 : i32
        %parallel_loop3A_1205 = arith.index_cast %parallel_loop3A_1202 : i32 to index
        %parallel_loop3A_1206 = arith.index_cast %parallel_loop3A_1203 : i32 to index
        %parallel_loop3A_1207 = arith.index_cast %parallel_loop3A_1204 : i32 to index
        %parallel_loop3A_1208 = arith.index_cast %parallel_loop3A_1057 : i32 to index
        %parallel_loop3A_1209 = tpu.vector_load %arg6[%parallel_loop3A_1205, %parallel_loop3A_1206, %parallel_loop3A_1207, %parallel_loop3A_1208] {strides = array<i32>} : memref<8x4x2x1024xf32, #tpu.memory_space<vmem>>, vector<1x1x1x16xf32>,
        %parallel_loop3A_1210 = vector.shape_cast %parallel_loop3A_1209 : vector<1x1x1x16xf32> to vector<16xf32>
        %parallel_loop3A_1211 = vector.shape_cast %parallel_loop3A_1201 : vector<16xf32> to vector<1x1x1x16xf32>
        tpu.vector_store %arg6[%parallel_loop3A_1205, %parallel_loop3A_1206, %parallel_loop3A_1207, %parallel_loop3A_1208], %parallel_loop3A_1211 {strides = array<i32>} : memref<8x4x2x1024xf32, #tpu.memory_space<vmem>>, vector<1x1x1x16xf32>,
        %parallel_loop3A_1212 = arith.constant 1 : i32
        %parallel_loop3A_1213 = arith.constant 3 : i32
        %parallel_loop3A_1214 = arith.constant 1 : i32
        %parallel_loop3A_1215 = arith.index_cast %parallel_loop3A_1212 : i32 to index
        %parallel_loop3A_1216 = arith.index_cast %parallel_loop3A_1213 : i32 to index
        %parallel_loop3A_1217 = arith.index_cast %parallel_loop3A_1214 : i32 to index
        %parallel_loop3A_1218 = arith.index_cast %parallel_loop3A_1057 : i32 to index
        %parallel_loop3A_1219 = tpu.vector_load %arg6[%parallel_loop3A_1215, %parallel_loop3A_1216, %parallel_loop3A_1217, %parallel_loop3A_1218] {strides = array<i32>} : memref<8x4x2x1024xf32, #tpu.memory_space<vmem>>, vector<1x1x1x16xf32>,
        %parallel_loop3A_1220 = vector.shape_cast %parallel_loop3A_1219 : vector<1x1x1x16xf32> to vector<16xf32>
        %parallel_loop3A_1221 = arith.addf %parallel_loop3A_1220, %parallel_loop3A_1151 : vector<16xf32>
        %parallel_loop3A_1222 = arith.constant 1 : i32
        %parallel_loop3A_1223 = arith.constant 3 : i32
        %parallel_loop3A_1224 = arith.constant 1 : i32
        %parallel_loop3A_1225 = arith.index_cast %parallel_loop3A_1222 : i32 to index
        %parallel_loop3A_1226 = arith.index_cast %parallel_loop3A_1223 : i32 to index
        %parallel_loop3A_1227 = arith.index_cast %parallel_loop3A_1224 : i32 to index
        %parallel_loop3A_1228 = arith.index_cast %parallel_loop3A_1057 : i32 to index
        %parallel_loop3A_1229 = tpu.vector_load %arg6[%parallel_loop3A_1225, %parallel_loop3A_1226, %parallel_loop3A_1227, %parallel_loop3A_1228] {strides = array<i32>} : memref<8x4x2x1024xf32, #tpu.memory_space<vmem>>, vector<1x1x1x16xf32>,
        %parallel_loop3A_1230 = vector.shape_cast %parallel_loop3A_1229 : vector<1x1x1x16xf32> to vector<16xf32>
        %parallel_loop3A_1231 = vector.shape_cast %parallel_loop3A_1221 : vector<16xf32> to vector<1x1x1x16xf32>
        tpu.vector_store %arg6[%parallel_loop3A_1225, %parallel_loop3A_1226, %parallel_loop3A_1227, %parallel_loop3A_1228], %parallel_loop3A_1231 {strides = array<i32>} : memref<8x4x2x1024xf32, #tpu.memory_space<vmem>>, vector<1x1x1x16xf32>,
      } {sc.loop_unroll_factor = 2 : i64, sc.parallel_access}
      %mul3A_438 = arith.constant 2 : i32
      %mul3A_439 = arith.muli %add3A_352, %mul3A_438 : i32
      %add3A_440 = arith.addi %mul3A_2, %mul3A_439 : i32
      %dma_start3A_441 = arith.constant 1 : i32
      %dma_start3A_442 = arith.constant 1 : i32
      %dma_start3A_443 = arith.constant 0 : i32
      %dma_start3A_444 = arith.constant 0 : i32
      %dma_start3A_445 = arith.constant 0 : i32
      %dma_start3A_446 = tpu.memref_slice %arg6[%dma_start3A_441, %dma_start3A_443, %dma_start3A_444, %dma_start3A_445] : memref<8x4x2x1024xf32, #tpu.memory_space<vmem>> -> memref<1x4x2x1024xf32, #tpu.memory_space<vmem>>
      %dma_start3A_447 = tpu.memref_squeeze %dma_start3A_446 : memref<1x4x2x1024xf32, #tpu.memory_space<vmem>> -> memref<4x2x1024xf32, #tpu.memory_space<vmem>>
      %dma_start3A_448 = arith.constant 0 : i32
      %dma_start3A_449 = arith.constant 0 : i32
      %dma_start3A_450 = tpu.memref_slice %arg4[%dma_start3A_448, %add3A_440, %dma_start3A_449] : memref<4x4096x1024xf32, #tpu.memory_space<hbm>> -> memref<4x2x1024xf32, #tpu.memory_space<hbm>>
      %dma_start3A_451 = tpu.memref_slice %arg8[%dma_start3A_442] : memref<8x!tpu.dma_semaphore, #tpu.memory_space<semaphore_mem>> -> memref<1x!tpu.dma_semaphore, #tpu.memory_space<semaphore_mem>>
      %dma_start3A_452 = tpu.memref_squeeze %dma_start3A_451 : memref<1x!tpu.dma_semaphore, #tpu.memory_space<semaphore_mem>> -> memref<!tpu.dma_semaphore, #tpu.memory_space<semaphore_mem>>
      %dma_start3A_453 = arith.constant 0 : i32
      %dma_start3A_454 = arith.constant 0 : i32
      %dma_start3A_455 = tpu.memref_slice %arg4[%dma_start3A_453, %add3A_440, %dma_start3A_454] : memref<4x4096x1024xf32, #tpu.memory_space<hbm>> -> memref<4x2x1024xf32, #tpu.memory_space<hbm>>
      %dma_start3A_456 = arith.constant 0 : i32
      %dma_start3A_457 = arith.constant 0 : i32
      %dma_start3A_458 = arith.constant 0 : i32
      %dma_start3A_459 = tpu.memref_slice %arg6[%dma_start3A_441, %dma_start3A_456, %dma_start3A_457, %dma_start3A_458] : memref<8x4x2x1024xf32, #tpu.memory_space<vmem>> -> memref<1x4x2x1024xf32, #tpu.memory_space<vmem>>
      %dma_start3A_460 = tpu.memref_squeeze %dma_start3A_459 : memref<1x4x2x1024xf32, #tpu.memory_space<vmem>> -> memref<4x2x1024xf32, #tpu.memory_space<vmem>>
      tpu.enqueue_dma source(%dma_start3A_460 : memref<4x2x1024xf32, #tpu.memory_space<vmem>>) target(%dma_start3A_455 : memref<4x2x1024xf32, #tpu.memory_space<hbm>>) target_semaphore(%dma_start3A_452 : memref<!tpu.dma_semaphore, #tpu.memory_space<semaphore_mem>>)
      %mul3A_461 = arith.constant 8 : i32
      %mul3A_462 = arith.muli %mul3A_461, %scan3A_239 : i32
      %add3A_463 = arith.constant 2 : i32
      %add3A_464 = arith.addi %mul3A_462, %add3A_463 : i32
      %gt3A_465 = arith.constant 0 : i32
      %gt3A_466 = arith.cmpi sgt, %scan3A_239, %gt3A_465 : i32
      %convert_element_type3A_467 = arith.extui %gt3A_466 : i1 to i32
      %cond3A_468 = arith.constant 0 : i32
      %cond3A_469 = arith.cmpi ne, %convert_element_type3A_467, %cond3A_468 : i32
      scf.if %cond3A_469 {
        %dma_wait3A_1057 = arith.constant 6 : i32
        %dma_wait3A_1058 = arith.constant 6 : i32
        %dma_wait3A_1059 = arith.constant 0 : i32
        %dma_wait3A_1060 = arith.constant 0 : i32
        %dma_wait3A_1061 = arith.constant 0 : i32
        %dma_wait3A_1062 = tpu.memref_slice %arg6[%dma_wait3A_1057, %dma_wait3A_1059, %dma_wait3A_1060, %dma_wait3A_1061] : memref<8x4x2x1024xf32, #tpu.memory_space<vmem>> -> memref<1x4x2x1024xf32, #tpu.memory_space<vmem>>
        %dma_wait3A_1063 = tpu.memref_squeeze %dma_wait3A_1062 : memref<1x4x2x1024xf32, #tpu.memory_space<vmem>> -> memref<4x2x1024xf32, #tpu.memory_space<vmem>>
        %dma_wait3A_1064 = arith.constant 0 : i32
        %dma_wait3A_1065 = arith.constant 0 : i32
        %dma_wait3A_1066 = tpu.memref_slice %arg4[%dma_wait3A_1064, %mul3A_2, %dma_wait3A_1065] : memref<4x4096x1024xf32, #tpu.memory_space<hbm>> -> memref<4x2x1024xf32, #tpu.memory_space<hbm>>
        %dma_wait3A_1067 = tpu.memref_slice %arg8[%dma_wait3A_1058] : memref<8x!tpu.dma_semaphore, #tpu.memory_space<semaphore_mem>> -> memref<1x!tpu.dma_semaphore, #tpu.memory_space<semaphore_mem>>
        %dma_wait3A_1068 = tpu.memref_squeeze %dma_wait3A_1067 : memref<1x!tpu.dma_semaphore, #tpu.memory_space<semaphore_mem>> -> memref<!tpu.dma_semaphore, #tpu.memory_space<semaphore_mem>>
        %dma_wait3A_1069 = arith.constant 0 : i32
        %dma_wait3A_1070 = arith.constant 0 : i32
        %dma_wait3A_1071 = tpu.memref_slice %arg4[%dma_wait3A_1069, %mul3A_2, %dma_wait3A_1070] : memref<4x4096x1024xf32, #tpu.memory_space<hbm>> -> memref<4x2x1024xf32, #tpu.memory_space<hbm>>
        %dma_wait3A_1072 = arith.constant 0 : i32
        %dma_wait3A_1073 = arith.constant 0 : i32
        %dma_wait3A_1074 = arith.constant 0 : i32
        %dma_wait3A_1075 = tpu.memref_slice %arg6[%dma_wait3A_1057, %dma_wait3A_1072, %dma_wait3A_1073, %dma_wait3A_1074] : memref<8x4x2x1024xf32, #tpu.memory_space<vmem>> -> memref<1x4x2x1024xf32, #tpu.memory_space<vmem>>
        %dma_wait3A_1076 = tpu.memref_squeeze %dma_wait3A_1075 : memref<1x4x2x1024xf32, #tpu.memory_space<vmem>> -> memref<4x2x1024xf32, #tpu.memory_space<vmem>>
        tpu.wait_dma2 semaphore(%dma_wait3A_1068 : memref<!tpu.dma_semaphore, #tpu.memory_space<semaphore_mem>>) src(%dma_wait3A_1076 : memref<4x2x1024xf32, #tpu.memory_space<vmem>>) dst(%dma_wait3A_1071 : memref<4x2x1024xf32, #tpu.memory_space<hbm>>)
      } else {
      }
      %add3A_470 = arith.constant 4 : i32
      %add3A_471 = arith.addi %add3A_464, %add3A_470 : i32
      %mul3A_472 = arith.constant 2 : i32
      %mul3A_473 = arith.muli %add3A_471, %mul3A_472 : i32
      %add3A_474 = arith.addi %mul3A_2, %mul3A_473 : i32
      %dma_start3A_475 = arith.constant 6 : i32
      %dma_start3A_476 = arith.constant 6 : i32
      %dma_start3A_477 = arith.constant 0 : i32
      %dma_start3A_478 = arith.constant 0 : i32
      %dma_start3A_479 = tpu.memref_slice %arg5[%dma_start3A_475, %dma_start3A_477, %dma_start3A_478] : memref<8x2x1024xf32, #tpu.memory_space<vmem>> -> memref<1x2x1024xf32, #tpu.memory_space<vmem>>
      %dma_start3A_480 = tpu.memref_squeeze %dma_start3A_479 : memref<1x2x1024xf32, #tpu.memory_space<vmem>> -> memref<2x1024xf32, #tpu.memory_space<vmem>>
      %dma_start3A_481 = arith.constant 0 : i32
      %dma_start3A_482 = tpu.memref_slice %arg3[%add3A_474, %dma_start3A_481] : memref<8192x1024xf32, #tpu.memory_space<hbm>> -> memref<2x1024xf32, #tpu.memory_space<hbm>>
      %dma_start3A_483 = tpu.memref_slice %arg7[%dma_start3A_476] : memref<8x!tpu.dma_semaphore, #tpu.memory_space<semaphore_mem>> -> memref<1x!tpu.dma_semaphore, #tpu.memory_space<semaphore_mem>>
      %dma_start3A_484 = tpu.memref_squeeze %dma_start3A_483 : memref<1x!tpu.dma_semaphore, #tpu.memory_space<semaphore_mem>> -> memref<!tpu.dma_semaphore, #tpu.memory_space<semaphore_mem>>
      %dma_start3A_485 = arith.constant 0 : i32
      %dma_start3A_486 = arith.constant 0 : i32
      %dma_start3A_487 = tpu.memref_slice %arg5[%dma_start3A_475, %dma_start3A_485, %dma_start3A_486] : memref<8x2x1024xf32, #tpu.memory_space<vmem>> -> memref<1x2x1024xf32, #tpu.memory_space<vmem>>
      %dma_start3A_488 = tpu.memref_squeeze %dma_start3A_487 : memref<1x2x1024xf32, #tpu.memory_space<vmem>> -> memref<2x1024xf32, #tpu.memory_space<vmem>>
      %dma_start3A_489 = arith.constant 0 : i32
      %dma_start3A_490 = tpu.memref_slice %arg3[%add3A_474, %dma_start3A_489] : memref<8192x1024xf32, #tpu.memory_space<hbm>> -> memref<2x1024xf32, #tpu.memory_space<hbm>>
      tpu.enqueue_dma source(%dma_start3A_490 : memref<2x1024xf32, #tpu.memory_space<hbm>>) target(%dma_start3A_488 : memref<2x1024xf32, #tpu.memory_space<vmem>>) target_semaphore(%dma_start3A_484 : memref<!tpu.dma_semaphore, #tpu.memory_space<semaphore_mem>>)
      %dma_start3A_491 = arith.constant 6 : i32
      %dma_start3A_492 = arith.constant 6 : i32
      %dma_start3A_493 = arith.constant 0 : i32
      %dma_start3A_494 = arith.constant 0 : i32
      %dma_start3A_495 = arith.constant 0 : i32
      %dma_start3A_496 = tpu.memref_slice %arg6[%dma_start3A_491, %dma_start3A_493, %dma_start3A_494, %dma_start3A_495] : memref<8x4x2x1024xf32, #tpu.memory_space<vmem>> -> memref<1x4x2x1024xf32, #tpu.memory_space<vmem>>
      %dma_start3A_497 = tpu.memref_squeeze %dma_start3A_496 : memref<1x4x2x1024xf32, #tpu.memory_space<vmem>> -> memref<4x2x1024xf32, #tpu.memory_space<vmem>>
      %dma_start3A_498 = arith.constant 0 : i32
      %dma_start3A_499 = arith.constant 0 : i32
      %dma_start3A_500 = tpu.memref_slice %arg2[%dma_start3A_498, %add3A_474, %dma_start3A_499] : memref<4x4096x1024xf32, #tpu.memory_space<hbm>> -> memref<4x2x1024xf32, #tpu.memory_space<hbm>>
      %dma_start3A_501 = tpu.memref_slice %arg7[%dma_start3A_492] : memref<8x!tpu.dma_semaphore, #tpu.memory_space<semaphore_mem>> -> memref<1x!tpu.dma_semaphore, #tpu.memory_space<semaphore_mem>>
      %dma_start3A_502 = tpu.memref_squeeze %dma_start3A_501 : memref<1x!tpu.dma_semaphore, #tpu.memory_space<semaphore_mem>> -> memref<!tpu.dma_semaphore, #tpu.memory_space<semaphore_mem>>
      %dma_start3A_503 = arith.constant 0 : i32
      %dma_start3A_504 = arith.constant 0 : i32
      %dma_start3A_505 = arith.constant 0 : i32
      %dma_start3A_506 = tpu.memref_slice %arg6[%dma_start3A_491, %dma_start3A_503, %dma_start3A_504, %dma_start3A_505] : memref<8x4x2x1024xf32, #tpu.memory_space<vmem>> -> memref<1x4x2x1024xf32, #tpu.memory_space<vmem>>
      %dma_start3A_507 = tpu.memref_squeeze %dma_start3A_506 : memref<1x4x2x1024xf32, #tpu.memory_space<vmem>> -> memref<4x2x1024xf32, #tpu.memory_space<vmem>>
      %dma_start3A_508 = arith.constant 0 : i32
      %dma_start3A_509 = arith.constant 0 : i32
      %dma_start3A_510 = tpu.memref_slice %arg2[%dma_start3A_508, %add3A_474, %dma_start3A_509] : memref<4x4096x1024xf32, #tpu.memory_space<hbm>> -> memref<4x2x1024xf32, #tpu.memory_space<hbm>>
      tpu.enqueue_dma source(%dma_start3A_510 : memref<4x2x1024xf32, #tpu.memory_space<hbm>>) target(%dma_start3A_507 : memref<4x2x1024xf32, #tpu.memory_space<vmem>>) target_semaphore(%dma_start3A_502 : memref<!tpu.dma_semaphore, #tpu.memory_space<semaphore_mem>>)
      %dma_wait3A_511 = arith.constant 2 : i32
      %dma_wait3A_512 = arith.constant 2 : i32
      %dma_wait3A_513 = arith.constant 0 : i32
      %dma_wait3A_514 = arith.constant 0 : i32
      %dma_wait3A_515 = tpu.memref_slice %arg5[%dma_wait3A_511, %dma_wait3A_513, %dma_wait3A_514] : memref<8x2x1024xf32, #tpu.memory_space<vmem>> -> memref<1x2x1024xf32, #tpu.memory_space<vmem>>
      %dma_wait3A_516 = tpu.memref_squeeze %dma_wait3A_515 : memref<1x2x1024xf32, #tpu.memory_space<vmem>> -> memref<2x1024xf32, #tpu.memory_space<vmem>>
      %dma_wait3A_517 = arith.constant 0 : i32
      %dma_wait3A_518 = tpu.memref_slice %arg3[%mul3A_2, %dma_wait3A_517] : memref<8192x1024xf32, #tpu.memory_space<hbm>> -> memref<2x1024xf32, #tpu.memory_space<hbm>>
      %dma_wait3A_519 = tpu.memref_slice %arg7[%dma_wait3A_512] : memref<8x!tpu.dma_semaphore, #tpu.memory_space<semaphore_mem>> -> memref<1x!tpu.dma_semaphore, #tpu.memory_space<semaphore_mem>>
      %dma_wait3A_520 = tpu.memref_squeeze %dma_wait3A_519 : memref<1x!tpu.dma_semaphore, #tpu.memory_space<semaphore_mem>> -> memref<!tpu.dma_semaphore, #tpu.memory_space<semaphore_mem>>
      %dma_wait3A_521 = arith.constant 0 : i32
      %dma_wait3A_522 = arith.constant 0 : i32
      %dma_wait3A_523 = tpu.memref_slice %arg5[%dma_wait3A_511, %dma_wait3A_521, %dma_wait3A_522] : memref<8x2x1024xf32, #tpu.memory_space<vmem>> -> memref<1x2x1024xf32, #tpu.memory_space<vmem>>
      %dma_wait3A_524 = tpu.memref_squeeze %dma_wait3A_523 : memref<1x2x1024xf32, #tpu.memory_space<vmem>> -> memref<2x1024xf32, #tpu.memory_space<vmem>>
      %dma_wait3A_525 = arith.constant 0 : i32
      %dma_wait3A_526 = tpu.memref_slice %arg3[%mul3A_2, %dma_wait3A_525] : memref<8192x1024xf32, #tpu.memory_space<hbm>> -> memref<2x1024xf32, #tpu.memory_space<hbm>>
      tpu.wait_dma2 semaphore(%dma_wait3A_520 : memref<!tpu.dma_semaphore, #tpu.memory_space<semaphore_mem>>) src(%dma_wait3A_526 : memref<2x1024xf32, #tpu.memory_space<hbm>>) dst(%dma_wait3A_524 : memref<2x1024xf32, #tpu.memory_space<vmem>>)
      %dma_wait3A_527 = arith.constant 2 : i32
      %dma_wait3A_528 = arith.constant 2 : i32
      %dma_wait3A_529 = arith.constant 0 : i32
      %dma_wait3A_530 = arith.constant 0 : i32
      %dma_wait3A_531 = arith.constant 0 : i32
      %dma_wait3A_532 = tpu.memref_slice %arg6[%dma_wait3A_527, %dma_wait3A_529, %dma_wait3A_530, %dma_wait3A_531] : memref<8x4x2x1024xf32, #tpu.memory_space<vmem>> -> memref<1x4x2x1024xf32, #tpu.memory_space<vmem>>
      %dma_wait3A_533 = tpu.memref_squeeze %dma_wait3A_532 : memref<1x4x2x1024xf32, #tpu.memory_space<vmem>> -> memref<4x2x1024xf32, #tpu.memory_space<vmem>>
      %dma_wait3A_534 = arith.constant 0 : i32
      %dma_wait3A_535 = arith.constant 0 : i32
      %dma_wait3A_536 = tpu.memref_slice %arg2[%dma_wait3A_534, %mul3A_2, %dma_wait3A_535] : memref<4x4096x1024xf32, #tpu.memory_space<hbm>> -> memref<4x2x1024xf32, #tpu.memory_space<hbm>>
      %dma_wait3A_537 = tpu.memref_slice %arg7[%dma_wait3A_528] : memref<8x!tpu.dma_semaphore, #tpu.memory_space<semaphore_mem>> -> memref<1x!tpu.dma_semaphore, #tpu.memory_space<semaphore_mem>>
      %dma_wait3A_538 = tpu.memref_squeeze %dma_wait3A_537 : memref<1x!tpu.dma_semaphore, #tpu.memory_space<semaphore_mem>> -> memref<!tpu.dma_semaphore, #tpu.memory_space<semaphore_mem>>
      %dma_wait3A_539 = arith.constant 0 : i32
      %dma_wait3A_540 = arith.constant 0 : i32
      %dma_wait3A_541 = arith.constant 0 : i32
      %dma_wait3A_542 = tpu.memref_slice %arg6[%dma_wait3A_527, %dma_wait3A_539, %dma_wait3A_540, %dma_wait3A_541] : memref<8x4x2x1024xf32, #tpu.memory_space<vmem>> -> memref<1x4x2x1024xf32, #tpu.memory_space<vmem>>
      %dma_wait3A_543 = tpu.memref_squeeze %dma_wait3A_542 : memref<1x4x2x1024xf32, #tpu.memory_space<vmem>> -> memref<4x2x1024xf32, #tpu.memory_space<vmem>>
      %dma_wait3A_544 = arith.constant 0 : i32
      %dma_wait3A_545 = arith.constant 0 : i32
      %dma_wait3A_546 = tpu.memref_slice %arg2[%dma_wait3A_544, %mul3A_2, %dma_wait3A_545] : memref<4x4096x1024xf32, #tpu.memory_space<hbm>> -> memref<4x2x1024xf32, #tpu.memory_space<hbm>>
      tpu.wait_dma2 semaphore(%dma_wait3A_538 : memref<!tpu.dma_semaphore, #tpu.memory_space<semaphore_mem>>) src(%dma_wait3A_546 : memref<4x2x1024xf32, #tpu.memory_space<hbm>>) dst(%dma_wait3A_543 : memref<4x2x1024xf32, #tpu.memory_space<vmem>>)
      %parallel_loop3A_547 = arith.constant 0 : i32
      %parallel_loop3A_548 = arith.constant 1024 : i32
      %parallel_loop3A_549 = arith.constant 16 : i32
      scf.for %parallel_loop3A_1057 = %parallel_loop3A_547 to %parallel_loop3A_548 step %parallel_loop3A_549  : i32 {
        %parallel_loop3A_1058 = arith.constant 2 : i32
        %parallel_loop3A_1059 = arith.constant 0 : i32
        %parallel_loop3A_1060 = arith.index_cast %parallel_loop3A_1058 : i32 to index
        %parallel_loop3A_1061 = arith.index_cast %parallel_loop3A_1059 : i32 to index
        %parallel_loop3A_1062 = arith.index_cast %parallel_loop3A_1057 : i32 to index
        %parallel_loop3A_1063 = tpu.vector_load %arg5[%parallel_loop3A_1060, %parallel_loop3A_1061, %parallel_loop3A_1062] {strides = array<i32>} : memref<8x2x1024xf32, #tpu.memory_space<vmem>>, vector<1x1x16xf32>,
        %parallel_loop3A_1064 = vector.shape_cast %parallel_loop3A_1063 : vector<1x1x16xf32> to vector<16xf32>
        %parallel_loop3A_1065 = arith.constant 2 : i32
        %parallel_loop3A_1066 = arith.constant 0 : i32
        %parallel_loop3A_1067 = arith.constant 0 : i32
        %parallel_loop3A_1068 = arith.index_cast %parallel_loop3A_1065 : i32 to index
        %parallel_loop3A_1069 = arith.index_cast %parallel_loop3A_1066 : i32 to index
        %parallel_loop3A_1070 = arith.index_cast %parallel_loop3A_1067 : i32 to index
        %parallel_loop3A_1071 = arith.index_cast %parallel_loop3A_1057 : i32 to index
        %parallel_loop3A_1072 = tpu.vector_load %arg6[%parallel_loop3A_1068, %parallel_loop3A_1069, %parallel_loop3A_1070, %parallel_loop3A_1071] {strides = array<i32>} : memref<8x4x2x1024xf32, #tpu.memory_space<vmem>>, vector<1x1x1x16xf32>,
        %parallel_loop3A_1073 = vector.shape_cast %parallel_loop3A_1072 : vector<1x1x1x16xf32> to vector<16xf32>
        %parallel_loop3A_1074 = arith.addf %parallel_loop3A_1073, %parallel_loop3A_1064 : vector<16xf32>
        %parallel_loop3A_1075 = arith.constant 2 : i32
        %parallel_loop3A_1076 = arith.constant 0 : i32
        %parallel_loop3A_1077 = arith.constant 0 : i32
        %parallel_loop3A_1078 = arith.index_cast %parallel_loop3A_1075 : i32 to index
        %parallel_loop3A_1079 = arith.index_cast %parallel_loop3A_1076 : i32 to index
        %parallel_loop3A_1080 = arith.index_cast %parallel_loop3A_1077 : i32 to index
        %parallel_loop3A_1081 = arith.index_cast %parallel_loop3A_1057 : i32 to index
        %parallel_loop3A_1082 = tpu.vector_load %arg6[%parallel_loop3A_1078, %parallel_loop3A_1079, %parallel_loop3A_1080, %parallel_loop3A_1081] {strides = array<i32>} : memref<8x4x2x1024xf32, #tpu.memory_space<vmem>>, vector<1x1x1x16xf32>,
        %parallel_loop3A_1083 = vector.shape_cast %parallel_loop3A_1082 : vector<1x1x1x16xf32> to vector<16xf32>
        %parallel_loop3A_1084 = vector.shape_cast %parallel_loop3A_1074 : vector<16xf32> to vector<1x1x1x16xf32>
        tpu.vector_store %arg6[%parallel_loop3A_1078, %parallel_loop3A_1079, %parallel_loop3A_1080, %parallel_loop3A_1081], %parallel_loop3A_1084 {strides = array<i32>} : memref<8x4x2x1024xf32, #tpu.memory_space<vmem>>, vector<1x1x1x16xf32>,
        %parallel_loop3A_1085 = arith.constant 2 : i32
        %parallel_loop3A_1086 = arith.constant 1 : i32
        %parallel_loop3A_1087 = arith.constant 0 : i32
        %parallel_loop3A_1088 = arith.index_cast %parallel_loop3A_1085 : i32 to index
        %parallel_loop3A_1089 = arith.index_cast %parallel_loop3A_1086 : i32 to index
        %parallel_loop3A_1090 = arith.index_cast %parallel_loop3A_1087 : i32 to index
        %parallel_loop3A_1091 = arith.index_cast %parallel_loop3A_1057 : i32 to index
        %parallel_loop3A_1092 = tpu.vector_load %arg6[%parallel_loop3A_1088, %parallel_loop3A_1089, %parallel_loop3A_1090, %parallel_loop3A_1091] {strides = array<i32>} : memref<8x4x2x1024xf32, #tpu.memory_space<vmem>>, vector<1x1x1x16xf32>,
        %parallel_loop3A_1093 = vector.shape_cast %parallel_loop3A_1092 : vector<1x1x1x16xf32> to vector<16xf32>
        %parallel_loop3A_1094 = arith.addf %parallel_loop3A_1093, %parallel_loop3A_1064 : vector<16xf32>
        %parallel_loop3A_1095 = arith.constant 2 : i32
        %parallel_loop3A_1096 = arith.constant 1 : i32
        %parallel_loop3A_1097 = arith.constant 0 : i32
        %parallel_loop3A_1098 = arith.index_cast %parallel_loop3A_1095 : i32 to index
        %parallel_loop3A_1099 = arith.index_cast %parallel_loop3A_1096 : i32 to index
        %parallel_loop3A_1100 = arith.index_cast %parallel_loop3A_1097 : i32 to index
        %parallel_loop3A_1101 = arith.index_cast %parallel_loop3A_1057 : i32 to index
        %parallel_loop3A_1102 = tpu.vector_load %arg6[%parallel_loop3A_1098, %parallel_loop3A_1099, %parallel_loop3A_1100, %parallel_loop3A_1101] {strides = array<i32>} : memref<8x4x2x1024xf32, #tpu.memory_space<vmem>>, vector<1x1x1x16xf32>,
        %parallel_loop3A_1103 = vector.shape_cast %parallel_loop3A_1102 : vector<1x1x1x16xf32> to vector<16xf32>
        %parallel_loop3A_1104 = vector.shape_cast %parallel_loop3A_1094 : vector<16xf32> to vector<1x1x1x16xf32>
        tpu.vector_store %arg6[%parallel_loop3A_1098, %parallel_loop3A_1099, %parallel_loop3A_1100, %parallel_loop3A_1101], %parallel_loop3A_1104 {strides = array<i32>} : memref<8x4x2x1024xf32, #tpu.memory_space<vmem>>, vector<1x1x1x16xf32>,
        %parallel_loop3A_1105 = arith.constant 2 : i32
        %parallel_loop3A_1106 = arith.constant 2 : i32
        %parallel_loop3A_1107 = arith.constant 0 : i32
        %parallel_loop3A_1108 = arith.index_cast %parallel_loop3A_1105 : i32 to index
        %parallel_loop3A_1109 = arith.index_cast %parallel_loop3A_1106 : i32 to index
        %parallel_loop3A_1110 = arith.index_cast %parallel_loop3A_1107 : i32 to index
        %parallel_loop3A_1111 = arith.index_cast %parallel_loop3A_1057 : i32 to index
        %parallel_loop3A_1112 = tpu.vector_load %arg6[%parallel_loop3A_1108, %parallel_loop3A_1109, %parallel_loop3A_1110, %parallel_loop3A_1111] {strides = array<i32>} : memref<8x4x2x1024xf32, #tpu.memory_space<vmem>>, vector<1x1x1x16xf32>,
        %parallel_loop3A_1113 = vector.shape_cast %parallel_loop3A_1112 : vector<1x1x1x16xf32> to vector<16xf32>
        %parallel_loop3A_1114 = arith.addf %parallel_loop3A_1113, %parallel_loop3A_1064 : vector<16xf32>
        %parallel_loop3A_1115 = arith.constant 2 : i32
        %parallel_loop3A_1116 = arith.constant 2 : i32
        %parallel_loop3A_1117 = arith.constant 0 : i32
        %parallel_loop3A_1118 = arith.index_cast %parallel_loop3A_1115 : i32 to index
        %parallel_loop3A_1119 = arith.index_cast %parallel_loop3A_1116 : i32 to index
        %parallel_loop3A_1120 = arith.index_cast %parallel_loop3A_1117 : i32 to index
        %parallel_loop3A_1121 = arith.index_cast %parallel_loop3A_1057 : i32 to index
        %parallel_loop3A_1122 = tpu.vector_load %arg6[%parallel_loop3A_1118, %parallel_loop3A_1119, %parallel_loop3A_1120, %parallel_loop3A_1121] {strides = array<i32>} : memref<8x4x2x1024xf32, #tpu.memory_space<vmem>>, vector<1x1x1x16xf32>,
        %parallel_loop3A_1123 = vector.shape_cast %parallel_loop3A_1122 : vector<1x1x1x16xf32> to vector<16xf32>
        %parallel_loop3A_1124 = vector.shape_cast %parallel_loop3A_1114 : vector<16xf32> to vector<1x1x1x16xf32>
        tpu.vector_store %arg6[%parallel_loop3A_1118, %parallel_loop3A_1119, %parallel_loop3A_1120, %parallel_loop3A_1121], %parallel_loop3A_1124 {strides = array<i32>} : memref<8x4x2x1024xf32, #tpu.memory_space<vmem>>, vector<1x1x1x16xf32>,
        %parallel_loop3A_1125 = arith.constant 2 : i32
        %parallel_loop3A_1126 = arith.constant 3 : i32
        %parallel_loop3A_1127 = arith.constant 0 : i32
        %parallel_loop3A_1128 = arith.index_cast %parallel_loop3A_1125 : i32 to index
        %parallel_loop3A_1129 = arith.index_cast %parallel_loop3A_1126 : i32 to index
        %parallel_loop3A_1130 = arith.index_cast %parallel_loop3A_1127 : i32 to index
        %parallel_loop3A_1131 = arith.index_cast %parallel_loop3A_1057 : i32 to index
        %parallel_loop3A_1132 = tpu.vector_load %arg6[%parallel_loop3A_1128, %parallel_loop3A_1129, %parallel_loop3A_1130, %parallel_loop3A_1131] {strides = array<i32>} : memref<8x4x2x1024xf32, #tpu.memory_space<vmem>>, vector<1x1x1x16xf32>,
        %parallel_loop3A_1133 = vector.shape_cast %parallel_loop3A_1132 : vector<1x1x1x16xf32> to vector<16xf32>
        %parallel_loop3A_1134 = arith.addf %parallel_loop3A_1133, %parallel_loop3A_1064 : vector<16xf32>
        %parallel_loop3A_1135 = arith.constant 2 : i32
        %parallel_loop3A_1136 = arith.constant 3 : i32
        %parallel_loop3A_1137 = arith.constant 0 : i32
        %parallel_loop3A_1138 = arith.index_cast %parallel_loop3A_1135 : i32 to index
        %parallel_loop3A_1139 = arith.index_cast %parallel_loop3A_1136 : i32 to index
        %parallel_loop3A_1140 = arith.index_cast %parallel_loop3A_1137 : i32 to index
        %parallel_loop3A_1141 = arith.index_cast %parallel_loop3A_1057 : i32 to index
        %parallel_loop3A_1142 = tpu.vector_load %arg6[%parallel_loop3A_1138, %parallel_loop3A_1139, %parallel_loop3A_1140, %parallel_loop3A_1141] {strides = array<i32>} : memref<8x4x2x1024xf32, #tpu.memory_space<vmem>>, vector<1x1x1x16xf32>,
        %parallel_loop3A_1143 = vector.shape_cast %parallel_loop3A_1142 : vector<1x1x1x16xf32> to vector<16xf32>
        %parallel_loop3A_1144 = vector.shape_cast %parallel_loop3A_1134 : vector<16xf32> to vector<1x1x1x16xf32>
        tpu.vector_store %arg6[%parallel_loop3A_1138, %parallel_loop3A_1139, %parallel_loop3A_1140, %parallel_loop3A_1141], %parallel_loop3A_1144 {strides = array<i32>} : memref<8x4x2x1024xf32, #tpu.memory_space<vmem>>, vector<1x1x1x16xf32>,
        %parallel_loop3A_1145 = arith.constant 2 : i32
        %parallel_loop3A_1146 = arith.constant 1 : i32
        %parallel_loop3A_1147 = arith.index_cast %parallel_loop3A_1145 : i32 to index
        %parallel_loop3A_1148 = arith.index_cast %parallel_loop3A_1146 : i32 to index
        %parallel_loop3A_1149 = arith.index_cast %parallel_loop3A_1057 : i32 to index
        %parallel_loop3A_1150 = tpu.vector_load %arg5[%parallel_loop3A_1147, %parallel_loop3A_1148, %parallel_loop3A_1149] {strides = array<i32>} : memref<8x2x1024xf32, #tpu.memory_space<vmem>>, vector<1x1x16xf32>,
        %parallel_loop3A_1151 = vector.shape_cast %parallel_loop3A_1150 : vector<1x1x16xf32> to vector<16xf32>
        %parallel_loop3A_1152 = arith.constant 2 : i32
        %parallel_loop3A_1153 = arith.constant 0 : i32
        %parallel_loop3A_1154 = arith.constant 1 : i32
        %parallel_loop3A_1155 = arith.index_cast %parallel_loop3A_1152 : i32 to index
        %parallel_loop3A_1156 = arith.index_cast %parallel_loop3A_1153 : i32 to index
        %parallel_loop3A_1157 = arith.index_cast %parallel_loop3A_1154 : i32 to index
        %parallel_loop3A_1158 = arith.index_cast %parallel_loop3A_1057 : i32 to index
        %parallel_loop3A_1159 = tpu.vector_load %arg6[%parallel_loop3A_1155, %parallel_loop3A_1156, %parallel_loop3A_1157, %parallel_loop3A_1158] {strides = array<i32>} : memref<8x4x2x1024xf32, #tpu.memory_space<vmem>>, vector<1x1x1x16xf32>,
        %parallel_loop3A_1160 = vector.shape_cast %parallel_loop3A_1159 : vector<1x1x1x16xf32> to vector<16xf32>
        %parallel_loop3A_1161 = arith.addf %parallel_loop3A_1160, %parallel_loop3A_1151 : vector<16xf32>
        %parallel_loop3A_1162 = arith.constant 2 : i32
        %parallel_loop3A_1163 = arith.constant 0 : i32
        %parallel_loop3A_1164 = arith.constant 1 : i32
        %parallel_loop3A_1165 = arith.index_cast %parallel_loop3A_1162 : i32 to index
        %parallel_loop3A_1166 = arith.index_cast %parallel_loop3A_1163 : i32 to index
        %parallel_loop3A_1167 = arith.index_cast %parallel_loop3A_1164 : i32 to index
        %parallel_loop3A_1168 = arith.index_cast %parallel_loop3A_1057 : i32 to index
        %parallel_loop3A_1169 = tpu.vector_load %arg6[%parallel_loop3A_1165, %parallel_loop3A_1166, %parallel_loop3A_1167, %parallel_loop3A_1168] {strides = array<i32>} : memref<8x4x2x1024xf32, #tpu.memory_space<vmem>>, vector<1x1x1x16xf32>,
        %parallel_loop3A_1170 = vector.shape_cast %parallel_loop3A_1169 : vector<1x1x1x16xf32> to vector<16xf32>
        %parallel_loop3A_1171 = vector.shape_cast %parallel_loop3A_1161 : vector<16xf32> to vector<1x1x1x16xf32>
        tpu.vector_store %arg6[%parallel_loop3A_1165, %parallel_loop3A_1166, %parallel_loop3A_1167, %parallel_loop3A_1168], %parallel_loop3A_1171 {strides = array<i32>} : memref<8x4x2x1024xf32, #tpu.memory_space<vmem>>, vector<1x1x1x16xf32>,
        %parallel_loop3A_1172 = arith.constant 2 : i32
        %parallel_loop3A_1173 = arith.constant 1 : i32
        %parallel_loop3A_1174 = arith.constant 1 : i32
        %parallel_loop3A_1175 = arith.index_cast %parallel_loop3A_1172 : i32 to index
        %parallel_loop3A_1176 = arith.index_cast %parallel_loop3A_1173 : i32 to index
        %parallel_loop3A_1177 = arith.index_cast %parallel_loop3A_1174 : i32 to index
        %parallel_loop3A_1178 = arith.index_cast %parallel_loop3A_1057 : i32 to index
        %parallel_loop3A_1179 = tpu.vector_load %arg6[%parallel_loop3A_1175, %parallel_loop3A_1176, %parallel_loop3A_1177, %parallel_loop3A_1178] {strides = array<i32>} : memref<8x4x2x1024xf32, #tpu.memory_space<vmem>>, vector<1x1x1x16xf32>,
        %parallel_loop3A_1180 = vector.shape_cast %parallel_loop3A_1179 : vector<1x1x1x16xf32> to vector<16xf32>
        %parallel_loop3A_1181 = arith.addf %parallel_loop3A_1180, %parallel_loop3A_1151 : vector<16xf32>
        %parallel_loop3A_1182 = arith.constant 2 : i32
        %parallel_loop3A_1183 = arith.constant 1 : i32
        %parallel_loop3A_1184 = arith.constant 1 : i32
        %parallel_loop3A_1185 = arith.index_cast %parallel_loop3A_1182 : i32 to index
        %parallel_loop3A_1186 = arith.index_cast %parallel_loop3A_1183 : i32 to index
        %parallel_loop3A_1187 = arith.index_cast %parallel_loop3A_1184 : i32 to index
        %parallel_loop3A_1188 = arith.index_cast %parallel_loop3A_1057 : i32 to index
        %parallel_loop3A_1189 = tpu.vector_load %arg6[%parallel_loop3A_1185, %parallel_loop3A_1186, %parallel_loop3A_1187, %parallel_loop3A_1188] {strides = array<i32>} : memref<8x4x2x1024xf32, #tpu.memory_space<vmem>>, vector<1x1x1x16xf32>,
        %parallel_loop3A_1190 = vector.shape_cast %parallel_loop3A_1189 : vector<1x1x1x16xf32> to vector<16xf32>
        %parallel_loop3A_1191 = vector.shape_cast %parallel_loop3A_1181 : vector<16xf32> to vector<1x1x1x16xf32>
        tpu.vector_store %arg6[%parallel_loop3A_1185, %parallel_loop3A_1186, %parallel_loop3A_1187, %parallel_loop3A_1188], %parallel_loop3A_1191 {strides = array<i32>} : memref<8x4x2x1024xf32, #tpu.memory_space<vmem>>, vector<1x1x1x16xf32>,
        %parallel_loop3A_1192 = arith.constant 2 : i32
        %parallel_loop3A_1193 = arith.constant 2 : i32
        %parallel_loop3A_1194 = arith.constant 1 : i32
        %parallel_loop3A_1195 = arith.index_cast %parallel_loop3A_1192 : i32 to index
        %parallel_loop3A_1196 = arith.index_cast %parallel_loop3A_1193 : i32 to index
        %parallel_loop3A_1197 = arith.index_cast %parallel_loop3A_1194 : i32 to index
        %parallel_loop3A_1198 = arith.index_cast %parallel_loop3A_1057 : i32 to index
        %parallel_loop3A_1199 = tpu.vector_load %arg6[%parallel_loop3A_1195, %parallel_loop3A_1196, %parallel_loop3A_1197, %parallel_loop3A_1198] {strides = array<i32>} : memref<8x4x2x1024xf32, #tpu.memory_space<vmem>>, vector<1x1x1x16xf32>,
        %parallel_loop3A_1200 = vector.shape_cast %parallel_loop3A_1199 : vector<1x1x1x16xf32> to vector<16xf32>
        %parallel_loop3A_1201 = arith.addf %parallel_loop3A_1200, %parallel_loop3A_1151 : vector<16xf32>
        %parallel_loop3A_1202 = arith.constant 2 : i32
        %parallel_loop3A_1203 = arith.constant 2 : i32
        %parallel_loop3A_1204 = arith.constant 1 : i32
        %parallel_loop3A_1205 = arith.index_cast %parallel_loop3A_1202 : i32 to index
        %parallel_loop3A_1206 = arith.index_cast %parallel_loop3A_1203 : i32 to index
        %parallel_loop3A_1207 = arith.index_cast %parallel_loop3A_1204 : i32 to index
        %parallel_loop3A_1208 = arith.index_cast %parallel_loop3A_1057 : i32 to index
        %parallel_loop3A_1209 = tpu.vector_load %arg6[%parallel_loop3A_1205, %parallel_loop3A_1206, %parallel_loop3A_1207, %parallel_loop3A_1208] {strides = array<i32>} : memref<8x4x2x1024xf32, #tpu.memory_space<vmem>>, vector<1x1x1x16xf32>,
        %parallel_loop3A_1210 = vector.shape_cast %parallel_loop3A_1209 : vector<1x1x1x16xf32> to vector<16xf32>
        %parallel_loop3A_1211 = vector.shape_cast %parallel_loop3A_1201 : vector<16xf32> to vector<1x1x1x16xf32>
        tpu.vector_store %arg6[%parallel_loop3A_1205, %parallel_loop3A_1206, %parallel_loop3A_1207, %parallel_loop3A_1208], %parallel_loop3A_1211 {strides = array<i32>} : memref<8x4x2x1024xf32, #tpu.memory_space<vmem>>, vector<1x1x1x16xf32>,
        %parallel_loop3A_1212 = arith.constant 2 : i32
        %parallel_loop3A_1213 = arith.constant 3 : i32
        %parallel_loop3A_1214 = arith.constant 1 : i32
        %parallel_loop3A_1215 = arith.index_cast %parallel_loop3A_1212 : i32 to index
        %parallel_loop3A_1216 = arith.index_cast %parallel_loop3A_1213 : i32 to index
        %parallel_loop3A_1217 = arith.index_cast %parallel_loop3A_1214 : i32 to index
        %parallel_loop3A_1218 = arith.index_cast %parallel_loop3A_1057 : i32 to index
        %parallel_loop3A_1219 = tpu.vector_load %arg6[%parallel_loop3A_1215, %parallel_loop3A_1216, %parallel_loop3A_1217, %parallel_loop3A_1218] {strides = array<i32>} : memref<8x4x2x1024xf32, #tpu.memory_space<vmem>>, vector<1x1x1x16xf32>,
        %parallel_loop3A_1220 = vector.shape_cast %parallel_loop3A_1219 : vector<1x1x1x16xf32> to vector<16xf32>
        %parallel_loop3A_1221 = arith.addf %parallel_loop3A_1220, %parallel_loop3A_1151 : vector<16xf32>
        %parallel_loop3A_1222 = arith.constant 2 : i32
        %parallel_loop3A_1223 = arith.constant 3 : i32
        %parallel_loop3A_1224 = arith.constant 1 : i32
        %parallel_loop3A_1225 = arith.index_cast %parallel_loop3A_1222 : i32 to index
        %parallel_loop3A_1226 = arith.index_cast %parallel_loop3A_1223 : i32 to index
        %parallel_loop3A_1227 = arith.index_cast %parallel_loop3A_1224 : i32 to index
        %parallel_loop3A_1228 = arith.index_cast %parallel_loop3A_1057 : i32 to index
        %parallel_loop3A_1229 = tpu.vector_load %arg6[%parallel_loop3A_1225, %parallel_loop3A_1226, %parallel_loop3A_1227, %parallel_loop3A_1228] {strides = array<i32>} : memref<8x4x2x1024xf32, #tpu.memory_space<vmem>>, vector<1x1x1x16xf32>,
        %parallel_loop3A_1230 = vector.shape_cast %parallel_loop3A_1229 : vector<1x1x1x16xf32> to vector<16xf32>
        %parallel_loop3A_1231 = vector.shape_cast %parallel_loop3A_1221 : vector<16xf32> to vector<1x1x1x16xf32>
        tpu.vector_store %arg6[%parallel_loop3A_1225, %parallel_loop3A_1226, %parallel_loop3A_1227, %parallel_loop3A_1228], %parallel_loop3A_1231 {strides = array<i32>} : memref<8x4x2x1024xf32, #tpu.memory_space<vmem>>, vector<1x1x1x16xf32>,
      } {sc.loop_unroll_factor = 2 : i64, sc.parallel_access}
      %mul3A_550 = arith.constant 2 : i32
      %mul3A_551 = arith.muli %add3A_464, %mul3A_550 : i32
      %add3A_552 = arith.addi %mul3A_2, %mul3A_551 : i32
      %dma_start3A_553 = arith.constant 2 : i32
      %dma_start3A_554 = arith.constant 2 : i32
      %dma_start3A_555 = arith.constant 0 : i32
      %dma_start3A_556 = arith.constant 0 : i32
      %dma_start3A_557 = arith.constant 0 : i32
      %dma_start3A_558 = tpu.memref_slice %arg6[%dma_start3A_553, %dma_start3A_555, %dma_start3A_556, %dma_start3A_557] : memref<8x4x2x1024xf32, #tpu.memory_space<vmem>> -> memref<1x4x2x1024xf32, #tpu.memory_space<vmem>>
      %dma_start3A_559 = tpu.memref_squeeze %dma_start3A_558 : memref<1x4x2x1024xf32, #tpu.memory_space<vmem>> -> memref<4x2x1024xf32, #tpu.memory_space<vmem>>
      %dma_start3A_560 = arith.constant 0 : i32
      %dma_start3A_561 = arith.constant 0 : i32
      %dma_start3A_562 = tpu.memref_slice %arg4[%dma_start3A_560, %add3A_552, %dma_start3A_561] : memref<4x4096x1024xf32, #tpu.memory_space<hbm>> -> memref<4x2x1024xf32, #tpu.memory_space<hbm>>
      %dma_start3A_563 = tpu.memref_slice %arg8[%dma_start3A_554] : memref<8x!tpu.dma_semaphore, #tpu.memory_space<semaphore_mem>> -> memref<1x!tpu.dma_semaphore, #tpu.memory_space<semaphore_mem>>
      %dma_start3A_564 = tpu.memref_squeeze %dma_start3A_563 : memref<1x!tpu.dma_semaphore, #tpu.memory_space<semaphore_mem>> -> memref<!tpu.dma_semaphore, #tpu.memory_space<semaphore_mem>>
      %dma_start3A_565 = arith.constant 0 : i32
      %dma_start3A_566 = arith.constant 0 : i32
      %dma_start3A_567 = tpu.memref_slice %arg4[%dma_start3A_565, %add3A_552, %dma_start3A_566] : memref<4x4096x1024xf32, #tpu.memory_space<hbm>> -> memref<4x2x1024xf32, #tpu.memory_space<hbm>>
      %dma_start3A_568 = arith.constant 0 : i32
      %dma_start3A_569 = arith.constant 0 : i32
      %dma_start3A_570 = arith.constant 0 : i32
      %dma_start3A_571 = tpu.memref_slice %arg6[%dma_start3A_553, %dma_start3A_568, %dma_start3A_569, %dma_start3A_570] : memref<8x4x2x1024xf32, #tpu.memory_space<vmem>> -> memref<1x4x2x1024xf32, #tpu.memory_space<vmem>>
      %dma_start3A_572 = tpu.memref_squeeze %dma_start3A_571 : memref<1x4x2x1024xf32, #tpu.memory_space<vmem>> -> memref<4x2x1024xf32, #tpu.memory_space<vmem>>
      tpu.enqueue_dma source(%dma_start3A_572 : memref<4x2x1024xf32, #tpu.memory_space<vmem>>) target(%dma_start3A_567 : memref<4x2x1024xf32, #tpu.memory_space<hbm>>) target_semaphore(%dma_start3A_564 : memref<!tpu.dma_semaphore, #tpu.memory_space<semaphore_mem>>)
      %mul3A_573 = arith.constant 8 : i32
      %mul3A_574 = arith.muli %mul3A_573, %scan3A_239 : i32
      %add3A_575 = arith.constant 3 : i32
      %add3A_576 = arith.addi %mul3A_574, %add3A_575 : i32
      %gt3A_577 = arith.constant 0 : i32
      %gt3A_578 = arith.cmpi sgt, %scan3A_239, %gt3A_577 : i32
      %convert_element_type3A_579 = arith.extui %gt3A_578 : i1 to i32
      %cond3A_580 = arith.constant 0 : i32
      %cond3A_581 = arith.cmpi ne, %convert_element_type3A_579, %cond3A_580 : i32
      scf.if %cond3A_581 {
        %dma_wait3A_1057 = arith.constant 7 : i32
        %dma_wait3A_1058 = arith.constant 7 : i32
        %dma_wait3A_1059 = arith.constant 0 : i32
        %dma_wait3A_1060 = arith.constant 0 : i32
        %dma_wait3A_1061 = arith.constant 0 : i32
        %dma_wait3A_1062 = tpu.memref_slice %arg6[%dma_wait3A_1057, %dma_wait3A_1059, %dma_wait3A_1060, %dma_wait3A_1061] : memref<8x4x2x1024xf32, #tpu.memory_space<vmem>> -> memref<1x4x2x1024xf32, #tpu.memory_space<vmem>>
        %dma_wait3A_1063 = tpu.memref_squeeze %dma_wait3A_1062 : memref<1x4x2x1024xf32, #tpu.memory_space<vmem>> -> memref<4x2x1024xf32, #tpu.memory_space<vmem>>
        %dma_wait3A_1064 = arith.constant 0 : i32
        %dma_wait3A_1065 = arith.constant 0 : i32
        %dma_wait3A_1066 = tpu.memref_slice %arg4[%dma_wait3A_1064, %mul3A_2, %dma_wait3A_1065] : memref<4x4096x1024xf32, #tpu.memory_space<hbm>> -> memref<4x2x1024xf32, #tpu.memory_space<hbm>>
        %dma_wait3A_1067 = tpu.memref_slice %arg8[%dma_wait3A_1058] : memref<8x!tpu.dma_semaphore, #tpu.memory_space<semaphore_mem>> -> memref<1x!tpu.dma_semaphore, #tpu.memory_space<semaphore_mem>>
        %dma_wait3A_1068 = tpu.memref_squeeze %dma_wait3A_1067 : memref<1x!tpu.dma_semaphore, #tpu.memory_space<semaphore_mem>> -> memref<!tpu.dma_semaphore, #tpu.memory_space<semaphore_mem>>
        %dma_wait3A_1069 = arith.constant 0 : i32
        %dma_wait3A_1070 = arith.constant 0 : i32
        %dma_wait3A_1071 = tpu.memref_slice %arg4[%dma_wait3A_1069, %mul3A_2, %dma_wait3A_1070] : memref<4x4096x1024xf32, #tpu.memory_space<hbm>> -> memref<4x2x1024xf32, #tpu.memory_space<hbm>>
        %dma_wait3A_1072 = arith.constant 0 : i32
        %dma_wait3A_1073 = arith.constant 0 : i32
        %dma_wait3A_1074 = arith.constant 0 : i32
        %dma_wait3A_1075 = tpu.memref_slice %arg6[%dma_wait3A_1057, %dma_wait3A_1072, %dma_wait3A_1073, %dma_wait3A_1074] : memref<8x4x2x1024xf32, #tpu.memory_space<vmem>> -> memref<1x4x2x1024xf32, #tpu.memory_space<vmem>>
        %dma_wait3A_1076 = tpu.memref_squeeze %dma_wait3A_1075 : memref<1x4x2x1024xf32, #tpu.memory_space<vmem>> -> memref<4x2x1024xf32, #tpu.memory_space<vmem>>
        tpu.wait_dma2 semaphore(%dma_wait3A_1068 : memref<!tpu.dma_semaphore, #tpu.memory_space<semaphore_mem>>) src(%dma_wait3A_1076 : memref<4x2x1024xf32, #tpu.memory_space<vmem>>) dst(%dma_wait3A_1071 : memref<4x2x1024xf32, #tpu.memory_space<hbm>>)
      } else {
      }
      %add3A_582 = arith.constant 4 : i32
      %add3A_583 = arith.addi %add3A_576, %add3A_582 : i32
      %mul3A_584 = arith.constant 2 : i32
      %mul3A_585 = arith.muli %add3A_583, %mul3A_584 : i32
      %add3A_586 = arith.addi %mul3A_2, %mul3A_585 : i32
      %dma_start3A_587 = arith.constant 7 : i32
      %dma_start3A_588 = arith.constant 7 : i32
      %dma_start3A_589 = arith.constant 0 : i32
      %dma_start3A_590 = arith.constant 0 : i32
      %dma_start3A_591 = tpu.memref_slice %arg5[%dma_start3A_587, %dma_start3A_589, %dma_start3A_590] : memref<8x2x1024xf32, #tpu.memory_space<vmem>> -> memref<1x2x1024xf32, #tpu.memory_space<vmem>>
      %dma_start3A_592 = tpu.memref_squeeze %dma_start3A_591 : memref<1x2x1024xf32, #tpu.memory_space<vmem>> -> memref<2x1024xf32, #tpu.memory_space<vmem>>
      %dma_start3A_593 = arith.constant 0 : i32
      %dma_start3A_594 = tpu.memref_slice %arg3[%add3A_586, %dma_start3A_593] : memref<8192x1024xf32, #tpu.memory_space<hbm>> -> memref<2x1024xf32, #tpu.memory_space<hbm>>
      %dma_start3A_595 = tpu.memref_slice %arg7[%dma_start3A_588] : memref<8x!tpu.dma_semaphore, #tpu.memory_space<semaphore_mem>> -> memref<1x!tpu.dma_semaphore, #tpu.memory_space<semaphore_mem>>
      %dma_start3A_596 = tpu.memref_squeeze %dma_start3A_595 : memref<1x!tpu.dma_semaphore, #tpu.memory_space<semaphore_mem>> -> memref<!tpu.dma_semaphore, #tpu.memory_space<semaphore_mem>>
      %dma_start3A_597 = arith.constant 0 : i32
      %dma_start3A_598 = arith.constant 0 : i32
      %dma_start3A_599 = tpu.memref_slice %arg5[%dma_start3A_587, %dma_start3A_597, %dma_start3A_598] : memref<8x2x1024xf32, #tpu.memory_space<vmem>> -> memref<1x2x1024xf32, #tpu.memory_space<vmem>>
      %dma_start3A_600 = tpu.memref_squeeze %dma_start3A_599 : memref<1x2x1024xf32, #tpu.memory_space<vmem>> -> memref<2x1024xf32, #tpu.memory_space<vmem>>
      %dma_start3A_601 = arith.constant 0 : i32
      %dma_start3A_602 = tpu.memref_slice %arg3[%add3A_586, %dma_start3A_601] : memref<8192x1024xf32, #tpu.memory_space<hbm>> -> memref<2x1024xf32, #tpu.memory_space<hbm>>
      tpu.enqueue_dma source(%dma_start3A_602 : memref<2x1024xf32, #tpu.memory_space<hbm>>) target(%dma_start3A_600 : memref<2x1024xf32, #tpu.memory_space<vmem>>) target_semaphore(%dma_start3A_596 : memref<!tpu.dma_semaphore, #tpu.memory_space<semaphore_mem>>)
      %dma_start3A_603 = arith.constant 7 : i32
      %dma_start3A_604 = arith.constant 7 : i32
      %dma_start3A_605 = arith.constant 0 : i32
      %dma_start3A_606 = arith.constant 0 : i32
      %dma_start3A_607 = arith.constant 0 : i32
      %dma_start3A_608 = tpu.memref_slice %arg6[%dma_start3A_603, %dma_start3A_605, %dma_start3A_606, %dma_start3A_607] : memref<8x4x2x1024xf32, #tpu.memory_space<vmem>> -> memref<1x4x2x1024xf32, #tpu.memory_space<vmem>>
      %dma_start3A_609 = tpu.memref_squeeze %dma_start3A_608 : memref<1x4x2x1024xf32, #tpu.memory_space<vmem>> -> memref<4x2x1024xf32, #tpu.memory_space<vmem>>
      %dma_start3A_610 = arith.constant 0 : i32
      %dma_start3A_611 = arith.constant 0 : i32
      %dma_start3A_612 = tpu.memref_slice %arg2[%dma_start3A_610, %add3A_586, %dma_start3A_611] : memref<4x4096x1024xf32, #tpu.memory_space<hbm>> -> memref<4x2x1024xf32, #tpu.memory_space<hbm>>
      %dma_start3A_613 = tpu.memref_slice %arg7[%dma_start3A_604] : memref<8x!tpu.dma_semaphore, #tpu.memory_space<semaphore_mem>> -> memref<1x!tpu.dma_semaphore, #tpu.memory_space<semaphore_mem>>
      %dma_start3A_614 = tpu.memref_squeeze %dma_start3A_613 : memref<1x!tpu.dma_semaphore, #tpu.memory_space<semaphore_mem>> -> memref<!tpu.dma_semaphore, #tpu.memory_space<semaphore_mem>>
      %dma_start3A_615 = arith.constant 0 : i32
      %dma_start3A_616 = arith.constant 0 : i32
      %dma_start3A_617 = arith.constant 0 : i32
      %dma_start3A_618 = tpu.memref_slice %arg6[%dma_start3A_603, %dma_start3A_615, %dma_start3A_616, %dma_start3A_617] : memref<8x4x2x1024xf32, #tpu.memory_space<vmem>> -> memref<1x4x2x1024xf32, #tpu.memory_space<vmem>>
      %dma_start3A_619 = tpu.memref_squeeze %dma_start3A_618 : memref<1x4x2x1024xf32, #tpu.memory_space<vmem>> -> memref<4x2x1024xf32, #tpu.memory_space<vmem>>
      %dma_start3A_620 = arith.constant 0 : i32
      %dma_start3A_621 = arith.constant 0 : i32
      %dma_start3A_622 = tpu.memref_slice %arg2[%dma_start3A_620, %add3A_586, %dma_start3A_621] : memref<4x4096x1024xf32, #tpu.memory_space<hbm>> -> memref<4x2x1024xf32, #tpu.memory_space<hbm>>
      tpu.enqueue_dma source(%dma_start3A_622 : memref<4x2x1024xf32, #tpu.memory_space<hbm>>) target(%dma_start3A_619 : memref<4x2x1024xf32, #tpu.memory_space<vmem>>) target_semaphore(%dma_start3A_614 : memref<!tpu.dma_semaphore, #tpu.memory_space<semaphore_mem>>)
      %dma_wait3A_623 = arith.constant 3 : i32
      %dma_wait3A_624 = arith.constant 3 : i32
      %dma_wait3A_625 = arith.constant 0 : i32
      %dma_wait3A_626 = arith.constant 0 : i32
      %dma_wait3A_627 = tpu.memref_slice %arg5[%dma_wait3A_623, %dma_wait3A_625, %dma_wait3A_626] : memref<8x2x1024xf32, #tpu.memory_space<vmem>> -> memref<1x2x1024xf32, #tpu.memory_space<vmem>>
      %dma_wait3A_628 = tpu.memref_squeeze %dma_wait3A_627 : memref<1x2x1024xf32, #tpu.memory_space<vmem>> -> memref<2x1024xf32, #tpu.memory_space<vmem>>
      %dma_wait3A_629 = arith.constant 0 : i32
      %dma_wait3A_630 = tpu.memref_slice %arg3[%mul3A_2, %dma_wait3A_629] : memref<8192x1024xf32, #tpu.memory_space<hbm>> -> memref<2x1024xf32, #tpu.memory_space<hbm>>
      %dma_wait3A_631 = tpu.memref_slice %arg7[%dma_wait3A_624] : memref<8x!tpu.dma_semaphore, #tpu.memory_space<semaphore_mem>> -> memref<1x!tpu.dma_semaphore, #tpu.memory_space<semaphore_mem>>
      %dma_wait3A_632 = tpu.memref_squeeze %dma_wait3A_631 : memref<1x!tpu.dma_semaphore, #tpu.memory_space<semaphore_mem>> -> memref<!tpu.dma_semaphore, #tpu.memory_space<semaphore_mem>>
      %dma_wait3A_633 = arith.constant 0 : i32
      %dma_wait3A_634 = arith.constant 0 : i32
      %dma_wait3A_635 = tpu.memref_slice %arg5[%dma_wait3A_623, %dma_wait3A_633, %dma_wait3A_634] : memref<8x2x1024xf32, #tpu.memory_space<vmem>> -> memref<1x2x1024xf32, #tpu.memory_space<vmem>>
      %dma_wait3A_636 = tpu.memref_squeeze %dma_wait3A_635 : memref<1x2x1024xf32, #tpu.memory_space<vmem>> -> memref<2x1024xf32, #tpu.memory_space<vmem>>
      %dma_wait3A_637 = arith.constant 0 : i32
      %dma_wait3A_638 = tpu.memref_slice %arg3[%mul3A_2, %dma_wait3A_637] : memref<8192x1024xf32, #tpu.memory_space<hbm>> -> memref<2x1024xf32, #tpu.memory_space<hbm>>
      tpu.wait_dma2 semaphore(%dma_wait3A_632 : memref<!tpu.dma_semaphore, #tpu.memory_space<semaphore_mem>>) src(%dma_wait3A_638 : memref<2x1024xf32, #tpu.memory_space<hbm>>) dst(%dma_wait3A_636 : memref<2x1024xf32, #tpu.memory_space<vmem>>)
      %dma_wait3A_639 = arith.constant 3 : i32
      %dma_wait3A_640 = arith.constant 3 : i32
      %dma_wait3A_641 = arith.constant 0 : i32
      %dma_wait3A_642 = arith.constant 0 : i32
      %dma_wait3A_643 = arith.constant 0 : i32
      %dma_wait3A_644 = tpu.memref_slice %arg6[%dma_wait3A_639, %dma_wait3A_641, %dma_wait3A_642, %dma_wait3A_643] : memref<8x4x2x1024xf32, #tpu.memory_space<vmem>> -> memref<1x4x2x1024xf32, #tpu.memory_space<vmem>>
      %dma_wait3A_645 = tpu.memref_squeeze %dma_wait3A_644 : memref<1x4x2x1024xf32, #tpu.memory_space<vmem>> -> memref<4x2x1024xf32, #tpu.memory_space<vmem>>
      %dma_wait3A_646 = arith.constant 0 : i32
      %dma_wait3A_647 = arith.constant 0 : i32
      %dma_wait3A_648 = tpu.memref_slice %arg2[%dma_wait3A_646, %mul3A_2, %dma_wait3A_647] : memref<4x4096x1024xf32, #tpu.memory_space<hbm>> -> memref<4x2x1024xf32, #tpu.memory_space<hbm>>
      %dma_wait3A_649 = tpu.memref_slice %arg7[%dma_wait3A_640] : memref<8x!tpu.dma_semaphore, #tpu.memory_space<semaphore_mem>> -> memref<1x!tpu.dma_semaphore, #tpu.memory_space<semaphore_mem>>
      %dma_wait3A_650 = tpu.memref_squeeze %dma_wait3A_649 : memref<1x!tpu.dma_semaphore, #tpu.memory_space<semaphore_mem>> -> memref<!tpu.dma_semaphore, #tpu.memory_space<semaphore_mem>>
      %dma_wait3A_651 = arith.constant 0 : i32
      %dma_wait3A_652 = arith.constant 0 : i32
      %dma_wait3A_653 = arith.constant 0 : i32
      %dma_wait3A_654 = tpu.memref_slice %arg6[%dma_wait3A_639, %dma_wait3A_651, %dma_wait3A_652, %dma_wait3A_653] : memref<8x4x2x1024xf32, #tpu.memory_space<vmem>> -> memref<1x4x2x1024xf32, #tpu.memory_space<vmem>>
      %dma_wait3A_655 = tpu.memref_squeeze %dma_wait3A_654 : memref<1x4x2x1024xf32, #tpu.memory_space<vmem>> -> memref<4x2x1024xf32, #tpu.memory_space<vmem>>
      %dma_wait3A_656 = arith.constant 0 : i32
      %dma_wait3A_657 = arith.constant 0 : i32
      %dma_wait3A_658 = tpu.memref_slice %arg2[%dma_wait3A_656, %mul3A_2, %dma_wait3A_657] : memref<4x4096x1024xf32, #tpu.memory_space<hbm>> -> memref<4x2x1024xf32, #tpu.memory_space<hbm>>
      tpu.wait_dma2 semaphore(%dma_wait3A_650 : memref<!tpu.dma_semaphore, #tpu.memory_space<semaphore_mem>>) src(%dma_wait3A_658 : memref<4x2x1024xf32, #tpu.memory_space<hbm>>) dst(%dma_wait3A_655 : memref<4x2x1024xf32, #tpu.memory_space<vmem>>)
      %parallel_loop3A_659 = arith.constant 0 : i32
      %parallel_loop3A_660 = arith.constant 1024 : i32
      %parallel_loop3A_661 = arith.constant 16 : i32
      scf.for %parallel_loop3A_1057 = %parallel_loop3A_659 to %parallel_loop3A_660 step %parallel_loop3A_661  : i32 {
        %parallel_loop3A_1058 = arith.constant 3 : i32
        %parallel_loop3A_1059 = arith.constant 0 : i32
        %parallel_loop3A_1060 = arith.index_cast %parallel_loop3A_1058 : i32 to index
        %parallel_loop3A_1061 = arith.index_cast %parallel_loop3A_1059 : i32 to index
        %parallel_loop3A_1062 = arith.index_cast %parallel_loop3A_1057 : i32 to index
        %parallel_loop3A_1063 = tpu.vector_load %arg5[%parallel_loop3A_1060, %parallel_loop3A_1061, %parallel_loop3A_1062] {strides = array<i32>} : memref<8x2x1024xf32, #tpu.memory_space<vmem>>, vector<1x1x16xf32>,
        %parallel_loop3A_1064 = vector.shape_cast %parallel_loop3A_1063 : vector<1x1x16xf32> to vector<16xf32>
        %parallel_loop3A_1065 = arith.constant 3 : i32
        %parallel_loop3A_1066 = arith.constant 0 : i32
        %parallel_loop3A_1067 = arith.constant 0 : i32
        %parallel_loop3A_1068 = arith.index_cast %parallel_loop3A_1065 : i32 to index
        %parallel_loop3A_1069 = arith.index_cast %parallel_loop3A_1066 : i32 to index
        %parallel_loop3A_1070 = arith.index_cast %parallel_loop3A_1067 : i32 to index
        %parallel_loop3A_1071 = arith.index_cast %parallel_loop3A_1057 : i32 to index
        %parallel_loop3A_1072 = tpu.vector_load %arg6[%parallel_loop3A_1068, %parallel_loop3A_1069, %parallel_loop3A_1070, %parallel_loop3A_1071] {strides = array<i32>} : memref<8x4x2x1024xf32, #tpu.memory_space<vmem>>, vector<1x1x1x16xf32>,
        %parallel_loop3A_1073 = vector.shape_cast %parallel_loop3A_1072 : vector<1x1x1x16xf32> to vector<16xf32>
        %parallel_loop3A_1074 = arith.addf %parallel_loop3A_1073, %parallel_loop3A_1064 : vector<16xf32>
        %parallel_loop3A_1075 = arith.constant 3 : i32
        %parallel_loop3A_1076 = arith.constant 0 : i32
        %parallel_loop3A_1077 = arith.constant 0 : i32
        %parallel_loop3A_1078 = arith.index_cast %parallel_loop3A_1075 : i32 to index
        %parallel_loop3A_1079 = arith.index_cast %parallel_loop3A_1076 : i32 to index
        %parallel_loop3A_1080 = arith.index_cast %parallel_loop3A_1077 : i32 to index
        %parallel_loop3A_1081 = arith.index_cast %parallel_loop3A_1057 : i32 to index
        %parallel_loop3A_1082 = tpu.vector_load %arg6[%parallel_loop3A_1078, %parallel_loop3A_1079, %parallel_loop3A_1080, %parallel_loop3A_1081] {strides = array<i32>} : memref<8x4x2x1024xf32, #tpu.memory_space<vmem>>, vector<1x1x1x16xf32>,
        %parallel_loop3A_1083 = vector.shape_cast %parallel_loop3A_1082 : vector<1x1x1x16xf32> to vector<16xf32>
        %parallel_loop3A_1084 = vector.shape_cast %parallel_loop3A_1074 : vector<16xf32> to vector<1x1x1x16xf32>
        tpu.vector_store %arg6[%parallel_loop3A_1078, %parallel_loop3A_1079, %parallel_loop3A_1080, %parallel_loop3A_1081], %parallel_loop3A_1084 {strides = array<i32>} : memref<8x4x2x1024xf32, #tpu.memory_space<vmem>>, vector<1x1x1x16xf32>,
        %parallel_loop3A_1085 = arith.constant 3 : i32
        %parallel_loop3A_1086 = arith.constant 1 : i32
        %parallel_loop3A_1087 = arith.constant 0 : i32
        %parallel_loop3A_1088 = arith.index_cast %parallel_loop3A_1085 : i32 to index
        %parallel_loop3A_1089 = arith.index_cast %parallel_loop3A_1086 : i32 to index
        %parallel_loop3A_1090 = arith.index_cast %parallel_loop3A_1087 : i32 to index
        %parallel_loop3A_1091 = arith.index_cast %parallel_loop3A_1057 : i32 to index
        %parallel_loop3A_1092 = tpu.vector_load %arg6[%parallel_loop3A_1088, %parallel_loop3A_1089, %parallel_loop3A_1090, %parallel_loop3A_1091] {strides = array<i32>} : memref<8x4x2x1024xf32, #tpu.memory_space<vmem>>, vector<1x1x1x16xf32>,
        %parallel_loop3A_1093 = vector.shape_cast %parallel_loop3A_1092 : vector<1x1x1x16xf32> to vector<16xf32>
        %parallel_loop3A_1094 = arith.addf %parallel_loop3A_1093, %parallel_loop3A_1064 : vector<16xf32>
        %parallel_loop3A_1095 = arith.constant 3 : i32
        %parallel_loop3A_1096 = arith.constant 1 : i32
        %parallel_loop3A_1097 = arith.constant 0 : i32
        %parallel_loop3A_1098 = arith.index_cast %parallel_loop3A_1095 : i32 to index
        %parallel_loop3A_1099 = arith.index_cast %parallel_loop3A_1096 : i32 to index
        %parallel_loop3A_1100 = arith.index_cast %parallel_loop3A_1097 : i32 to index
        %parallel_loop3A_1101 = arith.index_cast %parallel_loop3A_1057 : i32 to index
        %parallel_loop3A_1102 = tpu.vector_load %arg6[%parallel_loop3A_1098, %parallel_loop3A_1099, %parallel_loop3A_1100, %parallel_loop3A_1101] {strides = array<i32>} : memref<8x4x2x1024xf32, #tpu.memory_space<vmem>>, vector<1x1x1x16xf32>,
        %parallel_loop3A_1103 = vector.shape_cast %parallel_loop3A_1102 : vector<1x1x1x16xf32> to vector<16xf32>
        %parallel_loop3A_1104 = vector.shape_cast %parallel_loop3A_1094 : vector<16xf32> to vector<1x1x1x16xf32>
        tpu.vector_store %arg6[%parallel_loop3A_1098, %parallel_loop3A_1099, %parallel_loop3A_1100, %parallel_loop3A_1101], %parallel_loop3A_1104 {strides = array<i32>} : memref<8x4x2x1024xf32, #tpu.memory_space<vmem>>, vector<1x1x1x16xf32>,
        %parallel_loop3A_1105 = arith.constant 3 : i32
        %parallel_loop3A_1106 = arith.constant 2 : i32
        %parallel_loop3A_1107 = arith.constant 0 : i32
        %parallel_loop3A_1108 = arith.index_cast %parallel_loop3A_1105 : i32 to index
        %parallel_loop3A_1109 = arith.index_cast %parallel_loop3A_1106 : i32 to index
        %parallel_loop3A_1110 = arith.index_cast %parallel_loop3A_1107 : i32 to index
        %parallel_loop3A_1111 = arith.index_cast %parallel_loop3A_1057 : i32 to index
        %parallel_loop3A_1112 = tpu.vector_load %arg6[%parallel_loop3A_1108, %parallel_loop3A_1109, %parallel_loop3A_1110, %parallel_loop3A_1111] {strides = array<i32>} : memref<8x4x2x1024xf32, #tpu.memory_space<vmem>>, vector<1x1x1x16xf32>,
        %parallel_loop3A_1113 = vector.shape_cast %parallel_loop3A_1112 : vector<1x1x1x16xf32> to vector<16xf32>
        %parallel_loop3A_1114 = arith.addf %parallel_loop3A_1113, %parallel_loop3A_1064 : vector<16xf32>
        %parallel_loop3A_1115 = arith.constant 3 : i32
        %parallel_loop3A_1116 = arith.constant 2 : i32
        %parallel_loop3A_1117 = arith.constant 0 : i32
        %parallel_loop3A_1118 = arith.index_cast %parallel_loop3A_1115 : i32 to index
        %parallel_loop3A_1119 = arith.index_cast %parallel_loop3A_1116 : i32 to index
        %parallel_loop3A_1120 = arith.index_cast %parallel_loop3A_1117 : i32 to index
        %parallel_loop3A_1121 = arith.index_cast %parallel_loop3A_1057 : i32 to index
        %parallel_loop3A_1122 = tpu.vector_load %arg6[%parallel_loop3A_1118, %parallel_loop3A_1119, %parallel_loop3A_1120, %parallel_loop3A_1121] {strides = array<i32>} : memref<8x4x2x1024xf32, #tpu.memory_space<vmem>>, vector<1x1x1x16xf32>,
        %parallel_loop3A_1123 = vector.shape_cast %parallel_loop3A_1122 : vector<1x1x1x16xf32> to vector<16xf32>
        %parallel_loop3A_1124 = vector.shape_cast %parallel_loop3A_1114 : vector<16xf32> to vector<1x1x1x16xf32>
        tpu.vector_store %arg6[%parallel_loop3A_1118, %parallel_loop3A_1119, %parallel_loop3A_1120, %parallel_loop3A_1121], %parallel_loop3A_1124 {strides = array<i32>} : memref<8x4x2x1024xf32, #tpu.memory_space<vmem>>, vector<1x1x1x16xf32>,
        %parallel_loop3A_1125 = arith.constant 3 : i32
        %parallel_loop3A_1126 = arith.constant 3 : i32
        %parallel_loop3A_1127 = arith.constant 0 : i32
        %parallel_loop3A_1128 = arith.index_cast %parallel_loop3A_1125 : i32 to index
        %parallel_loop3A_1129 = arith.index_cast %parallel_loop3A_1126 : i32 to index
        %parallel_loop3A_1130 = arith.index_cast %parallel_loop3A_1127 : i32 to index
        %parallel_loop3A_1131 = arith.index_cast %parallel_loop3A_1057 : i32 to index
        %parallel_loop3A_1132 = tpu.vector_load %arg6[%parallel_loop3A_1128, %parallel_loop3A_1129, %parallel_loop3A_1130, %parallel_loop3A_1131] {strides = array<i32>} : memref<8x4x2x1024xf32, #tpu.memory_space<vmem>>, vector<1x1x1x16xf32>,
        %parallel_loop3A_1133 = vector.shape_cast %parallel_loop3A_1132 : vector<1x1x1x16xf32> to vector<16xf32>
        %parallel_loop3A_1134 = arith.addf %parallel_loop3A_1133, %parallel_loop3A_1064 : vector<16xf32>
        %parallel_loop3A_1135 = arith.constant 3 : i32
        %parallel_loop3A_1136 = arith.constant 3 : i32
        %parallel_loop3A_1137 = arith.constant 0 : i32
        %parallel_loop3A_1138 = arith.index_cast %parallel_loop3A_1135 : i32 to index
        %parallel_loop3A_1139 = arith.index_cast %parallel_loop3A_1136 : i32 to index
        %parallel_loop3A_1140 = arith.index_cast %parallel_loop3A_1137 : i32 to index
        %parallel_loop3A_1141 = arith.index_cast %parallel_loop3A_1057 : i32 to index
        %parallel_loop3A_1142 = tpu.vector_load %arg6[%parallel_loop3A_1138, %parallel_loop3A_1139, %parallel_loop3A_1140, %parallel_loop3A_1141] {strides = array<i32>} : memref<8x4x2x1024xf32, #tpu.memory_space<vmem>>, vector<1x1x1x16xf32>,
        %parallel_loop3A_1143 = vector.shape_cast %parallel_loop3A_1142 : vector<1x1x1x16xf32> to vector<16xf32>
        %parallel_loop3A_1144 = vector.shape_cast %parallel_loop3A_1134 : vector<16xf32> to vector<1x1x1x16xf32>
        tpu.vector_store %arg6[%parallel_loop3A_1138, %parallel_loop3A_1139, %parallel_loop3A_1140, %parallel_loop3A_1141], %parallel_loop3A_1144 {strides = array<i32>} : memref<8x4x2x1024xf32, #tpu.memory_space<vmem>>, vector<1x1x1x16xf32>,
        %parallel_loop3A_1145 = arith.constant 3 : i32
        %parallel_loop3A_1146 = arith.constant 1 : i32
        %parallel_loop3A_1147 = arith.index_cast %parallel_loop3A_1145 : i32 to index
        %parallel_loop3A_1148 = arith.index_cast %parallel_loop3A_1146 : i32 to index
        %parallel_loop3A_1149 = arith.index_cast %parallel_loop3A_1057 : i32 to index
        %parallel_loop3A_1150 = tpu.vector_load %arg5[%parallel_loop3A_1147, %parallel_loop3A_1148, %parallel_loop3A_1149] {strides = array<i32>} : memref<8x2x1024xf32, #tpu.memory_space<vmem>>, vector<1x1x16xf32>,
        %parallel_loop3A_1151 = vector.shape_cast %parallel_loop3A_1150 : vector<1x1x16xf32> to vector<16xf32>
        %parallel_loop3A_1152 = arith.constant 3 : i32
        %parallel_loop3A_1153 = arith.constant 0 : i32
        %parallel_loop3A_1154 = arith.constant 1 : i32
        %parallel_loop3A_1155 = arith.index_cast %parallel_loop3A_1152 : i32 to index
        %parallel_loop3A_1156 = arith.index_cast %parallel_loop3A_1153 : i32 to index
        %parallel_loop3A_1157 = arith.index_cast %parallel_loop3A_1154 : i32 to index
        %parallel_loop3A_1158 = arith.index_cast %parallel_loop3A_1057 : i32 to index
        %parallel_loop3A_1159 = tpu.vector_load %arg6[%parallel_loop3A_1155, %parallel_loop3A_1156, %parallel_loop3A_1157, %parallel_loop3A_1158] {strides = array<i32>} : memref<8x4x2x1024xf32, #tpu.memory_space<vmem>>, vector<1x1x1x16xf32>,
        %parallel_loop3A_1160 = vector.shape_cast %parallel_loop3A_1159 : vector<1x1x1x16xf32> to vector<16xf32>
        %parallel_loop3A_1161 = arith.addf %parallel_loop3A_1160, %parallel_loop3A_1151 : vector<16xf32>
        %parallel_loop3A_1162 = arith.constant 3 : i32
        %parallel_loop3A_1163 = arith.constant 0 : i32
        %parallel_loop3A_1164 = arith.constant 1 : i32
        %parallel_loop3A_1165 = arith.index_cast %parallel_loop3A_1162 : i32 to index
        %parallel_loop3A_1166 = arith.index_cast %parallel_loop3A_1163 : i32 to index
        %parallel_loop3A_1167 = arith.index_cast %parallel_loop3A_1164 : i32 to index
        %parallel_loop3A_1168 = arith.index_cast %parallel_loop3A_1057 : i32 to index
        %parallel_loop3A_1169 = tpu.vector_load %arg6[%parallel_loop3A_1165, %parallel_loop3A_1166, %parallel_loop3A_1167, %parallel_loop3A_1168] {strides = array<i32>} : memref<8x4x2x1024xf32, #tpu.memory_space<vmem>>, vector<1x1x1x16xf32>,
        %parallel_loop3A_1170 = vector.shape_cast %parallel_loop3A_1169 : vector<1x1x1x16xf32> to vector<16xf32>
        %parallel_loop3A_1171 = vector.shape_cast %parallel_loop3A_1161 : vector<16xf32> to vector<1x1x1x16xf32>
        tpu.vector_store %arg6[%parallel_loop3A_1165, %parallel_loop3A_1166, %parallel_loop3A_1167, %parallel_loop3A_1168], %parallel_loop3A_1171 {strides = array<i32>} : memref<8x4x2x1024xf32, #tpu.memory_space<vmem>>, vector<1x1x1x16xf32>,
        %parallel_loop3A_1172 = arith.constant 3 : i32
        %parallel_loop3A_1173 = arith.constant 1 : i32
        %parallel_loop3A_1174 = arith.constant 1 : i32
        %parallel_loop3A_1175 = arith.index_cast %parallel_loop3A_1172 : i32 to index
        %parallel_loop3A_1176 = arith.index_cast %parallel_loop3A_1173 : i32 to index
        %parallel_loop3A_1177 = arith.index_cast %parallel_loop3A_1174 : i32 to index
        %parallel_loop3A_1178 = arith.index_cast %parallel_loop3A_1057 : i32 to index
        %parallel_loop3A_1179 = tpu.vector_load %arg6[%parallel_loop3A_1175, %parallel_loop3A_1176, %parallel_loop3A_1177, %parallel_loop3A_1178] {strides = array<i32>} : memref<8x4x2x1024xf32, #tpu.memory_space<vmem>>, vector<1x1x1x16xf32>,
        %parallel_loop3A_1180 = vector.shape_cast %parallel_loop3A_1179 : vector<1x1x1x16xf32> to vector<16xf32>
        %parallel_loop3A_1181 = arith.addf %parallel_loop3A_1180, %parallel_loop3A_1151 : vector<16xf32>
        %parallel_loop3A_1182 = arith.constant 3 : i32
        %parallel_loop3A_1183 = arith.constant 1 : i32
        %parallel_loop3A_1184 = arith.constant 1 : i32
        %parallel_loop3A_1185 = arith.index_cast %parallel_loop3A_1182 : i32 to index
        %parallel_loop3A_1186 = arith.index_cast %parallel_loop3A_1183 : i32 to index
        %parallel_loop3A_1187 = arith.index_cast %parallel_loop3A_1184 : i32 to index
        %parallel_loop3A_1188 = arith.index_cast %parallel_loop3A_1057 : i32 to index
        %parallel_loop3A_1189 = tpu.vector_load %arg6[%parallel_loop3A_1185, %parallel_loop3A_1186, %parallel_loop3A_1187, %parallel_loop3A_1188] {strides = array<i32>} : memref<8x4x2x1024xf32, #tpu.memory_space<vmem>>, vector<1x1x1x16xf32>,
        %parallel_loop3A_1190 = vector.shape_cast %parallel_loop3A_1189 : vector<1x1x1x16xf32> to vector<16xf32>
        %parallel_loop3A_1191 = vector.shape_cast %parallel_loop3A_1181 : vector<16xf32> to vector<1x1x1x16xf32>
        tpu.vector_store %arg6[%parallel_loop3A_1185, %parallel_loop3A_1186, %parallel_loop3A_1187, %parallel_loop3A_1188], %parallel_loop3A_1191 {strides = array<i32>} : memref<8x4x2x1024xf32, #tpu.memory_space<vmem>>, vector<1x1x1x16xf32>,
        %parallel_loop3A_1192 = arith.constant 3 : i32
        %parallel_loop3A_1193 = arith.constant 2 : i32
        %parallel_loop3A_1194 = arith.constant 1 : i32
        %parallel_loop3A_1195 = arith.index_cast %parallel_loop3A_1192 : i32 to index
        %parallel_loop3A_1196 = arith.index_cast %parallel_loop3A_1193 : i32 to index
        %parallel_loop3A_1197 = arith.index_cast %parallel_loop3A_1194 : i32 to index
        %parallel_loop3A_1198 = arith.index_cast %parallel_loop3A_1057 : i32 to index
        %parallel_loop3A_1199 = tpu.vector_load %arg6[%parallel_loop3A_1195, %parallel_loop3A_1196, %parallel_loop3A_1197, %parallel_loop3A_1198] {strides = array<i32>} : memref<8x4x2x1024xf32, #tpu.memory_space<vmem>>, vector<1x1x1x16xf32>,
        %parallel_loop3A_1200 = vector.shape_cast %parallel_loop3A_1199 : vector<1x1x1x16xf32> to vector<16xf32>
        %parallel_loop3A_1201 = arith.addf %parallel_loop3A_1200, %parallel_loop3A_1151 : vector<16xf32>
        %parallel_loop3A_1202 = arith.constant 3 : i32
        %parallel_loop3A_1203 = arith.constant 2 : i32
        %parallel_loop3A_1204 = arith.constant 1 : i32
        %parallel_loop3A_1205 = arith.index_cast %parallel_loop3A_1202 : i32 to index
        %parallel_loop3A_1206 = arith.index_cast %parallel_loop3A_1203 : i32 to index
        %parallel_loop3A_1207 = arith.index_cast %parallel_loop3A_1204 : i32 to index
        %parallel_loop3A_1208 = arith.index_cast %parallel_loop3A_1057 : i32 to index
        %parallel_loop3A_1209 = tpu.vector_load %arg6[%parallel_loop3A_1205, %parallel_loop3A_1206, %parallel_loop3A_1207, %parallel_loop3A_1208] {strides = array<i32>} : memref<8x4x2x1024xf32, #tpu.memory_space<vmem>>, vector<1x1x1x16xf32>,
        %parallel_loop3A_1210 = vector.shape_cast %parallel_loop3A_1209 : vector<1x1x1x16xf32> to vector<16xf32>
        %parallel_loop3A_1211 = vector.shape_cast %parallel_loop3A_1201 : vector<16xf32> to vector<1x1x1x16xf32>
        tpu.vector_store %arg6[%parallel_loop3A_1205, %parallel_loop3A_1206, %parallel_loop3A_1207, %parallel_loop3A_1208], %parallel_loop3A_1211 {strides = array<i32>} : memref<8x4x2x1024xf32, #tpu.memory_space<vmem>>, vector<1x1x1x16xf32>,
        %parallel_loop3A_1212 = arith.constant 3 : i32
        %parallel_loop3A_1213 = arith.constant 3 : i32
        %parallel_loop3A_1214 = arith.constant 1 : i32
        %parallel_loop3A_1215 = arith.index_cast %parallel_loop3A_1212 : i32 to index
        %parallel_loop3A_1216 = arith.index_cast %parallel_loop3A_1213 : i32 to index
        %parallel_loop3A_1217 = arith.index_cast %parallel_loop3A_1214 : i32 to index
        %parallel_loop3A_1218 = arith.index_cast %parallel_loop3A_1057 : i32 to index
        %parallel_loop3A_1219 = tpu.vector_load %arg6[%parallel_loop3A_1215, %parallel_loop3A_1216, %parallel_loop3A_1217, %parallel_loop3A_1218] {strides = array<i32>} : memref<8x4x2x1024xf32, #tpu.memory_space<vmem>>, vector<1x1x1x16xf32>,
        %parallel_loop3A_1220 = vector.shape_cast %parallel_loop3A_1219 : vector<1x1x1x16xf32> to vector<16xf32>
        %parallel_loop3A_1221 = arith.addf %parallel_loop3A_1220, %parallel_loop3A_1151 : vector<16xf32>
        %parallel_loop3A_1222 = arith.constant 3 : i32
        %parallel_loop3A_1223 = arith.constant 3 : i32
        %parallel_loop3A_1224 = arith.constant 1 : i32
        %parallel_loop3A_1225 = arith.index_cast %parallel_loop3A_1222 : i32 to index
        %parallel_loop3A_1226 = arith.index_cast %parallel_loop3A_1223 : i32 to index
        %parallel_loop3A_1227 = arith.index_cast %parallel_loop3A_1224 : i32 to index
        %parallel_loop3A_1228 = arith.index_cast %parallel_loop3A_1057 : i32 to index
        %parallel_loop3A_1229 = tpu.vector_load %arg6[%parallel_loop3A_1225, %parallel_loop3A_1226, %parallel_loop3A_1227, %parallel_loop3A_1228] {strides = array<i32>} : memref<8x4x2x1024xf32, #tpu.memory_space<vmem>>, vector<1x1x1x16xf32>,
        %parallel_loop3A_1230 = vector.shape_cast %parallel_loop3A_1229 : vector<1x1x1x16xf32> to vector<16xf32>
        %parallel_loop3A_1231 = vector.shape_cast %parallel_loop3A_1221 : vector<16xf32> to vector<1x1x1x16xf32>
        tpu.vector_store %arg6[%parallel_loop3A_1225, %parallel_loop3A_1226, %parallel_loop3A_1227, %parallel_loop3A_1228], %parallel_loop3A_1231 {strides = array<i32>} : memref<8x4x2x1024xf32, #tpu.memory_space<vmem>>, vector<1x1x1x16xf32>,
      } {sc.loop_unroll_factor = 2 : i64, sc.parallel_access}
      %mul3A_662 = arith.constant 2 : i32
      %mul3A_663 = arith.muli %add3A_576, %mul3A_662 : i32
      %add3A_664 = arith.addi %mul3A_2, %mul3A_663 : i32
      %dma_start3A_665 = arith.constant 3 : i32
      %dma_start3A_666 = arith.constant 3 : i32
      %dma_start3A_667 = arith.constant 0 : i32
      %dma_start3A_668 = arith.constant 0 : i32
      %dma_start3A_669 = arith.constant 0 : i32
      %dma_start3A_670 = tpu.memref_slice %arg6[%dma_start3A_665, %dma_start3A_667, %dma_start3A_668, %dma_start3A_669] : memref<8x4x2x1024xf32, #tpu.memory_space<vmem>> -> memref<1x4x2x1024xf32, #tpu.memory_space<vmem>>
      %dma_start3A_671 = tpu.memref_squeeze %dma_start3A_670 : memref<1x4x2x1024xf32, #tpu.memory_space<vmem>> -> memref<4x2x1024xf32, #tpu.memory_space<vmem>>
      %dma_start3A_672 = arith.constant 0 : i32
      %dma_start3A_673 = arith.constant 0 : i32
      %dma_start3A_674 = tpu.memref_slice %arg4[%dma_start3A_672, %add3A_664, %dma_start3A_673] : memref<4x4096x1024xf32, #tpu.memory_space<hbm>> -> memref<4x2x1024xf32, #tpu.memory_space<hbm>>
      %dma_start3A_675 = tpu.memref_slice %arg8[%dma_start3A_666] : memref<8x!tpu.dma_semaphore, #tpu.memory_space<semaphore_mem>> -> memref<1x!tpu.dma_semaphore, #tpu.memory_space<semaphore_mem>>
      %dma_start3A_676 = tpu.memref_squeeze %dma_start3A_675 : memref<1x!tpu.dma_semaphore, #tpu.memory_space<semaphore_mem>> -> memref<!tpu.dma_semaphore, #tpu.memory_space<semaphore_mem>>
      %dma_start3A_677 = arith.constant 0 : i32
      %dma_start3A_678 = arith.constant 0 : i32
      %dma_start3A_679 = tpu.memref_slice %arg4[%dma_start3A_677, %add3A_664, %dma_start3A_678] : memref<4x4096x1024xf32, #tpu.memory_space<hbm>> -> memref<4x2x1024xf32, #tpu.memory_space<hbm>>
      %dma_start3A_680 = arith.constant 0 : i32
      %dma_start3A_681 = arith.constant 0 : i32
      %dma_start3A_682 = arith.constant 0 : i32
      %dma_start3A_683 = tpu.memref_slice %arg6[%dma_start3A_665, %dma_start3A_680, %dma_start3A_681, %dma_start3A_682] : memref<8x4x2x1024xf32, #tpu.memory_space<vmem>> -> memref<1x4x2x1024xf32, #tpu.memory_space<vmem>>
      %dma_start3A_684 = tpu.memref_squeeze %dma_start3A_683 : memref<1x4x2x1024xf32, #tpu.memory_space<vmem>> -> memref<4x2x1024xf32, #tpu.memory_space<vmem>>
      tpu.enqueue_dma source(%dma_start3A_684 : memref<4x2x1024xf32, #tpu.memory_space<vmem>>) target(%dma_start3A_679 : memref<4x2x1024xf32, #tpu.memory_space<hbm>>) target_semaphore(%dma_start3A_676 : memref<!tpu.dma_semaphore, #tpu.memory_space<semaphore_mem>>)
      %mul3A_685 = arith.constant 8 : i32
      %mul3A_686 = arith.muli %mul3A_685, %scan3A_239 : i32
      %add3A_687 = arith.constant 4 : i32
      %add3A_688 = arith.addi %mul3A_686, %add3A_687 : i32
      %dma_wait3A_689 = arith.constant 0 : i32
      %dma_wait3A_690 = arith.constant 0 : i32
      %dma_wait3A_691 = arith.constant 0 : i32
      %dma_wait3A_692 = arith.constant 0 : i32
      %dma_wait3A_693 = arith.constant 0 : i32
      %dma_wait3A_694 = tpu.memref_slice %arg6[%dma_wait3A_689, %dma_wait3A_691, %dma_wait3A_692, %dma_wait3A_693] : memref<8x4x2x1024xf32, #tpu.memory_space<vmem>> -> memref<1x4x2x1024xf32, #tpu.memory_space<vmem>>
      %dma_wait3A_695 = tpu.memref_squeeze %dma_wait3A_694 : memref<1x4x2x1024xf32, #tpu.memory_space<vmem>> -> memref<4x2x1024xf32, #tpu.memory_space<vmem>>
      %dma_wait3A_696 = arith.constant 0 : i32
      %dma_wait3A_697 = arith.constant 0 : i32
      %dma_wait3A_698 = tpu.memref_slice %arg4[%dma_wait3A_696, %mul3A_2, %dma_wait3A_697] : memref<4x4096x1024xf32, #tpu.memory_space<hbm>> -> memref<4x2x1024xf32, #tpu.memory_space<hbm>>
      %dma_wait3A_699 = tpu.memref_slice %arg8[%dma_wait3A_690] : memref<8x!tpu.dma_semaphore, #tpu.memory_space<semaphore_mem>> -> memref<1x!tpu.dma_semaphore, #tpu.memory_space<semaphore_mem>>
      %dma_wait3A_700 = tpu.memref_squeeze %dma_wait3A_699 : memref<1x!tpu.dma_semaphore, #tpu.memory_space<semaphore_mem>> -> memref<!tpu.dma_semaphore, #tpu.memory_space<semaphore_mem>>
      %dma_wait3A_701 = arith.constant 0 : i32
      %dma_wait3A_702 = arith.constant 0 : i32
      %dma_wait3A_703 = tpu.memref_slice %arg4[%dma_wait3A_701, %mul3A_2, %dma_wait3A_702] : memref<4x4096x1024xf32, #tpu.memory_space<hbm>> -> memref<4x2x1024xf32, #tpu.memory_space<hbm>>
      %dma_wait3A_704 = arith.constant 0 : i32
      %dma_wait3A_705 = arith.constant 0 : i32
      %dma_wait3A_706 = arith.constant 0 : i32
      %dma_wait3A_707 = tpu.memref_slice %arg6[%dma_wait3A_689, %dma_wait3A_704, %dma_wait3A_705, %dma_wait3A_706] : memref<8x4x2x1024xf32, #tpu.memory_space<vmem>> -> memref<1x4x2x1024xf32, #tpu.memory_space<vmem>>
      %dma_wait3A_708 = tpu.memref_squeeze %dma_wait3A_707 : memref<1x4x2x1024xf32, #tpu.memory_space<vmem>> -> memref<4x2x1024xf32, #tpu.memory_space<vmem>>
      tpu.wait_dma2 semaphore(%dma_wait3A_700 : memref<!tpu.dma_semaphore, #tpu.memory_space<semaphore_mem>>) src(%dma_wait3A_708 : memref<4x2x1024xf32, #tpu.memory_space<vmem>>) dst(%dma_wait3A_703 : memref<4x2x1024xf32, #tpu.memory_space<hbm>>)
      %add3A_709 = arith.constant 1 : i32
      %add3A_710 = arith.addi %scan3A_239, %add3A_709 : i32
      %lt3A = arith.constant 8 : i32
      %lt3A_711 = arith.cmpi slt, %add3A_710, %lt3A : i32
      %convert_element_type3A_712 = arith.extui %lt3A_711 : i1 to i32
      %cond3A_713 = arith.constant 0 : i32
      %cond3A_714 = arith.cmpi ne, %convert_element_type3A_712, %cond3A_713 : i32
      scf.if %cond3A_714 {
        %add3A_1057 = arith.constant 4 : i32
        %add3A_1058 = arith.addi %add3A_688, %add3A_1057 : i32
        %mul3A_1059 = arith.constant 2 : i32
        %mul3A_1060 = arith.muli %add3A_1058, %mul3A_1059 : i32
        %add3A_1061 = arith.addi %mul3A_2, %mul3A_1060 : i32
        %dma_start3A_1062 = arith.constant 0 : i32
        %dma_start3A_1063 = arith.constant 0 : i32
        %dma_start3A_1064 = arith.constant 0 : i32
        %dma_start3A_1065 = arith.constant 0 : i32
        %dma_start3A_1066 = tpu.memref_slice %arg5[%dma_start3A_1062, %dma_start3A_1064, %dma_start3A_1065] : memref<8x2x1024xf32, #tpu.memory_space<vmem>> -> memref<1x2x1024xf32, #tpu.memory_space<vmem>>
        %dma_start3A_1067 = tpu.memref_squeeze %dma_start3A_1066 : memref<1x2x1024xf32, #tpu.memory_space<vmem>> -> memref<2x1024xf32, #tpu.memory_space<vmem>>
        %dma_start3A_1068 = arith.constant 0 : i32
        %dma_start3A_1069 = tpu.memref_slice %arg3[%add3A_1061, %dma_start3A_1068] : memref<8192x1024xf32, #tpu.memory_space<hbm>> -> memref<2x1024xf32, #tpu.memory_space<hbm>>
        %dma_start3A_1070 = tpu.memref_slice %arg7[%dma_start3A_1063] : memref<8x!tpu.dma_semaphore, #tpu.memory_space<semaphore_mem>> -> memref<1x!tpu.dma_semaphore, #tpu.memory_space<semaphore_mem>>
        %dma_start3A_1071 = tpu.memref_squeeze %dma_start3A_1070 : memref<1x!tpu.dma_semaphore, #tpu.memory_space<semaphore_mem>> -> memref<!tpu.dma_semaphore, #tpu.memory_space<semaphore_mem>>
        %dma_start3A_1072 = arith.constant 0 : i32
        %dma_start3A_1073 = arith.constant 0 : i32
        %dma_start3A_1074 = tpu.memref_slice %arg5[%dma_start3A_1062, %dma_start3A_1072, %dma_start3A_1073] : memref<8x2x1024xf32, #tpu.memory_space<vmem>> -> memref<1x2x1024xf32, #tpu.memory_space<vmem>>
        %dma_start3A_1075 = tpu.memref_squeeze %dma_start3A_1074 : memref<1x2x1024xf32, #tpu.memory_space<vmem>> -> memref<2x1024xf32, #tpu.memory_space<vmem>>
        %dma_start3A_1076 = arith.constant 0 : i32
        %dma_start3A_1077 = tpu.memref_slice %arg3[%add3A_1061, %dma_start3A_1076] : memref<8192x1024xf32, #tpu.memory_space<hbm>> -> memref<2x1024xf32, #tpu.memory_space<hbm>>
        tpu.enqueue_dma source(%dma_start3A_1077 : memref<2x1024xf32, #tpu.memory_space<hbm>>) target(%dma_start3A_1075 : memref<2x1024xf32, #tpu.memory_space<vmem>>) target_semaphore(%dma_start3A_1071 : memref<!tpu.dma_semaphore, #tpu.memory_space<semaphore_mem>>)
        %dma_start3A_1078 = arith.constant 0 : i32
        %dma_start3A_1079 = arith.constant 0 : i32
        %dma_start3A_1080 = arith.constant 0 : i32
        %dma_start3A_1081 = arith.constant 0 : i32
        %dma_start3A_1082 = arith.constant 0 : i32
        %dma_start3A_1083 = tpu.memref_slice %arg6[%dma_start3A_1078, %dma_start3A_1080, %dma_start3A_1081, %dma_start3A_1082] : memref<8x4x2x1024xf32, #tpu.memory_space<vmem>> -> memref<1x4x2x1024xf32, #tpu.memory_space<vmem>>
        %dma_start3A_1084 = tpu.memref_squeeze %dma_start3A_1083 : memref<1x4x2x1024xf32, #tpu.memory_space<vmem>> -> memref<4x2x1024xf32, #tpu.memory_space<vmem>>
        %dma_start3A_1085 = arith.constant 0 : i32
        %dma_start3A_1086 = arith.constant 0 : i32
        %dma_start3A_1087 = tpu.memref_slice %arg2[%dma_start3A_1085, %add3A_1061, %dma_start3A_1086] : memref<4x4096x1024xf32, #tpu.memory_space<hbm>> -> memref<4x2x1024xf32, #tpu.memory_space<hbm>>
        %dma_start3A_1088 = tpu.memref_slice %arg7[%dma_start3A_1079] : memref<8x!tpu.dma_semaphore, #tpu.memory_space<semaphore_mem>> -> memref<1x!tpu.dma_semaphore, #tpu.memory_space<semaphore_mem>>
        %dma_start3A_1089 = tpu.memref_squeeze %dma_start3A_1088 : memref<1x!tpu.dma_semaphore, #tpu.memory_space<semaphore_mem>> -> memref<!tpu.dma_semaphore, #tpu.memory_space<semaphore_mem>>
        %dma_start3A_1090 = arith.constant 0 : i32
        %dma_start3A_1091 = arith.constant 0 : i32
        %dma_start3A_1092 = arith.constant 0 : i32
        %dma_start3A_1093 = tpu.memref_slice %arg6[%dma_start3A_1078, %dma_start3A_1090, %dma_start3A_1091, %dma_start3A_1092] : memref<8x4x2x1024xf32, #tpu.memory_space<vmem>> -> memref<1x4x2x1024xf32, #tpu.memory_space<vmem>>
        %dma_start3A_1094 = tpu.memref_squeeze %dma_start3A_1093 : memref<1x4x2x1024xf32, #tpu.memory_space<vmem>> -> memref<4x2x1024xf32, #tpu.memory_space<vmem>>
        %dma_start3A_1095 = arith.constant 0 : i32
        %dma_start3A_1096 = arith.constant 0 : i32
        %dma_start3A_1097 = tpu.memref_slice %arg2[%dma_start3A_1095, %add3A_1061, %dma_start3A_1096] : memref<4x4096x1024xf32, #tpu.memory_space<hbm>> -> memref<4x2x1024xf32, #tpu.memory_space<hbm>>
        tpu.enqueue_dma source(%dma_start3A_1097 : memref<4x2x1024xf32, #tpu.memory_space<hbm>>) target(%dma_start3A_1094 : memref<4x2x1024xf32, #tpu.memory_space<vmem>>) target_semaphore(%dma_start3A_1089 : memref<!tpu.dma_semaphore, #tpu.memory_space<semaphore_mem>>)
      } else {
      }
      %dma_wait3A_715 = arith.constant 4 : i32
      %dma_wait3A_716 = arith.constant 4 : i32
      %dma_wait3A_717 = arith.constant 0 : i32
      %dma_wait3A_718 = arith.constant 0 : i32
      %dma_wait3A_719 = tpu.memref_slice %arg5[%dma_wait3A_715, %dma_wait3A_717, %dma_wait3A_718] : memref<8x2x1024xf32, #tpu.memory_space<vmem>> -> memref<1x2x1024xf32, #tpu.memory_space<vmem>>
      %dma_wait3A_720 = tpu.memref_squeeze %dma_wait3A_719 : memref<1x2x1024xf32, #tpu.memory_space<vmem>> -> memref<2x1024xf32, #tpu.memory_space<vmem>>
      %dma_wait3A_721 = arith.constant 0 : i32
      %dma_wait3A_722 = tpu.memref_slice %arg3[%mul3A_2, %dma_wait3A_721] : memref<8192x1024xf32, #tpu.memory_space<hbm>> -> memref<2x1024xf32, #tpu.memory_space<hbm>>
      %dma_wait3A_723 = tpu.memref_slice %arg7[%dma_wait3A_716] : memref<8x!tpu.dma_semaphore, #tpu.memory_space<semaphore_mem>> -> memref<1x!tpu.dma_semaphore, #tpu.memory_space<semaphore_mem>>
      %dma_wait3A_724 = tpu.memref_squeeze %dma_wait3A_723 : memref<1x!tpu.dma_semaphore, #tpu.memory_space<semaphore_mem>> -> memref<!tpu.dma_semaphore, #tpu.memory_space<semaphore_mem>>
      %dma_wait3A_725 = arith.constant 0 : i32
      %dma_wait3A_726 = arith.constant 0 : i32
      %dma_wait3A_727 = tpu.memref_slice %arg5[%dma_wait3A_715, %dma_wait3A_725, %dma_wait3A_726] : memref<8x2x1024xf32, #tpu.memory_space<vmem>> -> memref<1x2x1024xf32, #tpu.memory_space<vmem>>
      %dma_wait3A_728 = tpu.memref_squeeze %dma_wait3A_727 : memref<1x2x1024xf32, #tpu.memory_space<vmem>> -> memref<2x1024xf32, #tpu.memory_space<vmem>>
      %dma_wait3A_729 = arith.constant 0 : i32
      %dma_wait3A_730 = tpu.memref_slice %arg3[%mul3A_2, %dma_wait3A_729] : memref<8192x1024xf32, #tpu.memory_space<hbm>> -> memref<2x1024xf32, #tpu.memory_space<hbm>>
      tpu.wait_dma2 semaphore(%dma_wait3A_724 : memref<!tpu.dma_semaphore, #tpu.memory_space<semaphore_mem>>) src(%dma_wait3A_730 : memref<2x1024xf32, #tpu.memory_space<hbm>>) dst(%dma_wait3A_728 : memref<2x1024xf32, #tpu.memory_space<vmem>>)
      %dma_wait3A_731 = arith.constant 4 : i32
      %dma_wait3A_732 = arith.constant 4 : i32
      %dma_wait3A_733 = arith.constant 0 : i32
      %dma_wait3A_734 = arith.constant 0 : i32
      %dma_wait3A_735 = arith.constant 0 : i32
      %dma_wait3A_736 = tpu.memref_slice %arg6[%dma_wait3A_731, %dma_wait3A_733, %dma_wait3A_734, %dma_wait3A_735] : memref<8x4x2x1024xf32, #tpu.memory_space<vmem>> -> memref<1x4x2x1024xf32, #tpu.memory_space<vmem>>
      %dma_wait3A_737 = tpu.memref_squeeze %dma_wait3A_736 : memref<1x4x2x1024xf32, #tpu.memory_space<vmem>> -> memref<4x2x1024xf32, #tpu.memory_space<vmem>>
      %dma_wait3A_738 = arith.constant 0 : i32
      %dma_wait3A_739 = arith.constant 0 : i32
      %dma_wait3A_740 = tpu.memref_slice %arg2[%dma_wait3A_738, %mul3A_2, %dma_wait3A_739] : memref<4x4096x1024xf32, #tpu.memory_space<hbm>> -> memref<4x2x1024xf32, #tpu.memory_space<hbm>>
      %dma_wait3A_741 = tpu.memref_slice %arg7[%dma_wait3A_732] : memref<8x!tpu.dma_semaphore, #tpu.memory_space<semaphore_mem>> -> memref<1x!tpu.dma_semaphore, #tpu.memory_space<semaphore_mem>>
      %dma_wait3A_742 = tpu.memref_squeeze %dma_wait3A_741 : memref<1x!tpu.dma_semaphore, #tpu.memory_space<semaphore_mem>> -> memref<!tpu.dma_semaphore, #tpu.memory_space<semaphore_mem>>
      %dma_wait3A_743 = arith.constant 0 : i32
      %dma_wait3A_744 = arith.constant 0 : i32
      %dma_wait3A_745 = arith.constant 0 : i32
      %dma_wait3A_746 = tpu.memref_slice %arg6[%dma_wait3A_731, %dma_wait3A_743, %dma_wait3A_744, %dma_wait3A_745] : memref<8x4x2x1024xf32, #tpu.memory_space<vmem>> -> memref<1x4x2x1024xf32, #tpu.memory_space<vmem>>
      %dma_wait3A_747 = tpu.memref_squeeze %dma_wait3A_746 : memref<1x4x2x1024xf32, #tpu.memory_space<vmem>> -> memref<4x2x1024xf32, #tpu.memory_space<vmem>>
      %dma_wait3A_748 = arith.constant 0 : i32
      %dma_wait3A_749 = arith.constant 0 : i32
      %dma_wait3A_750 = tpu.memref_slice %arg2[%dma_wait3A_748, %mul3A_2, %dma_wait3A_749] : memref<4x4096x1024xf32, #tpu.memory_space<hbm>> -> memref<4x2x1024xf32, #tpu.memory_space<hbm>>
      tpu.wait_dma2 semaphore(%dma_wait3A_742 : memref<!tpu.dma_semaphore, #tpu.memory_space<semaphore_mem>>) src(%dma_wait3A_750 : memref<4x2x1024xf32, #tpu.memory_space<hbm>>) dst(%dma_wait3A_747 : memref<4x2x1024xf32, #tpu.memory_space<vmem>>)
      %parallel_loop3A_751 = arith.constant 0 : i32
      %parallel_loop3A_752 = arith.constant 1024 : i32
      %parallel_loop3A_753 = arith.constant 16 : i32
      scf.for %parallel_loop3A_1057 = %parallel_loop3A_751 to %parallel_loop3A_752 step %parallel_loop3A_753  : i32 {
        %parallel_loop3A_1058 = arith.constant 4 : i32
        %parallel_loop3A_1059 = arith.constant 0 : i32
        %parallel_loop3A_1060 = arith.index_cast %parallel_loop3A_1058 : i32 to index
        %parallel_loop3A_1061 = arith.index_cast %parallel_loop3A_1059 : i32 to index
        %parallel_loop3A_1062 = arith.index_cast %parallel_loop3A_1057 : i32 to index
        %parallel_loop3A_1063 = tpu.vector_load %arg5[%parallel_loop3A_1060, %parallel_loop3A_1061, %parallel_loop3A_1062] {strides = array<i32>} : memref<8x2x1024xf32, #tpu.memory_space<vmem>>, vector<1x1x16xf32>,
        %parallel_loop3A_1064 = vector.shape_cast %parallel_loop3A_1063 : vector<1x1x16xf32> to vector<16xf32>
        %parallel_loop3A_1065 = arith.constant 4 : i32
        %parallel_loop3A_1066 = arith.constant 0 : i32
        %parallel_loop3A_1067 = arith.constant 0 : i32
        %parallel_loop3A_1068 = arith.index_cast %parallel_loop3A_1065 : i32 to index
        %parallel_loop3A_1069 = arith.index_cast %parallel_loop3A_1066 : i32 to index
        %parallel_loop3A_1070 = arith.index_cast %parallel_loop3A_1067 : i32 to index
        %parallel_loop3A_1071 = arith.index_cast %parallel_loop3A_1057 : i32 to index
        %parallel_loop3A_1072 = tpu.vector_load %arg6[%parallel_loop3A_1068, %parallel_loop3A_1069, %parallel_loop3A_1070, %parallel_loop3A_1071] {strides = array<i32>} : memref<8x4x2x1024xf32, #tpu.memory_space<vmem>>, vector<1x1x1x16xf32>,
        %parallel_loop3A_1073 = vector.shape_cast %parallel_loop3A_1072 : vector<1x1x1x16xf32> to vector<16xf32>
        %parallel_loop3A_1074 = arith.addf %parallel_loop3A_1073, %parallel_loop3A_1064 : vector<16xf32>
        %parallel_loop3A_1075 = arith.constant 4 : i32
        %parallel_loop3A_1076 = arith.constant 0 : i32
        %parallel_loop3A_1077 = arith.constant 0 : i32
        %parallel_loop3A_1078 = arith.index_cast %parallel_loop3A_1075 : i32 to index
        %parallel_loop3A_1079 = arith.index_cast %parallel_loop3A_1076 : i32 to index
        %parallel_loop3A_1080 = arith.index_cast %parallel_loop3A_1077 : i32 to index
        %parallel_loop3A_1081 = arith.index_cast %parallel_loop3A_1057 : i32 to index
        %parallel_loop3A_1082 = tpu.vector_load %arg6[%parallel_loop3A_1078, %parallel_loop3A_1079, %parallel_loop3A_1080, %parallel_loop3A_1081] {strides = array<i32>} : memref<8x4x2x1024xf32, #tpu.memory_space<vmem>>, vector<1x1x1x16xf32>,
        %parallel_loop3A_1083 = vector.shape_cast %parallel_loop3A_1082 : vector<1x1x1x16xf32> to vector<16xf32>
        %parallel_loop3A_1084 = vector.shape_cast %parallel_loop3A_1074 : vector<16xf32> to vector<1x1x1x16xf32>
        tpu.vector_store %arg6[%parallel_loop3A_1078, %parallel_loop3A_1079, %parallel_loop3A_1080, %parallel_loop3A_1081], %parallel_loop3A_1084 {strides = array<i32>} : memref<8x4x2x1024xf32, #tpu.memory_space<vmem>>, vector<1x1x1x16xf32>,
        %parallel_loop3A_1085 = arith.constant 4 : i32
        %parallel_loop3A_1086 = arith.constant 1 : i32
        %parallel_loop3A_1087 = arith.constant 0 : i32
        %parallel_loop3A_1088 = arith.index_cast %parallel_loop3A_1085 : i32 to index
        %parallel_loop3A_1089 = arith.index_cast %parallel_loop3A_1086 : i32 to index
        %parallel_loop3A_1090 = arith.index_cast %parallel_loop3A_1087 : i32 to index
        %parallel_loop3A_1091 = arith.index_cast %parallel_loop3A_1057 : i32 to index
        %parallel_loop3A_1092 = tpu.vector_load %arg6[%parallel_loop3A_1088, %parallel_loop3A_1089, %parallel_loop3A_1090, %parallel_loop3A_1091] {strides = array<i32>} : memref<8x4x2x1024xf32, #tpu.memory_space<vmem>>, vector<1x1x1x16xf32>,
        %parallel_loop3A_1093 = vector.shape_cast %parallel_loop3A_1092 : vector<1x1x1x16xf32> to vector<16xf32>
        %parallel_loop3A_1094 = arith.addf %parallel_loop3A_1093, %parallel_loop3A_1064 : vector<16xf32>
        %parallel_loop3A_1095 = arith.constant 4 : i32
        %parallel_loop3A_1096 = arith.constant 1 : i32
        %parallel_loop3A_1097 = arith.constant 0 : i32
        %parallel_loop3A_1098 = arith.index_cast %parallel_loop3A_1095 : i32 to index
        %parallel_loop3A_1099 = arith.index_cast %parallel_loop3A_1096 : i32 to index
        %parallel_loop3A_1100 = arith.index_cast %parallel_loop3A_1097 : i32 to index
        %parallel_loop3A_1101 = arith.index_cast %parallel_loop3A_1057 : i32 to index
        %parallel_loop3A_1102 = tpu.vector_load %arg6[%parallel_loop3A_1098, %parallel_loop3A_1099, %parallel_loop3A_1100, %parallel_loop3A_1101] {strides = array<i32>} : memref<8x4x2x1024xf32, #tpu.memory_space<vmem>>, vector<1x1x1x16xf32>,
        %parallel_loop3A_1103 = vector.shape_cast %parallel_loop3A_1102 : vector<1x1x1x16xf32> to vector<16xf32>
        %parallel_loop3A_1104 = vector.shape_cast %parallel_loop3A_1094 : vector<16xf32> to vector<1x1x1x16xf32>
        tpu.vector_store %arg6[%parallel_loop3A_1098, %parallel_loop3A_1099, %parallel_loop3A_1100, %parallel_loop3A_1101], %parallel_loop3A_1104 {strides = array<i32>} : memref<8x4x2x1024xf32, #tpu.memory_space<vmem>>, vector<1x1x1x16xf32>,
        %parallel_loop3A_1105 = arith.constant 4 : i32
        %parallel_loop3A_1106 = arith.constant 2 : i32
        %parallel_loop3A_1107 = arith.constant 0 : i32
        %parallel_loop3A_1108 = arith.index_cast %parallel_loop3A_1105 : i32 to index
        %parallel_loop3A_1109 = arith.index_cast %parallel_loop3A_1106 : i32 to index
        %parallel_loop3A_1110 = arith.index_cast %parallel_loop3A_1107 : i32 to index
        %parallel_loop3A_1111 = arith.index_cast %parallel_loop3A_1057 : i32 to index
        %parallel_loop3A_1112 = tpu.vector_load %arg6[%parallel_loop3A_1108, %parallel_loop3A_1109, %parallel_loop3A_1110, %parallel_loop3A_1111] {strides = array<i32>} : memref<8x4x2x1024xf32, #tpu.memory_space<vmem>>, vector<1x1x1x16xf32>,
        %parallel_loop3A_1113 = vector.shape_cast %parallel_loop3A_1112 : vector<1x1x1x16xf32> to vector<16xf32>
        %parallel_loop3A_1114 = arith.addf %parallel_loop3A_1113, %parallel_loop3A_1064 : vector<16xf32>
        %parallel_loop3A_1115 = arith.constant 4 : i32
        %parallel_loop3A_1116 = arith.constant 2 : i32
        %parallel_loop3A_1117 = arith.constant 0 : i32
        %parallel_loop3A_1118 = arith.index_cast %parallel_loop3A_1115 : i32 to index
        %parallel_loop3A_1119 = arith.index_cast %parallel_loop3A_1116 : i32 to index
        %parallel_loop3A_1120 = arith.index_cast %parallel_loop3A_1117 : i32 to index
        %parallel_loop3A_1121 = arith.index_cast %parallel_loop3A_1057 : i32 to index
        %parallel_loop3A_1122 = tpu.vector_load %arg6[%parallel_loop3A_1118, %parallel_loop3A_1119, %parallel_loop3A_1120, %parallel_loop3A_1121] {strides = array<i32>} : memref<8x4x2x1024xf32, #tpu.memory_space<vmem>>, vector<1x1x1x16xf32>,
        %parallel_loop3A_1123 = vector.shape_cast %parallel_loop3A_1122 : vector<1x1x1x16xf32> to vector<16xf32>
        %parallel_loop3A_1124 = vector.shape_cast %parallel_loop3A_1114 : vector<16xf32> to vector<1x1x1x16xf32>
        tpu.vector_store %arg6[%parallel_loop3A_1118, %parallel_loop3A_1119, %parallel_loop3A_1120, %parallel_loop3A_1121], %parallel_loop3A_1124 {strides = array<i32>} : memref<8x4x2x1024xf32, #tpu.memory_space<vmem>>, vector<1x1x1x16xf32>,
        %parallel_loop3A_1125 = arith.constant 4 : i32
        %parallel_loop3A_1126 = arith.constant 3 : i32
        %parallel_loop3A_1127 = arith.constant 0 : i32
        %parallel_loop3A_1128 = arith.index_cast %parallel_loop3A_1125 : i32 to index
        %parallel_loop3A_1129 = arith.index_cast %parallel_loop3A_1126 : i32 to index
        %parallel_loop3A_1130 = arith.index_cast %parallel_loop3A_1127 : i32 to index
        %parallel_loop3A_1131 = arith.index_cast %parallel_loop3A_1057 : i32 to index
        %parallel_loop3A_1132 = tpu.vector_load %arg6[%parallel_loop3A_1128, %parallel_loop3A_1129, %parallel_loop3A_1130, %parallel_loop3A_1131] {strides = array<i32>} : memref<8x4x2x1024xf32, #tpu.memory_space<vmem>>, vector<1x1x1x16xf32>,
        %parallel_loop3A_1133 = vector.shape_cast %parallel_loop3A_1132 : vector<1x1x1x16xf32> to vector<16xf32>
        %parallel_loop3A_1134 = arith.addf %parallel_loop3A_1133, %parallel_loop3A_1064 : vector<16xf32>
        %parallel_loop3A_1135 = arith.constant 4 : i32
        %parallel_loop3A_1136 = arith.constant 3 : i32
        %parallel_loop3A_1137 = arith.constant 0 : i32
        %parallel_loop3A_1138 = arith.index_cast %parallel_loop3A_1135 : i32 to index
        %parallel_loop3A_1139 = arith.index_cast %parallel_loop3A_1136 : i32 to index
        %parallel_loop3A_1140 = arith.index_cast %parallel_loop3A_1137 : i32 to index
        %parallel_loop3A_1141 = arith.index_cast %parallel_loop3A_1057 : i32 to index
        %parallel_loop3A_1142 = tpu.vector_load %arg6[%parallel_loop3A_1138, %parallel_loop3A_1139, %parallel_loop3A_1140, %parallel_loop3A_1141] {strides = array<i32>} : memref<8x4x2x1024xf32, #tpu.memory_space<vmem>>, vector<1x1x1x16xf32>,
        %parallel_loop3A_1143 = vector.shape_cast %parallel_loop3A_1142 : vector<1x1x1x16xf32> to vector<16xf32>
        %parallel_loop3A_1144 = vector.shape_cast %parallel_loop3A_1134 : vector<16xf32> to vector<1x1x1x16xf32>
        tpu.vector_store %arg6[%parallel_loop3A_1138, %parallel_loop3A_1139, %parallel_loop3A_1140, %parallel_loop3A_1141], %parallel_loop3A_1144 {strides = array<i32>} : memref<8x4x2x1024xf32, #tpu.memory_space<vmem>>, vector<1x1x1x16xf32>,
        %parallel_loop3A_1145 = arith.constant 4 : i32
        %parallel_loop3A_1146 = arith.constant 1 : i32
        %parallel_loop3A_1147 = arith.index_cast %parallel_loop3A_1145 : i32 to index
        %parallel_loop3A_1148 = arith.index_cast %parallel_loop3A_1146 : i32 to index
        %parallel_loop3A_1149 = arith.index_cast %parallel_loop3A_1057 : i32 to index
        %parallel_loop3A_1150 = tpu.vector_load %arg5[%parallel_loop3A_1147, %parallel_loop3A_1148, %parallel_loop3A_1149] {strides = array<i32>} : memref<8x2x1024xf32, #tpu.memory_space<vmem>>, vector<1x1x16xf32>,
        %parallel_loop3A_1151 = vector.shape_cast %parallel_loop3A_1150 : vector<1x1x16xf32> to vector<16xf32>
        %parallel_loop3A_1152 = arith.constant 4 : i32
        %parallel_loop3A_1153 = arith.constant 0 : i32
        %parallel_loop3A_1154 = arith.constant 1 : i32
        %parallel_loop3A_1155 = arith.index_cast %parallel_loop3A_1152 : i32 to index
        %parallel_loop3A_1156 = arith.index_cast %parallel_loop3A_1153 : i32 to index
        %parallel_loop3A_1157 = arith.index_cast %parallel_loop3A_1154 : i32 to index
        %parallel_loop3A_1158 = arith.index_cast %parallel_loop3A_1057 : i32 to index
        %parallel_loop3A_1159 = tpu.vector_load %arg6[%parallel_loop3A_1155, %parallel_loop3A_1156, %parallel_loop3A_1157, %parallel_loop3A_1158] {strides = array<i32>} : memref<8x4x2x1024xf32, #tpu.memory_space<vmem>>, vector<1x1x1x16xf32>,
        %parallel_loop3A_1160 = vector.shape_cast %parallel_loop3A_1159 : vector<1x1x1x16xf32> to vector<16xf32>
        %parallel_loop3A_1161 = arith.addf %parallel_loop3A_1160, %parallel_loop3A_1151 : vector<16xf32>
        %parallel_loop3A_1162 = arith.constant 4 : i32
        %parallel_loop3A_1163 = arith.constant 0 : i32
        %parallel_loop3A_1164 = arith.constant 1 : i32
        %parallel_loop3A_1165 = arith.index_cast %parallel_loop3A_1162 : i32 to index
        %parallel_loop3A_1166 = arith.index_cast %parallel_loop3A_1163 : i32 to index
        %parallel_loop3A_1167 = arith.index_cast %parallel_loop3A_1164 : i32 to index
        %parallel_loop3A_1168 = arith.index_cast %parallel_loop3A_1057 : i32 to index
        %parallel_loop3A_1169 = tpu.vector_load %arg6[%parallel_loop3A_1165, %parallel_loop3A_1166, %parallel_loop3A_1167, %parallel_loop3A_1168] {strides = array<i32>} : memref<8x4x2x1024xf32, #tpu.memory_space<vmem>>, vector<1x1x1x16xf32>,
        %parallel_loop3A_1170 = vector.shape_cast %parallel_loop3A_1169 : vector<1x1x1x16xf32> to vector<16xf32>
        %parallel_loop3A_1171 = vector.shape_cast %parallel_loop3A_1161 : vector<16xf32> to vector<1x1x1x16xf32>
        tpu.vector_store %arg6[%parallel_loop3A_1165, %parallel_loop3A_1166, %parallel_loop3A_1167, %parallel_loop3A_1168], %parallel_loop3A_1171 {strides = array<i32>} : memref<8x4x2x1024xf32, #tpu.memory_space<vmem>>, vector<1x1x1x16xf32>,
        %parallel_loop3A_1172 = arith.constant 4 : i32
        %parallel_loop3A_1173 = arith.constant 1 : i32
        %parallel_loop3A_1174 = arith.constant 1 : i32
        %parallel_loop3A_1175 = arith.index_cast %parallel_loop3A_1172 : i32 to index
        %parallel_loop3A_1176 = arith.index_cast %parallel_loop3A_1173 : i32 to index
        %parallel_loop3A_1177 = arith.index_cast %parallel_loop3A_1174 : i32 to index
        %parallel_loop3A_1178 = arith.index_cast %parallel_loop3A_1057 : i32 to index
        %parallel_loop3A_1179 = tpu.vector_load %arg6[%parallel_loop3A_1175, %parallel_loop3A_1176, %parallel_loop3A_1177, %parallel_loop3A_1178] {strides = array<i32>} : memref<8x4x2x1024xf32, #tpu.memory_space<vmem>>, vector<1x1x1x16xf32>,
        %parallel_loop3A_1180 = vector.shape_cast %parallel_loop3A_1179 : vector<1x1x1x16xf32> to vector<16xf32>
        %parallel_loop3A_1181 = arith.addf %parallel_loop3A_1180, %parallel_loop3A_1151 : vector<16xf32>
        %parallel_loop3A_1182 = arith.constant 4 : i32
        %parallel_loop3A_1183 = arith.constant 1 : i32
        %parallel_loop3A_1184 = arith.constant 1 : i32
        %parallel_loop3A_1185 = arith.index_cast %parallel_loop3A_1182 : i32 to index
        %parallel_loop3A_1186 = arith.index_cast %parallel_loop3A_1183 : i32 to index
        %parallel_loop3A_1187 = arith.index_cast %parallel_loop3A_1184 : i32 to index
        %parallel_loop3A_1188 = arith.index_cast %parallel_loop3A_1057 : i32 to index
        %parallel_loop3A_1189 = tpu.vector_load %arg6[%parallel_loop3A_1185, %parallel_loop3A_1186, %parallel_loop3A_1187, %parallel_loop3A_1188] {strides = array<i32>} : memref<8x4x2x1024xf32, #tpu.memory_space<vmem>>, vector<1x1x1x16xf32>,
        %parallel_loop3A_1190 = vector.shape_cast %parallel_loop3A_1189 : vector<1x1x1x16xf32> to vector<16xf32>
        %parallel_loop3A_1191 = vector.shape_cast %parallel_loop3A_1181 : vector<16xf32> to vector<1x1x1x16xf32>
        tpu.vector_store %arg6[%parallel_loop3A_1185, %parallel_loop3A_1186, %parallel_loop3A_1187, %parallel_loop3A_1188], %parallel_loop3A_1191 {strides = array<i32>} : memref<8x4x2x1024xf32, #tpu.memory_space<vmem>>, vector<1x1x1x16xf32>,
        %parallel_loop3A_1192 = arith.constant 4 : i32
        %parallel_loop3A_1193 = arith.constant 2 : i32
        %parallel_loop3A_1194 = arith.constant 1 : i32
        %parallel_loop3A_1195 = arith.index_cast %parallel_loop3A_1192 : i32 to index
        %parallel_loop3A_1196 = arith.index_cast %parallel_loop3A_1193 : i32 to index
        %parallel_loop3A_1197 = arith.index_cast %parallel_loop3A_1194 : i32 to index
        %parallel_loop3A_1198 = arith.index_cast %parallel_loop3A_1057 : i32 to index
        %parallel_loop3A_1199 = tpu.vector_load %arg6[%parallel_loop3A_1195, %parallel_loop3A_1196, %parallel_loop3A_1197, %parallel_loop3A_1198] {strides = array<i32>} : memref<8x4x2x1024xf32, #tpu.memory_space<vmem>>, vector<1x1x1x16xf32>,
        %parallel_loop3A_1200 = vector.shape_cast %parallel_loop3A_1199 : vector<1x1x1x16xf32> to vector<16xf32>
        %parallel_loop3A_1201 = arith.addf %parallel_loop3A_1200, %parallel_loop3A_1151 : vector<16xf32>
        %parallel_loop3A_1202 = arith.constant 4 : i32
        %parallel_loop3A_1203 = arith.constant 2 : i32
        %parallel_loop3A_1204 = arith.constant 1 : i32
        %parallel_loop3A_1205 = arith.index_cast %parallel_loop3A_1202 : i32 to index
        %parallel_loop3A_1206 = arith.index_cast %parallel_loop3A_1203 : i32 to index
        %parallel_loop3A_1207 = arith.index_cast %parallel_loop3A_1204 : i32 to index
        %parallel_loop3A_1208 = arith.index_cast %parallel_loop3A_1057 : i32 to index
        %parallel_loop3A_1209 = tpu.vector_load %arg6[%parallel_loop3A_1205, %parallel_loop3A_1206, %parallel_loop3A_1207, %parallel_loop3A_1208] {strides = array<i32>} : memref<8x4x2x1024xf32, #tpu.memory_space<vmem>>, vector<1x1x1x16xf32>,
        %parallel_loop3A_1210 = vector.shape_cast %parallel_loop3A_1209 : vector<1x1x1x16xf32> to vector<16xf32>
        %parallel_loop3A_1211 = vector.shape_cast %parallel_loop3A_1201 : vector<16xf32> to vector<1x1x1x16xf32>
        tpu.vector_store %arg6[%parallel_loop3A_1205, %parallel_loop3A_1206, %parallel_loop3A_1207, %parallel_loop3A_1208], %parallel_loop3A_1211 {strides = array<i32>} : memref<8x4x2x1024xf32, #tpu.memory_space<vmem>>, vector<1x1x1x16xf32>,
        %parallel_loop3A_1212 = arith.constant 4 : i32
        %parallel_loop3A_1213 = arith.constant 3 : i32
        %parallel_loop3A_1214 = arith.constant 1 : i32
        %parallel_loop3A_1215 = arith.index_cast %parallel_loop3A_1212 : i32 to index
        %parallel_loop3A_1216 = arith.index_cast %parallel_loop3A_1213 : i32 to index
        %parallel_loop3A_1217 = arith.index_cast %parallel_loop3A_1214 : i32 to index
        %parallel_loop3A_1218 = arith.index_cast %parallel_loop3A_1057 : i32 to index
        %parallel_loop3A_1219 = tpu.vector_load %arg6[%parallel_loop3A_1215, %parallel_loop3A_1216, %parallel_loop3A_1217, %parallel_loop3A_1218] {strides = array<i32>} : memref<8x4x2x1024xf32, #tpu.memory_space<vmem>>, vector<1x1x1x16xf32>,
        %parallel_loop3A_1220 = vector.shape_cast %parallel_loop3A_1219 : vector<1x1x1x16xf32> to vector<16xf32>
        %parallel_loop3A_1221 = arith.addf %parallel_loop3A_1220, %parallel_loop3A_1151 : vector<16xf32>
        %parallel_loop3A_1222 = arith.constant 4 : i32
        %parallel_loop3A_1223 = arith.constant 3 : i32
        %parallel_loop3A_1224 = arith.constant 1 : i32
        %parallel_loop3A_1225 = arith.index_cast %parallel_loop3A_1222 : i32 to index
        %parallel_loop3A_1226 = arith.index_cast %parallel_loop3A_1223 : i32 to index
        %parallel_loop3A_1227 = arith.index_cast %parallel_loop3A_1224 : i32 to index
        %parallel_loop3A_1228 = arith.index_cast %parallel_loop3A_1057 : i32 to index
        %parallel_loop3A_1229 = tpu.vector_load %arg6[%parallel_loop3A_1225, %parallel_loop3A_1226, %parallel_loop3A_1227, %parallel_loop3A_1228] {strides = array<i32>} : memref<8x4x2x1024xf32, #tpu.memory_space<vmem>>, vector<1x1x1x16xf32>,
        %parallel_loop3A_1230 = vector.shape_cast %parallel_loop3A_1229 : vector<1x1x1x16xf32> to vector<16xf32>
        %parallel_loop3A_1231 = vector.shape_cast %parallel_loop3A_1221 : vector<16xf32> to vector<1x1x1x16xf32>
        tpu.vector_store %arg6[%parallel_loop3A_1225, %parallel_loop3A_1226, %parallel_loop3A_1227, %parallel_loop3A_1228], %parallel_loop3A_1231 {strides = array<i32>} : memref<8x4x2x1024xf32, #tpu.memory_space<vmem>>, vector<1x1x1x16xf32>,
      } {sc.loop_unroll_factor = 2 : i64, sc.parallel_access}
      %mul3A_754 = arith.constant 2 : i32
      %mul3A_755 = arith.muli %add3A_688, %mul3A_754 : i32
      %add3A_756 = arith.addi %mul3A_2, %mul3A_755 : i32
      %dma_start3A_757 = arith.constant 4 : i32
      %dma_start3A_758 = arith.constant 4 : i32
      %dma_start3A_759 = arith.constant 0 : i32
      %dma_start3A_760 = arith.constant 0 : i32
      %dma_start3A_761 = arith.constant 0 : i32
      %dma_start3A_762 = tpu.memref_slice %arg6[%dma_start3A_757, %dma_start3A_759, %dma_start3A_760, %dma_start3A_761] : memref<8x4x2x1024xf32, #tpu.memory_space<vmem>> -> memref<1x4x2x1024xf32, #tpu.memory_space<vmem>>
      %dma_start3A_763 = tpu.memref_squeeze %dma_start3A_762 : memref<1x4x2x1024xf32, #tpu.memory_space<vmem>> -> memref<4x2x1024xf32, #tpu.memory_space<vmem>>
      %dma_start3A_764 = arith.constant 0 : i32
      %dma_start3A_765 = arith.constant 0 : i32
      %dma_start3A_766 = tpu.memref_slice %arg4[%dma_start3A_764, %add3A_756, %dma_start3A_765] : memref<4x4096x1024xf32, #tpu.memory_space<hbm>> -> memref<4x2x1024xf32, #tpu.memory_space<hbm>>
      %dma_start3A_767 = tpu.memref_slice %arg8[%dma_start3A_758] : memref<8x!tpu.dma_semaphore, #tpu.memory_space<semaphore_mem>> -> memref<1x!tpu.dma_semaphore, #tpu.memory_space<semaphore_mem>>
      %dma_start3A_768 = tpu.memref_squeeze %dma_start3A_767 : memref<1x!tpu.dma_semaphore, #tpu.memory_space<semaphore_mem>> -> memref<!tpu.dma_semaphore, #tpu.memory_space<semaphore_mem>>
      %dma_start3A_769 = arith.constant 0 : i32
      %dma_start3A_770 = arith.constant 0 : i32
      %dma_start3A_771 = tpu.memref_slice %arg4[%dma_start3A_769, %add3A_756, %dma_start3A_770] : memref<4x4096x1024xf32, #tpu.memory_space<hbm>> -> memref<4x2x1024xf32, #tpu.memory_space<hbm>>
      %dma_start3A_772 = arith.constant 0 : i32
      %dma_start3A_773 = arith.constant 0 : i32
      %dma_start3A_774 = arith.constant 0 : i32
      %dma_start3A_775 = tpu.memref_slice %arg6[%dma_start3A_757, %dma_start3A_772, %dma_start3A_773, %dma_start3A_774] : memref<8x4x2x1024xf32, #tpu.memory_space<vmem>> -> memref<1x4x2x1024xf32, #tpu.memory_space<vmem>>
      %dma_start3A_776 = tpu.memref_squeeze %dma_start3A_775 : memref<1x4x2x1024xf32, #tpu.memory_space<vmem>> -> memref<4x2x1024xf32, #tpu.memory_space<vmem>>
      tpu.enqueue_dma source(%dma_start3A_776 : memref<4x2x1024xf32, #tpu.memory_space<vmem>>) target(%dma_start3A_771 : memref<4x2x1024xf32, #tpu.memory_space<hbm>>) target_semaphore(%dma_start3A_768 : memref<!tpu.dma_semaphore, #tpu.memory_space<semaphore_mem>>)
      %mul3A_777 = arith.constant 8 : i32
      %mul3A_778 = arith.muli %mul3A_777, %scan3A_239 : i32
      %add3A_779 = arith.constant 5 : i32
      %add3A_780 = arith.addi %mul3A_778, %add3A_779 : i32
      %dma_wait3A_781 = arith.constant 1 : i32
      %dma_wait3A_782 = arith.constant 1 : i32
      %dma_wait3A_783 = arith.constant 0 : i32
      %dma_wait3A_784 = arith.constant 0 : i32
      %dma_wait3A_785 = arith.constant 0 : i32
      %dma_wait3A_786 = tpu.memref_slice %arg6[%dma_wait3A_781, %dma_wait3A_783, %dma_wait3A_784, %dma_wait3A_785] : memref<8x4x2x1024xf32, #tpu.memory_space<vmem>> -> memref<1x4x2x1024xf32, #tpu.memory_space<vmem>>
      %dma_wait3A_787 = tpu.memref_squeeze %dma_wait3A_786 : memref<1x4x2x1024xf32, #tpu.memory_space<vmem>> -> memref<4x2x1024xf32, #tpu.memory_space<vmem>>
      %dma_wait3A_788 = arith.constant 0 : i32
      %dma_wait3A_789 = arith.constant 0 : i32
      %dma_wait3A_790 = tpu.memref_slice %arg4[%dma_wait3A_788, %mul3A_2, %dma_wait3A_789] : memref<4x4096x1024xf32, #tpu.memory_space<hbm>> -> memref<4x2x1024xf32, #tpu.memory_space<hbm>>
      %dma_wait3A_791 = tpu.memref_slice %arg8[%dma_wait3A_782] : memref<8x!tpu.dma_semaphore, #tpu.memory_space<semaphore_mem>> -> memref<1x!tpu.dma_semaphore, #tpu.memory_space<semaphore_mem>>
      %dma_wait3A_792 = tpu.memref_squeeze %dma_wait3A_791 : memref<1x!tpu.dma_semaphore, #tpu.memory_space<semaphore_mem>> -> memref<!tpu.dma_semaphore, #tpu.memory_space<semaphore_mem>>
      %dma_wait3A_793 = arith.constant 0 : i32
      %dma_wait3A_794 = arith.constant 0 : i32
      %dma_wait3A_795 = tpu.memref_slice %arg4[%dma_wait3A_793, %mul3A_2, %dma_wait3A_794] : memref<4x4096x1024xf32, #tpu.memory_space<hbm>> -> memref<4x2x1024xf32, #tpu.memory_space<hbm>>
      %dma_wait3A_796 = arith.constant 0 : i32
      %dma_wait3A_797 = arith.constant 0 : i32
      %dma_wait3A_798 = arith.constant 0 : i32
      %dma_wait3A_799 = tpu.memref_slice %arg6[%dma_wait3A_781, %dma_wait3A_796, %dma_wait3A_797, %dma_wait3A_798] : memref<8x4x2x1024xf32, #tpu.memory_space<vmem>> -> memref<1x4x2x1024xf32, #tpu.memory_space<vmem>>
      %dma_wait3A_800 = tpu.memref_squeeze %dma_wait3A_799 : memref<1x4x2x1024xf32, #tpu.memory_space<vmem>> -> memref<4x2x1024xf32, #tpu.memory_space<vmem>>
      tpu.wait_dma2 semaphore(%dma_wait3A_792 : memref<!tpu.dma_semaphore, #tpu.memory_space<semaphore_mem>>) src(%dma_wait3A_800 : memref<4x2x1024xf32, #tpu.memory_space<vmem>>) dst(%dma_wait3A_795 : memref<4x2x1024xf32, #tpu.memory_space<hbm>>)
      %add3A_801 = arith.constant 1 : i32
      %add3A_802 = arith.addi %scan3A_239, %add3A_801 : i32
      %lt3A_803 = arith.constant 8 : i32
      %lt3A_804 = arith.cmpi slt, %add3A_802, %lt3A_803 : i32
      %convert_element_type3A_805 = arith.extui %lt3A_804 : i1 to i32
      %cond3A_806 = arith.constant 0 : i32
      %cond3A_807 = arith.cmpi ne, %convert_element_type3A_805, %cond3A_806 : i32
      scf.if %cond3A_807 {
        %add3A_1057 = arith.constant 4 : i32
        %add3A_1058 = arith.addi %add3A_780, %add3A_1057 : i32
        %mul3A_1059 = arith.constant 2 : i32
        %mul3A_1060 = arith.muli %add3A_1058, %mul3A_1059 : i32
        %add3A_1061 = arith.addi %mul3A_2, %mul3A_1060 : i32
        %dma_start3A_1062 = arith.constant 1 : i32
        %dma_start3A_1063 = arith.constant 1 : i32
        %dma_start3A_1064 = arith.constant 0 : i32
        %dma_start3A_1065 = arith.constant 0 : i32
        %dma_start3A_1066 = tpu.memref_slice %arg5[%dma_start3A_1062, %dma_start3A_1064, %dma_start3A_1065] : memref<8x2x1024xf32, #tpu.memory_space<vmem>> -> memref<1x2x1024xf32, #tpu.memory_space<vmem>>
        %dma_start3A_1067 = tpu.memref_squeeze %dma_start3A_1066 : memref<1x2x1024xf32, #tpu.memory_space<vmem>> -> memref<2x1024xf32, #tpu.memory_space<vmem>>
        %dma_start3A_1068 = arith.constant 0 : i32
        %dma_start3A_1069 = tpu.memref_slice %arg3[%add3A_1061, %dma_start3A_1068] : memref<8192x1024xf32, #tpu.memory_space<hbm>> -> memref<2x1024xf32, #tpu.memory_space<hbm>>
        %dma_start3A_1070 = tpu.memref_slice %arg7[%dma_start3A_1063] : memref<8x!tpu.dma_semaphore, #tpu.memory_space<semaphore_mem>> -> memref<1x!tpu.dma_semaphore, #tpu.memory_space<semaphore_mem>>
        %dma_start3A_1071 = tpu.memref_squeeze %dma_start3A_1070 : memref<1x!tpu.dma_semaphore, #tpu.memory_space<semaphore_mem>> -> memref<!tpu.dma_semaphore, #tpu.memory_space<semaphore_mem>>
        %dma_start3A_1072 = arith.constant 0 : i32
        %dma_start3A_1073 = arith.constant 0 : i32
        %dma_start3A_1074 = tpu.memref_slice %arg5[%dma_start3A_1062, %dma_start3A_1072, %dma_start3A_1073] : memref<8x2x1024xf32, #tpu.memory_space<vmem>> -> memref<1x2x1024xf32, #tpu.memory_space<vmem>>
        %dma_start3A_1075 = tpu.memref_squeeze %dma_start3A_1074 : memref<1x2x1024xf32, #tpu.memory_space<vmem>> -> memref<2x1024xf32, #tpu.memory_space<vmem>>
        %dma_start3A_1076 = arith.constant 0 : i32
        %dma_start3A_1077 = tpu.memref_slice %arg3[%add3A_1061, %dma_start3A_1076] : memref<8192x1024xf32, #tpu.memory_space<hbm>> -> memref<2x1024xf32, #tpu.memory_space<hbm>>
        tpu.enqueue_dma source(%dma_start3A_1077 : memref<2x1024xf32, #tpu.memory_space<hbm>>) target(%dma_start3A_1075 : memref<2x1024xf32, #tpu.memory_space<vmem>>) target_semaphore(%dma_start3A_1071 : memref<!tpu.dma_semaphore, #tpu.memory_space<semaphore_mem>>)
        %dma_start3A_1078 = arith.constant 1 : i32
        %dma_start3A_1079 = arith.constant 1 : i32
        %dma_start3A_1080 = arith.constant 0 : i32
        %dma_start3A_1081 = arith.constant 0 : i32
        %dma_start3A_1082 = arith.constant 0 : i32
        %dma_start3A_1083 = tpu.memref_slice %arg6[%dma_start3A_1078, %dma_start3A_1080, %dma_start3A_1081, %dma_start3A_1082] : memref<8x4x2x1024xf32, #tpu.memory_space<vmem>> -> memref<1x4x2x1024xf32, #tpu.memory_space<vmem>>
        %dma_start3A_1084 = tpu.memref_squeeze %dma_start3A_1083 : memref<1x4x2x1024xf32, #tpu.memory_space<vmem>> -> memref<4x2x1024xf32, #tpu.memory_space<vmem>>
        %dma_start3A_1085 = arith.constant 0 : i32
        %dma_start3A_1086 = arith.constant 0 : i32
        %dma_start3A_1087 = tpu.memref_slice %arg2[%dma_start3A_1085, %add3A_1061, %dma_start3A_1086] : memref<4x4096x1024xf32, #tpu.memory_space<hbm>> -> memref<4x2x1024xf32, #tpu.memory_space<hbm>>
        %dma_start3A_1088 = tpu.memref_slice %arg7[%dma_start3A_1079] : memref<8x!tpu.dma_semaphore, #tpu.memory_space<semaphore_mem>> -> memref<1x!tpu.dma_semaphore, #tpu.memory_space<semaphore_mem>>
        %dma_start3A_1089 = tpu.memref_squeeze %dma_start3A_1088 : memref<1x!tpu.dma_semaphore, #tpu.memory_space<semaphore_mem>> -> memref<!tpu.dma_semaphore, #tpu.memory_space<semaphore_mem>>
        %dma_start3A_1090 = arith.constant 0 : i32
        %dma_start3A_1091 = arith.constant 0 : i32
        %dma_start3A_1092 = arith.constant 0 : i32
        %dma_start3A_1093 = tpu.memref_slice %arg6[%dma_start3A_1078, %dma_start3A_1090, %dma_start3A_1091, %dma_start3A_1092] : memref<8x4x2x1024xf32, #tpu.memory_space<vmem>> -> memref<1x4x2x1024xf32, #tpu.memory_space<vmem>>
        %dma_start3A_1094 = tpu.memref_squeeze %dma_start3A_1093 : memref<1x4x2x1024xf32, #tpu.memory_space<vmem>> -> memref<4x2x1024xf32, #tpu.memory_space<vmem>>
        %dma_start3A_1095 = arith.constant 0 : i32
        %dma_start3A_1096 = arith.constant 0 : i32
        %dma_start3A_1097 = tpu.memref_slice %arg2[%dma_start3A_1095, %add3A_1061, %dma_start3A_1096] : memref<4x4096x1024xf32, #tpu.memory_space<hbm>> -> memref<4x2x1024xf32, #tpu.memory_space<hbm>>
        tpu.enqueue_dma source(%dma_start3A_1097 : memref<4x2x1024xf32, #tpu.memory_space<hbm>>) target(%dma_start3A_1094 : memref<4x2x1024xf32, #tpu.memory_space<vmem>>) target_semaphore(%dma_start3A_1089 : memref<!tpu.dma_semaphore, #tpu.memory_space<semaphore_mem>>)
      } else {
      }
      %dma_wait3A_808 = arith.constant 5 : i32
      %dma_wait3A_809 = arith.constant 5 : i32
      %dma_wait3A_810 = arith.constant 0 : i32
      %dma_wait3A_811 = arith.constant 0 : i32
      %dma_wait3A_812 = tpu.memref_slice %arg5[%dma_wait3A_808, %dma_wait3A_810, %dma_wait3A_811] : memref<8x2x1024xf32, #tpu.memory_space<vmem>> -> memref<1x2x1024xf32, #tpu.memory_space<vmem>>
      %dma_wait3A_813 = tpu.memref_squeeze %dma_wait3A_812 : memref<1x2x1024xf32, #tpu.memory_space<vmem>> -> memref<2x1024xf32, #tpu.memory_space<vmem>>
      %dma_wait3A_814 = arith.constant 0 : i32
      %dma_wait3A_815 = tpu.memref_slice %arg3[%mul3A_2, %dma_wait3A_814] : memref<8192x1024xf32, #tpu.memory_space<hbm>> -> memref<2x1024xf32, #tpu.memory_space<hbm>>
      %dma_wait3A_816 = tpu.memref_slice %arg7[%dma_wait3A_809] : memref<8x!tpu.dma_semaphore, #tpu.memory_space<semaphore_mem>> -> memref<1x!tpu.dma_semaphore, #tpu.memory_space<semaphore_mem>>
      %dma_wait3A_817 = tpu.memref_squeeze %dma_wait3A_816 : memref<1x!tpu.dma_semaphore, #tpu.memory_space<semaphore_mem>> -> memref<!tpu.dma_semaphore, #tpu.memory_space<semaphore_mem>>
      %dma_wait3A_818 = arith.constant 0 : i32
      %dma_wait3A_819 = arith.constant 0 : i32
      %dma_wait3A_820 = tpu.memref_slice %arg5[%dma_wait3A_808, %dma_wait3A_818, %dma_wait3A_819] : memref<8x2x1024xf32, #tpu.memory_space<vmem>> -> memref<1x2x1024xf32, #tpu.memory_space<vmem>>
      %dma_wait3A_821 = tpu.memref_squeeze %dma_wait3A_820 : memref<1x2x1024xf32, #tpu.memory_space<vmem>> -> memref<2x1024xf32, #tpu.memory_space<vmem>>
      %dma_wait3A_822 = arith.constant 0 : i32
      %dma_wait3A_823 = tpu.memref_slice %arg3[%mul3A_2, %dma_wait3A_822] : memref<8192x1024xf32, #tpu.memory_space<hbm>> -> memref<2x1024xf32, #tpu.memory_space<hbm>>
      tpu.wait_dma2 semaphore(%dma_wait3A_817 : memref<!tpu.dma_semaphore, #tpu.memory_space<semaphore_mem>>) src(%dma_wait3A_823 : memref<2x1024xf32, #tpu.memory_space<hbm>>) dst(%dma_wait3A_821 : memref<2x1024xf32, #tpu.memory_space<vmem>>)
      %dma_wait3A_824 = arith.constant 5 : i32
      %dma_wait3A_825 = arith.constant 5 : i32
      %dma_wait3A_826 = arith.constant 0 : i32
      %dma_wait3A_827 = arith.constant 0 : i32
      %dma_wait3A_828 = arith.constant 0 : i32
      %dma_wait3A_829 = tpu.memref_slice %arg6[%dma_wait3A_824, %dma_wait3A_826, %dma_wait3A_827, %dma_wait3A_828] : memref<8x4x2x1024xf32, #tpu.memory_space<vmem>> -> memref<1x4x2x1024xf32, #tpu.memory_space<vmem>>
      %dma_wait3A_830 = tpu.memref_squeeze %dma_wait3A_829 : memref<1x4x2x1024xf32, #tpu.memory_space<vmem>> -> memref<4x2x1024xf32, #tpu.memory_space<vmem>>
      %dma_wait3A_831 = arith.constant 0 : i32
      %dma_wait3A_832 = arith.constant 0 : i32
      %dma_wait3A_833 = tpu.memref_slice %arg2[%dma_wait3A_831, %mul3A_2, %dma_wait3A_832] : memref<4x4096x1024xf32, #tpu.memory_space<hbm>> -> memref<4x2x1024xf32, #tpu.memory_space<hbm>>
      %dma_wait3A_834 = tpu.memref_slice %arg7[%dma_wait3A_825] : memref<8x!tpu.dma_semaphore, #tpu.memory_space<semaphore_mem>> -> memref<1x!tpu.dma_semaphore, #tpu.memory_space<semaphore_mem>>
      %dma_wait3A_835 = tpu.memref_squeeze %dma_wait3A_834 : memref<1x!tpu.dma_semaphore, #tpu.memory_space<semaphore_mem>> -> memref<!tpu.dma_semaphore, #tpu.memory_space<semaphore_mem>>
      %dma_wait3A_836 = arith.constant 0 : i32
      %dma_wait3A_837 = arith.constant 0 : i32
      %dma_wait3A_838 = arith.constant 0 : i32
      %dma_wait3A_839 = tpu.memref_slice %arg6[%dma_wait3A_824, %dma_wait3A_836, %dma_wait3A_837, %dma_wait3A_838] : memref<8x4x2x1024xf32, #tpu.memory_space<vmem>> -> memref<1x4x2x1024xf32, #tpu.memory_space<vmem>>
      %dma_wait3A_840 = tpu.memref_squeeze %dma_wait3A_839 : memref<1x4x2x1024xf32, #tpu.memory_space<vmem>> -> memref<4x2x1024xf32, #tpu.memory_space<vmem>>
      %dma_wait3A_841 = arith.constant 0 : i32
      %dma_wait3A_842 = arith.constant 0 : i32
      %dma_wait3A_843 = tpu.memref_slice %arg2[%dma_wait3A_841, %mul3A_2, %dma_wait3A_842] : memref<4x4096x1024xf32, #tpu.memory_space<hbm>> -> memref<4x2x1024xf32, #tpu.memory_space<hbm>>
      tpu.wait_dma2 semaphore(%dma_wait3A_835 : memref<!tpu.dma_semaphore, #tpu.memory_space<semaphore_mem>>) src(%dma_wait3A_843 : memref<4x2x1024xf32, #tpu.memory_space<hbm>>) dst(%dma_wait3A_840 : memref<4x2x1024xf32, #tpu.memory_space<vmem>>)
      %parallel_loop3A_844 = arith.constant 0 : i32
      %parallel_loop3A_845 = arith.constant 1024 : i32
      %parallel_loop3A_846 = arith.constant 16 : i32
      scf.for %parallel_loop3A_1057 = %parallel_loop3A_844 to %parallel_loop3A_845 step %parallel_loop3A_846  : i32 {
        %parallel_loop3A_1058 = arith.constant 5 : i32
        %parallel_loop3A_1059 = arith.constant 0 : i32
        %parallel_loop3A_1060 = arith.index_cast %parallel_loop3A_1058 : i32 to index
        %parallel_loop3A_1061 = arith.index_cast %parallel_loop3A_1059 : i32 to index
        %parallel_loop3A_1062 = arith.index_cast %parallel_loop3A_1057 : i32 to index
        %parallel_loop3A_1063 = tpu.vector_load %arg5[%parallel_loop3A_1060, %parallel_loop3A_1061, %parallel_loop3A_1062] {strides = array<i32>} : memref<8x2x1024xf32, #tpu.memory_space<vmem>>, vector<1x1x16xf32>,
        %parallel_loop3A_1064 = vector.shape_cast %parallel_loop3A_1063 : vector<1x1x16xf32> to vector<16xf32>
        %parallel_loop3A_1065 = arith.constant 5 : i32
        %parallel_loop3A_1066 = arith.constant 0 : i32
        %parallel_loop3A_1067 = arith.constant 0 : i32
        %parallel_loop3A_1068 = arith.index_cast %parallel_loop3A_1065 : i32 to index
        %parallel_loop3A_1069 = arith.index_cast %parallel_loop3A_1066 : i32 to index
        %parallel_loop3A_1070 = arith.index_cast %parallel_loop3A_1067 : i32 to index
        %parallel_loop3A_1071 = arith.index_cast %parallel_loop3A_1057 : i32 to index
        %parallel_loop3A_1072 = tpu.vector_load %arg6[%parallel_loop3A_1068, %parallel_loop3A_1069, %parallel_loop3A_1070, %parallel_loop3A_1071] {strides = array<i32>} : memref<8x4x2x1024xf32, #tpu.memory_space<vmem>>, vector<1x1x1x16xf32>,
        %parallel_loop3A_1073 = vector.shape_cast %parallel_loop3A_1072 : vector<1x1x1x16xf32> to vector<16xf32>
        %parallel_loop3A_1074 = arith.addf %parallel_loop3A_1073, %parallel_loop3A_1064 : vector<16xf32>
        %parallel_loop3A_1075 = arith.constant 5 : i32
        %parallel_loop3A_1076 = arith.constant 0 : i32
        %parallel_loop3A_1077 = arith.constant 0 : i32
        %parallel_loop3A_1078 = arith.index_cast %parallel_loop3A_1075 : i32 to index
        %parallel_loop3A_1079 = arith.index_cast %parallel_loop3A_1076 : i32 to index
        %parallel_loop3A_1080 = arith.index_cast %parallel_loop3A_1077 : i32 to index
        %parallel_loop3A_1081 = arith.index_cast %parallel_loop3A_1057 : i32 to index
        %parallel_loop3A_1082 = tpu.vector_load %arg6[%parallel_loop3A_1078, %parallel_loop3A_1079, %parallel_loop3A_1080, %parallel_loop3A_1081] {strides = array<i32>} : memref<8x4x2x1024xf32, #tpu.memory_space<vmem>>, vector<1x1x1x16xf32>,
        %parallel_loop3A_1083 = vector.shape_cast %parallel_loop3A_1082 : vector<1x1x1x16xf32> to vector<16xf32>
        %parallel_loop3A_1084 = vector.shape_cast %parallel_loop3A_1074 : vector<16xf32> to vector<1x1x1x16xf32>
        tpu.vector_store %arg6[%parallel_loop3A_1078, %parallel_loop3A_1079, %parallel_loop3A_1080, %parallel_loop3A_1081], %parallel_loop3A_1084 {strides = array<i32>} : memref<8x4x2x1024xf32, #tpu.memory_space<vmem>>, vector<1x1x1x16xf32>,
        %parallel_loop3A_1085 = arith.constant 5 : i32
        %parallel_loop3A_1086 = arith.constant 1 : i32
        %parallel_loop3A_1087 = arith.constant 0 : i32
        %parallel_loop3A_1088 = arith.index_cast %parallel_loop3A_1085 : i32 to index
        %parallel_loop3A_1089 = arith.index_cast %parallel_loop3A_1086 : i32 to index
        %parallel_loop3A_1090 = arith.index_cast %parallel_loop3A_1087 : i32 to index
        %parallel_loop3A_1091 = arith.index_cast %parallel_loop3A_1057 : i32 to index
        %parallel_loop3A_1092 = tpu.vector_load %arg6[%parallel_loop3A_1088, %parallel_loop3A_1089, %parallel_loop3A_1090, %parallel_loop3A_1091] {strides = array<i32>} : memref<8x4x2x1024xf32, #tpu.memory_space<vmem>>, vector<1x1x1x16xf32>,
        %parallel_loop3A_1093 = vector.shape_cast %parallel_loop3A_1092 : vector<1x1x1x16xf32> to vector<16xf32>
        %parallel_loop3A_1094 = arith.addf %parallel_loop3A_1093, %parallel_loop3A_1064 : vector<16xf32>
        %parallel_loop3A_1095 = arith.constant 5 : i32
        %parallel_loop3A_1096 = arith.constant 1 : i32
        %parallel_loop3A_1097 = arith.constant 0 : i32
        %parallel_loop3A_1098 = arith.index_cast %parallel_loop3A_1095 : i32 to index
        %parallel_loop3A_1099 = arith.index_cast %parallel_loop3A_1096 : i32 to index
        %parallel_loop3A_1100 = arith.index_cast %parallel_loop3A_1097 : i32 to index
        %parallel_loop3A_1101 = arith.index_cast %parallel_loop3A_1057 : i32 to index
        %parallel_loop3A_1102 = tpu.vector_load %arg6[%parallel_loop3A_1098, %parallel_loop3A_1099, %parallel_loop3A_1100, %parallel_loop3A_1101] {strides = array<i32>} : memref<8x4x2x1024xf32, #tpu.memory_space<vmem>>, vector<1x1x1x16xf32>,
        %parallel_loop3A_1103 = vector.shape_cast %parallel_loop3A_1102 : vector<1x1x1x16xf32> to vector<16xf32>
        %parallel_loop3A_1104 = vector.shape_cast %parallel_loop3A_1094 : vector<16xf32> to vector<1x1x1x16xf32>
        tpu.vector_store %arg6[%parallel_loop3A_1098, %parallel_loop3A_1099, %parallel_loop3A_1100, %parallel_loop3A_1101], %parallel_loop3A_1104 {strides = array<i32>} : memref<8x4x2x1024xf32, #tpu.memory_space<vmem>>, vector<1x1x1x16xf32>,
        %parallel_loop3A_1105 = arith.constant 5 : i32
        %parallel_loop3A_1106 = arith.constant 2 : i32
        %parallel_loop3A_1107 = arith.constant 0 : i32
        %parallel_loop3A_1108 = arith.index_cast %parallel_loop3A_1105 : i32 to index
        %parallel_loop3A_1109 = arith.index_cast %parallel_loop3A_1106 : i32 to index
        %parallel_loop3A_1110 = arith.index_cast %parallel_loop3A_1107 : i32 to index
        %parallel_loop3A_1111 = arith.index_cast %parallel_loop3A_1057 : i32 to index
        %parallel_loop3A_1112 = tpu.vector_load %arg6[%parallel_loop3A_1108, %parallel_loop3A_1109, %parallel_loop3A_1110, %parallel_loop3A_1111] {strides = array<i32>} : memref<8x4x2x1024xf32, #tpu.memory_space<vmem>>, vector<1x1x1x16xf32>,
        %parallel_loop3A_1113 = vector.shape_cast %parallel_loop3A_1112 : vector<1x1x1x16xf32> to vector<16xf32>
        %parallel_loop3A_1114 = arith.addf %parallel_loop3A_1113, %parallel_loop3A_1064 : vector<16xf32>
        %parallel_loop3A_1115 = arith.constant 5 : i32
        %parallel_loop3A_1116 = arith.constant 2 : i32
        %parallel_loop3A_1117 = arith.constant 0 : i32
        %parallel_loop3A_1118 = arith.index_cast %parallel_loop3A_1115 : i32 to index
        %parallel_loop3A_1119 = arith.index_cast %parallel_loop3A_1116 : i32 to index
        %parallel_loop3A_1120 = arith.index_cast %parallel_loop3A_1117 : i32 to index
        %parallel_loop3A_1121 = arith.index_cast %parallel_loop3A_1057 : i32 to index
        %parallel_loop3A_1122 = tpu.vector_load %arg6[%parallel_loop3A_1118, %parallel_loop3A_1119, %parallel_loop3A_1120, %parallel_loop3A_1121] {strides = array<i32>} : memref<8x4x2x1024xf32, #tpu.memory_space<vmem>>, vector<1x1x1x16xf32>,
        %parallel_loop3A_1123 = vector.shape_cast %parallel_loop3A_1122 : vector<1x1x1x16xf32> to vector<16xf32>
        %parallel_loop3A_1124 = vector.shape_cast %parallel_loop3A_1114 : vector<16xf32> to vector<1x1x1x16xf32>
        tpu.vector_store %arg6[%parallel_loop3A_1118, %parallel_loop3A_1119, %parallel_loop3A_1120, %parallel_loop3A_1121], %parallel_loop3A_1124 {strides = array<i32>} : memref<8x4x2x1024xf32, #tpu.memory_space<vmem>>, vector<1x1x1x16xf32>,
        %parallel_loop3A_1125 = arith.constant 5 : i32
        %parallel_loop3A_1126 = arith.constant 3 : i32
        %parallel_loop3A_1127 = arith.constant 0 : i32
        %parallel_loop3A_1128 = arith.index_cast %parallel_loop3A_1125 : i32 to index
        %parallel_loop3A_1129 = arith.index_cast %parallel_loop3A_1126 : i32 to index
        %parallel_loop3A_1130 = arith.index_cast %parallel_loop3A_1127 : i32 to index
        %parallel_loop3A_1131 = arith.index_cast %parallel_loop3A_1057 : i32 to index
        %parallel_loop3A_1132 = tpu.vector_load %arg6[%parallel_loop3A_1128, %parallel_loop3A_1129, %parallel_loop3A_1130, %parallel_loop3A_1131] {strides = array<i32>} : memref<8x4x2x1024xf32, #tpu.memory_space<vmem>>, vector<1x1x1x16xf32>,
        %parallel_loop3A_1133 = vector.shape_cast %parallel_loop3A_1132 : vector<1x1x1x16xf32> to vector<16xf32>
        %parallel_loop3A_1134 = arith.addf %parallel_loop3A_1133, %parallel_loop3A_1064 : vector<16xf32>
        %parallel_loop3A_1135 = arith.constant 5 : i32
        %parallel_loop3A_1136 = arith.constant 3 : i32
        %parallel_loop3A_1137 = arith.constant 0 : i32
        %parallel_loop3A_1138 = arith.index_cast %parallel_loop3A_1135 : i32 to index
        %parallel_loop3A_1139 = arith.index_cast %parallel_loop3A_1136 : i32 to index
        %parallel_loop3A_1140 = arith.index_cast %parallel_loop3A_1137 : i32 to index
        %parallel_loop3A_1141 = arith.index_cast %parallel_loop3A_1057 : i32 to index
        %parallel_loop3A_1142 = tpu.vector_load %arg6[%parallel_loop3A_1138, %parallel_loop3A_1139, %parallel_loop3A_1140, %parallel_loop3A_1141] {strides = array<i32>} : memref<8x4x2x1024xf32, #tpu.memory_space<vmem>>, vector<1x1x1x16xf32>,
        %parallel_loop3A_1143 = vector.shape_cast %parallel_loop3A_1142 : vector<1x1x1x16xf32> to vector<16xf32>
        %parallel_loop3A_1144 = vector.shape_cast %parallel_loop3A_1134 : vector<16xf32> to vector<1x1x1x16xf32>
        tpu.vector_store %arg6[%parallel_loop3A_1138, %parallel_loop3A_1139, %parallel_loop3A_1140, %parallel_loop3A_1141], %parallel_loop3A_1144 {strides = array<i32>} : memref<8x4x2x1024xf32, #tpu.memory_space<vmem>>, vector<1x1x1x16xf32>,
        %parallel_loop3A_1145 = arith.constant 5 : i32
        %parallel_loop3A_1146 = arith.constant 1 : i32
        %parallel_loop3A_1147 = arith.index_cast %parallel_loop3A_1145 : i32 to index
        %parallel_loop3A_1148 = arith.index_cast %parallel_loop3A_1146 : i32 to index
        %parallel_loop3A_1149 = arith.index_cast %parallel_loop3A_1057 : i32 to index
        %parallel_loop3A_1150 = tpu.vector_load %arg5[%parallel_loop3A_1147, %parallel_loop3A_1148, %parallel_loop3A_1149] {strides = array<i32>} : memref<8x2x1024xf32, #tpu.memory_space<vmem>>, vector<1x1x16xf32>,
        %parallel_loop3A_1151 = vector.shape_cast %parallel_loop3A_1150 : vector<1x1x16xf32> to vector<16xf32>
        %parallel_loop3A_1152 = arith.constant 5 : i32
        %parallel_loop3A_1153 = arith.constant 0 : i32
        %parallel_loop3A_1154 = arith.constant 1 : i32
        %parallel_loop3A_1155 = arith.index_cast %parallel_loop3A_1152 : i32 to index
        %parallel_loop3A_1156 = arith.index_cast %parallel_loop3A_1153 : i32 to index
        %parallel_loop3A_1157 = arith.index_cast %parallel_loop3A_1154 : i32 to index
        %parallel_loop3A_1158 = arith.index_cast %parallel_loop3A_1057 : i32 to index
        %parallel_loop3A_1159 = tpu.vector_load %arg6[%parallel_loop3A_1155, %parallel_loop3A_1156, %parallel_loop3A_1157, %parallel_loop3A_1158] {strides = array<i32>} : memref<8x4x2x1024xf32, #tpu.memory_space<vmem>>, vector<1x1x1x16xf32>,
        %parallel_loop3A_1160 = vector.shape_cast %parallel_loop3A_1159 : vector<1x1x1x16xf32> to vector<16xf32>
        %parallel_loop3A_1161 = arith.addf %parallel_loop3A_1160, %parallel_loop3A_1151 : vector<16xf32>
        %parallel_loop3A_1162 = arith.constant 5 : i32
        %parallel_loop3A_1163 = arith.constant 0 : i32
        %parallel_loop3A_1164 = arith.constant 1 : i32
        %parallel_loop3A_1165 = arith.index_cast %parallel_loop3A_1162 : i32 to index
        %parallel_loop3A_1166 = arith.index_cast %parallel_loop3A_1163 : i32 to index
        %parallel_loop3A_1167 = arith.index_cast %parallel_loop3A_1164 : i32 to index
        %parallel_loop3A_1168 = arith.index_cast %parallel_loop3A_1057 : i32 to index
        %parallel_loop3A_1169 = tpu.vector_load %arg6[%parallel_loop3A_1165, %parallel_loop3A_1166, %parallel_loop3A_1167, %parallel_loop3A_1168] {strides = array<i32>} : memref<8x4x2x1024xf32, #tpu.memory_space<vmem>>, vector<1x1x1x16xf32>,
        %parallel_loop3A_1170 = vector.shape_cast %parallel_loop3A_1169 : vector<1x1x1x16xf32> to vector<16xf32>
        %parallel_loop3A_1171 = vector.shape_cast %parallel_loop3A_1161 : vector<16xf32> to vector<1x1x1x16xf32>
        tpu.vector_store %arg6[%parallel_loop3A_1165, %parallel_loop3A_1166, %parallel_loop3A_1167, %parallel_loop3A_1168], %parallel_loop3A_1171 {strides = array<i32>} : memref<8x4x2x1024xf32, #tpu.memory_space<vmem>>, vector<1x1x1x16xf32>,
        %parallel_loop3A_1172 = arith.constant 5 : i32
        %parallel_loop3A_1173 = arith.constant 1 : i32
        %parallel_loop3A_1174 = arith.constant 1 : i32
        %parallel_loop3A_1175 = arith.index_cast %parallel_loop3A_1172 : i32 to index
        %parallel_loop3A_1176 = arith.index_cast %parallel_loop3A_1173 : i32 to index
        %parallel_loop3A_1177 = arith.index_cast %parallel_loop3A_1174 : i32 to index
        %parallel_loop3A_1178 = arith.index_cast %parallel_loop3A_1057 : i32 to index
        %parallel_loop3A_1179 = tpu.vector_load %arg6[%parallel_loop3A_1175, %parallel_loop3A_1176, %parallel_loop3A_1177, %parallel_loop3A_1178] {strides = array<i32>} : memref<8x4x2x1024xf32, #tpu.memory_space<vmem>>, vector<1x1x1x16xf32>,
        %parallel_loop3A_1180 = vector.shape_cast %parallel_loop3A_1179 : vector<1x1x1x16xf32> to vector<16xf32>
        %parallel_loop3A_1181 = arith.addf %parallel_loop3A_1180, %parallel_loop3A_1151 : vector<16xf32>
        %parallel_loop3A_1182 = arith.constant 5 : i32
        %parallel_loop3A_1183 = arith.constant 1 : i32
        %parallel_loop3A_1184 = arith.constant 1 : i32
        %parallel_loop3A_1185 = arith.index_cast %parallel_loop3A_1182 : i32 to index
        %parallel_loop3A_1186 = arith.index_cast %parallel_loop3A_1183 : i32 to index
        %parallel_loop3A_1187 = arith.index_cast %parallel_loop3A_1184 : i32 to index
        %parallel_loop3A_1188 = arith.index_cast %parallel_loop3A_1057 : i32 to index
        %parallel_loop3A_1189 = tpu.vector_load %arg6[%parallel_loop3A_1185, %parallel_loop3A_1186, %parallel_loop3A_1187, %parallel_loop3A_1188] {strides = array<i32>} : memref<8x4x2x1024xf32, #tpu.memory_space<vmem>>, vector<1x1x1x16xf32>,
        %parallel_loop3A_1190 = vector.shape_cast %parallel_loop3A_1189 : vector<1x1x1x16xf32> to vector<16xf32>
        %parallel_loop3A_1191 = vector.shape_cast %parallel_loop3A_1181 : vector<16xf32> to vector<1x1x1x16xf32>
        tpu.vector_store %arg6[%parallel_loop3A_1185, %parallel_loop3A_1186, %parallel_loop3A_1187, %parallel_loop3A_1188], %parallel_loop3A_1191 {strides = array<i32>} : memref<8x4x2x1024xf32, #tpu.memory_space<vmem>>, vector<1x1x1x16xf32>,
        %parallel_loop3A_1192 = arith.constant 5 : i32
        %parallel_loop3A_1193 = arith.constant 2 : i32
        %parallel_loop3A_1194 = arith.constant 1 : i32
        %parallel_loop3A_1195 = arith.index_cast %parallel_loop3A_1192 : i32 to index
        %parallel_loop3A_1196 = arith.index_cast %parallel_loop3A_1193 : i32 to index
        %parallel_loop3A_1197 = arith.index_cast %parallel_loop3A_1194 : i32 to index
        %parallel_loop3A_1198 = arith.index_cast %parallel_loop3A_1057 : i32 to index
        %parallel_loop3A_1199 = tpu.vector_load %arg6[%parallel_loop3A_1195, %parallel_loop3A_1196, %parallel_loop3A_1197, %parallel_loop3A_1198] {strides = array<i32>} : memref<8x4x2x1024xf32, #tpu.memory_space<vmem>>, vector<1x1x1x16xf32>,
        %parallel_loop3A_1200 = vector.shape_cast %parallel_loop3A_1199 : vector<1x1x1x16xf32> to vector<16xf32>
        %parallel_loop3A_1201 = arith.addf %parallel_loop3A_1200, %parallel_loop3A_1151 : vector<16xf32>
        %parallel_loop3A_1202 = arith.constant 5 : i32
        %parallel_loop3A_1203 = arith.constant 2 : i32
        %parallel_loop3A_1204 = arith.constant 1 : i32
        %parallel_loop3A_1205 = arith.index_cast %parallel_loop3A_1202 : i32 to index
        %parallel_loop3A_1206 = arith.index_cast %parallel_loop3A_1203 : i32 to index
        %parallel_loop3A_1207 = arith.index_cast %parallel_loop3A_1204 : i32 to index
        %parallel_loop3A_1208 = arith.index_cast %parallel_loop3A_1057 : i32 to index
        %parallel_loop3A_1209 = tpu.vector_load %arg6[%parallel_loop3A_1205, %parallel_loop3A_1206, %parallel_loop3A_1207, %parallel_loop3A_1208] {strides = array<i32>} : memref<8x4x2x1024xf32, #tpu.memory_space<vmem>>, vector<1x1x1x16xf32>,
        %parallel_loop3A_1210 = vector.shape_cast %parallel_loop3A_1209 : vector<1x1x1x16xf32> to vector<16xf32>
        %parallel_loop3A_1211 = vector.shape_cast %parallel_loop3A_1201 : vector<16xf32> to vector<1x1x1x16xf32>
        tpu.vector_store %arg6[%parallel_loop3A_1205, %parallel_loop3A_1206, %parallel_loop3A_1207, %parallel_loop3A_1208], %parallel_loop3A_1211 {strides = array<i32>} : memref<8x4x2x1024xf32, #tpu.memory_space<vmem>>, vector<1x1x1x16xf32>,
        %parallel_loop3A_1212 = arith.constant 5 : i32
        %parallel_loop3A_1213 = arith.constant 3 : i32
        %parallel_loop3A_1214 = arith.constant 1 : i32
        %parallel_loop3A_1215 = arith.index_cast %parallel_loop3A_1212 : i32 to index
        %parallel_loop3A_1216 = arith.index_cast %parallel_loop3A_1213 : i32 to index
        %parallel_loop3A_1217 = arith.index_cast %parallel_loop3A_1214 : i32 to index
        %parallel_loop3A_1218 = arith.index_cast %parallel_loop3A_1057 : i32 to index
        %parallel_loop3A_1219 = tpu.vector_load %arg6[%parallel_loop3A_1215, %parallel_loop3A_1216, %parallel_loop3A_1217, %parallel_loop3A_1218] {strides = array<i32>} : memref<8x4x2x1024xf32, #tpu.memory_space<vmem>>, vector<1x1x1x16xf32>,
        %parallel_loop3A_1220 = vector.shape_cast %parallel_loop3A_1219 : vector<1x1x1x16xf32> to vector<16xf32>
        %parallel_loop3A_1221 = arith.addf %parallel_loop3A_1220, %parallel_loop3A_1151 : vector<16xf32>
        %parallel_loop3A_1222 = arith.constant 5 : i32
        %parallel_loop3A_1223 = arith.constant 3 : i32
        %parallel_loop3A_1224 = arith.constant 1 : i32
        %parallel_loop3A_1225 = arith.index_cast %parallel_loop3A_1222 : i32 to index
        %parallel_loop3A_1226 = arith.index_cast %parallel_loop3A_1223 : i32 to index
        %parallel_loop3A_1227 = arith.index_cast %parallel_loop3A_1224 : i32 to index
        %parallel_loop3A_1228 = arith.index_cast %parallel_loop3A_1057 : i32 to index
        %parallel_loop3A_1229 = tpu.vector_load %arg6[%parallel_loop3A_1225, %parallel_loop3A_1226, %parallel_loop3A_1227, %parallel_loop3A_1228] {strides = array<i32>} : memref<8x4x2x1024xf32, #tpu.memory_space<vmem>>, vector<1x1x1x16xf32>,
        %parallel_loop3A_1230 = vector.shape_cast %parallel_loop3A_1229 : vector<1x1x1x16xf32> to vector<16xf32>
        %parallel_loop3A_1231 = vector.shape_cast %parallel_loop3A_1221 : vector<16xf32> to vector<1x1x1x16xf32>
        tpu.vector_store %arg6[%parallel_loop3A_1225, %parallel_loop3A_1226, %parallel_loop3A_1227, %parallel_loop3A_1228], %parallel_loop3A_1231 {strides = array<i32>} : memref<8x4x2x1024xf32, #tpu.memory_space<vmem>>, vector<1x1x1x16xf32>,
      } {sc.loop_unroll_factor = 2 : i64, sc.parallel_access}
      %mul3A_847 = arith.constant 2 : i32
      %mul3A_848 = arith.muli %add3A_780, %mul3A_847 : i32
      %add3A_849 = arith.addi %mul3A_2, %mul3A_848 : i32
      %dma_start3A_850 = arith.constant 5 : i32
      %dma_start3A_851 = arith.constant 5 : i32
      %dma_start3A_852 = arith.constant 0 : i32
      %dma_start3A_853 = arith.constant 0 : i32
      %dma_start3A_854 = arith.constant 0 : i32
      %dma_start3A_855 = tpu.memref_slice %arg6[%dma_start3A_850, %dma_start3A_852, %dma_start3A_853, %dma_start3A_854] : memref<8x4x2x1024xf32, #tpu.memory_space<vmem>> -> memref<1x4x2x1024xf32, #tpu.memory_space<vmem>>
      %dma_start3A_856 = tpu.memref_squeeze %dma_start3A_855 : memref<1x4x2x1024xf32, #tpu.memory_space<vmem>> -> memref<4x2x1024xf32, #tpu.memory_space<vmem>>
      %dma_start3A_857 = arith.constant 0 : i32
      %dma_start3A_858 = arith.constant 0 : i32
      %dma_start3A_859 = tpu.memref_slice %arg4[%dma_start3A_857, %add3A_849, %dma_start3A_858] : memref<4x4096x1024xf32, #tpu.memory_space<hbm>> -> memref<4x2x1024xf32, #tpu.memory_space<hbm>>
      %dma_start3A_860 = tpu.memref_slice %arg8[%dma_start3A_851] : memref<8x!tpu.dma_semaphore, #tpu.memory_space<semaphore_mem>> -> memref<1x!tpu.dma_semaphore, #tpu.memory_space<semaphore_mem>>
      %dma_start3A_861 = tpu.memref_squeeze %dma_start3A_860 : memref<1x!tpu.dma_semaphore, #tpu.memory_space<semaphore_mem>> -> memref<!tpu.dma_semaphore, #tpu.memory_space<semaphore_mem>>
      %dma_start3A_862 = arith.constant 0 : i32
      %dma_start3A_863 = arith.constant 0 : i32
      %dma_start3A_864 = tpu.memref_slice %arg4[%dma_start3A_862, %add3A_849, %dma_start3A_863] : memref<4x4096x1024xf32, #tpu.memory_space<hbm>> -> memref<4x2x1024xf32, #tpu.memory_space<hbm>>
      %dma_start3A_865 = arith.constant 0 : i32
      %dma_start3A_866 = arith.constant 0 : i32
      %dma_start3A_867 = arith.constant 0 : i32
      %dma_start3A_868 = tpu.memref_slice %arg6[%dma_start3A_850, %dma_start3A_865, %dma_start3A_866, %dma_start3A_867] : memref<8x4x2x1024xf32, #tpu.memory_space<vmem>> -> memref<1x4x2x1024xf32, #tpu.memory_space<vmem>>
      %dma_start3A_869 = tpu.memref_squeeze %dma_start3A_868 : memref<1x4x2x1024xf32, #tpu.memory_space<vmem>> -> memref<4x2x1024xf32, #tpu.memory_space<vmem>>
      tpu.enqueue_dma source(%dma_start3A_869 : memref<4x2x1024xf32, #tpu.memory_space<vmem>>) target(%dma_start3A_864 : memref<4x2x1024xf32, #tpu.memory_space<hbm>>) target_semaphore(%dma_start3A_861 : memref<!tpu.dma_semaphore, #tpu.memory_space<semaphore_mem>>)
      %mul3A_870 = arith.constant 8 : i32
      %mul3A_871 = arith.muli %mul3A_870, %scan3A_239 : i32
      %add3A_872 = arith.constant 6 : i32
      %add3A_873 = arith.addi %mul3A_871, %add3A_872 : i32
      %dma_wait3A_874 = arith.constant 2 : i32
      %dma_wait3A_875 = arith.constant 2 : i32
      %dma_wait3A_876 = arith.constant 0 : i32
      %dma_wait3A_877 = arith.constant 0 : i32
      %dma_wait3A_878 = arith.constant 0 : i32
      %dma_wait3A_879 = tpu.memref_slice %arg6[%dma_wait3A_874, %dma_wait3A_876, %dma_wait3A_877, %dma_wait3A_878] : memref<8x4x2x1024xf32, #tpu.memory_space<vmem>> -> memref<1x4x2x1024xf32, #tpu.memory_space<vmem>>
      %dma_wait3A_880 = tpu.memref_squeeze %dma_wait3A_879 : memref<1x4x2x1024xf32, #tpu.memory_space<vmem>> -> memref<4x2x1024xf32, #tpu.memory_space<vmem>>
      %dma_wait3A_881 = arith.constant 0 : i32
      %dma_wait3A_882 = arith.constant 0 : i32
      %dma_wait3A_883 = tpu.memref_slice %arg4[%dma_wait3A_881, %mul3A_2, %dma_wait3A_882] : memref<4x4096x1024xf32, #tpu.memory_space<hbm>> -> memref<4x2x1024xf32, #tpu.memory_space<hbm>>
      %dma_wait3A_884 = tpu.memref_slice %arg8[%dma_wait3A_875] : memref<8x!tpu.dma_semaphore, #tpu.memory_space<semaphore_mem>> -> memref<1x!tpu.dma_semaphore, #tpu.memory_space<semaphore_mem>>
      %dma_wait3A_885 = tpu.memref_squeeze %dma_wait3A_884 : memref<1x!tpu.dma_semaphore, #tpu.memory_space<semaphore_mem>> -> memref<!tpu.dma_semaphore, #tpu.memory_space<semaphore_mem>>
      %dma_wait3A_886 = arith.constant 0 : i32
      %dma_wait3A_887 = arith.constant 0 : i32
      %dma_wait3A_888 = tpu.memref_slice %arg4[%dma_wait3A_886, %mul3A_2, %dma_wait3A_887] : memref<4x4096x1024xf32, #tpu.memory_space<hbm>> -> memref<4x2x1024xf32, #tpu.memory_space<hbm>>
      %dma_wait3A_889 = arith.constant 0 : i32
      %dma_wait3A_890 = arith.constant 0 : i32
      %dma_wait3A_891 = arith.constant 0 : i32
      %dma_wait3A_892 = tpu.memref_slice %arg6[%dma_wait3A_874, %dma_wait3A_889, %dma_wait3A_890, %dma_wait3A_891] : memref<8x4x2x1024xf32, #tpu.memory_space<vmem>> -> memref<1x4x2x1024xf32, #tpu.memory_space<vmem>>
      %dma_wait3A_893 = tpu.memref_squeeze %dma_wait3A_892 : memref<1x4x2x1024xf32, #tpu.memory_space<vmem>> -> memref<4x2x1024xf32, #tpu.memory_space<vmem>>
      tpu.wait_dma2 semaphore(%dma_wait3A_885 : memref<!tpu.dma_semaphore, #tpu.memory_space<semaphore_mem>>) src(%dma_wait3A_893 : memref<4x2x1024xf32, #tpu.memory_space<vmem>>) dst(%dma_wait3A_888 : memref<4x2x1024xf32, #tpu.memory_space<hbm>>)
      %add3A_894 = arith.constant 1 : i32
      %add3A_895 = arith.addi %scan3A_239, %add3A_894 : i32
      %lt3A_896 = arith.constant 8 : i32
      %lt3A_897 = arith.cmpi slt, %add3A_895, %lt3A_896 : i32
      %convert_element_type3A_898 = arith.extui %lt3A_897 : i1 to i32
      %cond3A_899 = arith.constant 0 : i32
      %cond3A_900 = arith.cmpi ne, %convert_element_type3A_898, %cond3A_899 : i32
      scf.if %cond3A_900 {
        %add3A_1057 = arith.constant 4 : i32
        %add3A_1058 = arith.addi %add3A_873, %add3A_1057 : i32
        %mul3A_1059 = arith.constant 2 : i32
        %mul3A_1060 = arith.muli %add3A_1058, %mul3A_1059 : i32
        %add3A_1061 = arith.addi %mul3A_2, %mul3A_1060 : i32
        %dma_start3A_1062 = arith.constant 2 : i32
        %dma_start3A_1063 = arith.constant 2 : i32
        %dma_start3A_1064 = arith.constant 0 : i32
        %dma_start3A_1065 = arith.constant 0 : i32
        %dma_start3A_1066 = tpu.memref_slice %arg5[%dma_start3A_1062, %dma_start3A_1064, %dma_start3A_1065] : memref<8x2x1024xf32, #tpu.memory_space<vmem>> -> memref<1x2x1024xf32, #tpu.memory_space<vmem>>
        %dma_start3A_1067 = tpu.memref_squeeze %dma_start3A_1066 : memref<1x2x1024xf32, #tpu.memory_space<vmem>> -> memref<2x1024xf32, #tpu.memory_space<vmem>>
        %dma_start3A_1068 = arith.constant 0 : i32
        %dma_start3A_1069 = tpu.memref_slice %arg3[%add3A_1061, %dma_start3A_1068] : memref<8192x1024xf32, #tpu.memory_space<hbm>> -> memref<2x1024xf32, #tpu.memory_space<hbm>>
        %dma_start3A_1070 = tpu.memref_slice %arg7[%dma_start3A_1063] : memref<8x!tpu.dma_semaphore, #tpu.memory_space<semaphore_mem>> -> memref<1x!tpu.dma_semaphore, #tpu.memory_space<semaphore_mem>>
        %dma_start3A_1071 = tpu.memref_squeeze %dma_start3A_1070 : memref<1x!tpu.dma_semaphore, #tpu.memory_space<semaphore_mem>> -> memref<!tpu.dma_semaphore, #tpu.memory_space<semaphore_mem>>
        %dma_start3A_1072 = arith.constant 0 : i32
        %dma_start3A_1073 = arith.constant 0 : i32
        %dma_start3A_1074 = tpu.memref_slice %arg5[%dma_start3A_1062, %dma_start3A_1072, %dma_start3A_1073] : memref<8x2x1024xf32, #tpu.memory_space<vmem>> -> memref<1x2x1024xf32, #tpu.memory_space<vmem>>
        %dma_start3A_1075 = tpu.memref_squeeze %dma_start3A_1074 : memref<1x2x1024xf32, #tpu.memory_space<vmem>> -> memref<2x1024xf32, #tpu.memory_space<vmem>>
        %dma_start3A_1076 = arith.constant 0 : i32
        %dma_start3A_1077 = tpu.memref_slice %arg3[%add3A_1061, %dma_start3A_1076] : memref<8192x1024xf32, #tpu.memory_space<hbm>> -> memref<2x1024xf32, #tpu.memory_space<hbm>>
        tpu.enqueue_dma source(%dma_start3A_1077 : memref<2x1024xf32, #tpu.memory_space<hbm>>) target(%dma_start3A_1075 : memref<2x1024xf32, #tpu.memory_space<vmem>>) target_semaphore(%dma_start3A_1071 : memref<!tpu.dma_semaphore, #tpu.memory_space<semaphore_mem>>)
        %dma_start3A_1078 = arith.constant 2 : i32
        %dma_start3A_1079 = arith.constant 2 : i32
        %dma_start3A_1080 = arith.constant 0 : i32
        %dma_start3A_1081 = arith.constant 0 : i32
        %dma_start3A_1082 = arith.constant 0 : i32
        %dma_start3A_1083 = tpu.memref_slice %arg6[%dma_start3A_1078, %dma_start3A_1080, %dma_start3A_1081, %dma_start3A_1082] : memref<8x4x2x1024xf32, #tpu.memory_space<vmem>> -> memref<1x4x2x1024xf32, #tpu.memory_space<vmem>>
        %dma_start3A_1084 = tpu.memref_squeeze %dma_start3A_1083 : memref<1x4x2x1024xf32, #tpu.memory_space<vmem>> -> memref<4x2x1024xf32, #tpu.memory_space<vmem>>
        %dma_start3A_1085 = arith.constant 0 : i32
        %dma_start3A_1086 = arith.constant 0 : i32
        %dma_start3A_1087 = tpu.memref_slice %arg2[%dma_start3A_1085, %add3A_1061, %dma_start3A_1086] : memref<4x4096x1024xf32, #tpu.memory_space<hbm>> -> memref<4x2x1024xf32, #tpu.memory_space<hbm>>
        %dma_start3A_1088 = tpu.memref_slice %arg7[%dma_start3A_1079] : memref<8x!tpu.dma_semaphore, #tpu.memory_space<semaphore_mem>> -> memref<1x!tpu.dma_semaphore, #tpu.memory_space<semaphore_mem>>
        %dma_start3A_1089 = tpu.memref_squeeze %dma_start3A_1088 : memref<1x!tpu.dma_semaphore, #tpu.memory_space<semaphore_mem>> -> memref<!tpu.dma_semaphore, #tpu.memory_space<semaphore_mem>>
        %dma_start3A_1090 = arith.constant 0 : i32
        %dma_start3A_1091 = arith.constant 0 : i32
        %dma_start3A_1092 = arith.constant 0 : i32
        %dma_start3A_1093 = tpu.memref_slice %arg6[%dma_start3A_1078, %dma_start3A_1090, %dma_start3A_1091, %dma_start3A_1092] : memref<8x4x2x1024xf32, #tpu.memory_space<vmem>> -> memref<1x4x2x1024xf32, #tpu.memory_space<vmem>>
        %dma_start3A_1094 = tpu.memref_squeeze %dma_start3A_1093 : memref<1x4x2x1024xf32, #tpu.memory_space<vmem>> -> memref<4x2x1024xf32, #tpu.memory_space<vmem>>
        %dma_start3A_1095 = arith.constant 0 : i32
        %dma_start3A_1096 = arith.constant 0 : i32
        %dma_start3A_1097 = tpu.memref_slice %arg2[%dma_start3A_1095, %add3A_1061, %dma_start3A_1096] : memref<4x4096x1024xf32, #tpu.memory_space<hbm>> -> memref<4x2x1024xf32, #tpu.memory_space<hbm>>
        tpu.enqueue_dma source(%dma_start3A_1097 : memref<4x2x1024xf32, #tpu.memory_space<hbm>>) target(%dma_start3A_1094 : memref<4x2x1024xf32, #tpu.memory_space<vmem>>) target_semaphore(%dma_start3A_1089 : memref<!tpu.dma_semaphore, #tpu.memory_space<semaphore_mem>>)
      } else {
      }
      %dma_wait3A_901 = arith.constant 6 : i32
      %dma_wait3A_902 = arith.constant 6 : i32
      %dma_wait3A_903 = arith.constant 0 : i32
      %dma_wait3A_904 = arith.constant 0 : i32
      %dma_wait3A_905 = tpu.memref_slice %arg5[%dma_wait3A_901, %dma_wait3A_903, %dma_wait3A_904] : memref<8x2x1024xf32, #tpu.memory_space<vmem>> -> memref<1x2x1024xf32, #tpu.memory_space<vmem>>
      %dma_wait3A_906 = tpu.memref_squeeze %dma_wait3A_905 : memref<1x2x1024xf32, #tpu.memory_space<vmem>> -> memref<2x1024xf32, #tpu.memory_space<vmem>>
      %dma_wait3A_907 = arith.constant 0 : i32
      %dma_wait3A_908 = tpu.memref_slice %arg3[%mul3A_2, %dma_wait3A_907] : memref<8192x1024xf32, #tpu.memory_space<hbm>> -> memref<2x1024xf32, #tpu.memory_space<hbm>>
      %dma_wait3A_909 = tpu.memref_slice %arg7[%dma_wait3A_902] : memref<8x!tpu.dma_semaphore, #tpu.memory_space<semaphore_mem>> -> memref<1x!tpu.dma_semaphore, #tpu.memory_space<semaphore_mem>>
      %dma_wait3A_910 = tpu.memref_squeeze %dma_wait3A_909 : memref<1x!tpu.dma_semaphore, #tpu.memory_space<semaphore_mem>> -> memref<!tpu.dma_semaphore, #tpu.memory_space<semaphore_mem>>
      %dma_wait3A_911 = arith.constant 0 : i32
      %dma_wait3A_912 = arith.constant 0 : i32
      %dma_wait3A_913 = tpu.memref_slice %arg5[%dma_wait3A_901, %dma_wait3A_911, %dma_wait3A_912] : memref<8x2x1024xf32, #tpu.memory_space<vmem>> -> memref<1x2x1024xf32, #tpu.memory_space<vmem>>
      %dma_wait3A_914 = tpu.memref_squeeze %dma_wait3A_913 : memref<1x2x1024xf32, #tpu.memory_space<vmem>> -> memref<2x1024xf32, #tpu.memory_space<vmem>>
      %dma_wait3A_915 = arith.constant 0 : i32
      %dma_wait3A_916 = tpu.memref_slice %arg3[%mul3A_2, %dma_wait3A_915] : memref<8192x1024xf32, #tpu.memory_space<hbm>> -> memref<2x1024xf32, #tpu.memory_space<hbm>>
      tpu.wait_dma2 semaphore(%dma_wait3A_910 : memref<!tpu.dma_semaphore, #tpu.memory_space<semaphore_mem>>) src(%dma_wait3A_916 : memref<2x1024xf32, #tpu.memory_space<hbm>>) dst(%dma_wait3A_914 : memref<2x1024xf32, #tpu.memory_space<vmem>>)
      %dma_wait3A_917 = arith.constant 6 : i32
      %dma_wait3A_918 = arith.constant 6 : i32
      %dma_wait3A_919 = arith.constant 0 : i32
      %dma_wait3A_920 = arith.constant 0 : i32
      %dma_wait3A_921 = arith.constant 0 : i32
      %dma_wait3A_922 = tpu.memref_slice %arg6[%dma_wait3A_917, %dma_wait3A_919, %dma_wait3A_920, %dma_wait3A_921] : memref<8x4x2x1024xf32, #tpu.memory_space<vmem>> -> memref<1x4x2x1024xf32, #tpu.memory_space<vmem>>
      %dma_wait3A_923 = tpu.memref_squeeze %dma_wait3A_922 : memref<1x4x2x1024xf32, #tpu.memory_space<vmem>> -> memref<4x2x1024xf32, #tpu.memory_space<vmem>>
      %dma_wait3A_924 = arith.constant 0 : i32
      %dma_wait3A_925 = arith.constant 0 : i32
      %dma_wait3A_926 = tpu.memref_slice %arg2[%dma_wait3A_924, %mul3A_2, %dma_wait3A_925] : memref<4x4096x1024xf32, #tpu.memory_space<hbm>> -> memref<4x2x1024xf32, #tpu.memory_space<hbm>>
      %dma_wait3A_927 = tpu.memref_slice %arg7[%dma_wait3A_918] : memref<8x!tpu.dma_semaphore, #tpu.memory_space<semaphore_mem>> -> memref<1x!tpu.dma_semaphore, #tpu.memory_space<semaphore_mem>>
      %dma_wait3A_928 = tpu.memref_squeeze %dma_wait3A_927 : memref<1x!tpu.dma_semaphore, #tpu.memory_space<semaphore_mem>> -> memref<!tpu.dma_semaphore, #tpu.memory_space<semaphore_mem>>
      %dma_wait3A_929 = arith.constant 0 : i32
      %dma_wait3A_930 = arith.constant 0 : i32
      %dma_wait3A_931 = arith.constant 0 : i32
      %dma_wait3A_932 = tpu.memref_slice %arg6[%dma_wait3A_917, %dma_wait3A_929, %dma_wait3A_930, %dma_wait3A_931] : memref<8x4x2x1024xf32, #tpu.memory_space<vmem>> -> memref<1x4x2x1024xf32, #tpu.memory_space<vmem>>
      %dma_wait3A_933 = tpu.memref_squeeze %dma_wait3A_932 : memref<1x4x2x1024xf32, #tpu.memory_space<vmem>> -> memref<4x2x1024xf32, #tpu.memory_space<vmem>>
      %dma_wait3A_934 = arith.constant 0 : i32
      %dma_wait3A_935 = arith.constant 0 : i32
      %dma_wait3A_936 = tpu.memref_slice %arg2[%dma_wait3A_934, %mul3A_2, %dma_wait3A_935] : memref<4x4096x1024xf32, #tpu.memory_space<hbm>> -> memref<4x2x1024xf32, #tpu.memory_space<hbm>>
      tpu.wait_dma2 semaphore(%dma_wait3A_928 : memref<!tpu.dma_semaphore, #tpu.memory_space<semaphore_mem>>) src(%dma_wait3A_936 : memref<4x2x1024xf32, #tpu.memory_space<hbm>>) dst(%dma_wait3A_933 : memref<4x2x1024xf32, #tpu.memory_space<vmem>>)
      %parallel_loop3A_937 = arith.constant 0 : i32
      %parallel_loop3A_938 = arith.constant 1024 : i32
      %parallel_loop3A_939 = arith.constant 16 : i32
      scf.for %parallel_loop3A_1057 = %parallel_loop3A_937 to %parallel_loop3A_938 step %parallel_loop3A_939  : i32 {
        %parallel_loop3A_1058 = arith.constant 6 : i32
        %parallel_loop3A_1059 = arith.constant 0 : i32
        %parallel_loop3A_1060 = arith.index_cast %parallel_loop3A_1058 : i32 to index
        %parallel_loop3A_1061 = arith.index_cast %parallel_loop3A_1059 : i32 to index
        %parallel_loop3A_1062 = arith.index_cast %parallel_loop3A_1057 : i32 to index
        %parallel_loop3A_1063 = tpu.vector_load %arg5[%parallel_loop3A_1060, %parallel_loop3A_1061, %parallel_loop3A_1062] {strides = array<i32>} : memref<8x2x1024xf32, #tpu.memory_space<vmem>>, vector<1x1x16xf32>,
        %parallel_loop3A_1064 = vector.shape_cast %parallel_loop3A_1063 : vector<1x1x16xf32> to vector<16xf32>
        %parallel_loop3A_1065 = arith.constant 6 : i32
        %parallel_loop3A_1066 = arith.constant 0 : i32
        %parallel_loop3A_1067 = arith.constant 0 : i32
        %parallel_loop3A_1068 = arith.index_cast %parallel_loop3A_1065 : i32 to index
        %parallel_loop3A_1069 = arith.index_cast %parallel_loop3A_1066 : i32 to index
        %parallel_loop3A_1070 = arith.index_cast %parallel_loop3A_1067 : i32 to index
        %parallel_loop3A_1071 = arith.index_cast %parallel_loop3A_1057 : i32 to index
        %parallel_loop3A_1072 = tpu.vector_load %arg6[%parallel_loop3A_1068, %parallel_loop3A_1069, %parallel_loop3A_1070, %parallel_loop3A_1071] {strides = array<i32>} : memref<8x4x2x1024xf32, #tpu.memory_space<vmem>>, vector<1x1x1x16xf32>,
        %parallel_loop3A_1073 = vector.shape_cast %parallel_loop3A_1072 : vector<1x1x1x16xf32> to vector<16xf32>
        %parallel_loop3A_1074 = arith.addf %parallel_loop3A_1073, %parallel_loop3A_1064 : vector<16xf32>
        %parallel_loop3A_1075 = arith.constant 6 : i32
        %parallel_loop3A_1076 = arith.constant 0 : i32
        %parallel_loop3A_1077 = arith.constant 0 : i32
        %parallel_loop3A_1078 = arith.index_cast %parallel_loop3A_1075 : i32 to index
        %parallel_loop3A_1079 = arith.index_cast %parallel_loop3A_1076 : i32 to index
        %parallel_loop3A_1080 = arith.index_cast %parallel_loop3A_1077 : i32 to index
        %parallel_loop3A_1081 = arith.index_cast %parallel_loop3A_1057 : i32 to index
        %parallel_loop3A_1082 = tpu.vector_load %arg6[%parallel_loop3A_1078, %parallel_loop3A_1079, %parallel_loop3A_1080, %parallel_loop3A_1081] {strides = array<i32>} : memref<8x4x2x1024xf32, #tpu.memory_space<vmem>>, vector<1x1x1x16xf32>,
        %parallel_loop3A_1083 = vector.shape_cast %parallel_loop3A_1082 : vector<1x1x1x16xf32> to vector<16xf32>
        %parallel_loop3A_1084 = vector.shape_cast %parallel_loop3A_1074 : vector<16xf32> to vector<1x1x1x16xf32>
        tpu.vector_store %arg6[%parallel_loop3A_1078, %parallel_loop3A_1079, %parallel_loop3A_1080, %parallel_loop3A_1081], %parallel_loop3A_1084 {strides = array<i32>} : memref<8x4x2x1024xf32, #tpu.memory_space<vmem>>, vector<1x1x1x16xf32>,
        %parallel_loop3A_1085 = arith.constant 6 : i32
        %parallel_loop3A_1086 = arith.constant 1 : i32
        %parallel_loop3A_1087 = arith.constant 0 : i32
        %parallel_loop3A_1088 = arith.index_cast %parallel_loop3A_1085 : i32 to index
        %parallel_loop3A_1089 = arith.index_cast %parallel_loop3A_1086 : i32 to index
        %parallel_loop3A_1090 = arith.index_cast %parallel_loop3A_1087 : i32 to index
        %parallel_loop3A_1091 = arith.index_cast %parallel_loop3A_1057 : i32 to index
        %parallel_loop3A_1092 = tpu.vector_load %arg6[%parallel_loop3A_1088, %parallel_loop3A_1089, %parallel_loop3A_1090, %parallel_loop3A_1091] {strides = array<i32>} : memref<8x4x2x1024xf32, #tpu.memory_space<vmem>>, vector<1x1x1x16xf32>,
        %parallel_loop3A_1093 = vector.shape_cast %parallel_loop3A_1092 : vector<1x1x1x16xf32> to vector<16xf32>
        %parallel_loop3A_1094 = arith.addf %parallel_loop3A_1093, %parallel_loop3A_1064 : vector<16xf32>
        %parallel_loop3A_1095 = arith.constant 6 : i32
        %parallel_loop3A_1096 = arith.constant 1 : i32
        %parallel_loop3A_1097 = arith.constant 0 : i32
        %parallel_loop3A_1098 = arith.index_cast %parallel_loop3A_1095 : i32 to index
        %parallel_loop3A_1099 = arith.index_cast %parallel_loop3A_1096 : i32 to index
        %parallel_loop3A_1100 = arith.index_cast %parallel_loop3A_1097 : i32 to index
        %parallel_loop3A_1101 = arith.index_cast %parallel_loop3A_1057 : i32 to index
        %parallel_loop3A_1102 = tpu.vector_load %arg6[%parallel_loop3A_1098, %parallel_loop3A_1099, %parallel_loop3A_1100, %parallel_loop3A_1101] {strides = array<i32>} : memref<8x4x2x1024xf32, #tpu.memory_space<vmem>>, vector<1x1x1x16xf32>,
        %parallel_loop3A_1103 = vector.shape_cast %parallel_loop3A_1102 : vector<1x1x1x16xf32> to vector<16xf32>
        %parallel_loop3A_1104 = vector.shape_cast %parallel_loop3A_1094 : vector<16xf32> to vector<1x1x1x16xf32>
        tpu.vector_store %arg6[%parallel_loop3A_1098, %parallel_loop3A_1099, %parallel_loop3A_1100, %parallel_loop3A_1101], %parallel_loop3A_1104 {strides = array<i32>} : memref<8x4x2x1024xf32, #tpu.memory_space<vmem>>, vector<1x1x1x16xf32>,
        %parallel_loop3A_1105 = arith.constant 6 : i32
        %parallel_loop3A_1106 = arith.constant 2 : i32
        %parallel_loop3A_1107 = arith.constant 0 : i32
        %parallel_loop3A_1108 = arith.index_cast %parallel_loop3A_1105 : i32 to index
        %parallel_loop3A_1109 = arith.index_cast %parallel_loop3A_1106 : i32 to index
        %parallel_loop3A_1110 = arith.index_cast %parallel_loop3A_1107 : i32 to index
        %parallel_loop3A_1111 = arith.index_cast %parallel_loop3A_1057 : i32 to index
        %parallel_loop3A_1112 = tpu.vector_load %arg6[%parallel_loop3A_1108, %parallel_loop3A_1109, %parallel_loop3A_1110, %parallel_loop3A_1111] {strides = array<i32>} : memref<8x4x2x1024xf32, #tpu.memory_space<vmem>>, vector<1x1x1x16xf32>,
        %parallel_loop3A_1113 = vector.shape_cast %parallel_loop3A_1112 : vector<1x1x1x16xf32> to vector<16xf32>
        %parallel_loop3A_1114 = arith.addf %parallel_loop3A_1113, %parallel_loop3A_1064 : vector<16xf32>
        %parallel_loop3A_1115 = arith.constant 6 : i32
        %parallel_loop3A_1116 = arith.constant 2 : i32
        %parallel_loop3A_1117 = arith.constant 0 : i32
        %parallel_loop3A_1118 = arith.index_cast %parallel_loop3A_1115 : i32 to index
        %parallel_loop3A_1119 = arith.index_cast %parallel_loop3A_1116 : i32 to index
        %parallel_loop3A_1120 = arith.index_cast %parallel_loop3A_1117 : i32 to index
        %parallel_loop3A_1121 = arith.index_cast %parallel_loop3A_1057 : i32 to index
        %parallel_loop3A_1122 = tpu.vector_load %arg6[%parallel_loop3A_1118, %parallel_loop3A_1119, %parallel_loop3A_1120, %parallel_loop3A_1121] {strides = array<i32>} : memref<8x4x2x1024xf32, #tpu.memory_space<vmem>>, vector<1x1x1x16xf32>,
        %parallel_loop3A_1123 = vector.shape_cast %parallel_loop3A_1122 : vector<1x1x1x16xf32> to vector<16xf32>
        %parallel_loop3A_1124 = vector.shape_cast %parallel_loop3A_1114 : vector<16xf32> to vector<1x1x1x16xf32>
        tpu.vector_store %arg6[%parallel_loop3A_1118, %parallel_loop3A_1119, %parallel_loop3A_1120, %parallel_loop3A_1121], %parallel_loop3A_1124 {strides = array<i32>} : memref<8x4x2x1024xf32, #tpu.memory_space<vmem>>, vector<1x1x1x16xf32>,
        %parallel_loop3A_1125 = arith.constant 6 : i32
        %parallel_loop3A_1126 = arith.constant 3 : i32
        %parallel_loop3A_1127 = arith.constant 0 : i32
        %parallel_loop3A_1128 = arith.index_cast %parallel_loop3A_1125 : i32 to index
        %parallel_loop3A_1129 = arith.index_cast %parallel_loop3A_1126 : i32 to index
        %parallel_loop3A_1130 = arith.index_cast %parallel_loop3A_1127 : i32 to index
        %parallel_loop3A_1131 = arith.index_cast %parallel_loop3A_1057 : i32 to index
        %parallel_loop3A_1132 = tpu.vector_load %arg6[%parallel_loop3A_1128, %parallel_loop3A_1129, %parallel_loop3A_1130, %parallel_loop3A_1131] {strides = array<i32>} : memref<8x4x2x1024xf32, #tpu.memory_space<vmem>>, vector<1x1x1x16xf32>,
        %parallel_loop3A_1133 = vector.shape_cast %parallel_loop3A_1132 : vector<1x1x1x16xf32> to vector<16xf32>
        %parallel_loop3A_1134 = arith.addf %parallel_loop3A_1133, %parallel_loop3A_1064 : vector<16xf32>
        %parallel_loop3A_1135 = arith.constant 6 : i32
        %parallel_loop3A_1136 = arith.constant 3 : i32
        %parallel_loop3A_1137 = arith.constant 0 : i32
        %parallel_loop3A_1138 = arith.index_cast %parallel_loop3A_1135 : i32 to index
        %parallel_loop3A_1139 = arith.index_cast %parallel_loop3A_1136 : i32 to index
        %parallel_loop3A_1140 = arith.index_cast %parallel_loop3A_1137 : i32 to index
        %parallel_loop3A_1141 = arith.index_cast %parallel_loop3A_1057 : i32 to index
        %parallel_loop3A_1142 = tpu.vector_load %arg6[%parallel_loop3A_1138, %parallel_loop3A_1139, %parallel_loop3A_1140, %parallel_loop3A_1141] {strides = array<i32>} : memref<8x4x2x1024xf32, #tpu.memory_space<vmem>>, vector<1x1x1x16xf32>,
        %parallel_loop3A_1143 = vector.shape_cast %parallel_loop3A_1142 : vector<1x1x1x16xf32> to vector<16xf32>
        %parallel_loop3A_1144 = vector.shape_cast %parallel_loop3A_1134 : vector<16xf32> to vector<1x1x1x16xf32>
        tpu.vector_store %arg6[%parallel_loop3A_1138, %parallel_loop3A_1139, %parallel_loop3A_1140, %parallel_loop3A_1141], %parallel_loop3A_1144 {strides = array<i32>} : memref<8x4x2x1024xf32, #tpu.memory_space<vmem>>, vector<1x1x1x16xf32>,
        %parallel_loop3A_1145 = arith.constant 6 : i32
        %parallel_loop3A_1146 = arith.constant 1 : i32
        %parallel_loop3A_1147 = arith.index_cast %parallel_loop3A_1145 : i32 to index
        %parallel_loop3A_1148 = arith.index_cast %parallel_loop3A_1146 : i32 to index
        %parallel_loop3A_1149 = arith.index_cast %parallel_loop3A_1057 : i32 to index
        %parallel_loop3A_1150 = tpu.vector_load %arg5[%parallel_loop3A_1147, %parallel_loop3A_1148, %parallel_loop3A_1149] {strides = array<i32>} : memref<8x2x1024xf32, #tpu.memory_space<vmem>>, vector<1x1x16xf32>,
        %parallel_loop3A_1151 = vector.shape_cast %parallel_loop3A_1150 : vector<1x1x16xf32> to vector<16xf32>
        %parallel_loop3A_1152 = arith.constant 6 : i32
        %parallel_loop3A_1153 = arith.constant 0 : i32
        %parallel_loop3A_1154 = arith.constant 1 : i32
        %parallel_loop3A_1155 = arith.index_cast %parallel_loop3A_1152 : i32 to index
        %parallel_loop3A_1156 = arith.index_cast %parallel_loop3A_1153 : i32 to index
        %parallel_loop3A_1157 = arith.index_cast %parallel_loop3A_1154 : i32 to index
        %parallel_loop3A_1158 = arith.index_cast %parallel_loop3A_1057 : i32 to index
        %parallel_loop3A_1159 = tpu.vector_load %arg6[%parallel_loop3A_1155, %parallel_loop3A_1156, %parallel_loop3A_1157, %parallel_loop3A_1158] {strides = array<i32>} : memref<8x4x2x1024xf32, #tpu.memory_space<vmem>>, vector<1x1x1x16xf32>,
        %parallel_loop3A_1160 = vector.shape_cast %parallel_loop3A_1159 : vector<1x1x1x16xf32> to vector<16xf32>
        %parallel_loop3A_1161 = arith.addf %parallel_loop3A_1160, %parallel_loop3A_1151 : vector<16xf32>
        %parallel_loop3A_1162 = arith.constant 6 : i32
        %parallel_loop3A_1163 = arith.constant 0 : i32
        %parallel_loop3A_1164 = arith.constant 1 : i32
        %parallel_loop3A_1165 = arith.index_cast %parallel_loop3A_1162 : i32 to index
        %parallel_loop3A_1166 = arith.index_cast %parallel_loop3A_1163 : i32 to index
        %parallel_loop3A_1167 = arith.index_cast %parallel_loop3A_1164 : i32 to index
        %parallel_loop3A_1168 = arith.index_cast %parallel_loop3A_1057 : i32 to index
        %parallel_loop3A_1169 = tpu.vector_load %arg6[%parallel_loop3A_1165, %parallel_loop3A_1166, %parallel_loop3A_1167, %parallel_loop3A_1168] {strides = array<i32>} : memref<8x4x2x1024xf32, #tpu.memory_space<vmem>>, vector<1x1x1x16xf32>,
        %parallel_loop3A_1170 = vector.shape_cast %parallel_loop3A_1169 : vector<1x1x1x16xf32> to vector<16xf32>
        %parallel_loop3A_1171 = vector.shape_cast %parallel_loop3A_1161 : vector<16xf32> to vector<1x1x1x16xf32>
        tpu.vector_store %arg6[%parallel_loop3A_1165, %parallel_loop3A_1166, %parallel_loop3A_1167, %parallel_loop3A_1168], %parallel_loop3A_1171 {strides = array<i32>} : memref<8x4x2x1024xf32, #tpu.memory_space<vmem>>, vector<1x1x1x16xf32>,
        %parallel_loop3A_1172 = arith.constant 6 : i32
        %parallel_loop3A_1173 = arith.constant 1 : i32
        %parallel_loop3A_1174 = arith.constant 1 : i32
        %parallel_loop3A_1175 = arith.index_cast %parallel_loop3A_1172 : i32 to index
        %parallel_loop3A_1176 = arith.index_cast %parallel_loop3A_1173 : i32 to index
        %parallel_loop3A_1177 = arith.index_cast %parallel_loop3A_1174 : i32 to index
        %parallel_loop3A_1178 = arith.index_cast %parallel_loop3A_1057 : i32 to index
        %parallel_loop3A_1179 = tpu.vector_load %arg6[%parallel_loop3A_1175, %parallel_loop3A_1176, %parallel_loop3A_1177, %parallel_loop3A_1178] {strides = array<i32>} : memref<8x4x2x1024xf32, #tpu.memory_space<vmem>>, vector<1x1x1x16xf32>,
        %parallel_loop3A_1180 = vector.shape_cast %parallel_loop3A_1179 : vector<1x1x1x16xf32> to vector<16xf32>
        %parallel_loop3A_1181 = arith.addf %parallel_loop3A_1180, %parallel_loop3A_1151 : vector<16xf32>
        %parallel_loop3A_1182 = arith.constant 6 : i32
        %parallel_loop3A_1183 = arith.constant 1 : i32
        %parallel_loop3A_1184 = arith.constant 1 : i32
        %parallel_loop3A_1185 = arith.index_cast %parallel_loop3A_1182 : i32 to index
        %parallel_loop3A_1186 = arith.index_cast %parallel_loop3A_1183 : i32 to index
        %parallel_loop3A_1187 = arith.index_cast %parallel_loop3A_1184 : i32 to index
        %parallel_loop3A_1188 = arith.index_cast %parallel_loop3A_1057 : i32 to index
        %parallel_loop3A_1189 = tpu.vector_load %arg6[%parallel_loop3A_1185, %parallel_loop3A_1186, %parallel_loop3A_1187, %parallel_loop3A_1188] {strides = array<i32>} : memref<8x4x2x1024xf32, #tpu.memory_space<vmem>>, vector<1x1x1x16xf32>,
        %parallel_loop3A_1190 = vector.shape_cast %parallel_loop3A_1189 : vector<1x1x1x16xf32> to vector<16xf32>
        %parallel_loop3A_1191 = vector.shape_cast %parallel_loop3A_1181 : vector<16xf32> to vector<1x1x1x16xf32>
        tpu.vector_store %arg6[%parallel_loop3A_1185, %parallel_loop3A_1186, %parallel_loop3A_1187, %parallel_loop3A_1188], %parallel_loop3A_1191 {strides = array<i32>} : memref<8x4x2x1024xf32, #tpu.memory_space<vmem>>, vector<1x1x1x16xf32>,
        %parallel_loop3A_1192 = arith.constant 6 : i32
        %parallel_loop3A_1193 = arith.constant 2 : i32
        %parallel_loop3A_1194 = arith.constant 1 : i32
        %parallel_loop3A_1195 = arith.index_cast %parallel_loop3A_1192 : i32 to index
        %parallel_loop3A_1196 = arith.index_cast %parallel_loop3A_1193 : i32 to index
        %parallel_loop3A_1197 = arith.index_cast %parallel_loop3A_1194 : i32 to index
        %parallel_loop3A_1198 = arith.index_cast %parallel_loop3A_1057 : i32 to index
        %parallel_loop3A_1199 = tpu.vector_load %arg6[%parallel_loop3A_1195, %parallel_loop3A_1196, %parallel_loop3A_1197, %parallel_loop3A_1198] {strides = array<i32>} : memref<8x4x2x1024xf32, #tpu.memory_space<vmem>>, vector<1x1x1x16xf32>,
        %parallel_loop3A_1200 = vector.shape_cast %parallel_loop3A_1199 : vector<1x1x1x16xf32> to vector<16xf32>
        %parallel_loop3A_1201 = arith.addf %parallel_loop3A_1200, %parallel_loop3A_1151 : vector<16xf32>
        %parallel_loop3A_1202 = arith.constant 6 : i32
        %parallel_loop3A_1203 = arith.constant 2 : i32
        %parallel_loop3A_1204 = arith.constant 1 : i32
        %parallel_loop3A_1205 = arith.index_cast %parallel_loop3A_1202 : i32 to index
        %parallel_loop3A_1206 = arith.index_cast %parallel_loop3A_1203 : i32 to index
        %parallel_loop3A_1207 = arith.index_cast %parallel_loop3A_1204 : i32 to index
        %parallel_loop3A_1208 = arith.index_cast %parallel_loop3A_1057 : i32 to index
        %parallel_loop3A_1209 = tpu.vector_load %arg6[%parallel_loop3A_1205, %parallel_loop3A_1206, %parallel_loop3A_1207, %parallel_loop3A_1208] {strides = array<i32>} : memref<8x4x2x1024xf32, #tpu.memory_space<vmem>>, vector<1x1x1x16xf32>,
        %parallel_loop3A_1210 = vector.shape_cast %parallel_loop3A_1209 : vector<1x1x1x16xf32> to vector<16xf32>
        %parallel_loop3A_1211 = vector.shape_cast %parallel_loop3A_1201 : vector<16xf32> to vector<1x1x1x16xf32>
        tpu.vector_store %arg6[%parallel_loop3A_1205, %parallel_loop3A_1206, %parallel_loop3A_1207, %parallel_loop3A_1208], %parallel_loop3A_1211 {strides = array<i32>} : memref<8x4x2x1024xf32, #tpu.memory_space<vmem>>, vector<1x1x1x16xf32>,
        %parallel_loop3A_1212 = arith.constant 6 : i32
        %parallel_loop3A_1213 = arith.constant 3 : i32
        %parallel_loop3A_1214 = arith.constant 1 : i32
        %parallel_loop3A_1215 = arith.index_cast %parallel_loop3A_1212 : i32 to index
        %parallel_loop3A_1216 = arith.index_cast %parallel_loop3A_1213 : i32 to index
        %parallel_loop3A_1217 = arith.index_cast %parallel_loop3A_1214 : i32 to index
        %parallel_loop3A_1218 = arith.index_cast %parallel_loop3A_1057 : i32 to index
        %parallel_loop3A_1219 = tpu.vector_load %arg6[%parallel_loop3A_1215, %parallel_loop3A_1216, %parallel_loop3A_1217, %parallel_loop3A_1218] {strides = array<i32>} : memref<8x4x2x1024xf32, #tpu.memory_space<vmem>>, vector<1x1x1x16xf32>,
        %parallel_loop3A_1220 = vector.shape_cast %parallel_loop3A_1219 : vector<1x1x1x16xf32> to vector<16xf32>
        %parallel_loop3A_1221 = arith.addf %parallel_loop3A_1220, %parallel_loop3A_1151 : vector<16xf32>
        %parallel_loop3A_1222 = arith.constant 6 : i32
        %parallel_loop3A_1223 = arith.constant 3 : i32
        %parallel_loop3A_1224 = arith.constant 1 : i32
        %parallel_loop3A_1225 = arith.index_cast %parallel_loop3A_1222 : i32 to index
        %parallel_loop3A_1226 = arith.index_cast %parallel_loop3A_1223 : i32 to index
        %parallel_loop3A_1227 = arith.index_cast %parallel_loop3A_1224 : i32 to index
        %parallel_loop3A_1228 = arith.index_cast %parallel_loop3A_1057 : i32 to index
        %parallel_loop3A_1229 = tpu.vector_load %arg6[%parallel_loop3A_1225, %parallel_loop3A_1226, %parallel_loop3A_1227, %parallel_loop3A_1228] {strides = array<i32>} : memref<8x4x2x1024xf32, #tpu.memory_space<vmem>>, vector<1x1x1x16xf32>,
        %parallel_loop3A_1230 = vector.shape_cast %parallel_loop3A_1229 : vector<1x1x1x16xf32> to vector<16xf32>
        %parallel_loop3A_1231 = vector.shape_cast %parallel_loop3A_1221 : vector<16xf32> to vector<1x1x1x16xf32>
        tpu.vector_store %arg6[%parallel_loop3A_1225, %parallel_loop3A_1226, %parallel_loop3A_1227, %parallel_loop3A_1228], %parallel_loop3A_1231 {strides = array<i32>} : memref<8x4x2x1024xf32, #tpu.memory_space<vmem>>, vector<1x1x1x16xf32>,
      } {sc.loop_unroll_factor = 2 : i64, sc.parallel_access}
      %mul3A_940 = arith.constant 2 : i32
      %mul3A_941 = arith.muli %add3A_873, %mul3A_940 : i32
      %add3A_942 = arith.addi %mul3A_2, %mul3A_941 : i32
      %dma_start3A_943 = arith.constant 6 : i32
      %dma_start3A_944 = arith.constant 6 : i32
      %dma_start3A_945 = arith.constant 0 : i32
      %dma_start3A_946 = arith.constant 0 : i32
      %dma_start3A_947 = arith.constant 0 : i32
      %dma_start3A_948 = tpu.memref_slice %arg6[%dma_start3A_943, %dma_start3A_945, %dma_start3A_946, %dma_start3A_947] : memref<8x4x2x1024xf32, #tpu.memory_space<vmem>> -> memref<1x4x2x1024xf32, #tpu.memory_space<vmem>>
      %dma_start3A_949 = tpu.memref_squeeze %dma_start3A_948 : memref<1x4x2x1024xf32, #tpu.memory_space<vmem>> -> memref<4x2x1024xf32, #tpu.memory_space<vmem>>
      %dma_start3A_950 = arith.constant 0 : i32
      %dma_start3A_951 = arith.constant 0 : i32
      %dma_start3A_952 = tpu.memref_slice %arg4[%dma_start3A_950, %add3A_942, %dma_start3A_951] : memref<4x4096x1024xf32, #tpu.memory_space<hbm>> -> memref<4x2x1024xf32, #tpu.memory_space<hbm>>
      %dma_start3A_953 = tpu.memref_slice %arg8[%dma_start3A_944] : memref<8x!tpu.dma_semaphore, #tpu.memory_space<semaphore_mem>> -> memref<1x!tpu.dma_semaphore, #tpu.memory_space<semaphore_mem>>
      %dma_start3A_954 = tpu.memref_squeeze %dma_start3A_953 : memref<1x!tpu.dma_semaphore, #tpu.memory_space<semaphore_mem>> -> memref<!tpu.dma_semaphore, #tpu.memory_space<semaphore_mem>>
      %dma_start3A_955 = arith.constant 0 : i32
      %dma_start3A_956 = arith.constant 0 : i32
      %dma_start3A_957 = tpu.memref_slice %arg4[%dma_start3A_955, %add3A_942, %dma_start3A_956] : memref<4x4096x1024xf32, #tpu.memory_space<hbm>> -> memref<4x2x1024xf32, #tpu.memory_space<hbm>>
      %dma_start3A_958 = arith.constant 0 : i32
      %dma_start3A_959 = arith.constant 0 : i32
      %dma_start3A_960 = arith.constant 0 : i32
      %dma_start3A_961 = tpu.memref_slice %arg6[%dma_start3A_943, %dma_start3A_958, %dma_start3A_959, %dma_start3A_960] : memref<8x4x2x1024xf32, #tpu.memory_space<vmem>> -> memref<1x4x2x1024xf32, #tpu.memory_space<vmem>>
      %dma_start3A_962 = tpu.memref_squeeze %dma_start3A_961 : memref<1x4x2x1024xf32, #tpu.memory_space<vmem>> -> memref<4x2x1024xf32, #tpu.memory_space<vmem>>
      tpu.enqueue_dma source(%dma_start3A_962 : memref<4x2x1024xf32, #tpu.memory_space<vmem>>) target(%dma_start3A_957 : memref<4x2x1024xf32, #tpu.memory_space<hbm>>) target_semaphore(%dma_start3A_954 : memref<!tpu.dma_semaphore, #tpu.memory_space<semaphore_mem>>)
      %mul3A_963 = arith.constant 8 : i32
      %mul3A_964 = arith.muli %mul3A_963, %scan3A_239 : i32
      %add3A_965 = arith.constant 7 : i32
      %add3A_966 = arith.addi %mul3A_964, %add3A_965 : i32
      %dma_wait3A_967 = arith.constant 3 : i32
      %dma_wait3A_968 = arith.constant 3 : i32
      %dma_wait3A_969 = arith.constant 0 : i32
      %dma_wait3A_970 = arith.constant 0 : i32
      %dma_wait3A_971 = arith.constant 0 : i32
      %dma_wait3A_972 = tpu.memref_slice %arg6[%dma_wait3A_967, %dma_wait3A_969, %dma_wait3A_970, %dma_wait3A_971] : memref<8x4x2x1024xf32, #tpu.memory_space<vmem>> -> memref<1x4x2x1024xf32, #tpu.memory_space<vmem>>
      %dma_wait3A_973 = tpu.memref_squeeze %dma_wait3A_972 : memref<1x4x2x1024xf32, #tpu.memory_space<vmem>> -> memref<4x2x1024xf32, #tpu.memory_space<vmem>>
      %dma_wait3A_974 = arith.constant 0 : i32
      %dma_wait3A_975 = arith.constant 0 : i32
      %dma_wait3A_976 = tpu.memref_slice %arg4[%dma_wait3A_974, %mul3A_2, %dma_wait3A_975] : memref<4x4096x1024xf32, #tpu.memory_space<hbm>> -> memref<4x2x1024xf32, #tpu.memory_space<hbm>>
      %dma_wait3A_977 = tpu.memref_slice %arg8[%dma_wait3A_968] : memref<8x!tpu.dma_semaphore, #tpu.memory_space<semaphore_mem>> -> memref<1x!tpu.dma_semaphore, #tpu.memory_space<semaphore_mem>>
      %dma_wait3A_978 = tpu.memref_squeeze %dma_wait3A_977 : memref<1x!tpu.dma_semaphore, #tpu.memory_space<semaphore_mem>> -> memref<!tpu.dma_semaphore, #tpu.memory_space<semaphore_mem>>
      %dma_wait3A_979 = arith.constant 0 : i32
      %dma_wait3A_980 = arith.constant 0 : i32
      %dma_wait3A_981 = tpu.memref_slice %arg4[%dma_wait3A_979, %mul3A_2, %dma_wait3A_980] : memref<4x4096x1024xf32, #tpu.memory_space<hbm>> -> memref<4x2x1024xf32, #tpu.memory_space<hbm>>
      %dma_wait3A_982 = arith.constant 0 : i32
      %dma_wait3A_983 = arith.constant 0 : i32
      %dma_wait3A_984 = arith.constant 0 : i32
      %dma_wait3A_985 = tpu.memref_slice %arg6[%dma_wait3A_967, %dma_wait3A_982, %dma_wait3A_983, %dma_wait3A_984] : memref<8x4x2x1024xf32, #tpu.memory_space<vmem>> -> memref<1x4x2x1024xf32, #tpu.memory_space<vmem>>
      %dma_wait3A_986 = tpu.memref_squeeze %dma_wait3A_985 : memref<1x4x2x1024xf32, #tpu.memory_space<vmem>> -> memref<4x2x1024xf32, #tpu.memory_space<vmem>>
      tpu.wait_dma2 semaphore(%dma_wait3A_978 : memref<!tpu.dma_semaphore, #tpu.memory_space<semaphore_mem>>) src(%dma_wait3A_986 : memref<4x2x1024xf32, #tpu.memory_space<vmem>>) dst(%dma_wait3A_981 : memref<4x2x1024xf32, #tpu.memory_space<hbm>>)
      %add3A_987 = arith.constant 1 : i32
      %add3A_988 = arith.addi %scan3A_239, %add3A_987 : i32
      %lt3A_989 = arith.constant 8 : i32
      %lt3A_990 = arith.cmpi slt, %add3A_988, %lt3A_989 : i32
      %convert_element_type3A_991 = arith.extui %lt3A_990 : i1 to i32
      %cond3A_992 = arith.constant 0 : i32
      %cond3A_993 = arith.cmpi ne, %convert_element_type3A_991, %cond3A_992 : i32
      scf.if %cond3A_993 {
        %add3A_1057 = arith.constant 4 : i32
        %add3A_1058 = arith.addi %add3A_966, %add3A_1057 : i32
        %mul3A_1059 = arith.constant 2 : i32
        %mul3A_1060 = arith.muli %add3A_1058, %mul3A_1059 : i32
        %add3A_1061 = arith.addi %mul3A_2, %mul3A_1060 : i32
        %dma_start3A_1062 = arith.constant 3 : i32
        %dma_start3A_1063 = arith.constant 3 : i32
        %dma_start3A_1064 = arith.constant 0 : i32
        %dma_start3A_1065 = arith.constant 0 : i32
        %dma_start3A_1066 = tpu.memref_slice %arg5[%dma_start3A_1062, %dma_start3A_1064, %dma_start3A_1065] : memref<8x2x1024xf32, #tpu.memory_space<vmem>> -> memref<1x2x1024xf32, #tpu.memory_space<vmem>>
        %dma_start3A_1067 = tpu.memref_squeeze %dma_start3A_1066 : memref<1x2x1024xf32, #tpu.memory_space<vmem>> -> memref<2x1024xf32, #tpu.memory_space<vmem>>
        %dma_start3A_1068 = arith.constant 0 : i32
        %dma_start3A_1069 = tpu.memref_slice %arg3[%add3A_1061, %dma_start3A_1068] : memref<8192x1024xf32, #tpu.memory_space<hbm>> -> memref<2x1024xf32, #tpu.memory_space<hbm>>
        %dma_start3A_1070 = tpu.memref_slice %arg7[%dma_start3A_1063] : memref<8x!tpu.dma_semaphore, #tpu.memory_space<semaphore_mem>> -> memref<1x!tpu.dma_semaphore, #tpu.memory_space<semaphore_mem>>
        %dma_start3A_1071 = tpu.memref_squeeze %dma_start3A_1070 : memref<1x!tpu.dma_semaphore, #tpu.memory_space<semaphore_mem>> -> memref<!tpu.dma_semaphore, #tpu.memory_space<semaphore_mem>>
        %dma_start3A_1072 = arith.constant 0 : i32
        %dma_start3A_1073 = arith.constant 0 : i32
        %dma_start3A_1074 = tpu.memref_slice %arg5[%dma_start3A_1062, %dma_start3A_1072, %dma_start3A_1073] : memref<8x2x1024xf32, #tpu.memory_space<vmem>> -> memref<1x2x1024xf32, #tpu.memory_space<vmem>>
        %dma_start3A_1075 = tpu.memref_squeeze %dma_start3A_1074 : memref<1x2x1024xf32, #tpu.memory_space<vmem>> -> memref<2x1024xf32, #tpu.memory_space<vmem>>
        %dma_start3A_1076 = arith.constant 0 : i32
        %dma_start3A_1077 = tpu.memref_slice %arg3[%add3A_1061, %dma_start3A_1076] : memref<8192x1024xf32, #tpu.memory_space<hbm>> -> memref<2x1024xf32, #tpu.memory_space<hbm>>
        tpu.enqueue_dma source(%dma_start3A_1077 : memref<2x1024xf32, #tpu.memory_space<hbm>>) target(%dma_start3A_1075 : memref<2x1024xf32, #tpu.memory_space<vmem>>) target_semaphore(%dma_start3A_1071 : memref<!tpu.dma_semaphore, #tpu.memory_space<semaphore_mem>>)
        %dma_start3A_1078 = arith.constant 3 : i32
        %dma_start3A_1079 = arith.constant 3 : i32
        %dma_start3A_1080 = arith.constant 0 : i32
        %dma_start3A_1081 = arith.constant 0 : i32
        %dma_start3A_1082 = arith.constant 0 : i32
        %dma_start3A_1083 = tpu.memref_slice %arg6[%dma_start3A_1078, %dma_start3A_1080, %dma_start3A_1081, %dma_start3A_1082] : memref<8x4x2x1024xf32, #tpu.memory_space<vmem>> -> memref<1x4x2x1024xf32, #tpu.memory_space<vmem>>
        %dma_start3A_1084 = tpu.memref_squeeze %dma_start3A_1083 : memref<1x4x2x1024xf32, #tpu.memory_space<vmem>> -> memref<4x2x1024xf32, #tpu.memory_space<vmem>>
        %dma_start3A_1085 = arith.constant 0 : i32
        %dma_start3A_1086 = arith.constant 0 : i32
        %dma_start3A_1087 = tpu.memref_slice %arg2[%dma_start3A_1085, %add3A_1061, %dma_start3A_1086] : memref<4x4096x1024xf32, #tpu.memory_space<hbm>> -> memref<4x2x1024xf32, #tpu.memory_space<hbm>>
        %dma_start3A_1088 = tpu.memref_slice %arg7[%dma_start3A_1079] : memref<8x!tpu.dma_semaphore, #tpu.memory_space<semaphore_mem>> -> memref<1x!tpu.dma_semaphore, #tpu.memory_space<semaphore_mem>>
        %dma_start3A_1089 = tpu.memref_squeeze %dma_start3A_1088 : memref<1x!tpu.dma_semaphore, #tpu.memory_space<semaphore_mem>> -> memref<!tpu.dma_semaphore, #tpu.memory_space<semaphore_mem>>
        %dma_start3A_1090 = arith.constant 0 : i32
        %dma_start3A_1091 = arith.constant 0 : i32
        %dma_start3A_1092 = arith.constant 0 : i32
        %dma_start3A_1093 = tpu.memref_slice %arg6[%dma_start3A_1078, %dma_start3A_1090, %dma_start3A_1091, %dma_start3A_1092] : memref<8x4x2x1024xf32, #tpu.memory_space<vmem>> -> memref<1x4x2x1024xf32, #tpu.memory_space<vmem>>
        %dma_start3A_1094 = tpu.memref_squeeze %dma_start3A_1093 : memref<1x4x2x1024xf32, #tpu.memory_space<vmem>> -> memref<4x2x1024xf32, #tpu.memory_space<vmem>>
        %dma_start3A_1095 = arith.constant 0 : i32
        %dma_start3A_1096 = arith.constant 0 : i32
        %dma_start3A_1097 = tpu.memref_slice %arg2[%dma_start3A_1095, %add3A_1061, %dma_start3A_1096] : memref<4x4096x1024xf32, #tpu.memory_space<hbm>> -> memref<4x2x1024xf32, #tpu.memory_space<hbm>>
        tpu.enqueue_dma source(%dma_start3A_1097 : memref<4x2x1024xf32, #tpu.memory_space<hbm>>) target(%dma_start3A_1094 : memref<4x2x1024xf32, #tpu.memory_space<vmem>>) target_semaphore(%dma_start3A_1089 : memref<!tpu.dma_semaphore, #tpu.memory_space<semaphore_mem>>)
      } else {
      }
      %dma_wait3A_994 = arith.constant 7 : i32
      %dma_wait3A_995 = arith.constant 7 : i32
      %dma_wait3A_996 = arith.constant 0 : i32
      %dma_wait3A_997 = arith.constant 0 : i32
      %dma_wait3A_998 = tpu.memref_slice %arg5[%dma_wait3A_994, %dma_wait3A_996, %dma_wait3A_997] : memref<8x2x1024xf32, #tpu.memory_space<vmem>> -> memref<1x2x1024xf32, #tpu.memory_space<vmem>>
      %dma_wait3A_999 = tpu.memref_squeeze %dma_wait3A_998 : memref<1x2x1024xf32, #tpu.memory_space<vmem>> -> memref<2x1024xf32, #tpu.memory_space<vmem>>
      %dma_wait3A_1000 = arith.constant 0 : i32
      %dma_wait3A_1001 = tpu.memref_slice %arg3[%mul3A_2, %dma_wait3A_1000] : memref<8192x1024xf32, #tpu.memory_space<hbm>> -> memref<2x1024xf32, #tpu.memory_space<hbm>>
      %dma_wait3A_1002 = tpu.memref_slice %arg7[%dma_wait3A_995] : memref<8x!tpu.dma_semaphore, #tpu.memory_space<semaphore_mem>> -> memref<1x!tpu.dma_semaphore, #tpu.memory_space<semaphore_mem>>
      %dma_wait3A_1003 = tpu.memref_squeeze %dma_wait3A_1002 : memref<1x!tpu.dma_semaphore, #tpu.memory_space<semaphore_mem>> -> memref<!tpu.dma_semaphore, #tpu.memory_space<semaphore_mem>>
      %dma_wait3A_1004 = arith.constant 0 : i32
      %dma_wait3A_1005 = arith.constant 0 : i32
      %dma_wait3A_1006 = tpu.memref_slice %arg5[%dma_wait3A_994, %dma_wait3A_1004, %dma_wait3A_1005] : memref<8x2x1024xf32, #tpu.memory_space<vmem>> -> memref<1x2x1024xf32, #tpu.memory_space<vmem>>
      %dma_wait3A_1007 = tpu.memref_squeeze %dma_wait3A_1006 : memref<1x2x1024xf32, #tpu.memory_space<vmem>> -> memref<2x1024xf32, #tpu.memory_space<vmem>>
      %dma_wait3A_1008 = arith.constant 0 : i32
      %dma_wait3A_1009 = tpu.memref_slice %arg3[%mul3A_2, %dma_wait3A_1008] : memref<8192x1024xf32, #tpu.memory_space<hbm>> -> memref<2x1024xf32, #tpu.memory_space<hbm>>
      tpu.wait_dma2 semaphore(%dma_wait3A_1003 : memref<!tpu.dma_semaphore, #tpu.memory_space<semaphore_mem>>) src(%dma_wait3A_1009 : memref<2x1024xf32, #tpu.memory_space<hbm>>) dst(%dma_wait3A_1007 : memref<2x1024xf32, #tpu.memory_space<vmem>>)
      %dma_wait3A_1010 = arith.constant 7 : i32
      %dma_wait3A_1011 = arith.constant 7 : i32
      %dma_wait3A_1012 = arith.constant 0 : i32
      %dma_wait3A_1013 = arith.constant 0 : i32
      %dma_wait3A_1014 = arith.constant 0 : i32
      %dma_wait3A_1015 = tpu.memref_slice %arg6[%dma_wait3A_1010, %dma_wait3A_1012, %dma_wait3A_1013, %dma_wait3A_1014] : memref<8x4x2x1024xf32, #tpu.memory_space<vmem>> -> memref<1x4x2x1024xf32, #tpu.memory_space<vmem>>
      %dma_wait3A_1016 = tpu.memref_squeeze %dma_wait3A_1015 : memref<1x4x2x1024xf32, #tpu.memory_space<vmem>> -> memref<4x2x1024xf32, #tpu.memory_space<vmem>>
      %dma_wait3A_1017 = arith.constant 0 : i32
      %dma_wait3A_1018 = arith.constant 0 : i32
      %dma_wait3A_1019 = tpu.memref_slice %arg2[%dma_wait3A_1017, %mul3A_2, %dma_wait3A_1018] : memref<4x4096x1024xf32, #tpu.memory_space<hbm>> -> memref<4x2x1024xf32, #tpu.memory_space<hbm>>
      %dma_wait3A_1020 = tpu.memref_slice %arg7[%dma_wait3A_1011] : memref<8x!tpu.dma_semaphore, #tpu.memory_space<semaphore_mem>> -> memref<1x!tpu.dma_semaphore, #tpu.memory_space<semaphore_mem>>
      %dma_wait3A_1021 = tpu.memref_squeeze %dma_wait3A_1020 : memref<1x!tpu.dma_semaphore, #tpu.memory_space<semaphore_mem>> -> memref<!tpu.dma_semaphore, #tpu.memory_space<semaphore_mem>>
      %dma_wait3A_1022 = arith.constant 0 : i32
      %dma_wait3A_1023 = arith.constant 0 : i32
      %dma_wait3A_1024 = arith.constant 0 : i32
      %dma_wait3A_1025 = tpu.memref_slice %arg6[%dma_wait3A_1010, %dma_wait3A_1022, %dma_wait3A_1023, %dma_wait3A_1024] : memref<8x4x2x1024xf32, #tpu.memory_space<vmem>> -> memref<1x4x2x1024xf32, #tpu.memory_space<vmem>>
      %dma_wait3A_1026 = tpu.memref_squeeze %dma_wait3A_1025 : memref<1x4x2x1024xf32, #tpu.memory_space<vmem>> -> memref<4x2x1024xf32, #tpu.memory_space<vmem>>
      %dma_wait3A_1027 = arith.constant 0 : i32
      %dma_wait3A_1028 = arith.constant 0 : i32
      %dma_wait3A_1029 = tpu.memref_slice %arg2[%dma_wait3A_1027, %mul3A_2, %dma_wait3A_1028] : memref<4x4096x1024xf32, #tpu.memory_space<hbm>> -> memref<4x2x1024xf32, #tpu.memory_space<hbm>>
      tpu.wait_dma2 semaphore(%dma_wait3A_1021 : memref<!tpu.dma_semaphore, #tpu.memory_space<semaphore_mem>>) src(%dma_wait3A_1029 : memref<4x2x1024xf32, #tpu.memory_space<hbm>>) dst(%dma_wait3A_1026 : memref<4x2x1024xf32, #tpu.memory_space<vmem>>)
      %parallel_loop3A_1030 = arith.constant 0 : i32
      %parallel_loop3A_1031 = arith.constant 1024 : i32
      %parallel_loop3A_1032 = arith.constant 16 : i32
      scf.for %parallel_loop3A_1057 = %parallel_loop3A_1030 to %parallel_loop3A_1031 step %parallel_loop3A_1032  : i32 {
        %parallel_loop3A_1058 = arith.constant 7 : i32
        %parallel_loop3A_1059 = arith.constant 0 : i32
        %parallel_loop3A_1060 = arith.index_cast %parallel_loop3A_1058 : i32 to index
        %parallel_loop3A_1061 = arith.index_cast %parallel_loop3A_1059 : i32 to index
        %parallel_loop3A_1062 = arith.index_cast %parallel_loop3A_1057 : i32 to index
        %parallel_loop3A_1063 = tpu.vector_load %arg5[%parallel_loop3A_1060, %parallel_loop3A_1061, %parallel_loop3A_1062] {strides = array<i32>} : memref<8x2x1024xf32, #tpu.memory_space<vmem>>, vector<1x1x16xf32>,
        %parallel_loop3A_1064 = vector.shape_cast %parallel_loop3A_1063 : vector<1x1x16xf32> to vector<16xf32>
        %parallel_loop3A_1065 = arith.constant 7 : i32
        %parallel_loop3A_1066 = arith.constant 0 : i32
        %parallel_loop3A_1067 = arith.constant 0 : i32
        %parallel_loop3A_1068 = arith.index_cast %parallel_loop3A_1065 : i32 to index
        %parallel_loop3A_1069 = arith.index_cast %parallel_loop3A_1066 : i32 to index
        %parallel_loop3A_1070 = arith.index_cast %parallel_loop3A_1067 : i32 to index
        %parallel_loop3A_1071 = arith.index_cast %parallel_loop3A_1057 : i32 to index
        %parallel_loop3A_1072 = tpu.vector_load %arg6[%parallel_loop3A_1068, %parallel_loop3A_1069, %parallel_loop3A_1070, %parallel_loop3A_1071] {strides = array<i32>} : memref<8x4x2x1024xf32, #tpu.memory_space<vmem>>, vector<1x1x1x16xf32>,
        %parallel_loop3A_1073 = vector.shape_cast %parallel_loop3A_1072 : vector<1x1x1x16xf32> to vector<16xf32>
        %parallel_loop3A_1074 = arith.addf %parallel_loop3A_1073, %parallel_loop3A_1064 : vector<16xf32>
        %parallel_loop3A_1075 = arith.constant 7 : i32
        %parallel_loop3A_1076 = arith.constant 0 : i32
        %parallel_loop3A_1077 = arith.constant 0 : i32
        %parallel_loop3A_1078 = arith.index_cast %parallel_loop3A_1075 : i32 to index
        %parallel_loop3A_1079 = arith.index_cast %parallel_loop3A_1076 : i32 to index
        %parallel_loop3A_1080 = arith.index_cast %parallel_loop3A_1077 : i32 to index
        %parallel_loop3A_1081 = arith.index_cast %parallel_loop3A_1057 : i32 to index
        %parallel_loop3A_1082 = tpu.vector_load %arg6[%parallel_loop3A_1078, %parallel_loop3A_1079, %parallel_loop3A_1080, %parallel_loop3A_1081] {strides = array<i32>} : memref<8x4x2x1024xf32, #tpu.memory_space<vmem>>, vector<1x1x1x16xf32>,
        %parallel_loop3A_1083 = vector.shape_cast %parallel_loop3A_1082 : vector<1x1x1x16xf32> to vector<16xf32>
        %parallel_loop3A_1084 = vector.shape_cast %parallel_loop3A_1074 : vector<16xf32> to vector<1x1x1x16xf32>
        tpu.vector_store %arg6[%parallel_loop3A_1078, %parallel_loop3A_1079, %parallel_loop3A_1080, %parallel_loop3A_1081], %parallel_loop3A_1084 {strides = array<i32>} : memref<8x4x2x1024xf32, #tpu.memory_space<vmem>>, vector<1x1x1x16xf32>,
        %parallel_loop3A_1085 = arith.constant 7 : i32
        %parallel_loop3A_1086 = arith.constant 1 : i32
        %parallel_loop3A_1087 = arith.constant 0 : i32
        %parallel_loop3A_1088 = arith.index_cast %parallel_loop3A_1085 : i32 to index
        %parallel_loop3A_1089 = arith.index_cast %parallel_loop3A_1086 : i32 to index
        %parallel_loop3A_1090 = arith.index_cast %parallel_loop3A_1087 : i32 to index
        %parallel_loop3A_1091 = arith.index_cast %parallel_loop3A_1057 : i32 to index
        %parallel_loop3A_1092 = tpu.vector_load %arg6[%parallel_loop3A_1088, %parallel_loop3A_1089, %parallel_loop3A_1090, %parallel_loop3A_1091] {strides = array<i32>} : memref<8x4x2x1024xf32, #tpu.memory_space<vmem>>, vector<1x1x1x16xf32>,
        %parallel_loop3A_1093 = vector.shape_cast %parallel_loop3A_1092 : vector<1x1x1x16xf32> to vector<16xf32>
        %parallel_loop3A_1094 = arith.addf %parallel_loop3A_1093, %parallel_loop3A_1064 : vector<16xf32>
        %parallel_loop3A_1095 = arith.constant 7 : i32
        %parallel_loop3A_1096 = arith.constant 1 : i32
        %parallel_loop3A_1097 = arith.constant 0 : i32
        %parallel_loop3A_1098 = arith.index_cast %parallel_loop3A_1095 : i32 to index
        %parallel_loop3A_1099 = arith.index_cast %parallel_loop3A_1096 : i32 to index
        %parallel_loop3A_1100 = arith.index_cast %parallel_loop3A_1097 : i32 to index
        %parallel_loop3A_1101 = arith.index_cast %parallel_loop3A_1057 : i32 to index
        %parallel_loop3A_1102 = tpu.vector_load %arg6[%parallel_loop3A_1098, %parallel_loop3A_1099, %parallel_loop3A_1100, %parallel_loop3A_1101] {strides = array<i32>} : memref<8x4x2x1024xf32, #tpu.memory_space<vmem>>, vector<1x1x1x16xf32>,
        %parallel_loop3A_1103 = vector.shape_cast %parallel_loop3A_1102 : vector<1x1x1x16xf32> to vector<16xf32>
        %parallel_loop3A_1104 = vector.shape_cast %parallel_loop3A_1094 : vector<16xf32> to vector<1x1x1x16xf32>
        tpu.vector_store %arg6[%parallel_loop3A_1098, %parallel_loop3A_1099, %parallel_loop3A_1100, %parallel_loop3A_1101], %parallel_loop3A_1104 {strides = array<i32>} : memref<8x4x2x1024xf32, #tpu.memory_space<vmem>>, vector<1x1x1x16xf32>,
        %parallel_loop3A_1105 = arith.constant 7 : i32
        %parallel_loop3A_1106 = arith.constant 2 : i32
        %parallel_loop3A_1107 = arith.constant 0 : i32
        %parallel_loop3A_1108 = arith.index_cast %parallel_loop3A_1105 : i32 to index
        %parallel_loop3A_1109 = arith.index_cast %parallel_loop3A_1106 : i32 to index
        %parallel_loop3A_1110 = arith.index_cast %parallel_loop3A_1107 : i32 to index
        %parallel_loop3A_1111 = arith.index_cast %parallel_loop3A_1057 : i32 to index
        %parallel_loop3A_1112 = tpu.vector_load %arg6[%parallel_loop3A_1108, %parallel_loop3A_1109, %parallel_loop3A_1110, %parallel_loop3A_1111] {strides = array<i32>} : memref<8x4x2x1024xf32, #tpu.memory_space<vmem>>, vector<1x1x1x16xf32>,
        %parallel_loop3A_1113 = vector.shape_cast %parallel_loop3A_1112 : vector<1x1x1x16xf32> to vector<16xf32>
        %parallel_loop3A_1114 = arith.addf %parallel_loop3A_1113, %parallel_loop3A_1064 : vector<16xf32>
        %parallel_loop3A_1115 = arith.constant 7 : i32
        %parallel_loop3A_1116 = arith.constant 2 : i32
        %parallel_loop3A_1117 = arith.constant 0 : i32
        %parallel_loop3A_1118 = arith.index_cast %parallel_loop3A_1115 : i32 to index
        %parallel_loop3A_1119 = arith.index_cast %parallel_loop3A_1116 : i32 to index
        %parallel_loop3A_1120 = arith.index_cast %parallel_loop3A_1117 : i32 to index
        %parallel_loop3A_1121 = arith.index_cast %parallel_loop3A_1057 : i32 to index
        %parallel_loop3A_1122 = tpu.vector_load %arg6[%parallel_loop3A_1118, %parallel_loop3A_1119, %parallel_loop3A_1120, %parallel_loop3A_1121] {strides = array<i32>} : memref<8x4x2x1024xf32, #tpu.memory_space<vmem>>, vector<1x1x1x16xf32>,
        %parallel_loop3A_1123 = vector.shape_cast %parallel_loop3A_1122 : vector<1x1x1x16xf32> to vector<16xf32>
        %parallel_loop3A_1124 = vector.shape_cast %parallel_loop3A_1114 : vector<16xf32> to vector<1x1x1x16xf32>
        tpu.vector_store %arg6[%parallel_loop3A_1118, %parallel_loop3A_1119, %parallel_loop3A_1120, %parallel_loop3A_1121], %parallel_loop3A_1124 {strides = array<i32>} : memref<8x4x2x1024xf32, #tpu.memory_space<vmem>>, vector<1x1x1x16xf32>,
        %parallel_loop3A_1125 = arith.constant 7 : i32
        %parallel_loop3A_1126 = arith.constant 3 : i32
        %parallel_loop3A_1127 = arith.constant 0 : i32
        %parallel_loop3A_1128 = arith.index_cast %parallel_loop3A_1125 : i32 to index
        %parallel_loop3A_1129 = arith.index_cast %parallel_loop3A_1126 : i32 to index
        %parallel_loop3A_1130 = arith.index_cast %parallel_loop3A_1127 : i32 to index
        %parallel_loop3A_1131 = arith.index_cast %parallel_loop3A_1057 : i32 to index
        %parallel_loop3A_1132 = tpu.vector_load %arg6[%parallel_loop3A_1128, %parallel_loop3A_1129, %parallel_loop3A_1130, %parallel_loop3A_1131] {strides = array<i32>} : memref<8x4x2x1024xf32, #tpu.memory_space<vmem>>, vector<1x1x1x16xf32>,
        %parallel_loop3A_1133 = vector.shape_cast %parallel_loop3A_1132 : vector<1x1x1x16xf32> to vector<16xf32>
        %parallel_loop3A_1134 = arith.addf %parallel_loop3A_1133, %parallel_loop3A_1064 : vector<16xf32>
        %parallel_loop3A_1135 = arith.constant 7 : i32
        %parallel_loop3A_1136 = arith.constant 3 : i32
        %parallel_loop3A_1137 = arith.constant 0 : i32
        %parallel_loop3A_1138 = arith.index_cast %parallel_loop3A_1135 : i32 to index
        %parallel_loop3A_1139 = arith.index_cast %parallel_loop3A_1136 : i32 to index
        %parallel_loop3A_1140 = arith.index_cast %parallel_loop3A_1137 : i32 to index
        %parallel_loop3A_1141 = arith.index_cast %parallel_loop3A_1057 : i32 to index
        %parallel_loop3A_1142 = tpu.vector_load %arg6[%parallel_loop3A_1138, %parallel_loop3A_1139, %parallel_loop3A_1140, %parallel_loop3A_1141] {strides = array<i32>} : memref<8x4x2x1024xf32, #tpu.memory_space<vmem>>, vector<1x1x1x16xf32>,
        %parallel_loop3A_1143 = vector.shape_cast %parallel_loop3A_1142 : vector<1x1x1x16xf32> to vector<16xf32>
        %parallel_loop3A_1144 = vector.shape_cast %parallel_loop3A_1134 : vector<16xf32> to vector<1x1x1x16xf32>
        tpu.vector_store %arg6[%parallel_loop3A_1138, %parallel_loop3A_1139, %parallel_loop3A_1140, %parallel_loop3A_1141], %parallel_loop3A_1144 {strides = array<i32>} : memref<8x4x2x1024xf32, #tpu.memory_space<vmem>>, vector<1x1x1x16xf32>,
        %parallel_loop3A_1145 = arith.constant 7 : i32
        %parallel_loop3A_1146 = arith.constant 1 : i32
        %parallel_loop3A_1147 = arith.index_cast %parallel_loop3A_1145 : i32 to index
        %parallel_loop3A_1148 = arith.index_cast %parallel_loop3A_1146 : i32 to index
        %parallel_loop3A_1149 = arith.index_cast %parallel_loop3A_1057 : i32 to index
        %parallel_loop3A_1150 = tpu.vector_load %arg5[%parallel_loop3A_1147, %parallel_loop3A_1148, %parallel_loop3A_1149] {strides = array<i32>} : memref<8x2x1024xf32, #tpu.memory_space<vmem>>, vector<1x1x16xf32>,
        %parallel_loop3A_1151 = vector.shape_cast %parallel_loop3A_1150 : vector<1x1x16xf32> to vector<16xf32>
        %parallel_loop3A_1152 = arith.constant 7 : i32
        %parallel_loop3A_1153 = arith.constant 0 : i32
        %parallel_loop3A_1154 = arith.constant 1 : i32
        %parallel_loop3A_1155 = arith.index_cast %parallel_loop3A_1152 : i32 to index
        %parallel_loop3A_1156 = arith.index_cast %parallel_loop3A_1153 : i32 to index
        %parallel_loop3A_1157 = arith.index_cast %parallel_loop3A_1154 : i32 to index
        %parallel_loop3A_1158 = arith.index_cast %parallel_loop3A_1057 : i32 to index
        %parallel_loop3A_1159 = tpu.vector_load %arg6[%parallel_loop3A_1155, %parallel_loop3A_1156, %parallel_loop3A_1157, %parallel_loop3A_1158] {strides = array<i32>} : memref<8x4x2x1024xf32, #tpu.memory_space<vmem>>, vector<1x1x1x16xf32>,
        %parallel_loop3A_1160 = vector.shape_cast %parallel_loop3A_1159 : vector<1x1x1x16xf32> to vector<16xf32>
        %parallel_loop3A_1161 = arith.addf %parallel_loop3A_1160, %parallel_loop3A_1151 : vector<16xf32>
        %parallel_loop3A_1162 = arith.constant 7 : i32
        %parallel_loop3A_1163 = arith.constant 0 : i32
        %parallel_loop3A_1164 = arith.constant 1 : i32
        %parallel_loop3A_1165 = arith.index_cast %parallel_loop3A_1162 : i32 to index
        %parallel_loop3A_1166 = arith.index_cast %parallel_loop3A_1163 : i32 to index
        %parallel_loop3A_1167 = arith.index_cast %parallel_loop3A_1164 : i32 to index
        %parallel_loop3A_1168 = arith.index_cast %parallel_loop3A_1057 : i32 to index
        %parallel_loop3A_1169 = tpu.vector_load %arg6[%parallel_loop3A_1165, %parallel_loop3A_1166, %parallel_loop3A_1167, %parallel_loop3A_1168] {strides = array<i32>} : memref<8x4x2x1024xf32, #tpu.memory_space<vmem>>, vector<1x1x1x16xf32>,
        %parallel_loop3A_1170 = vector.shape_cast %parallel_loop3A_1169 : vector<1x1x1x16xf32> to vector<16xf32>
        %parallel_loop3A_1171 = vector.shape_cast %parallel_loop3A_1161 : vector<16xf32> to vector<1x1x1x16xf32>
        tpu.vector_store %arg6[%parallel_loop3A_1165, %parallel_loop3A_1166, %parallel_loop3A_1167, %parallel_loop3A_1168], %parallel_loop3A_1171 {strides = array<i32>} : memref<8x4x2x1024xf32, #tpu.memory_space<vmem>>, vector<1x1x1x16xf32>,
        %parallel_loop3A_1172 = arith.constant 7 : i32
        %parallel_loop3A_1173 = arith.constant 1 : i32
        %parallel_loop3A_1174 = arith.constant 1 : i32
        %parallel_loop3A_1175 = arith.index_cast %parallel_loop3A_1172 : i32 to index
        %parallel_loop3A_1176 = arith.index_cast %parallel_loop3A_1173 : i32 to index
        %parallel_loop3A_1177 = arith.index_cast %parallel_loop3A_1174 : i32 to index
        %parallel_loop3A_1178 = arith.index_cast %parallel_loop3A_1057 : i32 to index
        %parallel_loop3A_1179 = tpu.vector_load %arg6[%parallel_loop3A_1175, %parallel_loop3A_1176, %parallel_loop3A_1177, %parallel_loop3A_1178] {strides = array<i32>} : memref<8x4x2x1024xf32, #tpu.memory_space<vmem>>, vector<1x1x1x16xf32>,
        %parallel_loop3A_1180 = vector.shape_cast %parallel_loop3A_1179 : vector<1x1x1x16xf32> to vector<16xf32>
        %parallel_loop3A_1181 = arith.addf %parallel_loop3A_1180, %parallel_loop3A_1151 : vector<16xf32>
        %parallel_loop3A_1182 = arith.constant 7 : i32
        %parallel_loop3A_1183 = arith.constant 1 : i32
        %parallel_loop3A_1184 = arith.constant 1 : i32
        %parallel_loop3A_1185 = arith.index_cast %parallel_loop3A_1182 : i32 to index
        %parallel_loop3A_1186 = arith.index_cast %parallel_loop3A_1183 : i32 to index
        %parallel_loop3A_1187 = arith.index_cast %parallel_loop3A_1184 : i32 to index
        %parallel_loop3A_1188 = arith.index_cast %parallel_loop3A_1057 : i32 to index
        %parallel_loop3A_1189 = tpu.vector_load %arg6[%parallel_loop3A_1185, %parallel_loop3A_1186, %parallel_loop3A_1187, %parallel_loop3A_1188] {strides = array<i32>} : memref<8x4x2x1024xf32, #tpu.memory_space<vmem>>, vector<1x1x1x16xf32>,
        %parallel_loop3A_1190 = vector.shape_cast %parallel_loop3A_1189 : vector<1x1x1x16xf32> to vector<16xf32>
        %parallel_loop3A_1191 = vector.shape_cast %parallel_loop3A_1181 : vector<16xf32> to vector<1x1x1x16xf32>
        tpu.vector_store %arg6[%parallel_loop3A_1185, %parallel_loop3A_1186, %parallel_loop3A_1187, %parallel_loop3A_1188], %parallel_loop3A_1191 {strides = array<i32>} : memref<8x4x2x1024xf32, #tpu.memory_space<vmem>>, vector<1x1x1x16xf32>,
        %parallel_loop3A_1192 = arith.constant 7 : i32
        %parallel_loop3A_1193 = arith.constant 2 : i32
        %parallel_loop3A_1194 = arith.constant 1 : i32
        %parallel_loop3A_1195 = arith.index_cast %parallel_loop3A_1192 : i32 to index
        %parallel_loop3A_1196 = arith.index_cast %parallel_loop3A_1193 : i32 to index
        %parallel_loop3A_1197 = arith.index_cast %parallel_loop3A_1194 : i32 to index
        %parallel_loop3A_1198 = arith.index_cast %parallel_loop3A_1057 : i32 to index
        %parallel_loop3A_1199 = tpu.vector_load %arg6[%parallel_loop3A_1195, %parallel_loop3A_1196, %parallel_loop3A_1197, %parallel_loop3A_1198] {strides = array<i32>} : memref<8x4x2x1024xf32, #tpu.memory_space<vmem>>, vector<1x1x1x16xf32>,
        %parallel_loop3A_1200 = vector.shape_cast %parallel_loop3A_1199 : vector<1x1x1x16xf32> to vector<16xf32>
        %parallel_loop3A_1201 = arith.addf %parallel_loop3A_1200, %parallel_loop3A_1151 : vector<16xf32>
        %parallel_loop3A_1202 = arith.constant 7 : i32
        %parallel_loop3A_1203 = arith.constant 2 : i32
        %parallel_loop3A_1204 = arith.constant 1 : i32
        %parallel_loop3A_1205 = arith.index_cast %parallel_loop3A_1202 : i32 to index
        %parallel_loop3A_1206 = arith.index_cast %parallel_loop3A_1203 : i32 to index
        %parallel_loop3A_1207 = arith.index_cast %parallel_loop3A_1204 : i32 to index
        %parallel_loop3A_1208 = arith.index_cast %parallel_loop3A_1057 : i32 to index
        %parallel_loop3A_1209 = tpu.vector_load %arg6[%parallel_loop3A_1205, %parallel_loop3A_1206, %parallel_loop3A_1207, %parallel_loop3A_1208] {strides = array<i32>} : memref<8x4x2x1024xf32, #tpu.memory_space<vmem>>, vector<1x1x1x16xf32>,
        %parallel_loop3A_1210 = vector.shape_cast %parallel_loop3A_1209 : vector<1x1x1x16xf32> to vector<16xf32>
        %parallel_loop3A_1211 = vector.shape_cast %parallel_loop3A_1201 : vector<16xf32> to vector<1x1x1x16xf32>
        tpu.vector_store %arg6[%parallel_loop3A_1205, %parallel_loop3A_1206, %parallel_loop3A_1207, %parallel_loop3A_1208], %parallel_loop3A_1211 {strides = array<i32>} : memref<8x4x2x1024xf32, #tpu.memory_space<vmem>>, vector<1x1x1x16xf32>,
        %parallel_loop3A_1212 = arith.constant 7 : i32
        %parallel_loop3A_1213 = arith.constant 3 : i32
        %parallel_loop3A_1214 = arith.constant 1 : i32
        %parallel_loop3A_1215 = arith.index_cast %parallel_loop3A_1212 : i32 to index
        %parallel_loop3A_1216 = arith.index_cast %parallel_loop3A_1213 : i32 to index
        %parallel_loop3A_1217 = arith.index_cast %parallel_loop3A_1214 : i32 to index
        %parallel_loop3A_1218 = arith.index_cast %parallel_loop3A_1057 : i32 to index
        %parallel_loop3A_1219 = tpu.vector_load %arg6[%parallel_loop3A_1215, %parallel_loop3A_1216, %parallel_loop3A_1217, %parallel_loop3A_1218] {strides = array<i32>} : memref<8x4x2x1024xf32, #tpu.memory_space<vmem>>, vector<1x1x1x16xf32>,
        %parallel_loop3A_1220 = vector.shape_cast %parallel_loop3A_1219 : vector<1x1x1x16xf32> to vector<16xf32>
        %parallel_loop3A_1221 = arith.addf %parallel_loop3A_1220, %parallel_loop3A_1151 : vector<16xf32>
        %parallel_loop3A_1222 = arith.constant 7 : i32
        %parallel_loop3A_1223 = arith.constant 3 : i32
        %parallel_loop3A_1224 = arith.constant 1 : i32
        %parallel_loop3A_1225 = arith.index_cast %parallel_loop3A_1222 : i32 to index
        %parallel_loop3A_1226 = arith.index_cast %parallel_loop3A_1223 : i32 to index
        %parallel_loop3A_1227 = arith.index_cast %parallel_loop3A_1224 : i32 to index
        %parallel_loop3A_1228 = arith.index_cast %parallel_loop3A_1057 : i32 to index
        %parallel_loop3A_1229 = tpu.vector_load %arg6[%parallel_loop3A_1225, %parallel_loop3A_1226, %parallel_loop3A_1227, %parallel_loop3A_1228] {strides = array<i32>} : memref<8x4x2x1024xf32, #tpu.memory_space<vmem>>, vector<1x1x1x16xf32>,
        %parallel_loop3A_1230 = vector.shape_cast %parallel_loop3A_1229 : vector<1x1x1x16xf32> to vector<16xf32>
        %parallel_loop3A_1231 = vector.shape_cast %parallel_loop3A_1221 : vector<16xf32> to vector<1x1x1x16xf32>
        tpu.vector_store %arg6[%parallel_loop3A_1225, %parallel_loop3A_1226, %parallel_loop3A_1227, %parallel_loop3A_1228], %parallel_loop3A_1231 {strides = array<i32>} : memref<8x4x2x1024xf32, #tpu.memory_space<vmem>>, vector<1x1x1x16xf32>,
      } {sc.loop_unroll_factor = 2 : i64, sc.parallel_access}
      %mul3A_1033 = arith.constant 2 : i32
      %mul3A_1034 = arith.muli %add3A_966, %mul3A_1033 : i32
      %add3A_1035 = arith.addi %mul3A_2, %mul3A_1034 : i32
      %dma_start3A_1036 = arith.constant 7 : i32
      %dma_start3A_1037 = arith.constant 7 : i32
      %dma_start3A_1038 = arith.constant 0 : i32
      %dma_start3A_1039 = arith.constant 0 : i32
      %dma_start3A_1040 = arith.constant 0 : i32
      %dma_start3A_1041 = tpu.memref_slice %arg6[%dma_start3A_1036, %dma_start3A_1038, %dma_start3A_1039, %dma_start3A_1040] : memref<8x4x2x1024xf32, #tpu.memory_space<vmem>> -> memref<1x4x2x1024xf32, #tpu.memory_space<vmem>>
      %dma_start3A_1042 = tpu.memref_squeeze %dma_start3A_1041 : memref<1x4x2x1024xf32, #tpu.memory_space<vmem>> -> memref<4x2x1024xf32, #tpu.memory_space<vmem>>
      %dma_start3A_1043 = arith.constant 0 : i32
      %dma_start3A_1044 = arith.constant 0 : i32
      %dma_start3A_1045 = tpu.memref_slice %arg4[%dma_start3A_1043, %add3A_1035, %dma_start3A_1044] : memref<4x4096x1024xf32, #tpu.memory_space<hbm>> -> memref<4x2x1024xf32, #tpu.memory_space<hbm>>
      %dma_start3A_1046 = tpu.memref_slice %arg8[%dma_start3A_1037] : memref<8x!tpu.dma_semaphore, #tpu.memory_space<semaphore_mem>> -> memref<1x!tpu.dma_semaphore, #tpu.memory_space<semaphore_mem>>
      %dma_start3A_1047 = tpu.memref_squeeze %dma_start3A_1046 : memref<1x!tpu.dma_semaphore, #tpu.memory_space<semaphore_mem>> -> memref<!tpu.dma_semaphore, #tpu.memory_space<semaphore_mem>>
      %dma_start3A_1048 = arith.constant 0 : i32
      %dma_start3A_1049 = arith.constant 0 : i32
      %dma_start3A_1050 = tpu.memref_slice %arg4[%dma_start3A_1048, %add3A_1035, %dma_start3A_1049] : memref<4x4096x1024xf32, #tpu.memory_space<hbm>> -> memref<4x2x1024xf32, #tpu.memory_space<hbm>>
      %dma_start3A_1051 = arith.constant 0 : i32
      %dma_start3A_1052 = arith.constant 0 : i32
      %dma_start3A_1053 = arith.constant 0 : i32
      %dma_start3A_1054 = tpu.memref_slice %arg6[%dma_start3A_1036, %dma_start3A_1051, %dma_start3A_1052, %dma_start3A_1053] : memref<8x4x2x1024xf32, #tpu.memory_space<vmem>> -> memref<1x4x2x1024xf32, #tpu.memory_space<vmem>>
      %dma_start3A_1055 = tpu.memref_squeeze %dma_start3A_1054 : memref<1x4x2x1024xf32, #tpu.memory_space<vmem>> -> memref<4x2x1024xf32, #tpu.memory_space<vmem>>
      tpu.enqueue_dma source(%dma_start3A_1055 : memref<4x2x1024xf32, #tpu.memory_space<vmem>>) target(%dma_start3A_1050 : memref<4x2x1024xf32, #tpu.memory_space<hbm>>) target_semaphore(%dma_start3A_1047 : memref<!tpu.dma_semaphore, #tpu.memory_space<semaphore_mem>>)
      %scan3A_1056 = arith.constant 0 : i32
      scf.yield %scan3A_1056 : i32
    }
    %scan3A_159 = arith.constant 8 : i32
    %dma_wait3A = arith.constant 4 : i32
    %dma_wait3A_160 = arith.constant 4 : i32
    %dma_wait3A_161 = arith.constant 0 : i32
    %dma_wait3A_162 = arith.constant 0 : i32
    %dma_wait3A_163 = arith.constant 0 : i32
    %dma_wait3A_164 = tpu.memref_slice %arg6[%dma_wait3A, %dma_wait3A_161, %dma_wait3A_162, %dma_wait3A_163] : memref<8x4x2x1024xf32, #tpu.memory_space<vmem>> -> memref<1x4x2x1024xf32, #tpu.memory_space<vmem>>
    %dma_wait3A_165 = tpu.memref_squeeze %dma_wait3A_164 : memref<1x4x2x1024xf32, #tpu.memory_space<vmem>> -> memref<4x2x1024xf32, #tpu.memory_space<vmem>>
    %dma_wait3A_166 = arith.constant 0 : i32
    %dma_wait3A_167 = arith.constant 0 : i32
    %dma_wait3A_168 = tpu.memref_slice %arg4[%dma_wait3A_166, %mul3A_2, %dma_wait3A_167] : memref<4x4096x1024xf32, #tpu.memory_space<hbm>> -> memref<4x2x1024xf32, #tpu.memory_space<hbm>>
    %dma_wait3A_169 = tpu.memref_slice %arg8[%dma_wait3A_160] : memref<8x!tpu.dma_semaphore, #tpu.memory_space<semaphore_mem>> -> memref<1x!tpu.dma_semaphore, #tpu.memory_space<semaphore_mem>>
    %dma_wait3A_170 = tpu.memref_squeeze %dma_wait3A_169 : memref<1x!tpu.dma_semaphore, #tpu.memory_space<semaphore_mem>> -> memref<!tpu.dma_semaphore, #tpu.memory_space<semaphore_mem>>
    %dma_wait3A_171 = arith.constant 0 : i32
    %dma_wait3A_172 = arith.constant 0 : i32
    %dma_wait3A_173 = tpu.memref_slice %arg4[%dma_wait3A_171, %mul3A_2, %dma_wait3A_172] : memref<4x4096x1024xf32, #tpu.memory_space<hbm>> -> memref<4x2x1024xf32, #tpu.memory_space<hbm>>
    %dma_wait3A_174 = arith.constant 0 : i32
    %dma_wait3A_175 = arith.constant 0 : i32
    %dma_wait3A_176 = arith.constant 0 : i32
    %dma_wait3A_177 = tpu.memref_slice %arg6[%dma_wait3A, %dma_wait3A_174, %dma_wait3A_175, %dma_wait3A_176] : memref<8x4x2x1024xf32, #tpu.memory_space<vmem>> -> memref<1x4x2x1024xf32, #tpu.memory_space<vmem>>
    %dma_wait3A_178 = tpu.memref_squeeze %dma_wait3A_177 : memref<1x4x2x1024xf32, #tpu.memory_space<vmem>> -> memref<4x2x1024xf32, #tpu.memory_space<vmem>>
    tpu.wait_dma2 semaphore(%dma_wait3A_170 : memref<!tpu.dma_semaphore, #tpu.memory_space<semaphore_mem>>) src(%dma_wait3A_178 : memref<4x2x1024xf32, #tpu.memory_space<vmem>>) dst(%dma_wait3A_173 : memref<4x2x1024xf32, #tpu.memory_space<hbm>>)
    %dma_wait3A_179 = arith.constant 5 : i32
    %dma_wait3A_180 = arith.constant 5 : i32
    %dma_wait3A_181 = arith.constant 0 : i32
    %dma_wait3A_182 = arith.constant 0 : i32
    %dma_wait3A_183 = arith.constant 0 : i32
    %dma_wait3A_184 = tpu.memref_slice %arg6[%dma_wait3A_179, %dma_wait3A_181, %dma_wait3A_182, %dma_wait3A_183] : memref<8x4x2x1024xf32, #tpu.memory_space<vmem>> -> memref<1x4x2x1024xf32, #tpu.memory_space<vmem>>
    %dma_wait3A_185 = tpu.memref_squeeze %dma_wait3A_184 : memref<1x4x2x1024xf32, #tpu.memory_space<vmem>> -> memref<4x2x1024xf32, #tpu.memory_space<vmem>>
    %dma_wait3A_186 = arith.constant 0 : i32
    %dma_wait3A_187 = arith.constant 0 : i32
    %dma_wait3A_188 = tpu.memref_slice %arg4[%dma_wait3A_186, %mul3A_2, %dma_wait3A_187] : memref<4x4096x1024xf32, #tpu.memory_space<hbm>> -> memref<4x2x1024xf32, #tpu.memory_space<hbm>>
    %dma_wait3A_189 = tpu.memref_slice %arg8[%dma_wait3A_180] : memref<8x!tpu.dma_semaphore, #tpu.memory_space<semaphore_mem>> -> memref<1x!tpu.dma_semaphore, #tpu.memory_space<semaphore_mem>>
    %dma_wait3A_190 = tpu.memref_squeeze %dma_wait3A_189 : memref<1x!tpu.dma_semaphore, #tpu.memory_space<semaphore_mem>> -> memref<!tpu.dma_semaphore, #tpu.memory_space<semaphore_mem>>
    %dma_wait3A_191 = arith.constant 0 : i32
    %dma_wait3A_192 = arith.constant 0 : i32
    %dma_wait3A_193 = tpu.memref_slice %arg4[%dma_wait3A_191, %mul3A_2, %dma_wait3A_192] : memref<4x4096x1024xf32, #tpu.memory_space<hbm>> -> memref<4x2x1024xf32, #tpu.memory_space<hbm>>
    %dma_wait3A_194 = arith.constant 0 : i32
    %dma_wait3A_195 = arith.constant 0 : i32
    %dma_wait3A_196 = arith.constant 0 : i32
    %dma_wait3A_197 = tpu.memref_slice %arg6[%dma_wait3A_179, %dma_wait3A_194, %dma_wait3A_195, %dma_wait3A_196] : memref<8x4x2x1024xf32, #tpu.memory_space<vmem>> -> memref<1x4x2x1024xf32, #tpu.memory_space<vmem>>
    %dma_wait3A_198 = tpu.memref_squeeze %dma_wait3A_197 : memref<1x4x2x1024xf32, #tpu.memory_space<vmem>> -> memref<4x2x1024xf32, #tpu.memory_space<vmem>>
    tpu.wait_dma2 semaphore(%dma_wait3A_190 : memref<!tpu.dma_semaphore, #tpu.memory_space<semaphore_mem>>) src(%dma_wait3A_198 : memref<4x2x1024xf32, #tpu.memory_space<vmem>>) dst(%dma_wait3A_193 : memref<4x2x1024xf32, #tpu.memory_space<hbm>>)
    %dma_wait3A_199 = arith.constant 6 : i32
    %dma_wait3A_200 = arith.constant 6 : i32
    %dma_wait3A_201 = arith.constant 0 : i32
    %dma_wait3A_202 = arith.constant 0 : i32
    %dma_wait3A_203 = arith.constant 0 : i32
    %dma_wait3A_204 = tpu.memref_slice %arg6[%dma_wait3A_199, %dma_wait3A_201, %dma_wait3A_202, %dma_wait3A_203] : memref<8x4x2x1024xf32, #tpu.memory_space<vmem>> -> memref<1x4x2x1024xf32, #tpu.memory_space<vmem>>
    %dma_wait3A_205 = tpu.memref_squeeze %dma_wait3A_204 : memref<1x4x2x1024xf32, #tpu.memory_space<vmem>> -> memref<4x2x1024xf32, #tpu.memory_space<vmem>>
    %dma_wait3A_206 = arith.constant 0 : i32
    %dma_wait3A_207 = arith.constant 0 : i32
    %dma_wait3A_208 = tpu.memref_slice %arg4[%dma_wait3A_206, %mul3A_2, %dma_wait3A_207] : memref<4x4096x1024xf32, #tpu.memory_space<hbm>> -> memref<4x2x1024xf32, #tpu.memory_space<hbm>>
    %dma_wait3A_209 = tpu.memref_slice %arg8[%dma_wait3A_200] : memref<8x!tpu.dma_semaphore, #tpu.memory_space<semaphore_mem>> -> memref<1x!tpu.dma_semaphore, #tpu.memory_space<semaphore_mem>>
    %dma_wait3A_210 = tpu.memref_squeeze %dma_wait3A_209 : memref<1x!tpu.dma_semaphore, #tpu.memory_space<semaphore_mem>> -> memref<!tpu.dma_semaphore, #tpu.memory_space<semaphore_mem>>
    %dma_wait3A_211 = arith.constant 0 : i32
    %dma_wait3A_212 = arith.constant 0 : i32
    %dma_wait3A_213 = tpu.memref_slice %arg4[%dma_wait3A_211, %mul3A_2, %dma_wait3A_212] : memref<4x4096x1024xf32, #tpu.memory_space<hbm>> -> memref<4x2x1024xf32, #tpu.memory_space<hbm>>
    %dma_wait3A_214 = arith.constant 0 : i32
    %dma_wait3A_215 = arith.constant 0 : i32
    %dma_wait3A_216 = arith.constant 0 : i32
    %dma_wait3A_217 = tpu.memref_slice %arg6[%dma_wait3A_199, %dma_wait3A_214, %dma_wait3A_215, %dma_wait3A_216] : memref<8x4x2x1024xf32, #tpu.memory_space<vmem>> -> memref<1x4x2x1024xf32, #tpu.memory_space<vmem>>
    %dma_wait3A_218 = tpu.memref_squeeze %dma_wait3A_217 : memref<1x4x2x1024xf32, #tpu.memory_space<vmem>> -> memref<4x2x1024xf32, #tpu.memory_space<vmem>>
    tpu.wait_dma2 semaphore(%dma_wait3A_210 : memref<!tpu.dma_semaphore, #tpu.memory_space<semaphore_mem>>) src(%dma_wait3A_218 : memref<4x2x1024xf32, #tpu.memory_space<vmem>>) dst(%dma_wait3A_213 : memref<4x2x1024xf32, #tpu.memory_space<hbm>>)
    %dma_wait3A_219 = arith.constant 7 : i32
    %dma_wait3A_220 = arith.constant 7 : i32
    %dma_wait3A_221 = arith.constant 0 : i32
    %dma_wait3A_222 = arith.constant 0 : i32
    %dma_wait3A_223 = arith.constant 0 : i32
    %dma_wait3A_224 = tpu.memref_slice %arg6[%dma_wait3A_219, %dma_wait3A_221, %dma_wait3A_222, %dma_wait3A_223] : memref<8x4x2x1024xf32, #tpu.memory_space<vmem>> -> memref<1x4x2x1024xf32, #tpu.memory_space<vmem>>
    %dma_wait3A_225 = tpu.memref_squeeze %dma_wait3A_224 : memref<1x4x2x1024xf32, #tpu.memory_space<vmem>> -> memref<4x2x1024xf32, #tpu.memory_space<vmem>>
    %dma_wait3A_226 = arith.constant 0 : i32
    %dma_wait3A_227 = arith.constant 0 : i32
    %dma_wait3A_228 = tpu.memref_slice %arg4[%dma_wait3A_226, %mul3A_2, %dma_wait3A_227] : memref<4x4096x1024xf32, #tpu.memory_space<hbm>> -> memref<4x2x1024xf32, #tpu.memory_space<hbm>>
    %dma_wait3A_229 = tpu.memref_slice %arg8[%dma_wait3A_220] : memref<8x!tpu.dma_semaphore, #tpu.memory_space<semaphore_mem>> -> memref<1x!tpu.dma_semaphore, #tpu.memory_space<semaphore_mem>>
    %dma_wait3A_230 = tpu.memref_squeeze %dma_wait3A_229 : memref<1x!tpu.dma_semaphore, #tpu.memory_space<semaphore_mem>> -> memref<!tpu.dma_semaphore, #tpu.memory_space<semaphore_mem>>
    %dma_wait3A_231 = arith.constant 0 : i32
    %dma_wait3A_232 = arith.constant 0 : i32
    %dma_wait3A_233 = tpu.memref_slice %arg4[%dma_wait3A_231, %mul3A_2, %dma_wait3A_232] : memref<4x4096x1024xf32, #tpu.memory_space<hbm>> -> memref<4x2x1024xf32, #tpu.memory_space<hbm>>
    %dma_wait3A_234 = arith.constant 0 : i32
    %dma_wait3A_235 = arith.constant 0 : i32
    %dma_wait3A_236 = arith.constant 0 : i32
    %dma_wait3A_237 = tpu.memref_slice %arg6[%dma_wait3A_219, %dma_wait3A_234, %dma_wait3A_235, %dma_wait3A_236] : memref<8x4x2x1024xf32, #tpu.memory_space<vmem>> -> memref<1x4x2x1024xf32, #tpu.memory_space<vmem>>
    %dma_wait3A_238 = tpu.memref_squeeze %dma_wait3A_237 : memref<1x4x2x1024xf32, #tpu.memory_space<vmem>> -> memref<4x2x1024xf32, #tpu.memory_space<vmem>>
    tpu.wait_dma2 semaphore(%dma_wait3A_230 : memref<!tpu.dma_semaphore, #tpu.memory_space<semaphore_mem>>) src(%dma_wait3A_238 : memref<4x2x1024xf32, #tpu.memory_space<vmem>>) dst(%dma_wait3A_233 : memref<4x2x1024xf32, #tpu.memory_space<hbm>>)
    return
  }
}

</mosaic_0001>

<sc_bundles>
// kernel: kernel.3.cloned.1.call-start
scs
__scs_entry_jumppad:
0x0: {  	(pc) =	sbr.rel $0x88, $3  }
0x1: {  	(tag) =	ssettag $0x0;
	lr =	simm.s32 $0x1  }
0x2: {  	[smem:$0x3F9F] =	sst lr;
	_ =	strace $0xD0000000  }
0x3: {  	_ = 	snop  }
0x4: {  	_ = 	snop  }
0x5: {  	_ = 	snop  }
0x6: {  	_ = 	snop  }
0x7: {  	_ = 	snop  }
__scs_overlays_trampoline_lowered:
0x8: {  	[smem:$0x3FAE] =	sst s0  }
0x9: {  	[smem:$0x3FAF] =	sst s1  }
0xa: {  	[smem:$0x3FB0] =	sst s2  }
0xb: {  	[smem:$0x3FB1] =	sst s3  }
0xc: {  	[smem:$0x3FB2] =	sst s4  }
0xd: {  	[smem:$0x3FB3] =	sst s5  }
0xe: {  	[smem:$0x3FB4] =	sst s6  }
0xf: {  	[smem:$0x3FB5] =	sst s7  }
0x10: {  	[smem:$0x3FB6] =	sst s8  }
0x11: {  	[smem:$0x3FB7] =	sst s9;
	s0 =	simm.s32 @!p0 $0x0  }
0x12: {  	s1 =	sld [smem:$0x3F9D];
	s0 =	simm.s32 @p0 $0x1  }
0x13: {  	[smem:$0x3FB8] =	sst s0;
	s0 =	simm.s32 @!p1 $0x0  }
0x14: {  	s2 =	sld [smem:$0x3F9C];
	s0 =	simm.s32 @p1 $0x1  }
0x15: {  	[smem:$0x3FB9] =	sst s0;
	s0 =	simm.s32 @!p2 $0x0  }
0x16: {  	s3 =	sld [smem:$0x3FDB];
	s0 =	simm.s32 @p2 $0x1  }
0x17: {  	s4 =	simm.s32 $0x1BF5;
	[smem:$0x3FBB] =	sst s0  }
0x18: {  	s0 =	sld [smem:$0x3F9E];
	_ =	swait.ge [sflag:s4], $0x0  }
0x19: {  	s7 =	sld [smem:$0x3F9F]  }
0x1a: {  	s8 =	sadd.s32 $0xFFFFE003, lr  }
0x1b: {  	s9 =	sadd.s32 $0xFFFFFEF7, lr;
	s5 =	simm.s32 $0xFFFFFFFF;
	p2 =	slt.u32 s8, $0xFFFFF086  }
0x1c: {  	p1 =	slt.u32 s9, $0xF7A;
	s5 =	simm.s32 @!p2 $0x0  }
0x1d: {  	s5 =	simm.s32 @p1 $0x1;
	p0 =	seq.s32 s7, s2  }
0x1e: {  	s7 =	smul.u32 @!p0 $0xF7A, s2;
	p2 =	seq.s32 @!p0 s5, $0x0  }
0x1f: {  	s9 =	smul.u32 $0xF7A, s1;
	s8 =	simm.s32 @!p0 $0x1BF5;
	p2 =	por !p2, p0  }
0x20: {  	[sflag:s8] =	ssyncset.s32 @!p0 $0xFFFFF086;
	s6 =	sadd.s32 @!p0 s3, s7;
	s7 =	simm.s32 @!p0 $0x108  }
0x21: {  	s3 =	sadd.s32 s3, s9;
	s6 =	sadd.s32 @!p0 $0x88, s6;
	s7 =	simm.s32 @p2 $0x1082  }
0x22: {  	[simem:s7], [sflag:s8] =	dma.local @!p0 [hbm:s6], $0xF7A  }
0x23: {  	s9 =	sor.u32 $0xD0000000, s2;
	s6 =	simm.s32 $0x108;
	_ =	swait.ge @!p0 [sflag:s8], $0x0  }
0x24: {  	s3 =	sadd.s32 $0x88, s3;
	s6 =	simm.s32 @!p1 $0x1082;
	[sflag:s4] =	ssyncset.s32 $0xFFFFF086  }
0x25: {  	[simem:s6], [sflag:s4] =	dma.local [hbm:s3], $0xF7A  }
0x26: {  	[smem:$0x3F9F] =	sst s1;
	(tag) =	ssettag s2;
	_ =	strace s9  }
0x27: {  	s1 =	sld [smem:$0x3FAF]  }
0x28: {  	s2 =	sld [smem:$0x3FB0]  }
0x29: {  	s4 =	sld [smem:$0x3FB2]  }
0x2a: {  	p0 =	seq.s32 s5, $0x0;
	s5 =	sld [smem:$0x3FB3]  }
0x2b: {  	s6 =	sld [smem:$0x3FB4]  }
0x2c: {  	s7 =	sld [smem:$0x3FB5]  }
0x2d: {  	s3 =	simm.s32 $0x108;
	s8 =	sld [smem:$0x3FB6]  }
0x2e: {  	s3 =	simm.s32 @!p0 $0x1082;
	s9 =	sld [smem:$0x3FB7]  }
0x2f: {  	lr =	sadd.s32 s0, s3;
	s0 =	sld [smem:$0x3FAE]  }
0x30: {  	s3 =	sld [smem:$0x3FB1]  }
0x31: {  	[smem:$0x3FBA] =	sst s10  }
0x32: {  	s10 =	sld [smem:$0x3FB8];
	_ =	sdelay $0x3  }
0x33: {  	p0 =	seq.s32 s10, $0x1;
	s10 =	sld [smem:$0x3FBA];
	_ =	sdelay $0x3  }
0x34: {  	[smem:$0x3FBA] =	sst s10  }
0x35: {  	s10 =	sld [smem:$0x3FB9];
	_ =	sdelay $0x3  }
0x36: {  	p1 =	seq.s32 s10, $0x1;
	s10 =	sld [smem:$0x3FBA];
	_ =	sdelay $0x3  }
0x37: {  	[smem:$0x3FBA] =	sst s10  }
0x38: {  	s10 =	sld [smem:$0x3FBB]  }
0x39: {  	_ = 	snop;
	(pc) =	sbr.ind lr, $3  }
0x3a: {  	_ = 	snop  }
0x3b: {  	_ = 	snop  }
0x3c: {  	p2 =	seq.s32 s10, $0x1;
	s10 =	sld [smem:$0x3FBA]  }
0x3d: {  	_ =	shalt  }
0x3e: {  	_ =	shalt  }
0x3f: {  	_ =	shalt  }
0x40: {  	_ =	shalt  }
0x41: {  	_ =	shalt  }
0x42: {  	_ =	shalt  }
0x43: {  	_ =	shalt  }
0x44: {  	_ =	shalt  }
0x45: {  	_ =	shalt  }
0x46: {  	_ =	shalt  }
0x47: {  	_ =	shalt  }
0x48: {  	_ =	shalt  }
0x49: {  	_ =	shalt  }
0x4a: {  	_ =	shalt  }
0x4b: {  	_ =	shalt  }
0x4c: {  	_ =	shalt  }
0x4d: {  	_ =	shalt  }
0x4e: {  	_ =	shalt  }
0x4f: {  	_ =	shalt  }
0x50: {  	_ =	shalt  }
0x51: {  	_ =	shalt  }
0x52: {  	_ =	shalt  }
0x53: {  	_ =	shalt  }
0x54: {  	_ =	shalt  }
0x55: {  	_ =	shalt  }
0x56: {  	_ =	shalt  }
0x57: {  	_ =	shalt  }
0x58: {  	_ =	shalt  }
0x59: {  	_ =	shalt  }
0x5a: {  	_ =	shalt  }
0x5b: {  	_ =	shalt  }
0x5c: {  	_ =	shalt  }
0x5d: {  	_ =	shalt  }
0x5e: {  	_ =	shalt  }
0x5f: {  	_ =	shalt  }
0x60: {  	_ =	shalt  }
0x61: {  	_ =	shalt  }
0x62: {  	_ =	shalt  }
0x63: {  	_ =	shalt  }
0x64: {  	_ =	shalt  }
0x65: {  	_ =	shalt  }
0x66: {  	_ =	shalt  }
0x67: {  	_ =	shalt  }
0x68: {  	_ =	shalt  }
0x69: {  	_ =	shalt  }
0x6a: {  	_ =	shalt  }
0x6b: {  	_ =	shalt  }
0x6c: {  	_ =	shalt  }
0x6d: {  	_ =	shalt  }
0x6e: {  	_ =	shalt  }
0x6f: {  	_ =	shalt  }
0x70: {  	_ =	shalt  }
0x71: {  	_ =	shalt  }
0x72: {  	_ =	shalt  }
0x73: {  	_ =	shalt  }
0x74: {  	_ =	shalt  }
0x75: {  	_ =	shalt  }
0x76: {  	_ =	shalt  }
0x77: {  	_ =	shalt  }
0x78: {  	_ =	shalt  }
0x79: {  	_ =	shalt  }
0x7a: {  	_ =	shalt  }
0x7b: {  	_ =	shalt  }
0x7c: {  	_ =	shalt  }
0x7d: {  	_ =	shalt  }
0x7e: {  	_ =	shalt  }
0x7f: {  	_ =	shalt  }
0x80: {  	_ =	shalt  }
0x81: {  	_ =	shalt  }
0x82: {  	_ =	shalt  }
0x83: {  	_ =	shalt  }
0x84: {  	_ =	shalt  }
0x85: {  	_ =	shalt  }
0x86: {  	_ =	shalt  }
0x87: {  	_ =	shalt  }
.Lfunc_end0:
.L_simem_size_0:
called_computation_lowered:
.L_overlay_start_0:
0x88: {  	s2 =	sld [smem:$0x3FD9]  }
0x89: {  	s3 =	sld [smem:$0x3FFE];
	_ =	sdelay $0x1  }
0x8a: {  	s1 =	srdreg.scid  }
0x8b: {  	s0 =	sand.u32 $0x1, s1  }
0x8c: {  	s18 =	sshll.u32 s0, $0xA;
	s2 =	sadd.s32 s3, s2  }
0x8d: {  	s2 =	sadd.s32 s2, s18  }
0x8e: {  	[smem:$0x3FC6] =	sst s2  }
0x8f: {  	_ = 	snop  }
0x90: {  	s2 =	sld [smem:$0x3FC9]  }
0x91: {  	s19 =	sld [smem:$0x3FC8]  }
0x92: {  	s4 =	sld [smem:$0x3FD0];
	(tm) =	ssettm $0x1  }
0x93: {  	s5 =	sld [smem:$0x3FFB];
	_ =	sdelay $0x3  }
0x94: {  	_ =	strace s5  }
0x95: {  	s5 =	sld [smem:$0x3FFC];
	_ =	sdelay $0x3  }
0x96: {  	_ =	strace s5  }
0x97: {  	s5 =	sld [smem:$0x3FFD];
	_ =	sdelay $0x3  }
0x98: {  	_ =	strace s5  }
0x99: {  	_ =	strace $0x8FFFFFFF  }
0x9a: {  	s20 =	sld [smem:$0x3FDB];
	_ =	sdelay $0x1  }
0x9b: {  	s6 =	simm.s32 $_scs_section_size  }
0x9c: {  	s7 =	simm.s32 $_size__tile_overlayer_lowered;
	s8 =	simm.s32 $_tile_overlayer_lowered  }
0x9d: {  	s23 =	simm.s32 $0x1BFF;
	s22 =	sshll.u32 s8, $0x1;
	s5 =	sadd.s32 s6, s20  }
0x9e: {  	s9 =	simm.s32 $0x0;
	s21 =	sshll.u32 s7, $0x1;
	s7 =	sadd.s32 s22, s5  }
0x9f: {  	[timem:s9], [sflag:s23] =	dma.local [hbm:s7], s21  }
0xa0: {  	_ =	swait.ge [sflag:s23], s21  }
0xa1: {  	s6 =	ssub.s32 $0x0, s21;
	[sflag:s23] =	ssyncset.done $0x0  }
0xa2: {  	[sflag:s23] =	ssyncadd.s32 s6;
	_ =	sdelay $0x1  }
0xa3: {  	s24 =	simm.s32 $0x1B8B  }
0xa4: {  	_ =	swait.ge [sflag:s24], $0x1  }
0xa5: {  	[sflag:s24] =	ssyncset.done $0x0  }
0xa6: {  	s25 =	simm.s32 $0x1B8E;
	[sflag:s24] =	ssyncadd.s32 $0xFFFFFFFF  }
0xa7: {  	s26 =	simm.s32 $execute0_lowered;
	[smem:$0x3FD2] =	sst s25  }
0xa8: {  	s6 =	sshll.u32 s26, $0x1;
	_ =	strace $0x80000046;
	[dreg:$0x1] =	wrdreg $0xFFFFFFFF  }
0xa9: {  	s28 =	simm.s32 $_size_execute0_lowered;
	s5 =	sadd.s32 s5, s6;
	[dreg:$0x0] =	wrdreg $0x0  }
0xaa: {  	s6 =	sshll.u32 s28, $0x1;
	[dreg:$0x2] =	wrdreg s5  }
0xab: {  	[dreg:$0x3] =	wrdreg s6  }
0xac: {  	[dreg:$0x4] =	wrdreg $0xC0  }
0xad: {  	_ =	task [dreg:s9], $0x5FFFF  }
0xae: {  	[dreg:$0x1] =	wrdreg $0xFFFFFFFF  }
0xaf: {  	[dreg:$0x0] =	wrdreg $0x60  }
0xb0: {  	[dreg:$0x2] =	wrdreg s2  }
0xb1: {  	[dreg:$0x3] =	wrdreg s19  }
0xb2: {  	[dreg:$0x4] =	wrdreg s4  }
0xb3: {  	[dreg:$0x5] =	wrdreg $0x9  }
0xb4: {  	_ =	task.clear_ibuf [dreg:s9], $0x6FFFF;
	_ =	strace $0x90000046  }
0xb5: {  	s29 =	simm.s32 $0x9;
	_ =	strace $0x80000048  }
0xb6: {  	_ =	swait.ge [sflag:s29], $0x1  }
0xb7: {  	[sflag:s29] =	ssyncadd.s32 $0xFFFFFFFF  }
0xb8: {  	_ =	strace $0x90000048  }
0xb9: {  	_ =	sfence  }
0xba: {  	s30 =	sld [smem:$0x0];
	_ =	sdelay $0x2  }
0xbb: {  	s31 =	sshll.u32 s1, $0xD;
	s1 =	sshrl.u32 s1, $0x2  }
0xbc: {  	s3 =	sand.u32 $0x4000, s31;
	s1 =	sadd.s32 s1, s30  }
0xbd: {  	s0 =	sor.u32 s3, s0;
	s1 =	sshll.u32 s1, $0x11  }
0xbe: {  	s0 =	sor.u32 s1, s0  }
0xbf: {  	s0 =	sadd.s32 $0x8F2B, s0  }
0xc0: {  	[sflag:s0] =	ssyncadd.remote.s32 $0x1  }
0xc1: {  	_ =	sfence.sel $0xFFFF  }
0xc2: {  	[dreg:$0x0] =	wrdreg $0xFFFFFFFF;
	(pc) =	sbr.abs _section_cstart, $3  }
0xc3: {  	[dreg:$0x1] =	wrdreg $0xFFFFFFFF  }
0xc4: {  	_ =	task.clear_ibuf [dreg:s9], $0x2FFFF;
	_ =	strace $0x9FFFFFFF  }
0xc5: {  	(tm) =	ssettm $0x7FFFFFFF  }
tec
execute0_lowered:
.L_overlay_start_1:
0x0: {  	(tag) =	ssettag $0x1  }
0x1: {  	s3 =	rddreg [dreg:$0x0]  }
0x2: {  	s4 =	rddreg [dreg:$0x1]  }
0x3: {  	s5 =	rddreg [dreg:$0x2];
	s0 =	srdreg.scid  }
0x4: {  	s1 =	stileid.u32;
	s6 =	simm.s32 $0x0;
	s0 =	sand.u32 $0x1, s0  }
0x5: {  	s1 =	sshll.u32 s1, $0x8;
	[smem:$0x7FF] =	sst s6;
	s14 =	sadd.s32 $0x20, s5  }
0x6: {  	s15 =	sadd.s32 $0x40, s5;
	_ =	strace $0x80000047;
	[dreg:$0xe] =	wrdreg s14  }
0x7: {  	s16 =	sadd.s32 $0x60, s5;
	s2 =	sshll.u32 s0, $0x7;
	[dreg:$0xf] =	wrdreg s15  }
0x8: {  	[dreg:$0x10] =	wrdreg s16;
	s30 =	sor.u32 s2, s1  }
0x9: {  	s0 =	ssub.s32 $0x2, s0;
	s7 =	sshll.u32 s30, $0x7;
	[dreg:$0x4] =	wrdreg s30  }
0xa: {  	s2 =	sshrl.u32 s0, $0x1;
	s17 =	sor.u32 $0x10, s30;
	[dreg:$0x5] =	wrdreg s7  }
0xb: {  	s0 =	ssub.s32 s0, s2;
	s8 =	sadd.s32 s4, s7;
	[dreg:$0x11] =	wrdreg s17  }
0xc: {  	s9 =	sor.u32 $0x20, s7;
	s0 =	smax.u32 s0, $0x1;
	[dreg:$0x6] =	wrdreg s8  }
0xd: {  	s11 =	sor.u32 $0x40, s7;
	s10 =	sadd.s32 s4, s9;
	[dreg:$0x12] =	wrdreg s0  }
0xe: {  	s13 =	sor.u32 $0x60, s7;
	s12 =	sadd.s32 s4, s11;
	[dreg:$0x8] =	wrdreg s10  }
0xf: {  	s4 =	sadd.s32 s4, s13;
	[dreg:$0xa] =	wrdreg s12  }
0x10: {  	s8 =	sadd.s32 s3, s7;
	[dreg:$0xc] =	wrdreg s4  }
0x11: {  	s9 =	sadd.s32 s3, s9;
	[dreg:$0x7] =	wrdreg s8  }
0x12: {  	s2 =	sadd.s32 s3, s11;
	[dreg:$0x9] =	wrdreg s9  }
0x13: {  	s1 =	sadd.s32 s3, s13;
	[dreg:$0xb] =	wrdreg s2  }
0x14: {  	s18 =	sadd.s32 $0x80000, s8;
	[dreg:$0xd] =	wrdreg s1  }
0x15: {  	s19 =	sadd.s32 $0x100000, s8;
	[dreg:$0x13] =	wrdreg s18  }
0x16: {  	s20 =	sadd.s32 $0x180000, s8;
	[dreg:$0x14] =	wrdreg s19  }
0x17: {  	s21 =	sadd.s32 $0x80000, s9;
	[dreg:$0x15] =	wrdreg s20  }
0x18: {  	s22 =	sadd.s32 $0x100000, s9;
	[dreg:$0x16] =	wrdreg s21  }
0x19: {  	s23 =	sadd.s32 $0x180000, s9;
	[dreg:$0x17] =	wrdreg s22  }
0x1a: {  	s24 =	sadd.s32 $0x80000, s2;
	[dreg:$0x18] =	wrdreg s23  }
0x1b: {  	s25 =	sadd.s32 $0x100000, s2;
	[dreg:$0x19] =	wrdreg s24  }
0x1c: {  	s26 =	sadd.s32 $0x180000, s2;
	[dreg:$0x1a] =	wrdreg s25  }
0x1d: {  	s28 =	sadd.s32 $0x80000, s1;
	[dreg:$0x1b] =	wrdreg s26  }
0x1e: {  	s29 =	sadd.s32 $0x100000, s1;
	[dreg:$0x1c] =	wrdreg s28  }
0x1f: {  	s31 =	simm.s32 $0x100;
	s30 =	sadd.s32 $0x180000, s1;
	[dreg:$0x1d] =	wrdreg s29  }
0x20: {  	s3 =	simm.s32 $0x0;
	s2 =	simm.s32 $0x400;
	[dreg:$0x1e] =	wrdreg s30  }
.LBB2_1:
0x21: {  	[dreg:$0x1f] =	wrdreg s3  }
0x22: {  	s0 =	simm.s32 $0x0;
	s1 =	rddreg [dreg:$0x6]  }
0x23: {  	[tilespmem:s0], [sflag:$0x1] =	stream.strided.gather [hbm4b:s1+s31], $0x800, s2, s31, $0x38;
	[tilespmem:$0x14000] =	vst v63  }
0x24: {  	s20 =	rddreg [dreg:$0x7];
	s21 =	simm.s32 $0x4000  }
0x25: {  	[tilespmem:s21], [sflag:$0x1] =	stream.strided.gather [hbm4b:s20+s31], $0x800, s2, s31, $0x38;
	[tilespmem:$0x14000] =	vst v63  }
0x26: {  	s22 =	rddreg [dreg:$0x13];
	s23 =	simm.s32 $0x4800  }
0x27: {  	[tilespmem:s23], [sflag:$0x1] =	stream.strided.gather [hbm4b:s22+s31], $0x800, s2, s31, $0x38;
	[tilespmem:$0x14000] =	vst v63  }
0x28: {  	s24 =	rddreg [dreg:$0x14];
	s25 =	simm.s32 $0x5000  }
0x29: {  	[tilespmem:s25], [sflag:$0x1] =	stream.strided.gather [hbm4b:s24+s31], $0x800, s2, s31, $0x38;
	[tilespmem:$0x14000] =	vst v63  }
0x2a: {  	s26 =	rddreg [dreg:$0x15];
	s28 =	simm.s32 $0x5800  }
0x2b: {  	[tilespmem:s28], [sflag:$0x1] =	stream.strided.gather [hbm4b:s26+s31], $0x800, s2, s31, $0x38;
	[tilespmem:$0x14000] =	vst v63  }
0x2c: {  	s29 =	rddreg [dreg:$0x8];
	s30 =	simm.s32 $0x800  }
0x2d: {  	[tilespmem:s30], [sflag:$0x2] =	stream.strided.gather [hbm4b:s29+s31], $0x800, s2, s31, $0x38;
	[tilespmem:$0x14000] =	vst v63  }
0x2e: {  	s3 =	simm.s32 $0x6000;
	s1 =	rddreg [dreg:$0x9]  }
0x2f: {  	[tilespmem:s3], [sflag:$0x2] =	stream.strided.gather [hbm4b:s1+s31], $0x800, s2, s31, $0x38;
	[tilespmem:$0x14000] =	vst v63  }
0x30: {  	s4 =	rddreg [dreg:$0x16];
	s5 =	simm.s32 $0x6800  }
0x31: {  	[tilespmem:s5], [sflag:$0x2] =	stream.strided.gather [hbm4b:s4+s31], $0x800, s2, s31, $0x38;
	[tilespmem:$0x14000] =	vst v63  }
0x32: {  	s6 =	rddreg [dreg:$0x17];
	s7 =	simm.s32 $0x7000  }
0x33: {  	[tilespmem:s7], [sflag:$0x2] =	stream.strided.gather [hbm4b:s6+s31], $0x800, s2, s31, $0x38;
	[tilespmem:$0x14000] =	vst v63  }
0x34: {  	s8 =	rddreg [dreg:$0x18];
	s9 =	simm.s32 $0x7800  }
0x35: {  	[tilespmem:s9], [sflag:$0x2] =	stream.strided.gather [hbm4b:s8+s31], $0x800, s2, s31, $0x38;
	[tilespmem:$0x14000] =	vst v63  }
0x36: {  	s10 =	rddreg [dreg:$0xa];
	s11 =	simm.s32 $0x1000  }
0x37: {  	[tilespmem:s11], [sflag:$0x3] =	stream.strided.gather [hbm4b:s10+s31], $0x800, s2, s31, $0x38;
	[tilespmem:$0x14000] =	vst v63  }
0x38: {  	s12 =	rddreg [dreg:$0xb];
	s13 =	simm.s32 $0x8000  }
0x39: {  	[tilespmem:s13], [sflag:$0x3] =	stream.strided.gather [hbm4b:s12+s31], $0x800, s2, s31, $0x38;
	[tilespmem:$0x14000] =	vst v63  }
0x3a: {  	s14 =	rddreg [dreg:$0x19];
	s15 =	simm.s32 $0x8800  }
0x3b: {  	[tilespmem:s15], [sflag:$0x3] =	stream.strided.gather [hbm4b:s14+s31], $0x800, s2, s31, $0x38;
	[tilespmem:$0x14000] =	vst v63  }
0x3c: {  	s16 =	rddreg [dreg:$0x1a];
	s17 =	simm.s32 $0x9000  }
0x3d: {  	[tilespmem:s17], [sflag:$0x3] =	stream.strided.gather [hbm4b:s16+s31], $0x800, s2, s31, $0x38;
	[tilespmem:$0x14000] =	vst v63  }
0x3e: {  	s18 =	rddreg [dreg:$0x1b];
	s19 =	simm.s32 $0x9800  }
0x3f: {  	[tilespmem:s19], [sflag:$0x3] =	stream.strided.gather [hbm4b:s18+s31], $0x800, s2, s31, $0x38;
	[tilespmem:$0x14000] =	vst v63  }
0x40: {  	s20 =	rddreg [dreg:$0xc];
	s21 =	simm.s32 $0x1800  }
0x41: {  	[tilespmem:s21], [sflag:$0x4] =	stream.strided.gather [hbm4b:s20+s31], $0x800, s2, s31, $0x38;
	[tilespmem:$0x14000] =	vst v63  }
0x42: {  	s22 =	rddreg [dreg:$0xd];
	s23 =	simm.s32 $0xA000  }
0x43: {  	[tilespmem:s23], [sflag:$0x4] =	stream.strided.gather [hbm4b:s22+s31], $0x800, s2, s31, $0x38;
	[tilespmem:$0x14000] =	vst v63  }
0x44: {  	s24 =	rddreg [dreg:$0x1c];
	s25 =	simm.s32 $0xA800  }
0x45: {  	[tilespmem:s25], [sflag:$0x4] =	stream.strided.gather [hbm4b:s24+s31], $0x800, s2, s31, $0x38;
	[tilespmem:$0x14000] =	vst v63  }
0x46: {  	s26 =	rddreg [dreg:$0x1d];
	s28 =	simm.s32 $0xB000  }
0x47: {  	[tilespmem:s28], [sflag:$0x4] =	stream.strided.gather [hbm4b:s26+s31], $0x800, s2, s31, $0x38;
	[tilespmem:$0x14000] =	vst v63  }
0x48: {  	s0 =	simm.s32 $0x0;
	s29 =	rddreg [dreg:$0x1e];
	s30 =	simm.s32 $0xB800  }
0x49: {  	[tilespmem:s30], [sflag:$0x4] =	stream.strided.gather [hbm4b:s29+s31], $0x800, s2, s31, $0x38;
	[tilespmem:$0x14000] =	vst v63  }
.LBB2_2:
0x4a: {  	[smem:$0x7F9] =	sst s0  }
0x4b: {  	s3 =	sshll.u32 s0, $0x4;
	p0 =	seq.s32 s0, $0x0;
	s1 =	rddreg [dreg:$0x4]  }
0x4c: {  	s0 =	simm.s32 @!p0 $0xD;
	[smem:$0x7FA] =	sst s3  }
0x4d: {  	s1 =	sor.u32 s3, s1;
	_ =	swait.ge @!p0 [sflag:s0], $0x2000  }
0x4e: {  	s1 =	sshll.u32 s1, $0x7;
	[sflag:s0] =	ssyncset.done @!p0 $0x0  }
0x4f: {  	[smem:$0x7FB] =	sst s1;
	[sflag:s0] =	ssyncadd.s32 @!p0 $0xFFFFE000  }
0x50: {  	s25 =	sor.u32 $0x400, s1;
	s0 =	rddreg [dreg:$0x1]  }
0x51: {  	s26 =	simm.s32 $0x2000;
	s1 =	rddreg [dreg:$0x0];
	s0 =	sadd.s32 s0, s25  }
0x52: {  	[tilespmem:s26], [sflag:$0x5] =	stream.strided.gather [hbm4b:s0+s31], $0x800, s2, s31, $0x38;
	[tilespmem:$0x14000] =	vst v63  }
0x53: {  	s3 =	simm.s32 $0xC000;
	s0 =	sadd.s32 s1, s25  }
0x54: {  	[tilespmem:s3], [sflag:$0x5] =	stream.strided.gather [hbm4b:s0+s31], $0x800, s2, s31, $0x38;
	[tilespmem:$0x14000] =	vst v63  }
0x55: {  	s5 =	simm.s32 $0xC800;
	s4 =	sadd.s32 $0x80000, s0  }
0x56: {  	[tilespmem:s5], [sflag:$0x5] =	stream.strided.gather [hbm4b:s4+s31], $0x800, s2, s31, $0x38;
	[tilespmem:$0x14000] =	vst v63  }
0x57: {  	s7 =	simm.s32 $0xD000;
	s8 =	simm.s32 $0xD800;
	s6 =	sadd.s32 $0x100000, s0  }
0x58: {  	[tilespmem:s7], [sflag:$0x5] =	stream.strided.gather [hbm4b:s6+s31], $0x800, s2, s31, $0x38;
	[tilespmem:$0x14000] =	vst v63  }
0x59: {  	s9 =	simm.s32 $0x1;
	[smem:$0x7FC] =	sst s25;
	s0 =	sadd.s32 $0x180000, s0  }
0x5a: {  	[tilespmem:s8], [sflag:$0x5] =	stream.strided.gather [hbm4b:s0+s31], $0x800, s2, s31, $0x38;
	[tilespmem:$0x14000] =	vst v63  }
0x5b: {  	_ =	swait.ge [sflag:s9], $0x800  }
0x5c: {  	[sflag:s9] =	ssyncset.done $0x0  }
0x5d: {  	s10 =	simm.s32 $0x0;
	[sflag:s9] =	ssyncadd.s32 $0xFFFFF800  }
0x5e: {  	s11 =	simm.s32 $0x0;
	s4 =	sand.u32 $0x60, s10;
	_ =	swait.ge [sflag:s9], $0x2000  }
0x5f: {  	s11 =	sand.u32 $0x700, s11;
	s7 =	sor.u32 $0x10, s4;
	[sflag:s9] =	ssyncset.done $0x0  }
0x60: {  	s1 =	sor.u32 s7, s11;
	[sflag:s9] =	ssyncadd.s32 $0xFFFFE000  }
0x61: {  	v0 =	vld [tilespmem:s1+$0x0]  }
0x62: {  	v1 =	vld [tilespmem:s1+$0x4000];
	_ =	sdelay $0x4  }
0x63: {  	v1 =	vadd.f32 v1, v0  }
0x64: {  	s12 =	sor.u32 $0x4800, s11  }
0x65: {  	s13 =	sor.u32 s7, s12;
	[tilespmem:s1+$0x4000] =	vst v1  }
0x66: {  	v1 =	vld [tilespmem:s13+$0x0]  }
0x67: {  	s17 =	sor.u32 s4, s11  }
0x68: {  	v3 =	vld [tilespmem:s17+$0x0]  }
0x69: {  	v2 =	vld [tilespmem:s17+$0x4000];
	_ =	sdelay $0x1  }
0x6a: {  	s6 =	simm.s32 $0x20;
	v1 =	vadd.f32 v1, v0  }
0x6b: {  	s18 =	simm.s32 $0x40;
	s14 =	sor.u32 $0x5000, s11;
	s9 =	sand.u32 $0x60, s6  }
0x6c: {  	s15 =	sor.u32 s7, s14;
	s6 =	sand.u32 $0x700, s18;
	s23 =	sor.u32 $0x10, s9;
	[tilespmem:s13+$0x0] =	vst v1  }
0x6d: {  	s16 =	sor.u32 s23, s6;
	v2 =	vadd.f32 v2, v3;
	v1 =	vld [tilespmem:s15+$0x0]  }
0x6e: {  	v4 =	vld [tilespmem:s16+$0x0]  }
0x6f: {  	s0 =	sor.u32 s4, s12;
	v5 =	vld [tilespmem:s16+$0x4000];
	[tilespmem:s17+$0x4000] =	vst v2  }
0x70: {  	v2 =	vld [tilespmem:s0+$0x0];
	_ =	sdelay $0x1  }
0x71: {  	v1 =	vadd.f32 v1, v0  }
0x72: {  	s10 =	sor.u32 $0x5800, s11  }
0x73: {  	s12 =	sor.u32 s7, s10;
	v5 =	vadd.f32 v5, v4;
	[tilespmem:s15+$0x0] =	vst v1  }
0x74: {  	s2 =	sor.u32 s9, s6;
	v2 =	vadd.f32 v2, v3;
	v1 =	vld [tilespmem:s12+$0x0]  }
0x75: {  	v7 =	vld [tilespmem:s2+$0x0];
	[tilespmem:s16+$0x4000] =	vst v5;
	s13 =	sor.u32 $0x4800, s6  }
0x76: {  	[tilespmem:s0+$0x0] =	vst v2;
	v2 =	vld [tilespmem:s2+$0x4000];
	s18 =	sor.u32 s23, s13  }
0x77: {  	s3 =	sor.u32 s4, s14;
	v5 =	vld [tilespmem:s18+$0x0]  }
0x78: {  	v6 =	vld [tilespmem:s3+$0x0]  }
0x79: {  	v0 =	vadd.f32 v1, v0;
	_ =	sdelay $0x1  }
0x7a: {  	v1 =	vadd.f32 v2, v7;
	[tilespmem:s12+$0x0] =	vst v0  }
0x7b: {  	v0 =	vadd.f32 v5, v4;
	v8 =	vld [tilespmem:s1+$0x80]  }
0x7c: {  	s19 =	simm.s32 $0x40;
	s21 =	sor.u32 $0x5000, s6;
	s13 =	sor.u32 s9, s13;
	v5 =	vadd.f32 v6, v3;
	[tilespmem:s2+$0x4000] =	vst v1;
	v2 =	vld [tilespmem:s1+$0x4080]  }
0x7d: {  	s26 =	simm.s32 $0x80;
	s20 =	sor.u32 s23, s21;
	s12 =	sand.u32 $0x60, s19;
	v1 =	vld [tilespmem:s13+$0x0];
	[tilespmem:s18+$0x0] =	vst v0  }
0x7e: {  	s10 =	sor.u32 s4, s10;
	s0 =	sand.u32 $0x700, s26;
	s24 =	sor.u32 $0x10, s12;
	[tilespmem:s3+$0x0] =	vst v5;
	v0 =	vld [tilespmem:s20+$0x0]  }
0x7f: {  	s19 =	sor.u32 s24, s0;
	v5 =	vld [tilespmem:s10+$0x0]  }
0x80: {  	v9 =	vld [tilespmem:s19+$0x0]  }
0x81: {  	v6 =	vld [tilespmem:s19+$0x4000]  }
0x82: {  	v2 =	vadd.f32 v2, v8  }
0x83: {  	s5 =	sor.u32 $0x4880, s11;
	s25 =	sor.u32 s12, s0;
	v0 =	vadd.f32 v0, v4  }
0x84: {  	s22 =	sor.u32 s7, s5;
	s26 =	sor.u32 $0x5800, s6;
	v1 =	vadd.f32 v1, v7;
	[tilespmem:s1+$0x4080] =	vst v2;
	v2 =	vld [tilespmem:s25+$0x0]  }
0x85: {  	s8 =	sor.u32 s23, s26;
	v10 =	vld [tilespmem:s22+$0x0];
	[tilespmem:s20+$0x0] =	vst v0;
	v0 =	vadd.f32 v5, v3  }
0x86: {  	[tilespmem:s13+$0x0] =	vst v1;
	v5 =	vadd.f32 v6, v9;
	v3 =	vld [tilespmem:s8+$0x0]  }
0x87: {  	s21 =	sor.u32 s9, s21;
	v1 =	vld [tilespmem:s25+$0x4000];
	[tilespmem:s10+$0x0] =	vst v0  }
0x88: {  	s14 =	sor.u32 $0x4800, s0;
	v6 =	vld [tilespmem:s21+$0x0];
	s20 =	sor.u32 $0x5080, s11;
	[tilespmem:s19+$0x4000] =	vst v5  }
0x89: {  	s15 =	sor.u32 s24, s14;
	v0 =	vld [tilespmem:s17+$0x80];
	[smem:$0x7FD] =	sst s20  }
0x8a: {  	v10 =	vadd.f32 v10, v8;
	v5 =	vld [tilespmem:s15+$0x0]  }
0x8b: {  	v11 =	vld [tilespmem:s17+$0x4080];
	v3 =	vadd.f32 v3, v4  }
0x8c: {  	s28 =	sor.u32 s7, s20;
	[tilespmem:s22+$0x0] =	vst v10  }
0x8d: {  	v10 =	vadd.f32 v1, v2;
	v4 =	vld [tilespmem:s28+$0x0];
	[tilespmem:s8+$0x0] =	vst v3  }
0x8e: {  	v3 =	vadd.f32 v6, v7;
	v1 =	vld [tilespmem:s16+$0x80]  }
0x8f: {  	[tilespmem:s25+$0x4000] =	vst v10;
	v5 =	vadd.f32 v5, v9;
	v6 =	vld [tilespmem:s16+$0x4080]  }
0x90: {  	s18 =	sor.u32 s12, s14;
	[tilespmem:s21+$0x0] =	vst v3;
	v3 =	vadd.f32 v11, v0  }
0x91: {  	s30 =	sor.u32 s9, s26;
	s1 =	sor.u32 $0x5000, s0;
	s10 =	simm.s32 $0x60;
	v10 =	vld [tilespmem:s18+$0x0];
	[tilespmem:s15+$0x0] =	vst v5  }
0x92: {  	s22 =	simm.s32 $0xC0;
	s8 =	sor.u32 s24, s1;
	v11 =	vld [tilespmem:s30+$0x0];
	[tilespmem:s17+$0x4080] =	vst v3;
	s17 =	sand.u32 $0x60, s10  }
0x93: {  	s3 =	sor.u32 s4, s5;
	s29 =	sand.u32 $0x700, s22;
	v4 =	vadd.f32 v4, v8;
	v3 =	vld [tilespmem:s8+$0x0];
	s26 =	sor.u32 $0x10, s17  }
0x94: {  	s14 =	sor.u32 $0x5880, s11;
	v5 =	vld [tilespmem:s3+$0x0];
	v6 =	vadd.f32 v6, v1;
	s11 =	sor.u32 s26, s29  }
0x95: {  	s5 =	sor.u32 $0x4880, s6;
	[tilespmem:s28+$0x0] =	vst v4;
	v4 =	vld [tilespmem:s11+$0x0]  }
0x96: {  	v13 =	vld [tilespmem:s11+$0x4000];
	[tilespmem:s16+$0x4080] =	vst v6;
	s16 =	sor.u32 s23, s5  }
0x97: {  	v10 =	vadd.f32 v10, v2;
	v14 =	vld [tilespmem:s16+$0x0]  }
0x98: {  	v3 =	vadd.f32 v3, v9  }
0x99: {  	s15 =	sor.u32 s7, s14;
	[tilespmem:s18+$0x0] =	vst v10;
	v5 =	vadd.f32 v5, v0  }
0x9a: {  	s31 =	sor.u32 s17, s29;
	v12 =	vld [tilespmem:s15+$0x0];
	[tilespmem:s8+$0x0] =	vst v3;
	v3 =	vadd.f32 v11, v7  }
0x9b: {  	s20 =	sor.u32 $0x5800, s0;
	v6 =	vld [tilespmem:s31+$0x0];
	v11 =	vadd.f32 v13, v4;
	[tilespmem:s3+$0x0] =	vst v5  }
0x9c: {  	v7 =	vld [tilespmem:s31+$0x4000];
	s8 =	sor.u32 s24, s20;
	[tilespmem:s30+$0x0] =	vst v3;
	v14 =	vadd.f32 v14, v1  }
0x9d: {  	s18 =	sor.u32 s12, s1;
	v10 =	vld [tilespmem:s8+$0x0];
	[tilespmem:s11+$0x4000] =	vst v11  }
0x9e: {  	v13 =	vld [tilespmem:s18+$0x0];
	[tilespmem:s16+$0x0] =	vst v14  }
0x9f: {  	s21 =	sor.u32 $0x4800, s29;
	v3 =	vld [tilespmem:s2+$0x80];
	s3 =	sld [smem:$0x7FD]  }
0xa0: {  	s13 =	sor.u32 s26, s21;
	s1 =	sor.u32 $0x5080, s6;
	v15 =	vld [tilespmem:s2+$0x4080]  }
0xa1: {  	v7 =	vadd.f32 v7, v6;
	v14 =	vld [tilespmem:s13+$0x0];
	s16 =	sor.u32 s23, s1  }
0xa2: {  	v5 =	vadd.f32 v10, v9;
	v16 =	vld [tilespmem:s16+$0x0];
	s28 =	sor.u32 s4, s3  }
0xa3: {  	s7 =	sor.u32 s17, s21;
	v8 =	vadd.f32 v12, v8;
	[tilespmem:s31+$0x4000] =	vst v7;
	v7 =	vld [tilespmem:s28+$0x0]  }
0xa4: {  	v9 =	vadd.f32 v13, v2;
	[tilespmem:s8+$0x0] =	vst v5;
	v11 =	vld [tilespmem:s7+$0x0]  }
0xa5: {  	[tilespmem:s15+$0x0] =	vst v8;
	v8 =	vadd.f32 v15, v3;
	v5 =	vld [tilespmem:s19+$0x80]  }
0xa6: {  	s30 =	sor.u32 s4, s14;
	[tilespmem:s18+$0x0] =	vst v9;
	s18 =	sor.u32 s12, s20;
	v9 =	vld [tilespmem:s19+$0x4080];
	v12 =	vadd.f32 v14, v4  }
0xa7: {  	s4 =	sor.u32 s9, s1;
	v10 =	vld [tilespmem:s18+$0x0];
	s3 =	sor.u32 $0x5000, s29;
	[tilespmem:s2+$0x4080] =	vst v8;
	s2 =	sor.u32 s9, s5;
	v8 =	vadd.f32 v16, v1  }
.LBB2_3:
0xa8: {  	s10 =	sadd.s32 $0x20, s10;
	[tilespmem:s13+$0x0] =	vst v12;
	s5 =	sor.u32 s26, s3;
	v12 =	vld [tilespmem:s2+$0x0];
	s6 =	sor.u32 $0x5880, s6;
	v7 =	vadd.f32 v7, v0  }
0xa9: {  	s22 =	sadd.s32 $0x40, s22;
	s8 =	sand.u32 $0x60, s10;
	v11 =	vadd.f32 v11, v6;
	v13 =	vld [tilespmem:s5+$0x0];
	[tilespmem:s16+$0x0] =	vst v8;
	s13 =	sor.u32 s23, s6  }
0xaa: {  	s3 =	sor.u32 s17, s3;
	s14 =	sand.u32 $0x700, s22;
	s15 =	sor.u32 $0x10, s8;
	v8 =	vld [tilespmem:s13+$0x0];
	[tilespmem:s28+$0x0] =	vst v7  }
0xab: {  	s1 =	sor.u32 s8, s14;
	s16 =	sor.u32 s15, s14;
	[tilespmem:s7+$0x0] =	vst v11;
	v7 =	vadd.f32 v9, v5;
	s7 =	sor.u32 s9, s6;
	v9 =	vld [tilespmem:s30+$0x0]  }
0xac: {  	p1 =	slt.u32 s10, $0x3E0;
	s6 =	sor.u32 $0x4880, s0;
	s9 =	smov.u32 s12;
	v11 =	vld [tilespmem:s16+$0x0];
	v10 =	vadd.f32 v10, v2;
	v2 =	vmov v6  }
0xad: {  	s12 =	smov.u32 s17;
	s20 =	sor.u32 s9, s6;
	s21 =	sor.u32 s24, s6;
	v14 =	vld [tilespmem:s16+$0x4000];
	[tilespmem:s19+$0x4080] =	vst v7;
	v7 =	vadd.f32 v12, v3  }
0xae: {  	s17 =	smov.u32 s8;
	s6 =	smov.u32 s0;
	s0 =	smov.u32 s29;
	v12 =	vadd.f32 v13, v4;
	[tilespmem:s18+$0x0] =	vst v10;
	v10 =	vld [tilespmem:s21+$0x0]  }
0xaf: {  	s23 =	smov.u32 s24;
	s29 =	smov.u32 s14;
	s8 =	sor.u32 $0x5800, s0;
	v6 =	vld [tilespmem:s1+$0x0];
	[tilespmem:s2+$0x0] =	vst v7;
	v7 =	vadd.f32 v8, v1;
	v1 =	vmov v5  }
0xb0: {  	s24 =	smov.u32 s26;
	s18 =	sor.u32 s12, s8;
	v5 =	vld [tilespmem:s1+$0x4000];
	[tilespmem:s5+$0x0] =	vst v12;
	s5 =	sor.u32 s26, s8;
	v8 =	vadd.f32 v9, v0;
	v0 =	vmov v3  }
0xb1: {  	s19 =	smov.u32 s11;
	s11 =	smov.u32 s16;
	s26 =	smov.u32 s15;
	v9 =	vld [tilespmem:s5+$0x0];
	[tilespmem:s13+$0x0] =	vst v7  }
0xb2: {  	s28 =	smov.u32 s4;
	s2 =	smov.u32 s20;
	v7 =	vadd.f32 v14, v11;
	v12 =	vld [tilespmem:s3+$0x0];
	[tilespmem:s30+$0x0] =	vst v8;
	s30 =	smov.u32 s7  }
0xb3: {  	s4 =	sor.u32 $0x4800, s29;
	v3 =	vld [tilespmem:s25+$0x80];
	v8 =	vadd.f32 v10, v1  }
0xb4: {  	s8 =	sor.u32 $0x5080, s6;
	s13 =	sor.u32 s26, s4;
	s7 =	sor.u32 s17, s4;
	[tilespmem:s11+$0x4000] =	vst v7;
	v10 =	vld [tilespmem:s25+$0x4080]  }
0xb5: {  	s16 =	sor.u32 s23, s8;
	s4 =	sor.u32 s9, s8;
	v5 =	vadd.f32 v5, v6;
	v13 =	vld [tilespmem:s13+$0x0];
	[tilespmem:s21+$0x0] =	vst v8  }
0xb6: {  	v8 =	vadd.f32 v9, v4;
	v14 =	vld [tilespmem:s16+$0x0];
	v4 =	vmov v11  }
.Ltmp0:
0xb7: {  	[tilespmem:s1+$0x4000] =	vst v5;
	v5 =	vadd.f32 v12, v2;
	v7 =	vld [tilespmem:s28+$0x0];
	(pc) =	sbr.rel @p1 .LBB2_3-.Ltmp0, $4  }
0xb8: {  	v11 =	vld [tilespmem:s7+$0x0];
	[tilespmem:s5+$0x0] =	vst v8  }
0xb9: {  	[tilespmem:s3+$0x0] =	vst v5;
	v5 =	vld [tilespmem:s19+$0x80];
	v8 =	vadd.f32 v10, v3  }
0xba: {  	v12 =	vadd.f32 v13, v4;
	v9 =	vld [tilespmem:s19+$0x4080]  }
0xbb: {  	s3 =	sor.u32 $0x5000, s29;
	v10 =	vld [tilespmem:s18+$0x0];
	[tilespmem:s25+$0x4080] =	vst v8;
	v8 =	vadd.f32 v14, v1;
	s25 =	smov.u32 s31;
	s31 =	smov.u32 s1  }
0xbc: {  	[tilespmem:s13+$0x0] =	vst v12;
	s1 =	sor.u32 s26, s3  }
0xbd: {  	v11 =	vadd.f32 v11, v6;
	v12 =	vld [tilespmem:s1+$0x0];
	_ =	sdelay $0x1  }
0xbe: {  	s14 =	sor.u32 s17, s3;
	[tilespmem:s7+$0x0] =	vst v11  }
0xbf: {  	v11 =	vld [tilespmem:s14+$0x0];
	_ =	sdelay $0x1  }
0xc0: {  	v12 =	vadd.f32 v12, v4  }
0xc1: {  	s5 =	sor.u32 $0x5800, s29  }
0xc2: {  	s15 =	sor.u32 s26, s5;
	[tilespmem:s1+$0x0] =	vst v12  }
0xc3: {  	v11 =	vadd.f32 v11, v6;
	v12 =	vld [tilespmem:s15+$0x0];
	_ =	sdelay $0x1  }
0xc4: {  	s5 =	sor.u32 s17, s5;
	[tilespmem:s14+$0x0] =	vst v11  }
0xc5: {  	v2 =	vadd.f32 v10, v2;
	v11 =	vld [tilespmem:s5+$0x0];
	_ =	sdelay $0x1  }
0xc6: {  	[tilespmem:s18+$0x0] =	vst v2;
	v2 =	vadd.f32 v12, v4;
	_ =	sdelay $0x1  }
0xc7: {  	v10 =	vld [tilespmem:s25+$0x4080];
	[tilespmem:s15+$0x0] =	vst v2  }
0xc8: {  	v2 =	vadd.f32 v11, v6;
	v6 =	vld [tilespmem:s11+$0x80]  }
0xc9: {  	v11 =	vld [tilespmem:s11+$0x4080]  }
0xca: {  	v4 =	vld [tilespmem:s25+$0x80];
	[tilespmem:s5+$0x0] =	vst v2  }
0xcb: {  	v2 =	vld [tilespmem:s31+$0x80]  }
0xcc: {  	v9 =	vadd.f32 v9, v5;
	v12 =	vld [tilespmem:s31+$0x4080]  }
0xcd: {  	v13 =	vld [tilespmem:s2+$0x0];
	s18 =	sor.u32 $0x4880, s0  }
0xce: {  	[tilespmem:s19+$0x4080] =	vst v9;
	s19 =	sor.u32 s24, s18;
	v9 =	vadd.f32 v11, v6  }
0xcf: {  	s20 =	sor.u32 $0x4880, s29;
	v10 =	vadd.f32 v10, v4;
	v11 =	vld [tilespmem:s19+$0x0]  }
0xd0: {  	s21 =	sor.u32 s26, s20;
	[tilespmem:s11+$0x4080] =	vst v9  }
0xd1: {  	[tilespmem:s25+$0x4080] =	vst v10;
	v9 =	vadd.f32 v12, v2;
	v10 =	vld [tilespmem:s21+$0x0]  }
0xd2: {  	v13 =	vadd.f32 v13, v3;
	s1 =	sor.u32 s12, s18  }
0xd3: {  	s5 =	sor.u32 s17, s20;
	v12 =	vld [tilespmem:s1+$0x0];
	[tilespmem:s31+$0x4080] =	vst v9  }
0xd4: {  	[tilespmem:s2+$0x0] =	vst v13;
	v11 =	vadd.f32 v11, v5;
	v9 =	vld [tilespmem:s5+$0x0]  }
0xd5: {  	s8 =	sor.u32 $0x5080, s0;
	v13 =	vld [tilespmem:s4+$0x0]  }
0xd6: {  	s22 =	sor.u32 s24, s8;
	[tilespmem:s19+$0x0] =	vst v11;
	v10 =	vadd.f32 v10, v6  }
0xd7: {  	v7 =	vadd.f32 v7, v0;
	s25 =	sor.u32 $0x5080, s29;
	v11 =	vld [tilespmem:s22+$0x0]  }
0xd8: {  	s10 =	sor.u32 s26, s25;
	v12 =	vadd.f32 v12, v4;
	[tilespmem:s21+$0x0] =	vst v10  }
0xd9: {  	[tilespmem:s28+$0x0] =	vst v7;
	v9 =	vadd.f32 v9, v2;
	v10 =	vld [tilespmem:s10+$0x0]  }
0xda: {  	s8 =	sor.u32 s12, s8;
	v7 =	vadd.f32 v13, v3;
	v13 =	vld [tilespmem:s30+$0x0];
	[tilespmem:s1+$0x0] =	vst v12  }
0xdb: {  	s13 =	sor.u32 $0x5880, s6;
	s11 =	sor.u32 s17, s25;
	v12 =	vld [tilespmem:s8+$0x0];
	[tilespmem:s5+$0x0] =	vst v9  }
0xdc: {  	[tilespmem:s16+$0x0] =	vst v8;
	s14 =	sor.u32 s23, s13;
	v8 =	vadd.f32 v11, v5;
	v9 =	vld [tilespmem:s11+$0x0]  }
0xdd: {  	s15 =	sor.u32 $0x5880, s0;
	v11 =	vld [tilespmem:s14+$0x0]  }
0xde: {  	s16 =	sor.u32 s24, s15;
	[tilespmem:s22+$0x0] =	vst v8;
	v8 =	vadd.f32 v10, v6  }
0xdf: {  	s2 =	sor.u32 s9, s13;
	s18 =	sor.u32 $0x5880, s29;
	[tilespmem:s4+$0x0] =	vst v7;
	v10 =	vld [tilespmem:s16+$0x0]  }
0xe0: {  	v0 =	vadd.f32 v13, v0;
	s19 =	sor.u32 s26, s18;
	v7 =	vadd.f32 v12, v4;
	v12 =	vld [tilespmem:s2+$0x0];
	[tilespmem:s10+$0x0] =	vst v8  }
0xe1: {  	v8 =	vadd.f32 v9, v2;
	v9 =	vld [tilespmem:s19+$0x0]  }
0xe2: {  	[tilespmem:s30+$0x0] =	vst v0;
	v1 =	vadd.f32 v11, v1  }
0xe3: {  	s0 =	sor.u32 s12, s15;
	[tilespmem:s8+$0x0] =	vst v7  }
0xe4: {  	v7 =	vld [tilespmem:s0+$0x0];
	[tilespmem:s14+$0x0] =	vst v1;
	v1 =	vadd.f32 v10, v5  }
0xe5: {  	[tilespmem:s11+$0x0] =	vst v8;
	v0 =	vadd.f32 v12, v3  }
0xe6: {  	s4 =	sor.u32 s17, s18;
	[tilespmem:s16+$0x0] =	vst v1;
	v1 =	vadd.f32 v9, v6  }
0xe7: {  	v8 =	vld [tilespmem:s4+$0x0];
	[tilespmem:s2+$0x0] =	vst v0  }
0xe8: {  	[tilespmem:s19+$0x0] =	vst v1  }
0xe9: {  	v0 =	vadd.f32 v7, v4;
	s1 =	sld [smem:$0x7F9];
	_ =	sdelay $0x1  }
0xea: {  	[tilespmem:s0+$0x0] =	vst v0  }
0xeb: {  	v1 =	vadd.f32 v8, v2;
	s0 =	rddreg [dreg:$0x5];
	s1 =	sshll.u32 s1, $0xB  }
0xec: {  	s24 =	simm.s32 $0x4000;
	s20 =	rddreg [dreg:$0x2];
	s23 =	sadd.s32 s0, s1  }
0xed: {  	s21 =	simm.s32 $0x100;
	s22 =	simm.s32 $0x400;
	[tilespmem:s4+$0x0] =	vst v1;
	s0 =	sadd.s32 s20, s23  }
0xee: {  	[hbm4b:s0+s21] =	stream.strided.scatter [tilespmem:s24], [sflag:$0x9], $0x800, s22, s21, $0x38;
	[tilespmem:$0x14000] =	vst v63  }
0xef: {  	s26 =	simm.s32 $0x4800;
	s25 =	sadd.s32 $0x80000, s0  }
0xf0: {  	[hbm4b:s25+s21] =	stream.strided.scatter [tilespmem:s26], [sflag:$0x9], $0x800, s22, s21, $0x38;
	[tilespmem:$0x14000] =	vst v63  }
0xf1: {  	s6 =	simm.s32 $0x5000;
	s5 =	sadd.s32 $0x100000, s0  }
0xf2: {  	[hbm4b:s5+s21] =	stream.strided.scatter [tilespmem:s6], [sflag:$0x9], $0x800, s22, s21, $0x38;
	[tilespmem:$0x14000] =	vst v63  }
0xf3: {  	s7 =	simm.s32 $0x5800;
	s0 =	sadd.s32 $0x180000, s0  }
0xf4: {  	[hbm4b:s0+s21] =	stream.strided.scatter [tilespmem:s7], [sflag:$0x9], $0x800, s22, s21, $0x38;
	[tilespmem:$0x14000] =	vst v63  }
0xf5: {  	s0 =	simm.s32 @!p0 $0xE  }
0xf6: {  	_ =	swait.ge @!p0 [sflag:s0], $0x2000  }
0xf7: {  	s8 =	sld [smem:$0x7FB]  }
0xf8: {  	[sflag:s0] =	ssyncset.done @!p0 $0x0  }
0xf9: {  	[sflag:s0] =	ssyncadd.s32 @!p0 $0xFFFFE000  }
0xfa: {  	s0 =	rddreg [dreg:$0x1];
	s9 =	sor.u32 $0x420, s8  }
0xfb: {  	s10 =	simm.s32 $0x2800;
	s11 =	rddreg [dreg:$0x0];
	s0 =	sadd.s32 s0, s9  }
0xfc: {  	[tilespmem:s10], [sflag:$0x6] =	stream.strided.gather [hbm4b:s0+s21], $0x800, s22, s21, $0x38;
	[tilespmem:$0x14000] =	vst v63  }
0xfd: {  	s12 =	simm.s32 $0xE000;
	s0 =	sadd.s32 s11, s9  }
0xfe: {  	[tilespmem:s12], [sflag:$0x6] =	stream.strided.gather [hbm4b:s0+s21], $0x800, s22, s21, $0x38;
	[tilespmem:$0x14000] =	vst v63  }
0xff: {  	s14 =	simm.s32 $0xE800;
	s13 =	sadd.s32 $0x80000, s0  }
0x100: {  	[tilespmem:s14], [sflag:$0x6] =	stream.strided.gather [hbm4b:s13+s21], $0x800, s22, s21, $0x38;
	[tilespmem:$0x14000] =	vst v63  }
0x101: {  	s17 =	simm.s32 $0xF800;
	s16 =	simm.s32 $0xF000;
	s15 =	sadd.s32 $0x100000, s0  }
0x102: {  	[tilespmem:s16], [sflag:$0x6] =	stream.strided.gather [hbm4b:s15+s21], $0x800, s22, s21, $0x38;
	[tilespmem:$0x14000] =	vst v63  }
0x103: {  	s18 =	simm.s32 $0x2;
	[smem:$0x7F8] =	sst s9;
	s0 =	sadd.s32 $0x180000, s0  }
0x104: {  	[tilespmem:s17], [sflag:$0x6] =	stream.strided.gather [hbm4b:s0+s21], $0x800, s22, s21, $0x38;
	[tilespmem:$0x14000] =	vst v63  }
0x105: {  	_ =	swait.ge [sflag:s18], $0x800  }
0x106: {  	[sflag:s18] =	ssyncset.done $0x0  }
0x107: {  	s19 =	simm.s32 $0x0;
	s20 =	simm.s32 $0x0;
	[sflag:s18] =	ssyncadd.s32 $0xFFFFF800  }
0x108: {  	s4 =	sand.u32 $0x60, s20;
	s11 =	sand.u32 $0x700, s19;
	_ =	swait.ge [sflag:s18], $0x2000  }
0x109: {  	s10 =	sor.u32 $0x10, s4;
	s0 =	sor.u32 $0x800, s11;
	[sflag:s18] =	ssyncset.done $0x0  }
0x10a: {  	s21 =	sor.u32 $0x6000, s11;
	s22 =	sor.u32 s10, s0;
	[sflag:s18] =	ssyncadd.s32 $0xFFFFE000  }
0x10b: {  	s24 =	sor.u32 s10, s21;
	v0 =	vld [tilespmem:s22+$0x0]  }
0x10c: {  	v1 =	vld [tilespmem:s24+$0x0];
	_ =	sdelay $0x4  }
0x10d: {  	v1 =	vadd.f32 v1, v0  }
0x10e: {  	s25 =	sor.u32 $0x6800, s11  }
0x10f: {  	s7 =	sor.u32 s10, s25;
	[tilespmem:s24+$0x0] =	vst v1  }
0x110: {  	v1 =	vld [tilespmem:s7+$0x0];
	_ =	sdelay $0x2  }
0x111: {  	s8 =	simm.s32 $0x40;
	s9 =	simm.s32 $0x20  }
0x112: {  	s26 =	sand.u32 $0x700, s8;
	s9 =	sand.u32 $0x60, s9;
	s0 =	sor.u32 s4, s0  }
0x113: {  	s5 =	sor.u32 $0x800, s26;
	s30 =	sor.u32 $0x10, s9;
	s1 =	sor.u32 s4, s21;
	v3 =	vld [tilespmem:s0+$0x0];
	v1 =	vadd.f32 v1, v0  }
0x114: {  	s12 =	sor.u32 $0x7000, s11;
	s15 =	sor.u32 s30, s5;
	v2 =	vld [tilespmem:s1+$0x0]  }
0x115: {  	s13 =	sor.u32 s10, s12;
	s14 =	sor.u32 $0x6000, s26;
	v4 =	vld [tilespmem:s15+$0x0];
	[tilespmem:s7+$0x0] =	vst v1  }
0x116: {  	s16 =	sor.u32 s30, s14;
	v1 =	vld [tilespmem:s13+$0x0]  }
0x117: {  	v5 =	vld [tilespmem:s16+$0x0];
	_ =	sdelay $0x2  }
0x118: {  	v2 =	vadd.f32 v2, v3  }
0x119: {  	v1 =	vadd.f32 v1, v0  }
0x11a: {  	s3 =	sor.u32 s4, s25;
	s17 =	sor.u32 $0x7800, s11;
	[tilespmem:s1+$0x0] =	vst v2;
	v2 =	vadd.f32 v5, v4  }
0x11b: {  	s19 =	sor.u32 $0x6800, s26;
	s18 =	sor.u32 s10, s17;
	v5 =	vld [tilespmem:s3+$0x0];
	[tilespmem:s13+$0x0] =	vst v1  }
0x11c: {  	s20 =	sor.u32 s30, s19;
	[tilespmem:s16+$0x0] =	vst v2;
	v1 =	vld [tilespmem:s18+$0x0]  }
0x11d: {  	v2 =	vld [tilespmem:s20+$0x0];
	_ =	sdelay $0x1  }
0x11e: {  	s5 =	sor.u32 s9, s5  }
0x11f: {  	s6 =	sor.u32 s9, s14;
	v7 =	vld [tilespmem:s5+$0x0];
	v5 =	vadd.f32 v5, v3  }
0x120: {  	v8 =	vld [tilespmem:s6+$0x0];
	v0 =	vadd.f32 v1, v0  }
0x121: {  	s0 =	sor.u32 s4, s12;
	[tilespmem:s3+$0x0] =	vst v5;
	s3 =	sor.u32 $0x880, s11;
	v1 =	vadd.f32 v2, v4  }
0x122: {  	s5 =	sor.u32 $0x7000, s26;
	s12 =	simm.s32 $0x80;
	s21 =	sor.u32 s10, s3;
	v2 =	vld [tilespmem:s0+$0x0];
	[tilespmem:s18+$0x0] =	vst v0  }
0x123: {  	s15 =	simm.s32 $0x40;
	s22 =	sor.u32 s30, s5;
	s13 =	sor.u32 $0x6080, s11;
	[tilespmem:s20+$0x0] =	vst v1;
	v6 =	vld [tilespmem:s21+$0x0]  }
0x124: {  	s29 =	sand.u32 $0x700, s12;
	s24 =	sand.u32 $0x60, s15;
	s14 =	sor.u32 s10, s13;
	v1 =	vld [tilespmem:s22+$0x0]  }
0x125: {  	s25 =	sor.u32 $0x10, s24;
	s16 =	sor.u32 $0x800, s29;
	v0 =	vadd.f32 v8, v7;
	v5 =	vld [tilespmem:s14+$0x0]  }
0x126: {  	s8 =	sor.u32 s9, s19;
	s19 =	sor.u32 s25, s16  }
0x127: {  	s18 =	sor.u32 $0x6000, s29;
	v8 =	vld [tilespmem:s19+$0x0];
	[tilespmem:s6+$0x0] =	vst v0;
	v0 =	vadd.f32 v2, v3  }
0x128: {  	s20 =	sor.u32 s25, s18;
	v2 =	vld [tilespmem:s8+$0x0]  }
0x129: {  	s1 =	sor.u32 s4, s17;
	[tilespmem:s0+$0x0] =	vst v0;
	v0 =	vld [tilespmem:s20+$0x0];
	v1 =	vadd.f32 v1, v4  }
0x12a: {  	s17 =	sor.u32 $0x7800, s26;
	v9 =	vld [tilespmem:s1+$0x0];
	v5 =	vadd.f32 v5, v6  }
0x12b: {  	s2 =	sor.u32 $0x6880, s11;
	s21 =	sor.u32 s30, s17;
	[tilespmem:s22+$0x0] =	vst v1  }
0x12c: {  	[tilespmem:s14+$0x0] =	vst v5;
	s14 =	sor.u32 s10, s2;
	v1 =	vld [tilespmem:s21+$0x0]  }
0x12d: {  	v5 =	vadd.f32 v2, v7;
	s22 =	sor.u32 s24, s16;
	v10 =	vld [tilespmem:s14+$0x0]  }
0x12e: {  	s15 =	sor.u32 s24, s18;
	v2 =	vld [tilespmem:s22+$0x0];
	v0 =	vadd.f32 v0, v8  }
0x12f: {  	s5 =	sor.u32 s9, s5;
	[tilespmem:s8+$0x0] =	vst v5;
	v5 =	vld [tilespmem:s15+$0x0];
	s8 =	sor.u32 $0x6800, s29;
	v3 =	vadd.f32 v9, v3  }
0x130: {  	v9 =	vld [tilespmem:s5+$0x0];
	s12 =	sor.u32 s25, s8;
	[tilespmem:s20+$0x0] =	vst v0  }
0x131: {  	s13 =	sor.u32 s4, s13;
	s6 =	sor.u32 s4, s3;
	[tilespmem:s1+$0x0] =	vst v3;
	v3 =	vld [tilespmem:s12+$0x0];
	v1 =	vadd.f32 v1, v4  }
0x132: {  	s19 =	simm.s32 $0x60;
	s18 =	simm.s32 $0xC0;
	s3 =	sor.u32 $0x880, s26;
	v0 =	vld [tilespmem:s6+$0x0];
	v10 =	vadd.f32 v10, v6  }
0x133: {  	s31 =	sand.u32 $0x60, s19;
	s20 =	sor.u32 s30, s3;
	s1 =	sor.u32 $0x7080, s11;
	v11 =	vld [tilespmem:s13+$0x0];
	[tilespmem:s21+$0x0] =	vst v1  }
0x134: {  	s0 =	sand.u32 $0x700, s18;
	s18 =	sor.u32 $0x6080, s26;
	[tilespmem:s14+$0x0] =	vst v10;
	s14 =	sor.u32 s10, s1;
	v1 =	vld [tilespmem:s20+$0x0]  }
0x135: {  	s6 =	sor.u32 $0x10, s31;
	v5 =	vadd.f32 v5, v2;
	s21 =	sor.u32 $0x800, s0;
	s20 =	sor.u32 s30, s18;
	v12 =	vld [tilespmem:s14+$0x0]  }
0x136: {  	s22 =	sor.u32 s6, s21;
	v3 =	vadd.f32 v3, v8;
	v10 =	vld [tilespmem:s20+$0x0]  }
0x137: {  	s8 =	sor.u32 s24, s8;
	[tilespmem:s15+$0x0] =	vst v5;
	v5 =	vadd.f32 v9, v7;
	s15 =	sor.u32 $0x7000, s29;
	v4 =	vld [tilespmem:s22+$0x0]  }
0x138: {  	s16 =	sor.u32 s25, s15;
	[tilespmem:s12+$0x0] =	vst v3;
	v3 =	vld [tilespmem:s8+$0x0]  }
0x139: {  	[tilespmem:s5+$0x0] =	vst v5;
	s5 =	sor.u32 s9, s17;
	v5 =	vadd.f32 v11, v0;
	v9 =	vld [tilespmem:s16+$0x0]  }
0x13a: {  	s7 =	sor.u32 s31, s21;
	v11 =	vld [tilespmem:s5+$0x0]  }
0x13b: {  	s12 =	sor.u32 $0x6000, s0;
	[tilespmem:s13+$0x0] =	vst v5;
	s13 =	sor.u32 s4, s2;
	v5 =	vld [tilespmem:s7+$0x0];
	v10 =	vadd.f32 v10, v1  }
0x13c: {  	s21 =	sor.u32 $0x6880, s26;
	s17 =	sor.u32 s6, s12;
	v12 =	vadd.f32 v12, v6;
	v13 =	vld [tilespmem:s13+$0x0]  }
0x13d: {  	s11 =	sor.u32 $0x7880, s11;
	s22 =	sor.u32 s30, s21;
	[tilespmem:s20+$0x0] =	vst v10;
	v10 =	vld [tilespmem:s17+$0x0];
	v3 =	vadd.f32 v3, v2  }
0x13e: {  	s10 =	sor.u32 s10, s11;
	[tilespmem:s14+$0x0] =	vst v12;
	v9 =	vadd.f32 v9, v8;
	v12 =	vld [tilespmem:s22+$0x0]  }
0x13f: {  	s14 =	sor.u32 s31, s12;
	v14 =	vld [tilespmem:s10+$0x0];
	s20 =	sor.u32 $0x7800, s29;
	v7 =	vadd.f32 v11, v7;
	[tilespmem:s8+$0x0] =	vst v3  }
0x140: {  	[tilespmem:s16+$0x0] =	vst v9;
	v9 =	vld [tilespmem:s14+$0x0];
	s16 =	sor.u32 s25, s20  }
0x141: {  	s8 =	sor.u32 s24, s15;
	[tilespmem:s5+$0x0] =	vst v7;
	s15 =	sor.u32 s9, s3;
	v11 =	vld [tilespmem:s16+$0x0]  }
0x142: {  	v3 =	vld [tilespmem:s15+$0x0];
	v7 =	vadd.f32 v10, v4  }
0x143: {  	s5 =	sor.u32 s9, s18;
	s18 =	sor.u32 $0x6800, s0;
	v10 =	vld [tilespmem:s8+$0x0];
	v12 =	vadd.f32 v12, v1  }
0x144: {  	s12 =	sor.u32 $0x7080, s26;
	v13 =	vadd.f32 v13, v0;
	s3 =	sor.u32 s6, s18;
	v15 =	vld [tilespmem:s5+$0x0];
	[tilespmem:s17+$0x0] =	vst v7  }
0x145: {  	s2 =	sor.u32 s30, s12;
	[tilespmem:s22+$0x0] =	vst v12;
	v7 =	vadd.f32 v9, v5;
	v12 =	vld [tilespmem:s3+$0x0]  }
0x146: {  	[tilespmem:s13+$0x0] =	vst v13;
	s22 =	sor.u32 s4, s1;
	v8 =	vadd.f32 v11, v8;
	v13 =	vld [tilespmem:s2+$0x0]  }
0x147: {  	s13 =	sor.u32 s31, s18;
	v6 =	vadd.f32 v14, v6;
	[tilespmem:s14+$0x0] =	vst v7;
	s14 =	sor.u32 $0x880, s29;
	v7 =	vld [tilespmem:s22+$0x0]  }
0x148: {  	s15 =	sor.u32 $0x6080, s29;
	v9 =	vadd.f32 v10, v2;
	v10 =	vld [tilespmem:s13+$0x0];
	[tilespmem:s16+$0x0] =	vst v8;
	s16 =	sor.u32 s25, s14  }
0x149: {  	s28 =	sor.u32 s24, s20;
	s7 =	sor.u32 s25, s15;
	s18 =	simm.s32 $0x100;
	[tilespmem:s10+$0x0] =	vst v6;
	v8 =	vadd.f32 v15, v3;
	v6 =	vld [tilespmem:s16+$0x0]  }
0x14a: {  	s17 =	sor.u32 s4, s11;
	s10 =	sor.u32 s9, s21;
	s11 =	sor.u32 s9, s12;
	[tilespmem:s8+$0x0] =	vst v9;
	v9 =	vld [tilespmem:s7+$0x0];
	v12 =	vadd.f32 v12, v4  }
0x14b: {  	s4 =	sor.u32 s24, s15;
	s1 =	sor.u32 $0x7000, s0;
	s16 =	sor.u32 s24, s14;
	[tilespmem:s5+$0x0] =	vst v8;
	v11 =	vld [tilespmem:s28+$0x0];
	v8 =	vadd.f32 v13, v1  }
.LBB2_5:
0x14c: {  	s19 =	sadd.s32 $0x20, s19;
	[tilespmem:s3+$0x0] =	vst v12;
	s3 =	sor.u32 s6, s1;
	v12 =	vld [tilespmem:s10+$0x0];
	s5 =	sor.u32 $0x7880, s26;
	v7 =	vadd.f32 v7, v0  }
0x14d: {  	s14 =	sand.u32 $0x700, s18;
	s8 =	sand.u32 $0x60, s19;
	v10 =	vadd.f32 v10, v5;
	v13 =	vld [tilespmem:s3+$0x0];
	[tilespmem:s2+$0x0] =	vst v8;
	s2 =	sor.u32 s30, s5  }
0x14e: {  	s1 =	sor.u32 s31, s1;
	s15 =	sor.u32 $0x800, s14;
	s20 =	sor.u32 $0x10, s8;
	v8 =	vld [tilespmem:s2+$0x0];
	[tilespmem:s22+$0x0] =	vst v7  }
0x14f: {  	s26 =	sor.u32 $0x6000, s14;
	s22 =	sor.u32 s8, s15;
	s15 =	sor.u32 s20, s15;
	[tilespmem:s13+$0x0] =	vst v10;
	v7 =	vadd.f32 v9, v6;
	v9 =	vld [tilespmem:s17+$0x0]  }
0x150: {  	s21 =	sor.u32 s8, s26;
	s13 =	sor.u32 $0x6880, s29;
	v10 =	vld [tilespmem:s15+$0x0];
	s15 =	sor.u32 s20, s26;
	v11 =	vadd.f32 v11, v2;
	v2 =	vmov v5  }
0x151: {  	s5 =	sor.u32 s9, s5;
	s12 =	sor.u32 s24, s13;
	v14 =	vld [tilespmem:s15+$0x0];
	[tilespmem:s7+$0x0] =	vst v7;
	s7 =	sor.u32 s25, s13;
	v7 =	vadd.f32 v12, v3  }
0x152: {  	p1 =	slt.u32 s19, $0x3E0;
	s9 =	smov.u32 s24;
	s24 =	smov.u32 s31;
	v12 =	vadd.f32 v13, v4;
	[tilespmem:s28+$0x0] =	vst v11;
	v11 =	vld [tilespmem:s7+$0x0]  }
0x153: {  	s31 =	smov.u32 s8;
	s26 =	smov.u32 s29;
	s13 =	sor.u32 $0x7800, s0;
	v5 =	vld [tilespmem:s22+$0x0];
	[tilespmem:s10+$0x0] =	vst v7;
	v7 =	vadd.f32 v8, v1;
	v1 =	vmov v6  }
0x154: {  	s29 =	smov.u32 s0;
	s28 =	sor.u32 s24, s13;
	s8 =	sor.u32 s6, s13;
	v6 =	vld [tilespmem:s21+$0x0];
	[tilespmem:s3+$0x0] =	vst v12;
	v8 =	vadd.f32 v9, v0;
	v0 =	vmov v3  }
0x155: {  	s30 =	smov.u32 s25;
	s0 =	smov.u32 s14;
	s25 =	smov.u32 s6;
	v9 =	vld [tilespmem:s8+$0x0];
	[tilespmem:s2+$0x0] =	vst v7  }
0x156: {  	s6 =	smov.u32 s20;
	s10 =	smov.u32 s12;
	v7 =	vadd.f32 v14, v10;
	v12 =	vld [tilespmem:s1+$0x0];
	[tilespmem:s17+$0x0] =	vst v8;
	s17 =	smov.u32 s5  }
0x157: {  	s22 =	smov.u32 s11;
	s2 =	sor.u32 $0x6800, s0;
	v3 =	vld [tilespmem:s16+$0x0];
	v8 =	vadd.f32 v11, v1  }
0x158: {  	s13 =	sor.u32 s31, s2;
	s3 =	sor.u32 s6, s2;
	s2 =	sor.u32 $0x7080, s26;
	[tilespmem:s15+$0x0] =	vst v7;
	v11 =	vld [tilespmem:s4+$0x0]  }
0x159: {  	s11 =	sor.u32 s9, s2;
	s2 =	sor.u32 s30, s2;
	v6 =	vadd.f32 v6, v5;
	v13 =	vld [tilespmem:s3+$0x0];
	[tilespmem:s7+$0x0] =	vst v8  }
0x15a: {  	v8 =	vadd.f32 v9, v4;
	v14 =	vld [tilespmem:s2+$0x0];
	v4 =	vmov v10  }
.Ltmp1:
0x15b: {  	s5 =	sor.u32 $0x880, s29;
	[tilespmem:s21+$0x0] =	vst v6;
	v6 =	vadd.f32 v12, v2;
	v7 =	vld [tilespmem:s22+$0x0];
	(pc) =	sbr.rel @p1 .LBB2_5-.Ltmp1, $4  }
0x15c: {  	s16 =	sor.u32 s24, s5;
	s5 =	sor.u32 s25, s5;
	s7 =	sor.u32 $0x6080, s29;
	v10 =	vld [tilespmem:s13+$0x0];
	[tilespmem:s8+$0x0] =	vst v8  }
0x15d: {  	s8 =	sor.u32 s24, s7;
	s7 =	sor.u32 s25, s7;
	[tilespmem:s1+$0x0] =	vst v6;
	v6 =	vld [tilespmem:s5+$0x0];
	v8 =	vadd.f32 v11, v3  }
0x15e: {  	v12 =	vadd.f32 v13, v4;
	v9 =	vld [tilespmem:s7+$0x0]  }
0x15f: {  	s18 =	sadd.s32 $0x40, s18;
	s1 =	sor.u32 $0x7000, s0;
	v11 =	vld [tilespmem:s28+$0x0];
	[tilespmem:s4+$0x0] =	vst v8;
	v8 =	vadd.f32 v14, v1;
	s4 =	smov.u32 s8  }
0x160: {  	_ = 	snop  }
0x161: {  	[tilespmem:s3+$0x0] =	vst v12;
	s19 =	sor.u32 s6, s1;
	v10 =	vadd.f32 v10, v5  }
0x162: {  	v12 =	vld [tilespmem:s19+$0x0]  }
0x163: {  	s20 =	sor.u32 s31, s1;
	[tilespmem:s13+$0x0] =	vst v10  }
0x164: {  	v10 =	vld [tilespmem:s20+$0x0];
	_ =	sdelay $0x2  }
0x165: {  	v12 =	vadd.f32 v12, v4  }
0x166: {  	s5 =	sor.u32 $0x7800, s0  }
0x167: {  	s21 =	sor.u32 s6, s5;
	[tilespmem:s19+$0x0] =	vst v12;
	v10 =	vadd.f32 v10, v5  }
0x168: {  	v12 =	vld [tilespmem:s21+$0x0]  }
0x169: {  	s5 =	sor.u32 s31, s5;
	[tilespmem:s20+$0x0] =	vst v10  }
0x16a: {  	v10 =	vld [tilespmem:s5+$0x0]  }
0x16b: {  	v2 =	vadd.f32 v11, v2;
	_ =	sdelay $0x1  }
0x16c: {  	[tilespmem:s28+$0x0] =	vst v2;
	v2 =	vadd.f32 v12, v4  }
0x16d: {  	s12 =	sor.u32 $0x880, s0;
	v11 =	vld [tilespmem:s4+$0x0]  }
0x16e: {  	s8 =	sor.u32 $0x6080, s0;
	s13 =	sor.u32 s6, s12;
	v4 =	vld [tilespmem:s16+$0x0];
	[tilespmem:s21+$0x0] =	vst v2;
	v2 =	vadd.f32 v10, v5  }
0x16f: {  	s14 =	sor.u32 s6, s8;
	v5 =	vld [tilespmem:s13+$0x0]  }
0x170: {  	s1 =	sor.u32 s31, s12;
	v10 =	vld [tilespmem:s14+$0x0];
	[tilespmem:s5+$0x0] =	vst v2  }
0x171: {  	s15 =	sor.u32 s31, s8;
	v2 =	vld [tilespmem:s1+$0x0]  }
0x172: {  	v12 =	vld [tilespmem:s15+$0x0]  }
0x173: {  	v9 =	vadd.f32 v9, v6  }
0x174: {  	s16 =	sor.u32 $0x6880, s29  }
0x175: {  	[tilespmem:s7+$0x0] =	vst v9;
	s18 =	sor.u32 s25, s16;
	v9 =	vadd.f32 v10, v5  }
0x176: {  	s19 =	sor.u32 $0x6880, s0;
	v11 =	vadd.f32 v11, v4;
	v10 =	vld [tilespmem:s18+$0x0]  }
0x177: {  	v13 =	vld [tilespmem:s10+$0x0];
	s20 =	sor.u32 s6, s19;
	[tilespmem:s14+$0x0] =	vst v9;
	v9 =	vadd.f32 v12, v2  }
0x178: {  	s1 =	sor.u32 s24, s16;
	[tilespmem:s4+$0x0] =	vst v11;
	v11 =	vld [tilespmem:s20+$0x0]  }
0x179: {  	s21 =	sor.u32 s31, s19;
	v12 =	vld [tilespmem:s1+$0x0];
	[tilespmem:s15+$0x0] =	vst v9  }
0x17a: {  	v9 =	vld [tilespmem:s21+$0x0]  }
0x17b: {  	v10 =	vadd.f32 v10, v6  }
0x17c: {  	s12 =	sor.u32 $0x7080, s29;
	v13 =	vadd.f32 v13, v3  }
0x17d: {  	s13 =	sor.u32 s25, s12;
	[tilespmem:s18+$0x0] =	vst v10;
	v10 =	vadd.f32 v11, v5  }
0x17e: {  	[tilespmem:s10+$0x0] =	vst v13;
	s14 =	sor.u32 $0x7080, s0;
	v11 =	vld [tilespmem:s13+$0x0];
	v12 =	vadd.f32 v12, v4  }
0x17f: {  	v13 =	vld [tilespmem:s11+$0x0];
	s15 =	sor.u32 s6, s14;
	[tilespmem:s20+$0x0] =	vst v10;
	v9 =	vadd.f32 v9, v2  }
0x180: {  	s5 =	sor.u32 s24, s12;
	[tilespmem:s1+$0x0] =	vst v12;
	v10 =	vld [tilespmem:s15+$0x0]  }
0x181: {  	s16 =	sor.u32 s31, s14;
	v12 =	vld [tilespmem:s5+$0x0];
	[tilespmem:s21+$0x0] =	vst v9  }
0x182: {  	v7 =	vadd.f32 v7, v0;
	s18 =	sor.u32 $0x7880, s26;
	v9 =	vld [tilespmem:s16+$0x0]  }
0x183: {  	[tilespmem:s2+$0x0] =	vst v8;
	s19 =	sor.u32 s30, s18;
	v8 =	vadd.f32 v11, v6  }
0x184: {  	[tilespmem:s22+$0x0] =	vst v7;
	v7 =	vadd.f32 v13, v3;
	s20 =	sor.u32 $0x7880, s29;
	v11 =	vld [tilespmem:s19+$0x0]  }
0x185: {  	v13 =	vld [tilespmem:s17+$0x0];
	s21 =	sor.u32 s25, s20;
	[tilespmem:s13+$0x0] =	vst v8;
	v8 =	vadd.f32 v10, v5  }
0x186: {  	s22 =	sor.u32 $0x7880, s0;
	[tilespmem:s11+$0x0] =	vst v7;
	s4 =	sor.u32 s9, s18;
	v10 =	vld [tilespmem:s21+$0x0];
	v7 =	vadd.f32 v12, v4  }
0x187: {  	s25 =	sor.u32 s6, s22;
	v12 =	vld [tilespmem:s4+$0x0];
	[tilespmem:s15+$0x0] =	vst v8;
	v8 =	vadd.f32 v9, v2  }
0x188: {  	s26 =	sor.u32 s24, s20;
	[tilespmem:s5+$0x0] =	vst v7;
	v9 =	vld [tilespmem:s25+$0x0]  }
0x189: {  	s0 =	sor.u32 s31, s22;
	v1 =	vadd.f32 v11, v1;
	v7 =	vld [tilespmem:s26+$0x0];
	[tilespmem:s16+$0x0] =	vst v8  }
0x18a: {  	v0 =	vadd.f32 v13, v0;
	v8 =	vld [tilespmem:s0+$0x0]  }
0x18b: {  	[tilespmem:s19+$0x0] =	vst v1;
	v1 =	vadd.f32 v10, v6  }
0x18c: {  	[tilespmem:s17+$0x0] =	vst v0;
	v0 =	vadd.f32 v12, v3  }
0x18d: {  	[tilespmem:s21+$0x0] =	vst v1;
	v1 =	vadd.f32 v9, v5  }
0x18e: {  	[tilespmem:s4+$0x0] =	vst v0;
	v0 =	vadd.f32 v7, v4  }
0x18f: {  	[tilespmem:s25+$0x0] =	vst v1;
	v1 =	vadd.f32 v8, v2  }
0x190: {  	[tilespmem:s26+$0x0] =	vst v0  }
0x191: {  	[tilespmem:s0+$0x0] =	vst v1  }
0x192: {  	s8 =	simm.s32 $0x400;
	s0 =	rddreg [dreg:$0xe]  }
0x193: {  	s7 =	simm.s32 $0x100;
	s9 =	simm.s32 $0x6000;
	s0 =	sadd.s32 s23, s0  }
0x194: {  	[hbm4b:s0+s7] =	stream.strided.scatter [tilespmem:s9], [sflag:$0xA], $0x800, s8, s7, $0x38;
	[tilespmem:$0x14000] =	vst v63  }
0x195: {  	s11 =	simm.s32 $0x6800;
	s10 =	sadd.s32 $0x80000, s0  }
0x196: {  	[hbm4b:s10+s7] =	stream.strided.scatter [tilespmem:s11], [sflag:$0xA], $0x800, s8, s7, $0x38;
	[tilespmem:$0x14000] =	vst v63  }
0x197: {  	s13 =	simm.s32 $0x7000;
	s12 =	sadd.s32 $0x100000, s0  }
0x198: {  	[hbm4b:s12+s7] =	stream.strided.scatter [tilespmem:s13], [sflag:$0xA], $0x800, s8, s7, $0x38;
	[tilespmem:$0x14000] =	vst v63  }
0x199: {  	s14 =	simm.s32 $0x7800;
	s0 =	sadd.s32 $0x180000, s0  }
0x19a: {  	[hbm4b:s0+s7] =	stream.strided.scatter [tilespmem:s14], [sflag:$0xA], $0x800, s8, s7, $0x38;
	[tilespmem:$0x14000] =	vst v63  }
0x19b: {  	s0 =	simm.s32 @!p0 $0xF  }
0x19c: {  	_ =	swait.ge @!p0 [sflag:s0], $0x2000  }
0x19d: {  	s15 =	sld [smem:$0x7FB]  }
0x19e: {  	[sflag:s0] =	ssyncset.done @!p0 $0x0  }
0x19f: {  	[sflag:s0] =	ssyncadd.s32 @!p0 $0xFFFFE000  }
0x1a0: {  	s0 =	rddreg [dreg:$0x1];
	s16 =	sor.u32 $0x440, s15  }
0x1a1: {  	s17 =	simm.s32 $0x3000;
	s18 =	rddreg [dreg:$0x0];
	s0 =	sadd.s32 s0, s16  }
0x1a2: {  	[tilespmem:s17], [sflag:$0x7] =	stream.strided.gather [hbm4b:s0+s7], $0x800, s8, s7, $0x38;
	[tilespmem:$0x14000] =	vst v63  }
0x1a3: {  	s19 =	simm.s32 $0x10000;
	s0 =	sadd.s32 s18, s16  }
0x1a4: {  	[tilespmem:s19], [sflag:$0x7] =	stream.strided.gather [hbm4b:s0+s7], $0x800, s8, s7, $0x38;
	[tilespmem:$0x14000] =	vst v63  }
0x1a5: {  	s21 =	simm.s32 $0x10800;
	s20 =	sadd.s32 $0x80000, s0  }
0x1a6: {  	[tilespmem:s21], [sflag:$0x7] =	stream.strided.gather [hbm4b:s20+s7], $0x800, s8, s7, $0x38;
	[tilespmem:$0x14000] =	vst v63  }
0x1a7: {  	s24 =	simm.s32 $0x11000;
	s25 =	simm.s32 $0x11800;
	s22 =	sadd.s32 $0x100000, s0  }
0x1a8: {  	[tilespmem:s24], [sflag:$0x7] =	stream.strided.gather [hbm4b:s22+s7], $0x800, s8, s7, $0x38;
	[tilespmem:$0x14000] =	vst v63  }
0x1a9: {  	s26 =	simm.s32 $0x3;
	[smem:$0x7F7] =	sst s16;
	s0 =	sadd.s32 $0x180000, s0  }
0x1aa: {  	[tilespmem:s25], [sflag:$0x7] =	stream.strided.gather [hbm4b:s0+s7], $0x800, s8, s7, $0x38;
	[tilespmem:$0x14000] =	vst v63  }
0x1ab: {  	_ =	swait.ge [sflag:s26], $0x800  }
0x1ac: {  	[sflag:s26] =	ssyncset.done $0x0  }
0x1ad: {  	s3 =	simm.s32 $0x0;
	s4 =	simm.s32 $0x0;
	[sflag:s26] =	ssyncadd.s32 $0xFFFFF800  }
0x1ae: {  	s11 =	sand.u32 $0x60, s4;
	s19 =	sand.u32 $0x700, s3;
	_ =	swait.ge [sflag:s26], $0x2000  }
0x1af: {  	s10 =	sor.u32 $0x10, s11;
	s0 =	sor.u32 $0x1000, s19;
	[sflag:s26] =	ssyncset.done $0x0  }
0x1b0: {  	s5 =	sor.u32 $0x8000, s19;
	s6 =	sor.u32 s10, s0;
	[sflag:s26] =	ssyncadd.s32 $0xFFFFE000  }
0x1b1: {  	s7 =	sor.u32 s10, s5;
	v0 =	vld [tilespmem:s6+$0x0]  }
0x1b2: {  	v1 =	vld [tilespmem:s7+$0x0];
	_ =	sdelay $0x4  }
0x1b3: {  	v1 =	vadd.f32 v1, v0  }
0x1b4: {  	s8 =	sor.u32 $0x8800, s19  }
0x1b5: {  	s9 =	sor.u32 s10, s8;
	[tilespmem:s7+$0x0] =	vst v1  }
0x1b6: {  	v1 =	vld [tilespmem:s9+$0x0];
	_ =	sdelay $0x1  }
0x1b7: {  	s0 =	sor.u32 s11, s0  }
0x1b8: {  	s1 =	sor.u32 s11, s5;
	v3 =	vld [tilespmem:s0+$0x0]  }
0x1b9: {  	v2 =	vld [tilespmem:s1+$0x0]  }
0x1ba: {  	s13 =	simm.s32 $0x40;
	s14 =	simm.s32 $0x20;
	v1 =	vadd.f32 v1, v0  }
0x1bb: {  	s29 =	sand.u32 $0x700, s13;
	s12 =	sor.u32 $0x9000, s19;
	s24 =	sand.u32 $0x60, s14  }
0x1bc: {  	s4 =	sor.u32 $0x1000, s29;
	s15 =	sor.u32 s10, s12;
	s31 =	sor.u32 $0x10, s24;
	[tilespmem:s9+$0x0] =	vst v1  }
0x1bd: {  	s16 =	sor.u32 $0x8000, s29;
	s17 =	sor.u32 s31, s4;
	v1 =	vld [tilespmem:s15+$0x0]  }
0x1be: {  	s18 =	sor.u32 s31, s16;
	v4 =	vld [tilespmem:s17+$0x0];
	v2 =	vadd.f32 v2, v3  }
0x1bf: {  	v5 =	vld [tilespmem:s18+$0x0]  }
0x1c0: {  	s3 =	sor.u32 s11, s8;
	[tilespmem:s1+$0x0] =	vst v2  }
0x1c1: {  	v2 =	vld [tilespmem:s3+$0x0]  }
0x1c2: {  	v1 =	vadd.f32 v1, v0  }
0x1c3: {  	s20 =	sor.u32 $0x9800, s19  }
0x1c4: {  	s21 =	sor.u32 s10, s20;
	v5 =	vadd.f32 v5, v4;
	[tilespmem:s15+$0x0] =	vst v1  }
0x1c5: {  	s22 =	sor.u32 $0x8800, s29;
	s4 =	sor.u32 s24, s4;
	v1 =	vld [tilespmem:s21+$0x0]  }
0x1c6: {  	s25 =	sor.u32 s31, s22;
	v7 =	vld [tilespmem:s4+$0x0];
	[tilespmem:s18+$0x0] =	vst v5;
	v2 =	vadd.f32 v2, v3  }
0x1c7: {  	s5 =	sor.u32 s24, s16;
	v5 =	vld [tilespmem:s25+$0x0]  }
0x1c8: {  	s0 =	sor.u32 s11, s12;
	[tilespmem:s3+$0x0] =	vst v2;
	v2 =	vld [tilespmem:s5+$0x0]  }
0x1c9: {  	v8 =	vld [tilespmem:s0+$0x0]  }
0x1ca: {  	v0 =	vadd.f32 v1, v0  }
0x1cb: {  	s3 =	sor.u32 $0x1080, s19  }
0x1cc: {  	s6 =	sor.u32 $0x8080, s19;
	s26 =	sor.u32 s10, s3;
	[tilespmem:s21+$0x0] =	vst v0;
	v0 =	vadd.f32 v5, v4  }
0x1cd: {  	s13 =	sor.u32 $0x9000, s29;
	s8 =	sor.u32 s10, s6;
	v1 =	vadd.f32 v2, v7;
	v6 =	vld [tilespmem:s26+$0x0]  }
0x1ce: {  	s14 =	simm.s32 $0x80;
	s12 =	simm.s32 $0x40;
	s15 =	sor.u32 s31, s13;
	v5 =	vadd.f32 v8, v3;
	v2 =	vld [tilespmem:s8+$0x0];
	[tilespmem:s25+$0x0] =	vst v0  }
0x1cf: {  	s30 =	sand.u32 $0x700, s14;
	s7 =	sor.u32 s24, s22;
	[tilespmem:s5+$0x0] =	vst v1;
	s25 =	sand.u32 $0x60, s12;
	v0 =	vld [tilespmem:s15+$0x0]  }
0x1d0: {  	s16 =	sor.u32 $0x1000, s30;
	s1 =	sor.u32 s11, s20;
	v1 =	vld [tilespmem:s7+$0x0];
	[tilespmem:s0+$0x0] =	vst v5;
	s26 =	sor.u32 $0x10, s25  }
0x1d1: {  	s17 =	sor.u32 $0x8000, s30;
	v5 =	vld [tilespmem:s1+$0x0];
	s18 =	sor.u32 s26, s16  }
0x1d2: {  	s20 =	sor.u32 s26, s17;
	v8 =	vld [tilespmem:s18+$0x0]  }
0x1d3: {  	v9 =	vld [tilespmem:s20+$0x0];
	v2 =	vadd.f32 v2, v6  }
0x1d4: {  	s12 =	sor.u32 $0x8880, s19;
	s0 =	sor.u32 s25, s16;
	v0 =	vadd.f32 v0, v4  }
0x1d5: {  	s22 =	sor.u32 $0x9800, s29;
	s21 =	sor.u32 s10, s12;
	[tilespmem:s8+$0x0] =	vst v2;
	v2 =	vld [tilespmem:s0+$0x0]  }
0x1d6: {  	s4 =	sor.u32 s31, s22;
	v1 =	vadd.f32 v1, v7;
	v10 =	vld [tilespmem:s21+$0x0];
	[tilespmem:s15+$0x0] =	vst v0  }
0x1d7: {  	s5 =	sor.u32 s25, s17;
	v0 =	vadd.f32 v5, v3;
	v3 =	vld [tilespmem:s4+$0x0]  }
0x1d8: {  	s8 =	sor.u32 s24, s13;
	[tilespmem:s7+$0x0] =	vst v1;
	v1 =	vld [tilespmem:s5+$0x0];
	v5 =	vadd.f32 v9, v8  }
0x1d9: {  	s3 =	sor.u32 s11, s3;
	s16 =	sor.u32 $0x8800, s30;
	v9 =	vld [tilespmem:s8+$0x0];
	[tilespmem:s1+$0x0] =	vst v0  }
0x1da: {  	s17 =	sor.u32 s26, s16;
	[tilespmem:s20+$0x0] =	vst v5;
	v0 =	vld [tilespmem:s3+$0x0]  }
0x1db: {  	s18 =	sor.u32 s11, s6;
	v5 =	vadd.f32 v10, v6;
	v10 =	vld [tilespmem:s17+$0x0]  }
0x1dc: {  	s1 =	sor.u32 $0x9080, s19;
	v11 =	vld [tilespmem:s18+$0x0];
	v3 =	vadd.f32 v3, v4  }
0x1dd: {  	s9 =	sor.u32 $0x1080, s29;
	s2 =	sor.u32 s10, s1;
	[tilespmem:s21+$0x0] =	vst v5  }
0x1de: {  	s14 =	sor.u32 $0x8080, s29;
	s20 =	sor.u32 s31, s9;
	v4 =	vadd.f32 v1, v2;
	v5 =	vld [tilespmem:s2+$0x0];
	[tilespmem:s4+$0x0] =	vst v3  }
0x1df: {  	s15 =	sor.u32 s31, s14;
	v3 =	vadd.f32 v9, v7;
	v1 =	vld [tilespmem:s20+$0x0]  }
0x1e0: {  	s13 =	sor.u32 s24, s22;
	s7 =	sor.u32 s25, s16;
	s21 =	simm.s32 $0xC0;
	[tilespmem:s5+$0x0] =	vst v4;
	v4 =	vadd.f32 v10, v8;
	v9 =	vld [tilespmem:s15+$0x0]  }
0x1e1: {  	s6 =	sand.u32 $0x700, s21;
	s5 =	sor.u32 $0x9000, s30;
	s4 =	simm.s32 $0x60;
	v10 =	vld [tilespmem:s7+$0x0];
	[tilespmem:s8+$0x0] =	vst v3;
	v3 =	vadd.f32 v11, v0  }
0x1e2: {  	s16 =	sor.u32 $0x1000, s6;
	s22 =	sor.u32 s26, s5;
	s0 =	sand.u32 $0x60, s4;
	v11 =	vld [tilespmem:s13+$0x0];
	[tilespmem:s17+$0x0] =	vst v4  }
0x1e3: {  	s8 =	sor.u32 s0, s16;
	[tilespmem:s18+$0x0] =	vst v3;
	v3 =	vld [tilespmem:s22+$0x0]  }
0x1e4: {  	s12 =	sor.u32 s11, s12;
	s17 =	sor.u32 $0x10, s0;
	v13 =	vadd.f32 v5, v6;
	v5 =	vld [tilespmem:s8+$0x0]  }
0x1e5: {  	s20 =	sor.u32 $0x8000, s6;
	s18 =	sor.u32 s17, s16;
	v12 =	vld [tilespmem:s12+$0x0];
	v9 =	vadd.f32 v9, v1  }
0x1e6: {  	s8 =	sor.u32 s17, s20;
	v4 =	vld [tilespmem:s18+$0x0];
	s18 =	sor.u32 $0x8880, s29  }
0x1e7: {  	[tilespmem:s15+$0x0] =	vst v9;
	s15 =	sor.u32 $0x9880, s19;
	v9 =	vld [tilespmem:s8+$0x0];
	s19 =	sor.u32 s31, s18  }
0x1e8: {  	[tilespmem:s2+$0x0] =	vst v13;
	s10 =	sor.u32 s10, s15;
	v3 =	vadd.f32 v3, v8;
	v13 =	vld [tilespmem:s19+$0x0]  }
0x1e9: {  	s16 =	sor.u32 s0, s20;
	s20 =	sor.u32 $0x9800, s30;
	v10 =	vadd.f32 v10, v2;
	v14 =	vld [tilespmem:s10+$0x0]  }
0x1ea: {  	s3 =	sor.u32 s26, s20;
	[tilespmem:s22+$0x0] =	vst v3;
	v3 =	vadd.f32 v11, v7;
	v7 =	vld [tilespmem:s16+$0x0]  }
0x1eb: {  	s5 =	sor.u32 s25, s5;
	[tilespmem:s7+$0x0] =	vst v10;
	v10 =	vld [tilespmem:s3+$0x0]  }
0x1ec: {  	s21 =	sor.u32 s24, s9;
	v11 =	vld [tilespmem:s5+$0x0];
	[tilespmem:s13+$0x0] =	vst v3;
	v9 =	vadd.f32 v9, v4  }
0x1ed: {  	s7 =	sor.u32 s24, s14;
	s22 =	sor.u32 $0x8800, s6;
	v3 =	vld [tilespmem:s21+$0x0];
	v13 =	vadd.f32 v13, v1  }
0x1ee: {  	v12 =	vadd.f32 v12, v0;
	s21 =	sor.u32 s17, s22;
	[tilespmem:s8+$0x0] =	vst v9;
	v9 =	vld [tilespmem:s7+$0x0];
	s8 =	sor.u32 $0x9080, s29  }
0x1ef: {  	v7 =	vadd.f32 v7, v5;
	[tilespmem:s19+$0x0] =	vst v13;
	v13 =	vld [tilespmem:s21+$0x0];
	s2 =	sor.u32 s31, s8  }
0x1f0: {  	s28 =	sor.u32 s11, s1;
	[tilespmem:s12+$0x0] =	vst v12;
	v8 =	vadd.f32 v10, v8;
	v15 =	vld [tilespmem:s2+$0x0]  }
0x1f1: {  	s1 =	sor.u32 s0, s22;
	s12 =	sor.u32 $0x1080, s30;
	v6 =	vadd.f32 v14, v6;
	[tilespmem:s16+$0x0] =	vst v7;
	v7 =	vld [tilespmem:s28+$0x0]  }
0x1f2: {  	s14 =	sor.u32 $0x8080, s30;
	v11 =	vadd.f32 v11, v2;
	s16 =	sor.u32 s26, s12;
	v10 =	vld [tilespmem:s1+$0x0];
	[tilespmem:s3+$0x0] =	vst v8  }
0x1f3: {  	s13 =	sor.u32 s26, s14;
	s22 =	sor.u32 s24, s18;
	s18 =	sor.u32 s25, s12;
	[tilespmem:s10+$0x0] =	vst v6;
	v6 =	vld [tilespmem:s16+$0x0];
	v8 =	vadd.f32 v9, v3  }
0x1f4: {  	s19 =	sor.u32 s11, s15;
	s11 =	sor.u32 s24, s8;
	[tilespmem:s5+$0x0] =	vst v11;
	s16 =	sor.u32 s25, s20;
	v9 =	vld [tilespmem:s13+$0x0];
	v12 =	vadd.f32 v13, v4  }
0x1f5: {  	s10 =	sor.u32 s25, s14;
	s3 =	sor.u32 $0x9000, s6;
	v11 =	vld [tilespmem:s16+$0x0];
	[tilespmem:s7+$0x0] =	vst v8;
	s7 =	simm.s32 $0x100;
	v8 =	vadd.f32 v15, v1  }
.LBB2_7:
0x1f6: {  	s4 =	sadd.s32 $0x20, s4;
	[tilespmem:s21+$0x0] =	vst v12;
	s5 =	sor.u32 s17, s3;
	v12 =	vld [tilespmem:s22+$0x0];
	s8 =	sor.u32 $0x9880, s29;
	v7 =	vadd.f32 v7, v0  }
0x1f7: {  	s14 =	sand.u32 $0x700, s7;
	s12 =	sand.u32 $0x60, s4;
	v10 =	vadd.f32 v10, v5;
	v13 =	vld [tilespmem:s5+$0x0];
	[tilespmem:s2+$0x0] =	vst v8;
	s2 =	sor.u32 s31, s8  }
0x1f8: {  	s3 =	sor.u32 s0, s3;
	s9 =	sor.u32 $0x1000, s14;
	s15 =	sor.u32 $0x10, s12;
	v8 =	vld [tilespmem:s2+$0x0];
	[tilespmem:s28+$0x0] =	vst v7  }
0x1f9: {  	s21 =	sor.u32 $0x8000, s14;
	s20 =	sor.u32 s12, s9;
	s28 =	sor.u32 s15, s9;
	[tilespmem:s1+$0x0] =	vst v10;
	v7 =	vadd.f32 v9, v6;
	v9 =	vld [tilespmem:s19+$0x0]  }
0x1fa: {  	s9 =	sor.u32 s12, s21;
	s21 =	sor.u32 s15, s21;
	s1 =	sor.u32 $0x8880, s30;
	v10 =	vld [tilespmem:s28+$0x0];
	v11 =	vadd.f32 v11, v2;
	v2 =	vmov v5  }
0x1fb: {  	s28 =	sor.u32 s25, s1;
	v14 =	vld [tilespmem:s21+$0x0];
	[tilespmem:s13+$0x0] =	vst v7;
	s13 =	sor.u32 s26, s1;
	v7 =	vadd.f32 v12, v3;
	s1 =	sor.u32 s24, s8  }
0x1fc: {  	p1 =	slt.u32 s4, $0x3E0;
	s24 =	smov.u32 s25;
	s25 =	smov.u32 s0;
	v12 =	vadd.f32 v13, v4;
	[tilespmem:s16+$0x0] =	vst v11;
	v11 =	vld [tilespmem:s13+$0x0]  }
0x1fd: {  	s29 =	smov.u32 s30;
	s8 =	sor.u32 $0x9800, s6;
	s0 =	smov.u32 s12;
	v5 =	vld [tilespmem:s20+$0x0];
	[tilespmem:s22+$0x0] =	vst v7;
	v7 =	vadd.f32 v8, v1;
	v1 =	vmov v6  }
0x1fe: {  	s30 =	smov.u32 s6;
	s16 =	sor.u32 s25, s8;
	v6 =	vld [tilespmem:s9+$0x0];
	[tilespmem:s5+$0x0] =	vst v12;
	s5 =	sor.u32 s17, s8;
	v8 =	vadd.f32 v9, v0;
	v0 =	vmov v3  }
0x1ff: {  	s31 =	smov.u32 s26;
	s6 =	smov.u32 s14;
	s26 =	smov.u32 s17;
	v9 =	vld [tilespmem:s5+$0x0];
	[tilespmem:s2+$0x0] =	vst v7  }
0x200: {  	s22 =	smov.u32 s28;
	s17 =	smov.u32 s15;
	v7 =	vadd.f32 v14, v10;
	v12 =	vld [tilespmem:s3+$0x0];
	[tilespmem:s19+$0x0] =	vst v8;
	s19 =	smov.u32 s1  }
0x201: {  	s28 =	smov.u32 s11;
	s2 =	sor.u32 $0x8800, s6;
	v3 =	vld [tilespmem:s18+$0x0];
	v8 =	vadd.f32 v11, v1  }
0x202: {  	s1 =	sor.u32 s0, s2;
	[tilespmem:s21+$0x0] =	vst v7;
	s21 =	sor.u32 s17, s2;
	v11 =	vld [tilespmem:s10+$0x0];
	s2 =	sor.u32 $0x9080, s29  }
0x203: {  	v6 =	vadd.f32 v6, v5;
	v13 =	vld [tilespmem:s21+$0x0];
	s11 =	sor.u32 s24, s2;
	[tilespmem:s13+$0x0] =	vst v8;
	s2 =	sor.u32 s31, s2  }
0x204: {  	v8 =	vadd.f32 v9, v4;
	v14 =	vld [tilespmem:s2+$0x0];
	v4 =	vmov v10  }
.Ltmp2:
0x205: {  	s8 =	sor.u32 $0x1080, s30;
	[tilespmem:s9+$0x0] =	vst v6;
	v6 =	vadd.f32 v12, v2;
	v7 =	vld [tilespmem:s28+$0x0];
	(pc) =	sbr.rel @p1 .LBB2_7-.Ltmp2, $4  }
0x206: {  	s18 =	sor.u32 s25, s8;
	s9 =	sor.u32 $0x8080, s30;
	v10 =	vld [tilespmem:s1+$0x0];
	[tilespmem:s5+$0x0] =	vst v8;
	s5 =	sor.u32 s26, s8  }
0x207: {  	s8 =	sor.u32 s25, s9;
	s13 =	sor.u32 s26, s9;
	[tilespmem:s3+$0x0] =	vst v6;
	v6 =	vld [tilespmem:s5+$0x0];
	v8 =	vadd.f32 v11, v3  }
0x208: {  	v12 =	vadd.f32 v13, v4;
	v9 =	vld [tilespmem:s13+$0x0]  }
0x209: {  	s7 =	sadd.s32 $0x40, s7;
	s3 =	sor.u32 $0x9000, s6;
	v11 =	vld [tilespmem:s16+$0x0];
	[tilespmem:s10+$0x0] =	vst v8;
	v8 =	vadd.f32 v14, v1;
	s10 =	smov.u32 s8  }
0x20a: {  	_ = 	snop  }
0x20b: {  	[tilespmem:s21+$0x0] =	vst v12;
	s4 =	sor.u32 s17, s3;
	v10 =	vadd.f32 v10, v5  }
0x20c: {  	v12 =	vld [tilespmem:s4+$0x0]  }
0x20d: {  	s21 =	sor.u32 s0, s3;
	[tilespmem:s1+$0x0] =	vst v10  }
0x20e: {  	v10 =	vld [tilespmem:s21+$0x0];
	_ =	sdelay $0x2  }
0x20f: {  	v12 =	vadd.f32 v12, v4  }
0x210: {  	s5 =	sor.u32 $0x9800, s6  }
0x211: {  	s7 =	sor.u32 s17, s5;
	[tilespmem:s4+$0x0] =	vst v12;
	v10 =	vadd.f32 v10, v5  }
0x212: {  	v12 =	vld [tilespmem:s7+$0x0]  }
0x213: {  	s1 =	sor.u32 s0, s5;
	[tilespmem:s21+$0x0] =	vst v10  }
0x214: {  	v10 =	vld [tilespmem:s1+$0x0]  }
0x215: {  	v2 =	vadd.f32 v11, v2;
	_ =	sdelay $0x1  }
0x216: {  	[tilespmem:s16+$0x0] =	vst v2;
	v2 =	vadd.f32 v12, v4  }
0x217: {  	s8 =	sor.u32 $0x1080, s6;
	v11 =	vld [tilespmem:s10+$0x0]  }
0x218: {  	s9 =	sor.u32 s17, s8;
	s5 =	sor.u32 $0x8080, s6;
	v4 =	vld [tilespmem:s18+$0x0];
	[tilespmem:s7+$0x0] =	vst v2;
	v2 =	vadd.f32 v10, v5  }
0x219: {  	s12 =	sor.u32 s17, s5;
	v5 =	vld [tilespmem:s9+$0x0]  }
0x21a: {  	s3 =	sor.u32 s0, s8;
	v10 =	vld [tilespmem:s12+$0x0];
	[tilespmem:s1+$0x0] =	vst v2  }
0x21b: {  	s14 =	sor.u32 s0, s5;
	v2 =	vld [tilespmem:s3+$0x0]  }
0x21c: {  	v12 =	vld [tilespmem:s14+$0x0]  }
0x21d: {  	v9 =	vadd.f32 v9, v6  }
0x21e: {  	s15 =	sor.u32 $0x8880, s30  }
0x21f: {  	[tilespmem:s13+$0x0] =	vst v9;
	s16 =	sor.u32 s26, s15;
	v9 =	vadd.f32 v10, v5  }
0x220: {  	s7 =	sor.u32 $0x8880, s6;
	v11 =	vadd.f32 v11, v4;
	v10 =	vld [tilespmem:s16+$0x0]  }
0x221: {  	v13 =	vld [tilespmem:s22+$0x0];
	s18 =	sor.u32 s17, s7;
	[tilespmem:s12+$0x0] =	vst v9;
	v9 =	vadd.f32 v12, v2  }
0x222: {  	s3 =	sor.u32 s25, s15;
	[tilespmem:s10+$0x0] =	vst v11;
	v11 =	vld [tilespmem:s18+$0x0]  }
0x223: {  	s7 =	sor.u32 s0, s7;
	v12 =	vld [tilespmem:s3+$0x0];
	[tilespmem:s14+$0x0] =	vst v9  }
0x224: {  	v9 =	vld [tilespmem:s7+$0x0]  }
0x225: {  	v10 =	vadd.f32 v10, v6  }
0x226: {  	s20 =	sor.u32 $0x9080, s30;
	v13 =	vadd.f32 v13, v3  }
0x227: {  	s21 =	sor.u32 s26, s20;
	[tilespmem:s16+$0x0] =	vst v10;
	v10 =	vadd.f32 v11, v5  }
0x228: {  	s8 =	sor.u32 $0x9080, s6;
	[tilespmem:s22+$0x0] =	vst v13;
	v11 =	vld [tilespmem:s21+$0x0];
	v12 =	vadd.f32 v12, v4  }
0x229: {  	v13 =	vld [tilespmem:s11+$0x0];
	s9 =	sor.u32 s17, s8;
	[tilespmem:s18+$0x0] =	vst v10;
	v9 =	vadd.f32 v9, v2  }
0x22a: {  	s1 =	sor.u32 s25, s20;
	[tilespmem:s3+$0x0] =	vst v12;
	v10 =	vld [tilespmem:s9+$0x0]  }
0x22b: {  	s10 =	sor.u32 s0, s8;
	v12 =	vld [tilespmem:s1+$0x0];
	[tilespmem:s7+$0x0] =	vst v9  }
0x22c: {  	v7 =	vadd.f32 v7, v0;
	s12 =	sor.u32 $0x9880, s29;
	v9 =	vld [tilespmem:s10+$0x0]  }
0x22d: {  	[tilespmem:s2+$0x0] =	vst v8;
	s13 =	sor.u32 s31, s12;
	v8 =	vadd.f32 v11, v6  }
0x22e: {  	[tilespmem:s28+$0x0] =	vst v7;
	v7 =	vadd.f32 v13, v3;
	s14 =	sor.u32 $0x9880, s30;
	v11 =	vld [tilespmem:s13+$0x0]  }
0x22f: {  	v13 =	vld [tilespmem:s19+$0x0];
	s15 =	sor.u32 s26, s14;
	[tilespmem:s21+$0x0] =	vst v8;
	v8 =	vadd.f32 v10, v5  }
0x230: {  	[tilespmem:s11+$0x0] =	vst v7;
	s16 =	sor.u32 $0x9880, s6;
	s7 =	sor.u32 s24, s12;
	v10 =	vld [tilespmem:s15+$0x0];
	v7 =	vadd.f32 v12, v4  }
0x231: {  	s17 =	sor.u32 s17, s16;
	v12 =	vld [tilespmem:s7+$0x0];
	[tilespmem:s9+$0x0] =	vst v8;
	v8 =	vadd.f32 v9, v2  }
0x232: {  	s8 =	sor.u32 s25, s14;
	[tilespmem:s1+$0x0] =	vst v7;
	v9 =	vld [tilespmem:s17+$0x0]  }
0x233: {  	s18 =	sor.u32 s0, s16;
	v1 =	vadd.f32 v11, v1;
	v7 =	vld [tilespmem:s8+$0x0];
	[tilespmem:s10+$0x0] =	vst v8  }
0x234: {  	v0 =	vadd.f32 v13, v0;
	v8 =	vld [tilespmem:s18+$0x0]  }
0x235: {  	[tilespmem:s13+$0x0] =	vst v1;
	v1 =	vadd.f32 v10, v6  }
0x236: {  	[tilespmem:s19+$0x0] =	vst v0;
	v0 =	vadd.f32 v12, v3  }
0x237: {  	[tilespmem:s15+$0x0] =	vst v1;
	v1 =	vadd.f32 v9, v5  }
0x238: {  	[tilespmem:s7+$0x0] =	vst v0;
	v0 =	vadd.f32 v7, v4  }
0x239: {  	[tilespmem:s17+$0x0] =	vst v1;
	v1 =	vadd.f32 v8, v2  }
0x23a: {  	[tilespmem:s8+$0x0] =	vst v0  }
0x23b: {  	[tilespmem:s18+$0x0] =	vst v1  }
0x23c: {  	s20 =	simm.s32 $0x400;
	s0 =	rddreg [dreg:$0xf]  }
0x23d: {  	s19 =	simm.s32 $0x100;
	s21 =	simm.s32 $0x8000;
	s0 =	sadd.s32 s23, s0  }
0x23e: {  	[hbm4b:s0+s19] =	stream.strided.scatter [tilespmem:s21], [sflag:$0xB], $0x800, s20, s19, $0x38;
	[tilespmem:$0x14000] =	vst v63  }
0x23f: {  	s24 =	simm.s32 $0x8800;
	s22 =	sadd.s32 $0x80000, s0  }
0x240: {  	[hbm4b:s22+s19] =	stream.strided.scatter [tilespmem:s24], [sflag:$0xB], $0x800, s20, s19, $0x38;
	[tilespmem:$0x14000] =	vst v63  }
0x241: {  	s26 =	simm.s32 $0x9000;
	s25 =	sadd.s32 $0x100000, s0  }
0x242: {  	[hbm4b:s25+s19] =	stream.strided.scatter [tilespmem:s26], [sflag:$0xB], $0x800, s20, s19, $0x38;
	[tilespmem:$0x14000] =	vst v63  }
0x243: {  	s4 =	simm.s32 $0x9800;
	s0 =	sadd.s32 $0x180000, s0  }
0x244: {  	[hbm4b:s0+s19] =	stream.strided.scatter [tilespmem:s4], [sflag:$0xB], $0x800, s20, s19, $0x38;
	[tilespmem:$0x14000] =	vst v63  }
0x245: {  	s0 =	simm.s32 @!p0 $0x10  }
0x246: {  	_ =	swait.ge @!p0 [sflag:s0], $0x2000  }
0x247: {  	s5 =	sld [smem:$0x7FB]  }
0x248: {  	[sflag:s0] =	ssyncset.done @!p0 $0x0  }
0x249: {  	[sflag:s0] =	ssyncadd.s32 @!p0 $0xFFFFE000  }
0x24a: {  	s0 =	rddreg [dreg:$0x1];
	s6 =	sor.u32 $0x460, s5  }
0x24b: {  	s7 =	simm.s32 $0x3800;
	s8 =	rddreg [dreg:$0x0];
	s0 =	sadd.s32 s0, s6  }
0x24c: {  	[tilespmem:s7], [sflag:$0x8] =	stream.strided.gather [hbm4b:s0+s19], $0x800, s20, s19, $0x38;
	[tilespmem:$0x14000] =	vst v63  }
0x24d: {  	s9 =	simm.s32 $0x12000;
	s0 =	sadd.s32 s8, s6  }
0x24e: {  	[tilespmem:s9], [sflag:$0x8] =	stream.strided.gather [hbm4b:s0+s19], $0x800, s20, s19, $0x38;
	[tilespmem:$0x14000] =	vst v63  }
0x24f: {  	s11 =	simm.s32 $0x12800;
	s10 =	sadd.s32 $0x80000, s0  }
0x250: {  	[tilespmem:s11], [sflag:$0x8] =	stream.strided.gather [hbm4b:s10+s19], $0x800, s20, s19, $0x38;
	[tilespmem:$0x14000] =	vst v63  }
0x251: {  	s14 =	simm.s32 $0x13800;
	s13 =	simm.s32 $0x13000;
	s12 =	sadd.s32 $0x100000, s0  }
0x252: {  	[tilespmem:s13], [sflag:$0x8] =	stream.strided.gather [hbm4b:s12+s19], $0x800, s20, s19, $0x38;
	[tilespmem:$0x14000] =	vst v63  }
0x253: {  	s15 =	simm.s32 $0x4;
	[smem:$0x7F6] =	sst s6;
	s0 =	sadd.s32 $0x180000, s0  }
0x254: {  	[tilespmem:s14], [sflag:$0x8] =	stream.strided.gather [hbm4b:s0+s19], $0x800, s20, s19, $0x38;
	[tilespmem:$0x14000] =	vst v63  }
0x255: {  	_ =	swait.ge [sflag:s15], $0x800  }
0x256: {  	[sflag:s15] =	ssyncset.done $0x0  }
0x257: {  	s16 =	simm.s32 $0x0;
	s17 =	simm.s32 $0x0;
	[sflag:s15] =	ssyncadd.s32 $0xFFFFF800  }
0x258: {  	s11 =	sand.u32 $0x60, s17;
	s19 =	sand.u32 $0x700, s16;
	_ =	swait.ge [sflag:s15], $0x2000  }
0x259: {  	s10 =	sor.u32 $0x10, s11;
	s0 =	sor.u32 $0x1800, s19;
	[sflag:s15] =	ssyncset.done $0x0  }
0x25a: {  	s18 =	sor.u32 $0xA000, s19;
	s20 =	sor.u32 s10, s0;
	[sflag:s15] =	ssyncadd.s32 $0xFFFFE000  }
0x25b: {  	s21 =	sor.u32 s10, s18;
	v0 =	vld [tilespmem:s20+$0x0]  }
0x25c: {  	v1 =	vld [tilespmem:s21+$0x0];
	_ =	sdelay $0x4  }
0x25d: {  	v1 =	vadd.f32 v1, v0  }
0x25e: {  	s22 =	sor.u32 $0xA800, s19  }
0x25f: {  	s25 =	sor.u32 s10, s22;
	[tilespmem:s21+$0x0] =	vst v1  }
0x260: {  	v1 =	vld [tilespmem:s25+$0x0];
	_ =	sdelay $0x2  }
0x261: {  	s0 =	sor.u32 s11, s0  }
0x262: {  	s1 =	sor.u32 s11, s18;
	v3 =	vld [tilespmem:s0+$0x0]  }
0x263: {  	s7 =	simm.s32 $0x40;
	s8 =	simm.s32 $0x20;
	v2 =	vld [tilespmem:s1+$0x0];
	v1 =	vadd.f32 v1, v0  }
0x264: {  	s24 =	sand.u32 $0x60, s8;
	s29 =	sand.u32 $0x700, s7;
	s26 =	sor.u32 $0xB000, s19  }
0x265: {  	s4 =	sor.u32 $0x1800, s29;
	s31 =	sor.u32 $0x10, s24;
	s9 =	sor.u32 s10, s26;
	[tilespmem:s25+$0x0] =	vst v1  }
0x266: {  	s12 =	sor.u32 $0xA000, s29;
	s13 =	sor.u32 s31, s4;
	v1 =	vld [tilespmem:s9+$0x0]  }
0x267: {  	s14 =	sor.u32 s31, s12;
	v4 =	vld [tilespmem:s13+$0x0]  }
0x268: {  	v5 =	vld [tilespmem:s14+$0x0];
	v2 =	vadd.f32 v2, v3;
	_ =	sdelay $0x1  }
0x269: {  	s3 =	sor.u32 s11, s22;
	[tilespmem:s1+$0x0] =	vst v2  }
0x26a: {  	v2 =	vld [tilespmem:s3+$0x0];
	v1 =	vadd.f32 v1, v0  }
0x26b: {  	s15 =	sor.u32 $0xB800, s19  }
0x26c: {  	s16 =	sor.u32 s10, s15;
	v5 =	vadd.f32 v5, v4;
	[tilespmem:s9+$0x0] =	vst v1  }
0x26d: {  	s17 =	sor.u32 $0xA800, s29;
	v1 =	vld [tilespmem:s16+$0x0]  }
0x26e: {  	s18 =	sor.u32 s31, s17;
	[tilespmem:s14+$0x0] =	vst v5  }
0x26f: {  	s4 =	sor.u32 s24, s4;
	v5 =	vld [tilespmem:s18+$0x0];
	v2 =	vadd.f32 v2, v3  }
0x270: {  	s5 =	sor.u32 s24, s12;
	v7 =	vld [tilespmem:s4+$0x0]  }
0x271: {  	s0 =	sor.u32 s11, s26;
	[tilespmem:s3+$0x0] =	vst v2;
	v2 =	vld [tilespmem:s5+$0x0]  }
0x272: {  	s8 =	sor.u32 $0xB000, s29;
	v8 =	vld [tilespmem:s0+$0x0];
	v0 =	vadd.f32 v1, v0  }
0x273: {  	s12 =	simm.s32 $0x40;
	s6 =	sor.u32 $0xA080, s19;
	s3 =	sor.u32 $0x1880, s19  }
0x274: {  	s22 =	sor.u32 s31, s8;
	s20 =	sor.u32 s10, s3;
	s9 =	simm.s32 $0x80;
	[tilespmem:s16+$0x0] =	vst v0;
	v0 =	vadd.f32 v5, v4  }
0x275: {  	s21 =	sor.u32 s10, s6;
	s25 =	sand.u32 $0x60, s12;
	s30 =	sand.u32 $0x700, s9;
	v6 =	vld [tilespmem:s20+$0x0]  }
0x276: {  	s1 =	sor.u32 s11, s15;
	s26 =	sor.u32 $0x10, s25;
	s15 =	sor.u32 $0xA000, s30;
	v1 =	vadd.f32 v2, v7;
	v2 =	vld [tilespmem:s21+$0x0];
	[tilespmem:s18+$0x0] =	vst v0  }
0x277: {  	s7 =	sor.u32 s24, s17;
	s17 =	sor.u32 s26, s15;
	v5 =	vadd.f32 v8, v3;
	v0 =	vld [tilespmem:s22+$0x0]  }
0x278: {  	v9 =	vld [tilespmem:s17+$0x0];
	[tilespmem:s5+$0x0] =	vst v1  }
0x279: {  	s14 =	sor.u32 $0x1800, s30;
	v1 =	vld [tilespmem:s7+$0x0];
	[tilespmem:s0+$0x0] =	vst v5  }
0x27a: {  	s16 =	sor.u32 s26, s14;
	v5 =	vld [tilespmem:s1+$0x0]  }
0x27b: {  	v8 =	vld [tilespmem:s16+$0x0];
	v2 =	vadd.f32 v2, v6  }
0x27c: {  	s12 =	sor.u32 $0xA880, s19;
	s0 =	sor.u32 s25, s14;
	v0 =	vadd.f32 v0, v4  }
0x27d: {  	s13 =	sor.u32 $0xB800, s29;
	s18 =	sor.u32 s10, s12;
	[tilespmem:s21+$0x0] =	vst v2;
	v2 =	vld [tilespmem:s0+$0x0]  }
0x27e: {  	s20 =	sor.u32 s31, s13;
	v1 =	vadd.f32 v1, v7;
	v10 =	vld [tilespmem:s18+$0x0];
	[tilespmem:s22+$0x0] =	vst v0  }
0x27f: {  	s21 =	sor.u32 s25, s15;
	v0 =	vadd.f32 v5, v3;
	v3 =	vld [tilespmem:s20+$0x0]  }
0x280: {  	[tilespmem:s7+$0x0] =	vst v1;
	v1 =	vld [tilespmem:s21+$0x0];
	s22 =	sor.u32 s24, s8;
	v5 =	vadd.f32 v9, v8  }
0x281: {  	s3 =	sor.u32 s11, s3;
	s8 =	sor.u32 $0xA800, s30;
	v9 =	vld [tilespmem:s22+$0x0];
	[tilespmem:s1+$0x0] =	vst v0  }
0x282: {  	s15 =	sor.u32 s26, s8;
	[tilespmem:s17+$0x0] =	vst v5;
	v0 =	vld [tilespmem:s3+$0x0]  }
0x283: {  	s17 =	sor.u32 s11, s6;
	v5 =	vadd.f32 v10, v6;
	v10 =	vld [tilespmem:s15+$0x0]  }
0x284: {  	s1 =	sor.u32 $0xB080, s19;
	v11 =	vld [tilespmem:s17+$0x0];
	v3 =	vadd.f32 v3, v4  }
0x285: {  	s9 =	sor.u32 $0x1880, s29;
	s2 =	sor.u32 s10, s1;
	[tilespmem:s18+$0x0] =	vst v5  }
0x286: {  	s14 =	sor.u32 $0xA080, s29;
	v4 =	vadd.f32 v1, v2;
	s18 =	sor.u32 s31, s9;
	v5 =	vld [tilespmem:s2+$0x0];
	[tilespmem:s20+$0x0] =	vst v3  }
0x287: {  	s16 =	sor.u32 s31, s14;
	v3 =	vadd.f32 v9, v7;
	v1 =	vld [tilespmem:s18+$0x0]  }
0x288: {  	s4 =	simm.s32 $0x60;
	s7 =	sor.u32 s25, s8;
	[tilespmem:s21+$0x0] =	vst v4;
	s20 =	simm.s32 $0xC0;
	v4 =	vadd.f32 v10, v8;
	v9 =	vld [tilespmem:s16+$0x0]  }
0x289: {  	s5 =	sor.u32 $0xB000, s30;
	s13 =	sor.u32 s24, s13;
	v10 =	vld [tilespmem:s7+$0x0];
	s6 =	sand.u32 $0x700, s20;
	[tilespmem:s22+$0x0] =	vst v3;
	v3 =	vadd.f32 v11, v0  }
0x28a: {  	s0 =	sand.u32 $0x60, s4;
	s3 =	sor.u32 s26, s5;
	s21 =	sor.u32 $0x1800, s6;
	v11 =	vld [tilespmem:s13+$0x0];
	[tilespmem:s15+$0x0] =	vst v4  }
0x28b: {  	s8 =	sor.u32 s0, s21;
	[tilespmem:s17+$0x0] =	vst v3;
	v3 =	vld [tilespmem:s3+$0x0]  }
0x28c: {  	s12 =	sor.u32 s11, s12;
	s17 =	sor.u32 $0x10, s0;
	v13 =	vadd.f32 v5, v6;
	v5 =	vld [tilespmem:s8+$0x0]  }
0x28d: {  	s15 =	sor.u32 $0xA000, s6;
	v12 =	vld [tilespmem:s12+$0x0];
	s22 =	sor.u32 s17, s21;
	v9 =	vadd.f32 v9, v1  }
0x28e: {  	s20 =	sor.u32 $0xA880, s29;
	s8 =	sor.u32 s17, s15;
	v4 =	vld [tilespmem:s22+$0x0]  }
0x28f: {  	[tilespmem:s16+$0x0] =	vst v9;
	s16 =	sor.u32 $0xB880, s19;
	v9 =	vld [tilespmem:s8+$0x0];
	s19 =	sor.u32 s31, s20  }
0x290: {  	[tilespmem:s2+$0x0] =	vst v13;
	s10 =	sor.u32 s10, s16;
	v3 =	vadd.f32 v3, v8;
	v13 =	vld [tilespmem:s19+$0x0]  }
0x291: {  	s18 =	sor.u32 s0, s15;
	s15 =	sor.u32 $0xB800, s30;
	v10 =	vadd.f32 v10, v2;
	v14 =	vld [tilespmem:s10+$0x0]  }
0x292: {  	[tilespmem:s3+$0x0] =	vst v3;
	v3 =	vadd.f32 v11, v7;
	v7 =	vld [tilespmem:s18+$0x0];
	s3 =	sor.u32 s26, s15  }
0x293: {  	s5 =	sor.u32 s25, s5;
	[tilespmem:s7+$0x0] =	vst v10;
	v10 =	vld [tilespmem:s3+$0x0]  }
0x294: {  	s21 =	sor.u32 s24, s9;
	v11 =	vld [tilespmem:s5+$0x0];
	[tilespmem:s13+$0x0] =	vst v3;
	v9 =	vadd.f32 v9, v4  }
0x295: {  	s22 =	sor.u32 $0xA800, s6;
	s7 =	sor.u32 s24, s14;
	v3 =	vld [tilespmem:s21+$0x0];
	v13 =	vadd.f32 v13, v1  }
0x296: {  	v12 =	vadd.f32 v12, v0;
	s21 =	sor.u32 s17, s22;
	[tilespmem:s8+$0x0] =	vst v9;
	v9 =	vld [tilespmem:s7+$0x0];
	s8 =	sor.u32 $0xB080, s29  }
0x297: {  	v7 =	vadd.f32 v7, v5;
	[tilespmem:s19+$0x0] =	vst v13;
	v13 =	vld [tilespmem:s21+$0x0];
	s2 =	sor.u32 s31, s8  }
0x298: {  	s28 =	sor.u32 s11, s1;
	[tilespmem:s12+$0x0] =	vst v12;
	v8 =	vadd.f32 v10, v8;
	v15 =	vld [tilespmem:s2+$0x0]  }
0x299: {  	s1 =	sor.u32 s0, s22;
	s12 =	sor.u32 $0x1880, s30;
	v6 =	vadd.f32 v14, v6;
	[tilespmem:s18+$0x0] =	vst v7;
	v7 =	vld [tilespmem:s28+$0x0]  }
0x29a: {  	s14 =	sor.u32 $0xA080, s30;
	v11 =	vadd.f32 v11, v2;
	s18 =	sor.u32 s26, s12;
	v10 =	vld [tilespmem:s1+$0x0];
	[tilespmem:s3+$0x0] =	vst v8  }
0x29b: {  	s13 =	sor.u32 s26, s14;
	s22 =	sor.u32 s24, s20;
	s19 =	sor.u32 s11, s16;
	[tilespmem:s10+$0x0] =	vst v6;
	v6 =	vld [tilespmem:s18+$0x0];
	v8 =	vadd.f32 v9, v3  }
0x29c: {  	s16 =	sor.u32 s25, s15;
	s11 =	sor.u32 s24, s8;
	s10 =	sor.u32 s25, s14;
	[tilespmem:s5+$0x0] =	vst v11;
	v9 =	vld [tilespmem:s13+$0x0];
	v12 =	vadd.f32 v13, v4  }
0x29d: {  	s3 =	sor.u32 $0xB000, s6;
	v11 =	vld [tilespmem:s16+$0x0];
	s18 =	sor.u32 s25, s12;
	[tilespmem:s7+$0x0] =	vst v8;
	s7 =	simm.s32 $0x100;
	v8 =	vadd.f32 v15, v1  }
.LBB2_9:
0x29e: {  	s4 =	sadd.s32 $0x20, s4;
	[tilespmem:s21+$0x0] =	vst v12;
	s5 =	sor.u32 s17, s3;
	v12 =	vld [tilespmem:s22+$0x0];
	s8 =	sor.u32 $0xB880, s29;
	v7 =	vadd.f32 v7, v0  }
0x29f: {  	s14 =	sand.u32 $0x700, s7;
	s12 =	sand.u32 $0x60, s4;
	v10 =	vadd.f32 v10, v5;
	v13 =	vld [tilespmem:s5+$0x0];
	[tilespmem:s2+$0x0] =	vst v8;
	s2 =	sor.u32 s31, s8  }
0x2a0: {  	s3 =	sor.u32 s0, s3;
	s9 =	sor.u32 $0x1800, s14;
	s15 =	sor.u32 $0x10, s12;
	v8 =	vld [tilespmem:s2+$0x0];
	[tilespmem:s28+$0x0] =	vst v7  }
0x2a1: {  	s21 =	sor.u32 $0xA000, s14;
	s20 =	sor.u32 s12, s9;
	s28 =	sor.u32 s15, s9;
	[tilespmem:s1+$0x0] =	vst v10;
	v7 =	vadd.f32 v9, v6;
	v9 =	vld [tilespmem:s19+$0x0]  }
0x2a2: {  	s9 =	sor.u32 s12, s21;
	s21 =	sor.u32 s15, s21;
	s1 =	sor.u32 $0xA880, s30;
	v10 =	vld [tilespmem:s28+$0x0];
	v11 =	vadd.f32 v11, v2;
	v2 =	vmov v5  }
0x2a3: {  	s28 =	sor.u32 s25, s1;
	v14 =	vld [tilespmem:s21+$0x0];
	[tilespmem:s13+$0x0] =	vst v7;
	s13 =	sor.u32 s26, s1;
	v7 =	vadd.f32 v12, v3;
	s1 =	sor.u32 s24, s8  }
0x2a4: {  	p0 =	slt.u32 s4, $0x3E0;
	s24 =	smov.u32 s25;
	s25 =	smov.u32 s0;
	v12 =	vadd.f32 v13, v4;
	[tilespmem:s16+$0x0] =	vst v11;
	v11 =	vld [tilespmem:s13+$0x0]  }
0x2a5: {  	s29 =	smov.u32 s30;
	s8 =	sor.u32 $0xB800, s6;
	s0 =	smov.u32 s12;
	v5 =	vld [tilespmem:s20+$0x0];
	[tilespmem:s22+$0x0] =	vst v7;
	v7 =	vadd.f32 v8, v1;
	v1 =	vmov v6  }
0x2a6: {  	s30 =	smov.u32 s6;
	s16 =	sor.u32 s25, s8;
	v6 =	vld [tilespmem:s9+$0x0];
	[tilespmem:s5+$0x0] =	vst v12;
	s5 =	sor.u32 s17, s8;
	v8 =	vadd.f32 v9, v0;
	v0 =	vmov v3  }
0x2a7: {  	s31 =	smov.u32 s26;
	s6 =	smov.u32 s14;
	s26 =	smov.u32 s17;
	v9 =	vld [tilespmem:s5+$0x0];
	[tilespmem:s2+$0x0] =	vst v7  }
0x2a8: {  	s22 =	smov.u32 s28;
	s17 =	smov.u32 s15;
	v7 =	vadd.f32 v14, v10;
	v12 =	vld [tilespmem:s3+$0x0];
	[tilespmem:s19+$0x0] =	vst v8;
	s19 =	smov.u32 s1  }
0x2a9: {  	s28 =	smov.u32 s11;
	s2 =	sor.u32 $0xA800, s6;
	v3 =	vld [tilespmem:s18+$0x0];
	v8 =	vadd.f32 v11, v1  }
0x2aa: {  	s1 =	sor.u32 s0, s2;
	[tilespmem:s21+$0x0] =	vst v7;
	s21 =	sor.u32 s17, s2;
	v11 =	vld [tilespmem:s10+$0x0];
	s2 =	sor.u32 $0xB080, s29  }
0x2ab: {  	v6 =	vadd.f32 v6, v5;
	v13 =	vld [tilespmem:s21+$0x0];
	s11 =	sor.u32 s24, s2;
	[tilespmem:s13+$0x0] =	vst v8;
	s2 =	sor.u32 s31, s2  }
0x2ac: {  	v8 =	vadd.f32 v9, v4;
	v14 =	vld [tilespmem:s2+$0x0];
	v4 =	vmov v10  }
.Ltmp3:
0x2ad: {  	s8 =	sor.u32 $0x1880, s30;
	[tilespmem:s9+$0x0] =	vst v6;
	v6 =	vadd.f32 v12, v2;
	v7 =	vld [tilespmem:s28+$0x0];
	(pc) =	sbr.rel @p0 .LBB2_9-.Ltmp3, $4  }
0x2ae: {  	s18 =	sor.u32 s25, s8;
	s9 =	sor.u32 $0xA080, s30;
	v10 =	vld [tilespmem:s1+$0x0];
	[tilespmem:s5+$0x0] =	vst v8;
	s5 =	sor.u32 s26, s8  }
0x2af: {  	s8 =	sor.u32 s25, s9;
	s13 =	sor.u32 s26, s9;
	[tilespmem:s3+$0x0] =	vst v6;
	v6 =	vld [tilespmem:s5+$0x0];
	v8 =	vadd.f32 v11, v3  }
0x2b0: {  	v12 =	vadd.f32 v13, v4;
	v9 =	vld [tilespmem:s13+$0x0]  }
0x2b1: {  	s7 =	sadd.s32 $0x40, s7;
	s3 =	sor.u32 $0xB000, s6;
	v11 =	vld [tilespmem:s16+$0x0];
	[tilespmem:s10+$0x0] =	vst v8;
	v8 =	vadd.f32 v14, v1;
	s10 =	smov.u32 s8  }
0x2b2: {  	_ = 	snop  }
0x2b3: {  	[tilespmem:s21+$0x0] =	vst v12;
	s4 =	sor.u32 s17, s3;
	v10 =	vadd.f32 v10, v5  }
0x2b4: {  	v12 =	vld [tilespmem:s4+$0x0]  }
0x2b5: {  	s12 =	sor.u32 s0, s3;
	[tilespmem:s1+$0x0] =	vst v10  }
0x2b6: {  	v10 =	vld [tilespmem:s12+$0x0];
	_ =	sdelay $0x2  }
0x2b7: {  	v12 =	vadd.f32 v12, v4  }
0x2b8: {  	s14 =	sor.u32 $0xB800, s6  }
0x2b9: {  	s15 =	sor.u32 s17, s14;
	[tilespmem:s4+$0x0] =	vst v12;
	v10 =	vadd.f32 v10, v5  }
0x2ba: {  	v12 =	vld [tilespmem:s15+$0x0]  }
0x2bb: {  	s1 =	sor.u32 s0, s14;
	[tilespmem:s12+$0x0] =	vst v10  }
0x2bc: {  	v10 =	vld [tilespmem:s1+$0x0]  }
0x2bd: {  	v2 =	vadd.f32 v11, v2;
	_ =	sdelay $0x1  }
0x2be: {  	[tilespmem:s16+$0x0] =	vst v2;
	v2 =	vadd.f32 v12, v4  }
0x2bf: {  	v4 =	vld [tilespmem:s18+$0x0];
	s18 =	sor.u32 $0x1880, s6  }
0x2c0: {  	s5 =	sor.u32 $0xA080, s6;
	v11 =	vld [tilespmem:s10+$0x0];
	s20 =	sor.u32 s17, s18;
	[tilespmem:s15+$0x0] =	vst v2;
	v2 =	vadd.f32 v10, v5  }
0x2c1: {  	s21 =	sor.u32 s17, s5;
	v5 =	vld [tilespmem:s20+$0x0]  }
0x2c2: {  	s3 =	sor.u32 s0, s18;
	v10 =	vld [tilespmem:s21+$0x0];
	[tilespmem:s1+$0x0] =	vst v2  }
0x2c3: {  	s5 =	sor.u32 s0, s5;
	v2 =	vld [tilespmem:s3+$0x0]  }
0x2c4: {  	v12 =	vld [tilespmem:s5+$0x0]  }
0x2c5: {  	v9 =	vadd.f32 v9, v6  }
0x2c6: {  	s8 =	sor.u32 $0xA880, s30  }
0x2c7: {  	s9 =	sor.u32 s26, s8;
	[tilespmem:s13+$0x0] =	vst v9;
	v9 =	vadd.f32 v10, v5  }
0x2c8: {  	s7 =	sor.u32 $0xA880, s6;
	v11 =	vadd.f32 v11, v4;
	v10 =	vld [tilespmem:s9+$0x0]  }
0x2c9: {  	v13 =	vld [tilespmem:s22+$0x0];
	s12 =	sor.u32 s17, s7;
	[tilespmem:s21+$0x0] =	vst v9;
	v9 =	vadd.f32 v12, v2  }
0x2ca: {  	s3 =	sor.u32 s25, s8;
	[tilespmem:s10+$0x0] =	vst v11;
	v11 =	vld [tilespmem:s12+$0x0]  }
0x2cb: {  	s7 =	sor.u32 s0, s7;
	v12 =	vld [tilespmem:s3+$0x0];
	[tilespmem:s5+$0x0] =	vst v9  }
0x2cc: {  	v9 =	vld [tilespmem:s7+$0x0]  }
0x2cd: {  	v10 =	vadd.f32 v10, v6  }
0x2ce: {  	v13 =	vadd.f32 v13, v3;
	s13 =	sor.u32 $0xB080, s30  }
0x2cf: {  	s14 =	sor.u32 s26, s13;
	[tilespmem:s9+$0x0] =	vst v10;
	v10 =	vadd.f32 v11, v5  }
0x2d0: {  	[tilespmem:s22+$0x0] =	vst v13;
	s8 =	sor.u32 $0xB080, s6;
	v11 =	vld [tilespmem:s14+$0x0];
	v12 =	vadd.f32 v12, v4  }
0x2d1: {  	v13 =	vld [tilespmem:s11+$0x0];
	s15 =	sor.u32 s17, s8;
	[tilespmem:s12+$0x0] =	vst v10;
	v9 =	vadd.f32 v9, v2  }
0x2d2: {  	s1 =	sor.u32 s25, s13;
	[tilespmem:s3+$0x0] =	vst v12;
	v10 =	vld [tilespmem:s15+$0x0]  }
0x2d3: {  	s16 =	sor.u32 s0, s8;
	v12 =	vld [tilespmem:s1+$0x0];
	[tilespmem:s7+$0x0] =	vst v9  }
0x2d4: {  	v7 =	vadd.f32 v7, v0;
	s18 =	sor.u32 $0xB880, s29;
	v9 =	vld [tilespmem:s16+$0x0]  }
0x2d5: {  	[tilespmem:s2+$0x0] =	vst v8;
	s20 =	sor.u32 s31, s18;
	v8 =	vadd.f32 v11, v6  }
0x2d6: {  	[tilespmem:s28+$0x0] =	vst v7;
	v7 =	vadd.f32 v13, v3;
	s21 =	sor.u32 $0xB880, s30;
	v11 =	vld [tilespmem:s20+$0x0]  }
0x2d7: {  	v13 =	vld [tilespmem:s19+$0x0];
	s22 =	sor.u32 s26, s21;
	[tilespmem:s14+$0x0] =	vst v8;
	v8 =	vadd.f32 v10, v5  }
0x2d8: {  	[tilespmem:s11+$0x0] =	vst v7;
	s7 =	sor.u32 s24, s18;
	s24 =	sor.u32 $0xB880, s6;
	v10 =	vld [tilespmem:s22+$0x0];
	v7 =	vadd.f32 v12, v4  }
0x2d9: {  	s26 =	sor.u32 s17, s24;
	v12 =	vld [tilespmem:s7+$0x0];
	[tilespmem:s15+$0x0] =	vst v8;
	v8 =	vadd.f32 v9, v2  }
0x2da: {  	s8 =	sor.u32 s25, s21;
	[tilespmem:s1+$0x0] =	vst v7;
	v9 =	vld [tilespmem:s26+$0x0]  }
0x2db: {  	s6 =	sor.u32 s0, s24;
	v1 =	vadd.f32 v11, v1;
	v7 =	vld [tilespmem:s8+$0x0];
	[tilespmem:s16+$0x0] =	vst v8  }
0x2dc: {  	v0 =	vadd.f32 v13, v0;
	v8 =	vld [tilespmem:s6+$0x0]  }
0x2dd: {  	[tilespmem:s20+$0x0] =	vst v1;
	v1 =	vadd.f32 v10, v6  }
0x2de: {  	[tilespmem:s19+$0x0] =	vst v0;
	v0 =	vadd.f32 v12, v3  }
0x2df: {  	[tilespmem:s22+$0x0] =	vst v1;
	v1 =	vadd.f32 v9, v5  }
0x2e0: {  	[tilespmem:s7+$0x0] =	vst v0;
	v0 =	vadd.f32 v7, v4  }
0x2e1: {  	[tilespmem:s26+$0x0] =	vst v1;
	v1 =	vadd.f32 v8, v2  }
0x2e2: {  	[tilespmem:s8+$0x0] =	vst v0  }
0x2e3: {  	[tilespmem:s6+$0x0] =	vst v1  }
0x2e4: {  	s9 =	simm.s32 $0xA000;
	s0 =	rddreg [dreg:$0x10]  }
0x2e5: {  	s7 =	simm.s32 $0x100;
	s8 =	simm.s32 $0x400;
	s0 =	sadd.s32 s23, s0  }
0x2e6: {  	[hbm4b:s0+s7] =	stream.strided.scatter [tilespmem:s9], [sflag:$0xC], $0x800, s8, s7, $0x38;
	[tilespmem:$0x14000] =	vst v63  }
0x2e7: {  	s11 =	simm.s32 $0xA800;
	s10 =	sadd.s32 $0x80000, s0  }
0x2e8: {  	[hbm4b:s10+s7] =	stream.strided.scatter [tilespmem:s11], [sflag:$0xC], $0x800, s8, s7, $0x38;
	[tilespmem:$0x14000] =	vst v63  }
0x2e9: {  	s13 =	simm.s32 $0xB000;
	s12 =	sadd.s32 $0x100000, s0  }
0x2ea: {  	[hbm4b:s12+s7] =	stream.strided.scatter [tilespmem:s13], [sflag:$0xC], $0x800, s8, s7, $0x38;
	[tilespmem:$0x14000] =	vst v63  }
0x2eb: {  	s14 =	simm.s32 $0xB800;
	s15 =	simm.s32 $0x9;
	s0 =	sadd.s32 $0x180000, s0  }
0x2ec: {  	[hbm4b:s0+s7] =	stream.strided.scatter [tilespmem:s14], [sflag:$0xC], $0x800, s8, s7, $0x38;
	[tilespmem:$0x14000] =	vst v63  }
0x2ed: {  	s18 =	sld [smem:$0x7F9];
	_ =	swait.ge [sflag:s15], $0x2000  }
0x2ee: {  	s2 =	sld [smem:$0x7FA];
	_ =	sdelay $0x1  }
0x2ef: {  	p0 =	seq.s32 s18, $0x7;
	s0 =	rddreg [dreg:$0x11];
	[sflag:s15] =	ssyncset.done $0x0  }
0x2f0: {  	[sflag:s15] =	ssyncadd.s32 $0xFFFFE000;
	s0 =	sadd.s32 @!p0 s2, s0  }
0x2f1: {  	s1 =	simm.s32 @!p0 $0x100;
	s21 =	sshll.u32 @!p0 s0, $0x7;
	s0 =	rddreg [dreg:$0x1]  }
0x2f2: {  	s3 =	simm.s32 @!p0 $0x0;
	s2 =	simm.s32 @!p0 $0x400;
	s0 =	sadd.s32 @!p0 s0, s21  }
0x2f3: {  	[tilespmem:s3], [sflag:$0x1] =	stream.strided.gather @!p0 [hbm4b:s0+s1], $0x800, s2, s1, $0x38;
	[tilespmem:$0x14000] =	vst v63  }
0x2f4: {  	s0 =	rddreg [dreg:$0x0]  }
0x2f5: {  	s3 =	simm.s32 @!p0 $0x4000;
	s0 =	sadd.s32 @!p0 s0, s21  }
0x2f6: {  	[tilespmem:s3], [sflag:$0x1] =	stream.strided.gather @!p0 [hbm4b:s0+s1], $0x800, s2, s1, $0x38;
	[tilespmem:$0x14000] =	vst v63  }
0x2f7: {  	s4 =	simm.s32 @!p0 $0x4800;
	s3 =	sadd.s32 @!p0 $0x80000, s0  }
0x2f8: {  	[tilespmem:s4], [sflag:$0x1] =	stream.strided.gather @!p0 [hbm4b:s3+s1], $0x800, s2, s1, $0x38;
	[tilespmem:$0x14000] =	vst v63  }
0x2f9: {  	s3 =	sadd.s32 @!p0 $0x100000, s0;
	s4 =	simm.s32 @!p0 $0x5000  }
0x2fa: {  	[tilespmem:s4], [sflag:$0x1] =	stream.strided.gather @!p0 [hbm4b:s3+s1], $0x800, s2, s1, $0x38;
	[tilespmem:$0x14000] =	vst v63  }
0x2fb: {  	s16 =	simm.s32 $0x5;
	s0 =	sadd.s32 @!p0 $0x180000, s0;
	s3 =	simm.s32 @!p0 $0x5800  }
0x2fc: {  	[tilespmem:s3], [sflag:$0x1] =	stream.strided.gather @!p0 [hbm4b:s0+s1], $0x800, s2, s1, $0x38;
	[tilespmem:$0x14000] =	vst v63  }
0x2fd: {  	_ =	swait.ge [sflag:s16], $0x800  }
0x2fe: {  	[sflag:s16] =	ssyncset.done $0x0  }
0x2ff: {  	s19 =	simm.s32 $0x0;
	s17 =	simm.s32 $0x0;
	[sflag:s16] =	ssyncadd.s32 $0xFFFFF800  }
0x300: {  	s11 =	sand.u32 $0x700, s17;
	s4 =	sand.u32 $0x60, s19;
	_ =	swait.ge [sflag:s16], $0x2000  }
0x301: {  	s10 =	sor.u32 $0x10, s4;
	s0 =	sor.u32 $0x2000, s11;
	[sflag:s16] =	ssyncset.done $0x0  }
0x302: {  	s20 =	sor.u32 $0xC000, s11;
	s22 =	sor.u32 s10, s0;
	[sflag:s16] =	ssyncadd.s32 $0xFFFFE000  }
0x303: {  	s23 =	sor.u32 s10, s20;
	v0 =	vld [tilespmem:s22+$0x0]  }
0x304: {  	v1 =	vld [tilespmem:s23+$0x0];
	_ =	sdelay $0x4  }
0x305: {  	v1 =	vadd.f32 v1, v0  }
0x306: {  	s24 =	sor.u32 $0xC800, s11  }
0x307: {  	s25 =	sor.u32 s10, s24;
	[tilespmem:s23+$0x0] =	vst v1  }
0x308: {  	v1 =	vld [tilespmem:s25+$0x0];
	_ =	sdelay $0x2  }
0x309: {  	s7 =	simm.s32 $0x40;
	s8 =	simm.s32 $0x20  }
0x30a: {  	s26 =	sand.u32 $0x700, s7;
	s0 =	sor.u32 s4, s0;
	s23 =	sand.u32 $0x60, s8  }
0x30b: {  	s5 =	sor.u32 $0x2000, s26;
	s1 =	sor.u32 s4, s20;
	v3 =	vld [tilespmem:s0+$0x0];
	s30 =	sor.u32 $0x10, s23;
	v1 =	vadd.f32 v1, v0  }
0x30c: {  	s9 =	sor.u32 $0xD000, s11;
	v2 =	vld [tilespmem:s1+$0x0];
	s14 =	sor.u32 s30, s5  }
0x30d: {  	s13 =	sor.u32 $0xC000, s26;
	s12 =	sor.u32 s10, s9;
	v4 =	vld [tilespmem:s14+$0x0];
	[tilespmem:s25+$0x0] =	vst v1  }
0x30e: {  	s15 =	sor.u32 s30, s13;
	v1 =	vld [tilespmem:s12+$0x0]  }
0x30f: {  	v5 =	vld [tilespmem:s15+$0x0];
	_ =	sdelay $0x2  }
0x310: {  	v2 =	vadd.f32 v2, v3  }
0x311: {  	v1 =	vadd.f32 v1, v0  }
0x312: {  	s3 =	sor.u32 s4, s24;
	[tilespmem:s1+$0x0] =	vst v2;
	s1 =	sor.u32 $0xD800, s11;
	v2 =	vadd.f32 v5, v4  }
0x313: {  	s17 =	sor.u32 $0xC800, s26;
	s16 =	sor.u32 s10, s1;
	v5 =	vld [tilespmem:s3+$0x0];
	[tilespmem:s12+$0x0] =	vst v1  }
0x314: {  	s19 =	sor.u32 s30, s17;
	[tilespmem:s15+$0x0] =	vst v2;
	v1 =	vld [tilespmem:s16+$0x0]  }
0x315: {  	v2 =	vld [tilespmem:s19+$0x0];
	_ =	sdelay $0x1  }
0x316: {  	s6 =	sor.u32 s23, s13  }
0x317: {  	s5 =	sor.u32 s23, s5;
	v8 =	vld [tilespmem:s6+$0x0];
	v5 =	vadd.f32 v5, v3  }
0x318: {  	v7 =	vld [tilespmem:s5+$0x0];
	v0 =	vadd.f32 v1, v0  }
0x319: {  	s0 =	sor.u32 s4, s9;
	[tilespmem:s3+$0x0] =	vst v5;
	s3 =	sor.u32 $0x2080, s11;
	v1 =	vadd.f32 v2, v4  }
0x31a: {  	s9 =	sor.u32 $0xC080, s11;
	s5 =	sor.u32 $0xD000, s26;
	s20 =	sor.u32 s10, s3;
	v2 =	vld [tilespmem:s0+$0x0];
	[tilespmem:s16+$0x0] =	vst v0  }
0x31b: {  	s14 =	simm.s32 $0x80;
	s22 =	sor.u32 s30, s5;
	s15 =	simm.s32 $0x40;
	[tilespmem:s19+$0x0] =	vst v1;
	v6 =	vld [tilespmem:s20+$0x0]  }
0x31c: {  	s29 =	sand.u32 $0x700, s14;
	s24 =	sand.u32 $0x60, s15;
	s12 =	sor.u32 s10, s9;
	v1 =	vld [tilespmem:s22+$0x0]  }
0x31d: {  	s25 =	sor.u32 $0x10, s24;
	v0 =	vadd.f32 v8, v7;
	s16 =	sor.u32 $0x2000, s29;
	v5 =	vld [tilespmem:s12+$0x0]  }
0x31e: {  	s19 =	sor.u32 s25, s16  }
0x31f: {  	s8 =	sor.u32 s23, s17;
	s17 =	sor.u32 $0xC000, s29;
	[tilespmem:s6+$0x0] =	vst v0;
	v8 =	vld [tilespmem:s19+$0x0];
	v0 =	vadd.f32 v2, v3  }
0x320: {  	s14 =	sor.u32 s25, s17;
	v2 =	vld [tilespmem:s8+$0x0]  }
0x321: {  	s1 =	sor.u32 s4, s1;
	[tilespmem:s0+$0x0] =	vst v0;
	v0 =	vld [tilespmem:s14+$0x0];
	v1 =	vadd.f32 v1, v4  }
0x322: {  	s15 =	sor.u32 $0xD800, s26;
	v9 =	vld [tilespmem:s1+$0x0];
	v5 =	vadd.f32 v5, v6  }
0x323: {  	s2 =	sor.u32 $0xC880, s11;
	s20 =	sor.u32 s30, s15;
	[tilespmem:s22+$0x0] =	vst v1  }
0x324: {  	[tilespmem:s12+$0x0] =	vst v5;
	s12 =	sor.u32 s10, s2;
	v1 =	vld [tilespmem:s20+$0x0]  }
0x325: {  	v5 =	vadd.f32 v2, v7;
	s22 =	sor.u32 s24, s16;
	v10 =	vld [tilespmem:s12+$0x0]  }
0x326: {  	s13 =	sor.u32 s24, s17;
	v2 =	vld [tilespmem:s22+$0x0];
	v0 =	vadd.f32 v0, v8  }
0x327: {  	s5 =	sor.u32 s23, s5;
	[tilespmem:s8+$0x0] =	vst v5;
	v5 =	vld [tilespmem:s13+$0x0];
	s8 =	sor.u32 $0xC800, s29;
	v3 =	vadd.f32 v9, v3  }
0x328: {  	v9 =	vld [tilespmem:s5+$0x0];
	[tilespmem:s14+$0x0] =	vst v0;
	s14 =	sor.u32 s25, s8  }
0x329: {  	s3 =	sor.u32 s4, s3;
	s9 =	sor.u32 s4, s9;
	s19 =	simm.s32 $0x60;
	[tilespmem:s1+$0x0] =	vst v3;
	v3 =	vld [tilespmem:s14+$0x0];
	v1 =	vadd.f32 v1, v4  }
0x32a: {  	s6 =	simm.s32 $0xC0;
	s31 =	sand.u32 $0x60, s19;
	v0 =	vld [tilespmem:s3+$0x0];
	s3 =	sor.u32 $0x2080, s26;
	v10 =	vadd.f32 v10, v6  }
0x32b: {  	s0 =	sand.u32 $0x700, s6;
	s1 =	sor.u32 $0xD080, s11;
	v11 =	vld [tilespmem:s9+$0x0];
	s16 =	sor.u32 s30, s3;
	[tilespmem:s20+$0x0] =	vst v1  }
0x32c: {  	s6 =	sor.u32 $0x10, s31;
	s17 =	sor.u32 $0x2000, s0;
	[tilespmem:s12+$0x0] =	vst v10;
	s12 =	sor.u32 s10, s1;
	v1 =	vld [tilespmem:s16+$0x0]  }
0x32d: {  	v5 =	vadd.f32 v5, v2;
	s20 =	sor.u32 s6, s17;
	s16 =	sor.u32 $0xC080, s26;
	v12 =	vld [tilespmem:s12+$0x0]  }
0x32e: {  	v4 =	vld [tilespmem:s20+$0x0];
	s22 =	sor.u32 s30, s16;
	v3 =	vadd.f32 v3, v8  }
0x32f: {  	s8 =	sor.u32 s24, s8;
	[tilespmem:s13+$0x0] =	vst v5;
	v5 =	vadd.f32 v9, v7;
	s13 =	sor.u32 $0xD000, s29;
	v10 =	vld [tilespmem:s22+$0x0]  }
0x330: {  	[tilespmem:s14+$0x0] =	vst v3;
	v3 =	vld [tilespmem:s8+$0x0];
	s14 =	sor.u32 s25, s13  }
0x331: {  	[tilespmem:s5+$0x0] =	vst v5;
	s5 =	sor.u32 s23, s15;
	v5 =	vadd.f32 v11, v0;
	v9 =	vld [tilespmem:s14+$0x0]  }
0x332: {  	s7 =	sor.u32 s31, s17;
	v11 =	vld [tilespmem:s5+$0x0];
	v12 =	vadd.f32 v12, v6  }
0x333: {  	s2 =	sor.u32 s4, s2;
	s11 =	sor.u32 $0xD880, s11;
	[tilespmem:s9+$0x0] =	vst v5;
	v5 =	vld [tilespmem:s7+$0x0]  }
0x334: {  	s10 =	sor.u32 s10, s11;
	s20 =	sor.u32 $0xC000, s0;
	v13 =	vld [tilespmem:s2+$0x0];
	v10 =	vadd.f32 v10, v1;
	[tilespmem:s12+$0x0] =	vst v12  }
0x335: {  	s15 =	sor.u32 $0xC880, s26;
	s9 =	sor.u32 s6, s20;
	v14 =	vld [tilespmem:s10+$0x0]  }
0x336: {  	[tilespmem:s22+$0x0] =	vst v10;
	v10 =	vld [tilespmem:s9+$0x0];
	s22 =	sor.u32 s30, s15;
	v9 =	vadd.f32 v9, v8  }
0x337: {  	s7 =	sor.u32 s31, s20;
	s12 =	sor.u32 $0xD800, s29;
	v3 =	vadd.f32 v3, v2;
	v12 =	vld [tilespmem:s22+$0x0]  }
0x338: {  	v7 =	vadd.f32 v11, v7;
	[tilespmem:s14+$0x0] =	vst v9;
	v9 =	vld [tilespmem:s7+$0x0];
	s14 =	sor.u32 s25, s12  }
0x339: {  	[tilespmem:s8+$0x0] =	vst v3;
	v13 =	vadd.f32 v13, v0;
	v11 =	vld [tilespmem:s14+$0x0]  }
0x33a: {  	s3 =	sor.u32 s23, s3;
	[tilespmem:s5+$0x0] =	vst v7;
	v6 =	vadd.f32 v14, v6  }
0x33b: {  	s8 =	sor.u32 s24, s13;
	v3 =	vld [tilespmem:s3+$0x0];
	[tilespmem:s2+$0x0] =	vst v13;
	v7 =	vadd.f32 v10, v4  }
0x33c: {  	s20 =	sor.u32 s23, s16;
	s16 =	sor.u32 $0xC800, s0;
	v10 =	vld [tilespmem:s8+$0x0];
	v12 =	vadd.f32 v12, v1;
	[tilespmem:s10+$0x0] =	vst v6  }
0x33d: {  	s3 =	sor.u32 s6, s16;
	v15 =	vld [tilespmem:s20+$0x0];
	[tilespmem:s9+$0x0] =	vst v7;
	s9 =	sor.u32 $0xD080, s26;
	v7 =	vadd.f32 v9, v5  }
0x33e: {  	[tilespmem:s22+$0x0] =	vst v12;
	v12 =	vld [tilespmem:s3+$0x0];
	s28 =	sor.u32 s30, s9;
	v8 =	vadd.f32 v11, v8  }
0x33f: {  	s22 =	sor.u32 s4, s1;
	v13 =	vld [tilespmem:s28+$0x0];
	[tilespmem:s7+$0x0] =	vst v7  }
0x340: {  	s18 =	sadd.s32 $0x1, s18;
	s13 =	sor.u32 s31, s16;
	s1 =	sor.u32 $0x2080, s29;
	v7 =	vld [tilespmem:s22+$0x0];
	[tilespmem:s14+$0x0] =	vst v8  }
0x341: {  	s7 =	sor.u32 $0xC080, s29;
	s16 =	sor.u32 s25, s1;
	v9 =	vadd.f32 v10, v2;
	v10 =	vld [tilespmem:s13+$0x0];
	[smem:$0x7F5] =	sst s18  }
0x342: {  	s17 =	sor.u32 s4, s11;
	s2 =	sor.u32 s24, s12;
	v8 =	vadd.f32 v15, v3;
	s18 =	sor.u32 s25, s7;
	v6 =	vld [tilespmem:s16+$0x0]  }
0x343: {  	s10 =	sor.u32 s23, s15;
	s11 =	sor.u32 s23, s9;
	s4 =	sor.u32 s24, s7;
	[tilespmem:s8+$0x0] =	vst v9;
	v9 =	vld [tilespmem:s18+$0x0];
	v12 =	vadd.f32 v12, v4  }
0x344: {  	s7 =	simm.s32 $0x100;
	s16 =	sor.u32 s24, s1;
	s1 =	sor.u32 $0xD000, s0;
	[tilespmem:s20+$0x0] =	vst v8;
	v11 =	vld [tilespmem:s2+$0x0];
	v8 =	vadd.f32 v13, v1  }
.LBB2_11:
0x345: {  	s19 =	sadd.s32 $0x20, s19;
	[tilespmem:s3+$0x0] =	vst v12;
	s3 =	sor.u32 s6, s1;
	v12 =	vld [tilespmem:s10+$0x0];
	s8 =	sor.u32 $0xD880, s26;
	v7 =	vadd.f32 v7, v0  }
0x346: {  	s14 =	sand.u32 $0x700, s7;
	s12 =	sand.u32 $0x60, s19;
	v10 =	vadd.f32 v10, v5;
	v13 =	vld [tilespmem:s3+$0x0];
	[tilespmem:s28+$0x0] =	vst v8;
	s15 =	sor.u32 s30, s8  }
0x347: {  	s1 =	sor.u32 s31, s1;
	s9 =	sor.u32 $0x2000, s14;
	s20 =	sor.u32 $0x10, s12;
	v8 =	vld [tilespmem:s15+$0x0];
	[tilespmem:s22+$0x0] =	vst v7  }
0x348: {  	s26 =	sor.u32 $0xC000, s14;
	s22 =	sor.u32 s12, s9;
	s28 =	sor.u32 s20, s9;
	[tilespmem:s13+$0x0] =	vst v10;
	v7 =	vadd.f32 v9, v6;
	v9 =	vld [tilespmem:s17+$0x0]  }
0x349: {  	s9 =	sor.u32 s12, s26;
	s13 =	sor.u32 $0xC880, s29;
	v10 =	vld [tilespmem:s28+$0x0];
	s28 =	sor.u32 s20, s26;
	v11 =	vadd.f32 v11, v2;
	v2 =	vmov v5  }
0x34a: {  	s8 =	sor.u32 s23, s8;
	s5 =	sor.u32 s24, s13;
	v14 =	vld [tilespmem:s28+$0x0];
	[tilespmem:s18+$0x0] =	vst v7;
	s18 =	sor.u32 s25, s13;
	v7 =	vadd.f32 v12, v3  }
0x34b: {  	p1 =	slt.u32 s19, $0x3E0;
	s23 =	smov.u32 s24;
	s24 =	smov.u32 s31;
	v12 =	vadd.f32 v13, v4;
	[tilespmem:s2+$0x0] =	vst v11;
	v11 =	vld [tilespmem:s18+$0x0]  }
0x34c: {  	s31 =	smov.u32 s12;
	s26 =	smov.u32 s29;
	s13 =	sor.u32 $0xD800, s0;
	v5 =	vld [tilespmem:s22+$0x0];
	[tilespmem:s10+$0x0] =	vst v7;
	v7 =	vadd.f32 v8, v1;
	v1 =	vmov v6  }
0x34d: {  	s29 =	smov.u32 s0;
	s2 =	sor.u32 s24, s13;
	s12 =	sor.u32 s6, s13;
	v6 =	vld [tilespmem:s9+$0x0];
	[tilespmem:s3+$0x0] =	vst v12;
	v8 =	vadd.f32 v9, v0;
	v0 =	vmov v3  }
0x34e: {  	s30 =	smov.u32 s25;
	s0 =	smov.u32 s14;
	s25 =	smov.u32 s6;
	v9 =	vld [tilespmem:s12+$0x0];
	[tilespmem:s15+$0x0] =	vst v7  }
0x34f: {  	s6 =	smov.u32 s20;
	s10 =	smov.u32 s5;
	v7 =	vadd.f32 v14, v10;
	v12 =	vld [tilespmem:s1+$0x0];
	[tilespmem:s17+$0x0] =	vst v8;
	s17 =	smov.u32 s8  }
0x350: {  	s22 =	smov.u32 s11;
	s3 =	sor.u32 $0xC800, s0;
	v3 =	vld [tilespmem:s16+$0x0];
	v8 =	vadd.f32 v11, v1  }
0x351: {  	s5 =	sor.u32 $0xD080, s26;
	s13 =	sor.u32 s31, s3;
	s3 =	sor.u32 s6, s3;
	[tilespmem:s28+$0x0] =	vst v7;
	v11 =	vld [tilespmem:s4+$0x0]  }
0x352: {  	s11 =	sor.u32 s23, s5;
	s28 =	sor.u32 s30, s5;
	v6 =	vadd.f32 v6, v5;
	v13 =	vld [tilespmem:s3+$0x0];
	[tilespmem:s18+$0x0] =	vst v8  }
0x353: {  	v8 =	vadd.f32 v9, v4;
	v14 =	vld [tilespmem:s28+$0x0];
	v4 =	vmov v10  }
.Ltmp4:
0x354: {  	s5 =	sor.u32 $0x2080, s29;
	[tilespmem:s9+$0x0] =	vst v6;
	v6 =	vadd.f32 v12, v2;
	v7 =	vld [tilespmem:s22+$0x0];
	(pc) =	sbr.rel @p1 .LBB2_11-.Ltmp4, $4  }
0x355: {  	s8 =	sor.u32 $0xC080, s29;
	s16 =	sor.u32 s24, s5;
	s5 =	sor.u32 s25, s5;
	v10 =	vld [tilespmem:s13+$0x0];
	[tilespmem:s12+$0x0] =	vst v8  }
0x356: {  	s18 =	sor.u32 s25, s8;
	s9 =	sor.u32 s24, s8;
	[tilespmem:s1+$0x0] =	vst v6;
	v6 =	vld [tilespmem:s5+$0x0];
	v8 =	vadd.f32 v11, v3  }
0x357: {  	v12 =	vadd.f32 v13, v4;
	v9 =	vld [tilespmem:s18+$0x0]  }
0x358: {  	s7 =	sadd.s32 $0x40, s7;
	s1 =	sor.u32 $0xD000, s0;
	v11 =	vld [tilespmem:s2+$0x0];
	[tilespmem:s4+$0x0] =	vst v8;
	v8 =	vadd.f32 v14, v1;
	s4 =	smov.u32 s9  }
0x359: {  	_ = 	snop  }
0x35a: {  	[tilespmem:s3+$0x0] =	vst v12;
	s7 =	sor.u32 s6, s1;
	v10 =	vadd.f32 v10, v5  }
0x35b: {  	v12 =	vld [tilespmem:s7+$0x0]  }
0x35c: {  	s8 =	sor.u32 s31, s1;
	[tilespmem:s13+$0x0] =	vst v10  }
0x35d: {  	v10 =	vld [tilespmem:s8+$0x0];
	_ =	sdelay $0x2  }
0x35e: {  	v12 =	vadd.f32 v12, v4  }
0x35f: {  	s5 =	sor.u32 $0xD800, s0  }
0x360: {  	s9 =	sor.u32 s6, s5;
	[tilespmem:s7+$0x0] =	vst v12;
	v10 =	vadd.f32 v10, v5  }
0x361: {  	v12 =	vld [tilespmem:s9+$0x0]  }
0x362: {  	s5 =	sor.u32 s31, s5;
	[tilespmem:s8+$0x0] =	vst v10  }
0x363: {  	v10 =	vld [tilespmem:s5+$0x0]  }
0x364: {  	v2 =	vadd.f32 v11, v2;
	_ =	sdelay $0x1  }
0x365: {  	[tilespmem:s2+$0x0] =	vst v2;
	v2 =	vadd.f32 v12, v4  }
0x366: {  	s12 =	sor.u32 $0x2080, s0;
	v11 =	vld [tilespmem:s4+$0x0]  }
0x367: {  	s14 =	sor.u32 s6, s12;
	s13 =	sor.u32 $0xC080, s0;
	v4 =	vld [tilespmem:s16+$0x0];
	[tilespmem:s9+$0x0] =	vst v2;
	v2 =	vadd.f32 v10, v5  }
0x368: {  	s15 =	sor.u32 s6, s13;
	v5 =	vld [tilespmem:s14+$0x0]  }
0x369: {  	s1 =	sor.u32 s31, s12;
	v10 =	vld [tilespmem:s15+$0x0];
	[tilespmem:s5+$0x0] =	vst v2  }
0x36a: {  	s2 =	sor.u32 s31, s13;
	v2 =	vld [tilespmem:s1+$0x0]  }
0x36b: {  	v12 =	vld [tilespmem:s2+$0x0]  }
0x36c: {  	v9 =	vadd.f32 v9, v6  }
0x36d: {  	s16 =	sor.u32 $0xC880, s29  }
0x36e: {  	[tilespmem:s18+$0x0] =	vst v9;
	s18 =	sor.u32 s25, s16;
	v9 =	vadd.f32 v10, v5  }
0x36f: {  	s7 =	sor.u32 $0xC880, s0;
	v11 =	vadd.f32 v11, v4;
	v10 =	vld [tilespmem:s18+$0x0]  }
0x370: {  	v13 =	vld [tilespmem:s10+$0x0];
	s19 =	sor.u32 s6, s7;
	[tilespmem:s15+$0x0] =	vst v9;
	v9 =	vadd.f32 v12, v2  }
0x371: {  	s1 =	sor.u32 s24, s16;
	[tilespmem:s4+$0x0] =	vst v11;
	v11 =	vld [tilespmem:s19+$0x0]  }
0x372: {  	s20 =	sor.u32 s31, s7;
	v12 =	vld [tilespmem:s1+$0x0];
	[tilespmem:s2+$0x0] =	vst v9  }
0x373: {  	v9 =	vld [tilespmem:s20+$0x0]  }
0x374: {  	v10 =	vadd.f32 v10, v6  }
0x375: {  	v13 =	vadd.f32 v13, v3;
	s8 =	sor.u32 $0xD080, s29  }
0x376: {  	s9 =	sor.u32 s25, s8;
	[tilespmem:s18+$0x0] =	vst v10;
	v10 =	vadd.f32 v11, v5  }
0x377: {  	[tilespmem:s10+$0x0] =	vst v13;
	s10 =	sor.u32 $0xD080, s0;
	v11 =	vld [tilespmem:s9+$0x0];
	v12 =	vadd.f32 v12, v4  }
0x378: {  	v13 =	vld [tilespmem:s11+$0x0];
	s12 =	sor.u32 s6, s10;
	[tilespmem:s19+$0x0] =	vst v10;
	v9 =	vadd.f32 v9, v2  }
0x379: {  	s2 =	sor.u32 s24, s8;
	[tilespmem:s1+$0x0] =	vst v12;
	v10 =	vld [tilespmem:s12+$0x0]  }
0x37a: {  	s13 =	sor.u32 s31, s10;
	v12 =	vld [tilespmem:s2+$0x0];
	[tilespmem:s20+$0x0] =	vst v9  }
0x37b: {  	v7 =	vadd.f32 v7, v0;
	s14 =	sor.u32 $0xD880, s26;
	v9 =	vld [tilespmem:s13+$0x0]  }
0x37c: {  	[tilespmem:s28+$0x0] =	vst v8;
	s15 =	sor.u32 s30, s14;
	v8 =	vadd.f32 v11, v6  }
0x37d: {  	[tilespmem:s22+$0x0] =	vst v7;
	v7 =	vadd.f32 v13, v3;
	s8 =	sor.u32 $0xD880, s29;
	v11 =	vld [tilespmem:s15+$0x0]  }
0x37e: {  	v13 =	vld [tilespmem:s17+$0x0];
	s16 =	sor.u32 s25, s8;
	[tilespmem:s9+$0x0] =	vst v8;
	v8 =	vadd.f32 v10, v5  }
0x37f: {  	[tilespmem:s11+$0x0] =	vst v7;
	s4 =	sor.u32 s23, s14;
	s18 =	sor.u32 $0xD880, s0;
	v10 =	vld [tilespmem:s16+$0x0];
	v7 =	vadd.f32 v12, v4  }
0x380: {  	s19 =	sor.u32 s6, s18;
	v12 =	vld [tilespmem:s4+$0x0];
	[tilespmem:s12+$0x0] =	vst v8;
	v8 =	vadd.f32 v9, v2  }
0x381: {  	s20 =	sor.u32 s24, s8;
	[tilespmem:s2+$0x0] =	vst v7;
	v9 =	vld [tilespmem:s19+$0x0]  }
0x382: {  	s0 =	sor.u32 s31, s18;
	v1 =	vadd.f32 v11, v1;
	v7 =	vld [tilespmem:s20+$0x0];
	[tilespmem:s13+$0x0] =	vst v8  }
0x383: {  	v0 =	vadd.f32 v13, v0;
	v8 =	vld [tilespmem:s0+$0x0]  }
0x384: {  	[tilespmem:s15+$0x0] =	vst v1;
	v1 =	vadd.f32 v10, v6  }
0x385: {  	[tilespmem:s17+$0x0] =	vst v0;
	v0 =	vadd.f32 v12, v3  }
0x386: {  	[tilespmem:s16+$0x0] =	vst v1;
	v1 =	vadd.f32 v9, v5  }
0x387: {  	[tilespmem:s4+$0x0] =	vst v0;
	v0 =	vadd.f32 v7, v4  }
0x388: {  	[tilespmem:s19+$0x0] =	vst v1;
	v1 =	vadd.f32 v8, v2  }
0x389: {  	[tilespmem:s20+$0x0] =	vst v0  }
0x38a: {  	[tilespmem:s0+$0x0] =	vst v1  }
0x38b: {  	s1 =	sld [smem:$0x7FC];
	_ =	sdelay $0x1  }
0x38c: {  	s22 =	rddreg [dreg:$0x2];
	s23 =	simm.s32 $0x100  }
0x38d: {  	s25 =	simm.s32 $0xC000;
	s24 =	simm.s32 $0x400;
	s0 =	sadd.s32 s22, s1  }
0x38e: {  	[hbm4b:s0+s23] =	stream.strided.scatter [tilespmem:s25], [sflag:$0xD], $0x800, s24, s23, $0x38;
	[tilespmem:$0x14000] =	vst v63  }
0x38f: {  	s31 =	simm.s32 $0xC800;
	s26 =	sadd.s32 $0x80000, s0  }
0x390: {  	[hbm4b:s26+s23] =	stream.strided.scatter [tilespmem:s31], [sflag:$0xD], $0x800, s24, s23, $0x38;
	[tilespmem:$0x14000] =	vst v63  }
0x391: {  	s6 =	simm.s32 $0xD000;
	s5 =	sadd.s32 $0x100000, s0  }
0x392: {  	[hbm4b:s5+s23] =	stream.strided.scatter [tilespmem:s6], [sflag:$0xD], $0x800, s24, s23, $0x38;
	[tilespmem:$0x14000] =	vst v63  }
0x393: {  	s7 =	simm.s32 $0xD800;
	s8 =	simm.s32 $0xA;
	s0 =	sadd.s32 $0x180000, s0  }
0x394: {  	[hbm4b:s0+s23] =	stream.strided.scatter [tilespmem:s7], [sflag:$0xD], $0x800, s24, s23, $0x38;
	[tilespmem:$0x14000] =	vst v63  }
0x395: {  	_ =	swait.ge [sflag:s8], $0x2000  }
0x396: {  	[sflag:s8] =	ssyncset.done $0x0  }
0x397: {  	s14 =	sand.u32 @!p0 $0xFF800, s21;
	[sflag:s8] =	ssyncadd.s32 $0xFFFFE000  }
0x398: {  	s3 =	simm.s32 @!p0 $0x400;
	s0 =	sor.u32 @!p0 $0x20, s14;
	s1 =	rddreg [dreg:$0x1]  }
0x399: {  	s2 =	simm.s32 @!p0 $0x100;
	s4 =	simm.s32 @!p0 $0x800;
	s1 =	sadd.s32 @!p0 s1, s0  }
0x39a: {  	[tilespmem:s4], [sflag:$0x2] =	stream.strided.gather @!p0 [hbm4b:s1+s2], $0x800, s3, s2, $0x38;
	[tilespmem:$0x14000] =	vst v63  }
0x39b: {  	s1 =	rddreg [dreg:$0x0]  }
0x39c: {  	s0 =	sadd.s32 @!p0 s1, s0;
	s1 =	simm.s32 @!p0 $0x6000  }
0x39d: {  	[tilespmem:s1], [sflag:$0x2] =	stream.strided.gather @!p0 [hbm4b:s0+s2], $0x800, s3, s2, $0x38;
	[tilespmem:$0x14000] =	vst v63  }
0x39e: {  	s4 =	simm.s32 @!p0 $0x6800;
	s1 =	sadd.s32 @!p0 $0x80000, s0  }
0x39f: {  	[tilespmem:s4], [sflag:$0x2] =	stream.strided.gather @!p0 [hbm4b:s1+s2], $0x800, s3, s2, $0x38;
	[tilespmem:$0x14000] =	vst v63  }
0x3a0: {  	s1 =	sadd.s32 @!p0 $0x100000, s0;
	s4 =	simm.s32 @!p0 $0x7000  }
0x3a1: {  	[tilespmem:s4], [sflag:$0x2] =	stream.strided.gather @!p0 [hbm4b:s1+s2], $0x800, s3, s2, $0x38;
	[tilespmem:$0x14000] =	vst v63  }
0x3a2: {  	s9 =	simm.s32 $0x6;
	s0 =	sadd.s32 @!p0 $0x180000, s0;
	s1 =	simm.s32 @!p0 $0x7800  }
0x3a3: {  	[tilespmem:s1], [sflag:$0x2] =	stream.strided.gather @!p0 [hbm4b:s0+s2], $0x800, s3, s2, $0x38;
	[tilespmem:$0x14000] =	vst v63  }
0x3a4: {  	_ =	swait.ge [sflag:s9], $0x800  }
0x3a5: {  	[sflag:s9] =	ssyncset.done $0x0  }
0x3a6: {  	s10 =	simm.s32 $0x0;
	s12 =	simm.s32 $0x0;
	[sflag:s9] =	ssyncadd.s32 $0xFFFFF800  }
0x3a7: {  	s11 =	sand.u32 $0x60, s12;
	s19 =	sand.u32 $0x700, s10;
	_ =	swait.ge [sflag:s9], $0x2000  }
0x3a8: {  	s10 =	sor.u32 $0x10, s11;
	s0 =	sor.u32 $0x2800, s19;
	[sflag:s9] =	ssyncset.done $0x0  }
0x3a9: {  	s13 =	sor.u32 $0xE000, s19;
	s15 =	sor.u32 s10, s0;
	[sflag:s9] =	ssyncadd.s32 $0xFFFFE000  }
0x3aa: {  	s16 =	sor.u32 s10, s13;
	v0 =	vld [tilespmem:s15+$0x0]  }
0x3ab: {  	v1 =	vld [tilespmem:s16+$0x0];
	_ =	sdelay $0x4  }
0x3ac: {  	v1 =	vadd.f32 v1, v0  }
0x3ad: {  	s17 =	sor.u32 $0xE800, s19  }
0x3ae: {  	s18 =	sor.u32 s10, s17;
	[tilespmem:s16+$0x0] =	vst v1  }
0x3af: {  	v1 =	vld [tilespmem:s18+$0x0];
	_ =	sdelay $0x1  }
0x3b0: {  	s0 =	sor.u32 s11, s0  }
0x3b1: {  	s1 =	sor.u32 s11, s13;
	v3 =	vld [tilespmem:s0+$0x0]  }
0x3b2: {  	v2 =	vld [tilespmem:s1+$0x0]  }
0x3b3: {  	s22 =	simm.s32 $0x40;
	s23 =	simm.s32 $0x20;
	v1 =	vadd.f32 v1, v0  }
0x3b4: {  	s20 =	sor.u32 $0xF000, s19;
	s25 =	sand.u32 $0x700, s22;
	s21 =	sand.u32 $0x60, s23  }
0x3b5: {  	s24 =	sor.u32 s10, s20;
	s29 =	sor.u32 $0x10, s21;
	s4 =	sor.u32 $0x2800, s25;
	[tilespmem:s18+$0x0] =	vst v1  }
0x3b6: {  	s26 =	sor.u32 $0xE000, s25;
	s31 =	sor.u32 s29, s4;
	v1 =	vld [tilespmem:s24+$0x0]  }
0x3b7: {  	s7 =	sor.u32 s29, s26;
	v4 =	vld [tilespmem:s31+$0x0];
	v2 =	vadd.f32 v2, v3  }
0x3b8: {  	v5 =	vld [tilespmem:s7+$0x0]  }
0x3b9: {  	s3 =	sor.u32 s11, s17;
	[tilespmem:s1+$0x0] =	vst v2  }
0x3ba: {  	v2 =	vld [tilespmem:s3+$0x0]  }
0x3bb: {  	v1 =	vadd.f32 v1, v0  }
0x3bc: {  	s8 =	sor.u32 $0xF800, s19  }
0x3bd: {  	s12 =	sor.u32 s10, s8;
	v5 =	vadd.f32 v5, v4;
	[tilespmem:s24+$0x0] =	vst v1  }
0x3be: {  	s4 =	sor.u32 s21, s4;
	s13 =	sor.u32 $0xE800, s25;
	v1 =	vld [tilespmem:s12+$0x0]  }
0x3bf: {  	v7 =	vld [tilespmem:s4+$0x0];
	s15 =	sor.u32 s29, s13;
	[tilespmem:s7+$0x0] =	vst v5;
	v2 =	vadd.f32 v2, v3  }
0x3c0: {  	s5 =	sor.u32 s21, s26;
	v5 =	vld [tilespmem:s15+$0x0]  }
0x3c1: {  	s0 =	sor.u32 s11, s20;
	[tilespmem:s3+$0x0] =	vst v2;
	v2 =	vld [tilespmem:s5+$0x0]  }
0x3c2: {  	v8 =	vld [tilespmem:s0+$0x0]  }
0x3c3: {  	v0 =	vadd.f32 v1, v0  }
0x3c4: {  	s3 =	sor.u32 $0x2880, s19  }
0x3c5: {  	s6 =	sor.u32 $0xE080, s19;
	s16 =	sor.u32 s10, s3;
	[tilespmem:s12+$0x0] =	vst v0;
	v0 =	vadd.f32 v5, v4  }
0x3c6: {  	s17 =	sor.u32 s10, s6;
	s18 =	sor.u32 $0xF000, s25;
	v1 =	vadd.f32 v2, v7;
	v6 =	vld [tilespmem:s16+$0x0]  }
0x3c7: {  	s9 =	simm.s32 $0x80;
	s20 =	sor.u32 s29, s18;
	v5 =	vadd.f32 v8, v3;
	s12 =	simm.s32 $0x40;
	v2 =	vld [tilespmem:s17+$0x0];
	[tilespmem:s15+$0x0] =	vst v0  }
0x3c8: {  	s26 =	sand.u32 $0x700, s9;
	s7 =	sor.u32 s21, s13;
	[tilespmem:s5+$0x0] =	vst v1;
	s23 =	sand.u32 $0x60, s12;
	v0 =	vld [tilespmem:s20+$0x0]  }
0x3c9: {  	s22 =	sor.u32 $0x2800, s26;
	s1 =	sor.u32 s11, s8;
	v1 =	vld [tilespmem:s7+$0x0];
	[tilespmem:s0+$0x0] =	vst v5;
	s24 =	sor.u32 $0x10, s23  }
0x3ca: {  	s31 =	sor.u32 $0xE000, s26;
	v5 =	vld [tilespmem:s1+$0x0];
	s15 =	sor.u32 s24, s22  }
0x3cb: {  	s16 =	sor.u32 s24, s31;
	v8 =	vld [tilespmem:s15+$0x0]  }
0x3cc: {  	v9 =	vld [tilespmem:s16+$0x0];
	v2 =	vadd.f32 v2, v6  }
0x3cd: {  	s12 =	sor.u32 $0xE880, s19;
	s0 =	sor.u32 s23, s22;
	v0 =	vadd.f32 v0, v4  }
0x3ce: {  	s13 =	sor.u32 $0xF800, s25;
	[tilespmem:s17+$0x0] =	vst v2;
	s17 =	sor.u32 s10, s12;
	v2 =	vld [tilespmem:s0+$0x0]  }
0x3cf: {  	s4 =	sor.u32 s29, s13;
	v1 =	vadd.f32 v1, v7;
	v10 =	vld [tilespmem:s17+$0x0];
	[tilespmem:s20+$0x0] =	vst v0  }
0x3d0: {  	s5 =	sor.u32 s23, s31;
	v0 =	vadd.f32 v5, v3;
	v3 =	vld [tilespmem:s4+$0x0]  }
0x3d1: {  	s18 =	sor.u32 s21, s18;
	[tilespmem:s7+$0x0] =	vst v1;
	v1 =	vld [tilespmem:s5+$0x0];
	v5 =	vadd.f32 v9, v8  }
0x3d2: {  	s3 =	sor.u32 s11, s3;
	v9 =	vld [tilespmem:s18+$0x0];
	s20 =	sor.u32 $0xE800, s26;
	[tilespmem:s1+$0x0] =	vst v0  }
0x3d3: {  	s22 =	sor.u32 s24, s20;
	[tilespmem:s16+$0x0] =	vst v5;
	v0 =	vld [tilespmem:s3+$0x0]  }
0x3d4: {  	s31 =	sor.u32 s11, s6;
	v5 =	vadd.f32 v10, v6;
	v10 =	vld [tilespmem:s22+$0x0]  }
0x3d5: {  	s1 =	sor.u32 $0xF080, s19;
	v11 =	vld [tilespmem:s31+$0x0];
	v3 =	vadd.f32 v3, v4  }
0x3d6: {  	s9 =	sor.u32 $0x2880, s25;
	s2 =	sor.u32 s10, s1;
	[tilespmem:s17+$0x0] =	vst v5  }
0x3d7: {  	s15 =	sor.u32 $0xE080, s25;
	v4 =	vadd.f32 v1, v2;
	s17 =	sor.u32 s29, s9;
	v5 =	vld [tilespmem:s2+$0x0];
	[tilespmem:s4+$0x0] =	vst v3  }
0x3d8: {  	s16 =	sor.u32 s29, s15;
	v3 =	vadd.f32 v9, v7;
	v1 =	vld [tilespmem:s17+$0x0]  }
0x3d9: {  	s13 =	sor.u32 s21, s13;
	s7 =	sor.u32 s23, s20;
	[tilespmem:s5+$0x0] =	vst v4;
	v4 =	vadd.f32 v10, v8;
	v9 =	vld [tilespmem:s16+$0x0]  }
0x3da: {  	s5 =	sor.u32 $0xF000, s26;
	s4 =	simm.s32 $0x60;
	v10 =	vld [tilespmem:s7+$0x0];
	[tilespmem:s18+$0x0] =	vst v3;
	v3 =	vadd.f32 v11, v0;
	s18 =	simm.s32 $0xC0  }
0x3db: {  	s3 =	sor.u32 s24, s5;
	s0 =	sand.u32 $0x60, s4;
	v11 =	vld [tilespmem:s13+$0x0];
	[tilespmem:s22+$0x0] =	vst v4;
	s6 =	sand.u32 $0x700, s18  }
0x3dc: {  	s12 =	sor.u32 s11, s12;
	s17 =	sor.u32 $0x10, s0;
	[tilespmem:s31+$0x0] =	vst v3;
	v3 =	vld [tilespmem:s3+$0x0];
	s20 =	sor.u32 $0x2800, s6  }
0x3dd: {  	v12 =	vld [tilespmem:s12+$0x0];
	s22 =	sor.u32 s17, s20  }
0x3de: {  	s31 =	sor.u32 $0xE000, s6;
	s8 =	sor.u32 s0, s20;
	v4 =	vld [tilespmem:s22+$0x0];
	v9 =	vadd.f32 v9, v1  }
0x3df: {  	v13 =	vadd.f32 v5, v6;
	s20 =	sor.u32 $0xE880, s25;
	v5 =	vld [tilespmem:s8+$0x0];
	s8 =	sor.u32 s17, s31  }
0x3e0: {  	[tilespmem:s16+$0x0] =	vst v9;
	s16 =	sor.u32 $0xF880, s19;
	v9 =	vld [tilespmem:s8+$0x0];
	s19 =	sor.u32 s29, s20  }
0x3e1: {  	[tilespmem:s2+$0x0] =	vst v13;
	s10 =	sor.u32 s10, s16;
	v3 =	vadd.f32 v3, v8;
	v13 =	vld [tilespmem:s19+$0x0]  }
0x3e2: {  	s18 =	sor.u32 s0, s31;
	v10 =	vadd.f32 v10, v2;
	s31 =	sor.u32 $0xF800, s26;
	v14 =	vld [tilespmem:s10+$0x0]  }
0x3e3: {  	[tilespmem:s3+$0x0] =	vst v3;
	v3 =	vadd.f32 v11, v7;
	v7 =	vld [tilespmem:s18+$0x0];
	s3 =	sor.u32 s24, s31  }
0x3e4: {  	s5 =	sor.u32 s23, s5;
	[tilespmem:s7+$0x0] =	vst v10;
	v10 =	vld [tilespmem:s3+$0x0]  }
0x3e5: {  	s9 =	sor.u32 s21, s9;
	v11 =	vld [tilespmem:s5+$0x0];
	[tilespmem:s13+$0x0] =	vst v3;
	v9 =	vadd.f32 v9, v4  }
0x3e6: {  	s22 =	sor.u32 $0xE800, s6;
	s7 =	sor.u32 s21, s15;
	v3 =	vld [tilespmem:s9+$0x0];
	v13 =	vadd.f32 v13, v1  }
0x3e7: {  	s30 =	sor.u32 s17, s22;
	v12 =	vadd.f32 v12, v0;
	[tilespmem:s8+$0x0] =	vst v9;
	v9 =	vld [tilespmem:s7+$0x0];
	s8 =	sor.u32 $0xF080, s25  }
0x3e8: {  	v7 =	vadd.f32 v7, v5;
	[tilespmem:s19+$0x0] =	vst v13;
	v13 =	vld [tilespmem:s30+$0x0];
	s2 =	sor.u32 s29, s8  }
0x3e9: {  	s28 =	sor.u32 s11, s1;
	[tilespmem:s12+$0x0] =	vst v12;
	v8 =	vadd.f32 v10, v8;
	v15 =	vld [tilespmem:s2+$0x0]  }
0x3ea: {  	s1 =	sor.u32 s0, s22;
	s12 =	sor.u32 $0x2880, s26;
	v6 =	vadd.f32 v14, v6;
	[tilespmem:s18+$0x0] =	vst v7;
	v7 =	vld [tilespmem:s28+$0x0]  }
0x3eb: {  	s15 =	sor.u32 $0xE080, s26;
	v11 =	vadd.f32 v11, v2;
	s18 =	sor.u32 s24, s12;
	v10 =	vld [tilespmem:s1+$0x0];
	[tilespmem:s3+$0x0] =	vst v8  }
0x3ec: {  	s22 =	sor.u32 s21, s20;
	s13 =	sor.u32 s24, s15;
	s19 =	sor.u32 s11, s16;
	[tilespmem:s10+$0x0] =	vst v6;
	v6 =	vld [tilespmem:s18+$0x0];
	v8 =	vadd.f32 v9, v3  }
0x3ed: {  	s16 =	sor.u32 s23, s31;
	s11 =	sor.u32 s21, s8;
	s10 =	sor.u32 s23, s15;
	[tilespmem:s5+$0x0] =	vst v11;
	v9 =	vld [tilespmem:s13+$0x0];
	v12 =	vadd.f32 v13, v4  }
0x3ee: {  	s3 =	sor.u32 $0xF000, s6;
	v11 =	vld [tilespmem:s16+$0x0];
	s18 =	sor.u32 s23, s12;
	[tilespmem:s7+$0x0] =	vst v8;
	s7 =	simm.s32 $0x100;
	v8 =	vadd.f32 v15, v1  }
.LBB2_13:
0x3ef: {  	s4 =	sadd.s32 $0x20, s4;
	[tilespmem:s30+$0x0] =	vst v12;
	s5 =	sor.u32 s17, s3;
	v12 =	vld [tilespmem:s22+$0x0];
	s8 =	sor.u32 $0xF880, s25;
	v7 =	vadd.f32 v7, v0  }
0x3f0: {  	s15 =	sand.u32 $0x700, s7;
	s12 =	sand.u32 $0x60, s4;
	v10 =	vadd.f32 v10, v5;
	v13 =	vld [tilespmem:s5+$0x0];
	[tilespmem:s2+$0x0] =	vst v8;
	s2 =	sor.u32 s29, s8  }
0x3f1: {  	s3 =	sor.u32 s0, s3;
	s9 =	sor.u32 $0x2800, s15;
	s20 =	sor.u32 $0x10, s12;
	v8 =	vld [tilespmem:s2+$0x0];
	[tilespmem:s28+$0x0] =	vst v7  }
0x3f2: {  	s25 =	sor.u32 s12, s9;
	s28 =	sor.u32 $0xE000, s15;
	s29 =	sor.u32 s20, s9;
	[tilespmem:s1+$0x0] =	vst v10;
	v7 =	vadd.f32 v9, v6;
	v9 =	vld [tilespmem:s19+$0x0]  }
0x3f3: {  	s9 =	sor.u32 s12, s28;
	s30 =	sor.u32 s20, s28;
	s1 =	sor.u32 $0xE880, s26;
	v10 =	vld [tilespmem:s29+$0x0];
	v11 =	vadd.f32 v11, v2;
	v2 =	vmov v5  }
0x3f4: {  	s28 =	sor.u32 s23, s1;
	v14 =	vld [tilespmem:s30+$0x0];
	[tilespmem:s13+$0x0] =	vst v7;
	s13 =	sor.u32 s24, s1;
	v7 =	vadd.f32 v12, v3;
	s1 =	sor.u32 s21, s8  }
0x3f5: {  	p1 =	slt.u32 s4, $0x3E0;
	s21 =	smov.u32 s23;
	s23 =	smov.u32 s0;
	v12 =	vadd.f32 v13, v4;
	[tilespmem:s16+$0x0] =	vst v11;
	v11 =	vld [tilespmem:s13+$0x0]  }
0x3f6: {  	s8 =	sor.u32 $0xF800, s6;
	s0 =	smov.u32 s12;
	v5 =	vld [tilespmem:s25+$0x0];
	[tilespmem:s22+$0x0] =	vst v7;
	v7 =	vadd.f32 v8, v1;
	v1 =	vmov v6;
	s25 =	smov.u32 s26  }
0x3f7: {  	s16 =	sor.u32 s23, s8;
	s26 =	smov.u32 s6;
	v6 =	vld [tilespmem:s9+$0x0];
	[tilespmem:s5+$0x0] =	vst v12;
	s5 =	sor.u32 s17, s8;
	v8 =	vadd.f32 v9, v0;
	v0 =	vmov v3  }
0x3f8: {  	s29 =	smov.u32 s24;
	s24 =	smov.u32 s17;
	s6 =	smov.u32 s15;
	v9 =	vld [tilespmem:s5+$0x0];
	[tilespmem:s2+$0x0] =	vst v7  }
0x3f9: {  	s22 =	smov.u32 s28;
	s17 =	smov.u32 s20;
	v7 =	vadd.f32 v14, v10;
	v12 =	vld [tilespmem:s3+$0x0];
	[tilespmem:s19+$0x0] =	vst v8;
	s19 =	smov.u32 s1  }
0x3fa: {  	s28 =	smov.u32 s11;
	s2 =	sor.u32 $0xE800, s6;
	v3 =	vld [tilespmem:s18+$0x0];
	v8 =	vadd.f32 v11, v1  }
0x3fb: {  	s1 =	sor.u32 s0, s2;
	[tilespmem:s30+$0x0] =	vst v7;
	s30 =	sor.u32 s17, s2;
	v11 =	vld [tilespmem:s10+$0x0];
	s2 =	sor.u32 $0xF080, s25  }
0x3fc: {  	v6 =	vadd.f32 v6, v5;
	v13 =	vld [tilespmem:s30+$0x0];
	s11 =	sor.u32 s21, s2;
	[tilespmem:s13+$0x0] =	vst v8;
	s2 =	sor.u32 s29, s2  }
0x3fd: {  	v8 =	vadd.f32 v9, v4;
	v14 =	vld [tilespmem:s2+$0x0];
	v4 =	vmov v10  }
.Ltmp5:
0x3fe: {  	s8 =	sor.u32 $0x2880, s26;
	[tilespmem:s9+$0x0] =	vst v6;
	v6 =	vadd.f32 v12, v2;
	v7 =	vld [tilespmem:s28+$0x0];
	(pc) =	sbr.rel @p1 .LBB2_13-.Ltmp5, $4  }
0x3ff: {  	s18 =	sor.u32 s23, s8;
	s9 =	sor.u32 $0xE080, s26;
	v10 =	vld [tilespmem:s1+$0x0];
	[tilespmem:s5+$0x0] =	vst v8;
	s5 =	sor.u32 s24, s8  }
0x400: {  	s8 =	sor.u32 s23, s9;
	s13 =	sor.u32 s24, s9;
	[tilespmem:s3+$0x0] =	vst v6;
	v6 =	vld [tilespmem:s5+$0x0];
	v8 =	vadd.f32 v11, v3  }
0x401: {  	v12 =	vadd.f32 v13, v4;
	v9 =	vld [tilespmem:s13+$0x0]  }
0x402: {  	s7 =	sadd.s32 $0x40, s7;
	s3 =	sor.u32 $0xF000, s6;
	v11 =	vld [tilespmem:s16+$0x0];
	[tilespmem:s10+$0x0] =	vst v8;
	v8 =	vadd.f32 v14, v1;
	s10 =	smov.u32 s8  }
0x403: {  	_ = 	snop  }
0x404: {  	[tilespmem:s30+$0x0] =	vst v12;
	s4 =	sor.u32 s17, s3;
	v10 =	vadd.f32 v10, v5  }
0x405: {  	v12 =	vld [tilespmem:s4+$0x0]  }
0x406: {  	s7 =	sor.u32 s0, s3;
	[tilespmem:s1+$0x0] =	vst v10  }
0x407: {  	v10 =	vld [tilespmem:s7+$0x0];
	_ =	sdelay $0x2  }
0x408: {  	v12 =	vadd.f32 v12, v4  }
0x409: {  	s8 =	sor.u32 $0xF800, s6  }
0x40a: {  	s9 =	sor.u32 s17, s8;
	[tilespmem:s4+$0x0] =	vst v12;
	v10 =	vadd.f32 v10, v5  }
0x40b: {  	v12 =	vld [tilespmem:s9+$0x0]  }
0x40c: {  	s1 =	sor.u32 s0, s8;
	[tilespmem:s7+$0x0] =	vst v10  }
0x40d: {  	v10 =	vld [tilespmem:s1+$0x0]  }
0x40e: {  	v2 =	vadd.f32 v11, v2;
	_ =	sdelay $0x1  }
0x40f: {  	[tilespmem:s16+$0x0] =	vst v2;
	v2 =	vadd.f32 v12, v4  }
0x410: {  	s12 =	sor.u32 $0x2880, s6;
	v11 =	vld [tilespmem:s10+$0x0]  }
0x411: {  	s5 =	sor.u32 $0xE080, s6;
	s15 =	sor.u32 s17, s12;
	v4 =	vld [tilespmem:s18+$0x0];
	[tilespmem:s9+$0x0] =	vst v2;
	v2 =	vadd.f32 v10, v5  }
0x412: {  	s16 =	sor.u32 s17, s5;
	v5 =	vld [tilespmem:s15+$0x0]  }
0x413: {  	s3 =	sor.u32 s0, s12;
	v10 =	vld [tilespmem:s16+$0x0];
	[tilespmem:s1+$0x0] =	vst v2  }
0x414: {  	s18 =	sor.u32 s0, s5;
	v2 =	vld [tilespmem:s3+$0x0]  }
0x415: {  	v12 =	vld [tilespmem:s18+$0x0]  }
0x416: {  	v9 =	vadd.f32 v9, v6  }
0x417: {  	s20 =	sor.u32 $0xE880, s26  }
0x418: {  	s30 =	sor.u32 s24, s20;
	[tilespmem:s13+$0x0] =	vst v9;
	v9 =	vadd.f32 v10, v5  }
0x419: {  	s7 =	sor.u32 $0xE880, s6;
	v11 =	vadd.f32 v11, v4;
	v10 =	vld [tilespmem:s30+$0x0]  }
0x41a: {  	v13 =	vld [tilespmem:s22+$0x0];
	s31 =	sor.u32 s17, s7;
	[tilespmem:s16+$0x0] =	vst v9;
	v9 =	vadd.f32 v12, v2  }
0x41b: {  	s3 =	sor.u32 s23, s20;
	[tilespmem:s10+$0x0] =	vst v11;
	v11 =	vld [tilespmem:s31+$0x0]  }
0x41c: {  	s7 =	sor.u32 s0, s7;
	v12 =	vld [tilespmem:s3+$0x0];
	[tilespmem:s18+$0x0] =	vst v9  }
0x41d: {  	v9 =	vld [tilespmem:s7+$0x0]  }
0x41e: {  	v10 =	vadd.f32 v10, v6  }
0x41f: {  	v13 =	vadd.f32 v13, v3;
	s9 =	sor.u32 $0xF080, s26  }
0x420: {  	s10 =	sor.u32 s24, s9;
	[tilespmem:s30+$0x0] =	vst v10;
	v10 =	vadd.f32 v11, v5  }
0x421: {  	s8 =	sor.u32 $0xF080, s6;
	[tilespmem:s22+$0x0] =	vst v13;
	v11 =	vld [tilespmem:s10+$0x0];
	v12 =	vadd.f32 v12, v4  }
0x422: {  	s12 =	sor.u32 s17, s8;
	v13 =	vld [tilespmem:s11+$0x0];
	[tilespmem:s31+$0x0] =	vst v10;
	v9 =	vadd.f32 v9, v2  }
0x423: {  	s1 =	sor.u32 s23, s9;
	[tilespmem:s3+$0x0] =	vst v12;
	v10 =	vld [tilespmem:s12+$0x0]  }
0x424: {  	s13 =	sor.u32 s0, s8;
	v12 =	vld [tilespmem:s1+$0x0];
	[tilespmem:s7+$0x0] =	vst v9  }
0x425: {  	v7 =	vadd.f32 v7, v0;
	s15 =	sor.u32 $0xF880, s25;
	v9 =	vld [tilespmem:s13+$0x0]  }
0x426: {  	[tilespmem:s2+$0x0] =	vst v8;
	s16 =	sor.u32 s29, s15;
	v8 =	vadd.f32 v11, v6  }
0x427: {  	[tilespmem:s28+$0x0] =	vst v7;
	v7 =	vadd.f32 v13, v3;
	s18 =	sor.u32 $0xF880, s26;
	v11 =	vld [tilespmem:s16+$0x0]  }
0x428: {  	v13 =	vld [tilespmem:s19+$0x0];
	s20 =	sor.u32 s24, s18;
	[tilespmem:s10+$0x0] =	vst v8;
	v8 =	vadd.f32 v10, v5  }
0x429: {  	[tilespmem:s11+$0x0] =	vst v7;
	s7 =	sor.u32 s21, s15;
	s21 =	sor.u32 $0xF880, s6;
	v10 =	vld [tilespmem:s20+$0x0];
	v7 =	vadd.f32 v12, v4  }
0x42a: {  	s22 =	sor.u32 s17, s21;
	v12 =	vld [tilespmem:s7+$0x0];
	[tilespmem:s12+$0x0] =	vst v8;
	v8 =	vadd.f32 v9, v2  }
0x42b: {  	s8 =	sor.u32 s23, s18;
	[tilespmem:s1+$0x0] =	vst v7;
	v9 =	vld [tilespmem:s22+$0x0]  }
0x42c: {  	s24 =	sor.u32 s0, s21;
	v1 =	vadd.f32 v11, v1;
	v7 =	vld [tilespmem:s8+$0x0];
	[tilespmem:s13+$0x0] =	vst v8  }
0x42d: {  	v0 =	vadd.f32 v13, v0;
	v8 =	vld [tilespmem:s24+$0x0]  }
0x42e: {  	[tilespmem:s16+$0x0] =	vst v1;
	v1 =	vadd.f32 v10, v6  }
0x42f: {  	[tilespmem:s19+$0x0] =	vst v0;
	v0 =	vadd.f32 v12, v3  }
0x430: {  	[tilespmem:s20+$0x0] =	vst v1;
	v1 =	vadd.f32 v9, v5  }
0x431: {  	[tilespmem:s7+$0x0] =	vst v0;
	v0 =	vadd.f32 v7, v4  }
0x432: {  	[tilespmem:s22+$0x0] =	vst v1;
	v1 =	vadd.f32 v8, v2  }
0x433: {  	[tilespmem:s8+$0x0] =	vst v0  }
0x434: {  	[tilespmem:s24+$0x0] =	vst v1  }
0x435: {  	s1 =	sld [smem:$0x7F8];
	_ =	sdelay $0x1  }
0x436: {  	s25 =	rddreg [dreg:$0x2];
	s26 =	simm.s32 $0x100  }
0x437: {  	s30 =	simm.s32 $0x400;
	s31 =	simm.s32 $0xE000;
	s0 =	sadd.s32 s25, s1  }
0x438: {  	[hbm4b:s0+s26] =	stream.strided.scatter [tilespmem:s31], [sflag:$0xE], $0x800, s30, s26, $0x38;
	[tilespmem:$0x14000] =	vst v63  }
0x439: {  	s5 =	simm.s32 $0xE800;
	s4 =	sadd.s32 $0x80000, s0  }
0x43a: {  	[hbm4b:s4+s26] =	stream.strided.scatter [tilespmem:s5], [sflag:$0xE], $0x800, s30, s26, $0x38;
	[tilespmem:$0x14000] =	vst v63  }
0x43b: {  	s7 =	simm.s32 $0xF000;
	s6 =	sadd.s32 $0x100000, s0  }
0x43c: {  	[hbm4b:s6+s26] =	stream.strided.scatter [tilespmem:s7], [sflag:$0xE], $0x800, s30, s26, $0x38;
	[tilespmem:$0x14000] =	vst v63  }
0x43d: {  	s9 =	simm.s32 $0xB;
	s8 =	simm.s32 $0xF800;
	s0 =	sadd.s32 $0x180000, s0  }
0x43e: {  	[hbm4b:s0+s26] =	stream.strided.scatter [tilespmem:s8], [sflag:$0xE], $0x800, s30, s26, $0x38;
	[tilespmem:$0x14000] =	vst v63  }
0x43f: {  	_ =	swait.ge [sflag:s9], $0x2000  }
0x440: {  	[sflag:s9] =	ssyncset.done $0x0  }
0x441: {  	[sflag:s9] =	ssyncadd.s32 $0xFFFFE000  }
0x442: {  	s2 =	simm.s32 @!p0 $0x100;
	s0 =	sor.u32 @!p0 $0x40, s14;
	s1 =	rddreg [dreg:$0x1]  }
0x443: {  	s3 =	simm.s32 @!p0 $0x400;
	s4 =	simm.s32 @!p0 $0x1000;
	s1 =	sadd.s32 @!p0 s1, s0  }
0x444: {  	[tilespmem:s4], [sflag:$0x3] =	stream.strided.gather @!p0 [hbm4b:s1+s2], $0x800, s3, s2, $0x38;
	[tilespmem:$0x14000] =	vst v63  }
0x445: {  	s1 =	rddreg [dreg:$0x0]  }
0x446: {  	s0 =	sadd.s32 @!p0 s1, s0;
	s1 =	simm.s32 @!p0 $0x8000  }
0x447: {  	[tilespmem:s1], [sflag:$0x3] =	stream.strided.gather @!p0 [hbm4b:s0+s2], $0x800, s3, s2, $0x38;
	[tilespmem:$0x14000] =	vst v63  }
0x448: {  	s4 =	simm.s32 @!p0 $0x8800;
	s1 =	sadd.s32 @!p0 $0x80000, s0  }
0x449: {  	[tilespmem:s4], [sflag:$0x3] =	stream.strided.gather @!p0 [hbm4b:s1+s2], $0x800, s3, s2, $0x38;
	[tilespmem:$0x14000] =	vst v63  }
0x44a: {  	s1 =	sadd.s32 @!p0 $0x100000, s0;
	s4 =	simm.s32 @!p0 $0x9000  }
0x44b: {  	[tilespmem:s4], [sflag:$0x3] =	stream.strided.gather @!p0 [hbm4b:s1+s2], $0x800, s3, s2, $0x38;
	[tilespmem:$0x14000] =	vst v63  }
0x44c: {  	s10 =	simm.s32 $0x7;
	s0 =	sadd.s32 @!p0 $0x180000, s0;
	s1 =	simm.s32 @!p0 $0x9800  }
0x44d: {  	[tilespmem:s1], [sflag:$0x3] =	stream.strided.gather @!p0 [hbm4b:s0+s2], $0x800, s3, s2, $0x38;
	[tilespmem:$0x14000] =	vst v63  }
0x44e: {  	_ =	swait.ge [sflag:s10], $0x800  }
0x44f: {  	[sflag:s10] =	ssyncset.done $0x0  }
0x450: {  	s11 =	simm.s32 $0x0;
	s12 =	simm.s32 $0x0;
	[sflag:s10] =	ssyncadd.s32 $0xFFFFF800  }
0x451: {  	s4 =	sand.u32 $0x60, s12;
	s0 =	sand.u32 $0x700, s11;
	_ =	swait.ge [sflag:s10], $0x2000  }
0x452: {  	s2 =	sor.u32 $0x10, s4;
	s13 =	sor.u32 $0x3000, s0;
	[sflag:s10] =	ssyncset.done $0x0  }
0x453: {  	s15 =	sor.u32 $0x10000, s0;
	s16 =	sor.u32 s2, s13;
	[sflag:s10] =	ssyncadd.s32 $0xFFFFE000  }
0x454: {  	s17 =	sor.u32 s2, s15;
	v0 =	vld [tilespmem:s16+$0x0]  }
0x455: {  	v1 =	vld [tilespmem:s17+$0x0];
	_ =	sdelay $0x4  }
0x456: {  	v1 =	vadd.f32 v1, v0  }
0x457: {  	s18 =	sor.u32 $0x10800, s0  }
0x458: {  	s19 =	sor.u32 s2, s18;
	[tilespmem:s17+$0x0] =	vst v1  }
0x459: {  	v1 =	vld [tilespmem:s19+$0x0];
	_ =	sdelay $0x2  }
0x45a: {  	s1 =	sor.u32 s4, s13  }
0x45b: {  	s3 =	sor.u32 s4, s15;
	v3 =	vld [tilespmem:s1+$0x0]  }
0x45c: {  	v2 =	vld [tilespmem:s3+$0x0];
	v1 =	vadd.f32 v1, v0  }
0x45d: {  	s21 =	simm.s32 $0x40;
	s22 =	simm.s32 $0x20;
	s20 =	sor.u32 $0x11000, s0  }
0x45e: {  	s24 =	sand.u32 $0x700, s21;
	s12 =	sand.u32 $0x60, s22;
	s23 =	sor.u32 s2, s20;
	[tilespmem:s19+$0x0] =	vst v1  }
0x45f: {  	s7 =	sor.u32 $0x3000, s24;
	s26 =	sor.u32 $0x10, s12;
	v1 =	vld [tilespmem:s23+$0x0]  }
0x460: {  	s25 =	sor.u32 $0x10000, s24;
	s9 =	sor.u32 s26, s7  }
0x461: {  	s30 =	sor.u32 s26, s25;
	v4 =	vld [tilespmem:s9+$0x0];
	v2 =	vadd.f32 v2, v3  }
0x462: {  	v5 =	vld [tilespmem:s30+$0x0]  }
0x463: {  	s6 =	sor.u32 s4, s18;
	[tilespmem:s3+$0x0] =	vst v2  }
0x464: {  	v2 =	vld [tilespmem:s6+$0x0];
	v1 =	vadd.f32 v1, v0  }
0x465: {  	s31 =	sor.u32 $0x11800, s0  }
0x466: {  	s15 =	sor.u32 s2, s31;
	[tilespmem:s23+$0x0] =	vst v1  }
0x467: {  	v5 =	vadd.f32 v5, v4;
	v1 =	vld [tilespmem:s15+$0x0]  }
0x468: {  	s7 =	sor.u32 s12, s7;
	s16 =	sor.u32 $0x10800, s24  }
0x469: {  	v7 =	vld [tilespmem:s7+$0x0];
	[tilespmem:s30+$0x0] =	vst v5;
	s17 =	sor.u32 s26, s16;
	v2 =	vadd.f32 v2, v3  }
0x46a: {  	s8 =	sor.u32 s12, s25;
	v5 =	vld [tilespmem:s17+$0x0]  }
0x46b: {  	s1 =	sor.u32 s4, s20;
	[tilespmem:s6+$0x0] =	vst v2;
	v2 =	vld [tilespmem:s8+$0x0]  }
0x46c: {  	v8 =	vld [tilespmem:s1+$0x0];
	v0 =	vadd.f32 v1, v0  }
0x46d: {  	s6 =	sor.u32 $0x3080, s0  }
0x46e: {  	s9 =	sor.u32 $0x10080, s0;
	s18 =	sor.u32 s2, s6;
	[tilespmem:s15+$0x0] =	vst v0  }
0x46f: {  	s19 =	sor.u32 s2, s9;
	v0 =	vadd.f32 v5, v4;
	v6 =	vld [tilespmem:s18+$0x0]  }
0x470: {  	s11 =	sor.u32 $0x11000, s24;
	v1 =	vadd.f32 v2, v7;
	v2 =	vld [tilespmem:s19+$0x0]  }
0x471: {  	s22 =	sor.u32 s26, s11;
	s20 =	simm.s32 $0x80;
	v5 =	vadd.f32 v8, v3;
	s15 =	simm.s32 $0x40;
	[tilespmem:s17+$0x0] =	vst v0  }
0x472: {  	s10 =	sor.u32 s12, s16;
	s25 =	sand.u32 $0x700, s20;
	[tilespmem:s8+$0x0] =	vst v1;
	s21 =	sand.u32 $0x60, s15;
	v0 =	vld [tilespmem:s22+$0x0]  }
0x473: {  	s3 =	sor.u32 s4, s31;
	s30 =	sor.u32 $0x3000, s25;
	v1 =	vld [tilespmem:s10+$0x0];
	[tilespmem:s1+$0x0] =	vst v5;
	s23 =	sor.u32 $0x10, s21  }
0x474: {  	s31 =	sor.u32 $0x10000, s25;
	v5 =	vld [tilespmem:s3+$0x0];
	s17 =	sor.u32 s23, s30  }
0x475: {  	s18 =	sor.u32 s23, s31;
	v8 =	vld [tilespmem:s17+$0x0];
	v2 =	vadd.f32 v2, v6  }
0x476: {  	s15 =	sor.u32 $0x10880, s0;
	v9 =	vld [tilespmem:s18+$0x0]  }
0x477: {  	[tilespmem:s19+$0x0] =	vst v2;
	s19 =	sor.u32 s2, s15;
	v0 =	vadd.f32 v0, v4  }
0x478: {  	s16 =	sor.u32 $0x11800, s24;
	s1 =	sor.u32 s21, s30;
	v10 =	vld [tilespmem:s19+$0x0]  }
0x479: {  	s20 =	sor.u32 s26, s16;
	v1 =	vadd.f32 v1, v7;
	v2 =	vld [tilespmem:s1+$0x0];
	[tilespmem:s22+$0x0] =	vst v0  }
0x47a: {  	s8 =	sor.u32 s21, s31;
	v0 =	vadd.f32 v5, v3;
	v3 =	vld [tilespmem:s20+$0x0]  }
0x47b: {  	s11 =	sor.u32 s12, s11;
	[tilespmem:s10+$0x0] =	vst v1;
	v1 =	vld [tilespmem:s8+$0x0];
	v5 =	vadd.f32 v9, v8  }
0x47c: {  	s30 =	sor.u32 $0x10800, s25;
	s22 =	sor.u32 s4, s6;
	v9 =	vld [tilespmem:s11+$0x0];
	[tilespmem:s3+$0x0] =	vst v0  }
0x47d: {  	s31 =	sor.u32 s23, s30;
	[tilespmem:s18+$0x0] =	vst v5;
	v0 =	vld [tilespmem:s22+$0x0];
	v10 =	vadd.f32 v10, v6  }
0x47e: {  	s9 =	sor.u32 s4, s9;
	s1 =	sor.u32 $0x11080, s0;
	v5 =	vld [tilespmem:s31+$0x0]  }
0x47f: {  	s17 =	sor.u32 s2, s1;
	v11 =	vld [tilespmem:s9+$0x0];
	[tilespmem:s19+$0x0] =	vst v10;
	v3 =	vadd.f32 v3, v4  }
0x480: {  	s10 =	sor.u32 $0x3080, s24;
	v4 =	vld [tilespmem:s17+$0x0]  }
0x481: {  	s13 =	sor.u32 $0x10080, s24;
	v10 =	vadd.f32 v1, v2;
	[tilespmem:s20+$0x0] =	vst v3;
	s20 =	sor.u32 s26, s10  }
0x482: {  	s18 =	sor.u32 s26, s13;
	v3 =	vadd.f32 v9, v7;
	v1 =	vld [tilespmem:s20+$0x0]  }
0x483: {  	s19 =	sor.u32 s21, s30;
	[tilespmem:s8+$0x0] =	vst v10;
	v5 =	vadd.f32 v5, v8;
	v9 =	vld [tilespmem:s18+$0x0]  }
0x484: {  	s29 =	simm.s32 $0x60;
	s8 =	sor.u32 s12, s16;
	v10 =	vld [tilespmem:s19+$0x0];
	[tilespmem:s11+$0x0] =	vst v3;
	v3 =	vadd.f32 v11, v0;
	s11 =	sor.u32 $0x11000, s25  }
0x485: {  	s7 =	sor.u32 s4, s15;
	s22 =	simm.s32 $0xC0;
	[tilespmem:s31+$0x0] =	vst v5;
	v11 =	vld [tilespmem:s8+$0x0];
	s16 =	sor.u32 s23, s11;
	v4 =	vadd.f32 v4, v6  }
0x486: {  	s3 =	sor.u32 $0x11880, s0;
	s0 =	sand.u32 $0x60, s29;
	s6 =	sand.u32 $0x700, s22;
	[tilespmem:s9+$0x0] =	vst v3;
	v3 =	vld [tilespmem:s16+$0x0]  }
0x487: {  	s5 =	sor.u32 s2, s3;
	s30 =	sor.u32 $0x3000, s6;
	v12 =	vld [tilespmem:s7+$0x0];
	[tilespmem:s17+$0x0] =	vst v4;
	s17 =	sor.u32 $0x10, s0  }
0x488: {  	s31 =	sor.u32 $0x10000, s6;
	v5 =	vadd.f32 v9, v1;
	v13 =	vld [tilespmem:s5+$0x0];
	s20 =	sor.u32 s17, s30  }
0x489: {  	s15 =	sor.u32 s17, s31;
	v4 =	vld [tilespmem:s20+$0x0];
	s20 =	sor.u32 $0x10880, s24  }
0x48a: {  	v10 =	vadd.f32 v10, v2;
	v9 =	vld [tilespmem:s15+$0x0];
	[tilespmem:s18+$0x0] =	vst v5;
	s22 =	sor.u32 s26, s20  }
0x48b: {  	s2 =	sor.u32 s0, s30;
	v3 =	vadd.f32 v3, v8;
	v14 =	vld [tilespmem:s22+$0x0]  }
0x48c: {  	s9 =	sor.u32 s0, s31;
	s30 =	sor.u32 $0x11800, s25;
	v5 =	vld [tilespmem:s2+$0x0];
	v7 =	vadd.f32 v11, v7;
	[tilespmem:s19+$0x0] =	vst v10  }
0x48d: {  	v11 =	vld [tilespmem:s9+$0x0];
	[tilespmem:s16+$0x0] =	vst v3;
	s16 =	sor.u32 s23, s30  }
0x48e: {  	s31 =	sor.u32 s21, s11;
	s11 =	sor.u32 s12, s10;
	[tilespmem:s8+$0x0] =	vst v7;
	v10 =	vld [tilespmem:s16+$0x0]  }
0x48f: {  	v3 =	vld [tilespmem:s11+$0x0];
	v7 =	vadd.f32 v9, v4  }
0x490: {  	s19 =	sor.u32 $0x10800, s6;
	s8 =	sor.u32 s12, s13;
	v9 =	vld [tilespmem:s31+$0x0];
	v14 =	vadd.f32 v14, v1  }
0x491: {  	s28 =	sor.u32 s17, s19;
	v12 =	vadd.f32 v12, v0;
	v15 =	vld [tilespmem:s8+$0x0];
	s11 =	sor.u32 $0x11080, s24;
	[tilespmem:s15+$0x0] =	vst v7  }
0x492: {  	s2 =	sor.u32 s26, s11;
	v7 =	vadd.f32 v11, v5;
	v11 =	vld [tilespmem:s28+$0x0];
	[tilespmem:s22+$0x0] =	vst v14  }
0x493: {  	[tilespmem:s7+$0x0] =	vst v12;
	s22 =	sor.u32 s4, s1;
	v8 =	vadd.f32 v10, v8;
	v14 =	vld [tilespmem:s2+$0x0]  }
0x494: {  	v6 =	vadd.f32 v13, v6;
	s1 =	sor.u32 s0, s19;
	[tilespmem:s9+$0x0] =	vst v7;
	s9 =	sor.u32 $0x3080, s25;
	v7 =	vld [tilespmem:s22+$0x0]  }
0x495: {  	s15 =	sor.u32 $0x10080, s25;
	v9 =	vadd.f32 v9, v2;
	v10 =	vld [tilespmem:s1+$0x0];
	s18 =	sor.u32 s23, s9;
	[tilespmem:s16+$0x0] =	vst v8  }
0x496: {  	s10 =	sor.u32 s12, s20;
	s11 =	sor.u32 s12, s11;
	[tilespmem:s5+$0x0] =	vst v6;
	s13 =	sor.u32 s23, s15;
	v8 =	vadd.f32 v15, v3;
	v6 =	vld [tilespmem:s18+$0x0]  }
0x497: {  	s7 =	simm.s32 $0x100;
	s19 =	sor.u32 s4, s3;
	s16 =	sor.u32 s21, s30;
	[tilespmem:s31+$0x0] =	vst v9;
	v9 =	vld [tilespmem:s13+$0x0];
	v12 =	vadd.f32 v11, v4  }
0x498: {  	s4 =	sor.u32 s21, s15;
	s3 =	sor.u32 $0x11000, s6;
	s18 =	sor.u32 s21, s9;
	[tilespmem:s8+$0x0] =	vst v8;
	v11 =	vld [tilespmem:s16+$0x0];
	v8 =	vadd.f32 v14, v1  }
.LBB2_15:
0x499: {  	s29 =	sadd.s32 $0x20, s29;
	[tilespmem:s28+$0x0] =	vst v12;
	s5 =	sor.u32 s17, s3;
	v12 =	vld [tilespmem:s10+$0x0];
	s8 =	sor.u32 $0x11880, s24;
	v7 =	vadd.f32 v7, v0  }
0x49a: {  	s20 =	sand.u32 $0x700, s7;
	s15 =	sand.u32 $0x60, s29;
	v10 =	vadd.f32 v10, v5;
	v13 =	vld [tilespmem:s5+$0x0];
	[tilespmem:s2+$0x0] =	vst v8;
	s2 =	sor.u32 s26, s8  }
0x49b: {  	s3 =	sor.u32 s0, s3;
	s9 =	sor.u32 $0x3000, s20;
	s28 =	sor.u32 $0x10, s15;
	v8 =	vld [tilespmem:s2+$0x0];
	[tilespmem:s22+$0x0] =	vst v7  }
0x49c: {  	s24 =	sor.u32 $0x10000, s20;
	s22 =	sor.u32 s15, s9;
	s26 =	sor.u32 s28, s9;
	[tilespmem:s1+$0x0] =	vst v10;
	v7 =	vadd.f32 v9, v6;
	v9 =	vld [tilespmem:s19+$0x0]  }
0x49d: {  	s9 =	sor.u32 s15, s24;
	s30 =	sor.u32 s28, s24;
	s1 =	sor.u32 $0x10880, s25;
	v10 =	vld [tilespmem:s26+$0x0];
	v11 =	vadd.f32 v11, v2;
	v2 =	vmov v5  }
0x49e: {  	s31 =	sor.u32 s21, s1;
	v14 =	vld [tilespmem:s30+$0x0];
	[tilespmem:s13+$0x0] =	vst v7;
	s13 =	sor.u32 s23, s1;
	v7 =	vadd.f32 v12, v3;
	s1 =	sor.u32 s12, s8  }
0x49f: {  	p1 =	slt.u32 s29, $0x3E0;
	s12 =	smov.u32 s21;
	s21 =	smov.u32 s0;
	v12 =	vadd.f32 v13, v4;
	[tilespmem:s16+$0x0] =	vst v11;
	v11 =	vld [tilespmem:s13+$0x0]  }
0x4a0: {  	s24 =	smov.u32 s25;
	s8 =	sor.u32 $0x11800, s6;
	s0 =	smov.u32 s15;
	v5 =	vld [tilespmem:s22+$0x0];
	[tilespmem:s10+$0x0] =	vst v7;
	v7 =	vadd.f32 v8, v1;
	v1 =	vmov v6  }
0x4a1: {  	s25 =	smov.u32 s6;
	s16 =	sor.u32 s21, s8;
	v6 =	vld [tilespmem:s9+$0x0];
	[tilespmem:s5+$0x0] =	vst v12;
	s5 =	sor.u32 s17, s8;
	v8 =	vadd.f32 v9, v0;
	v0 =	vmov v3  }
0x4a2: {  	s26 =	smov.u32 s23;
	s6 =	smov.u32 s20;
	s23 =	smov.u32 s17;
	v9 =	vld [tilespmem:s5+$0x0];
	[tilespmem:s2+$0x0] =	vst v7  }
0x4a3: {  	s10 =	smov.u32 s31;
	s17 =	smov.u32 s28;
	v7 =	vadd.f32 v14, v10;
	v12 =	vld [tilespmem:s3+$0x0];
	[tilespmem:s19+$0x0] =	vst v8;
	s19 =	smov.u32 s1  }
0x4a4: {  	s22 =	smov.u32 s11;
	s2 =	sor.u32 $0x10800, s6;
	v3 =	vld [tilespmem:s18+$0x0];
	v8 =	vadd.f32 v11, v1  }
0x4a5: {  	s1 =	sor.u32 s0, s2;
	s28 =	sor.u32 s17, s2;
	s2 =	sor.u32 $0x11080, s24;
	[tilespmem:s30+$0x0] =	vst v7;
	v11 =	vld [tilespmem:s4+$0x0]  }
0x4a6: {  	s11 =	sor.u32 s12, s2;
	s2 =	sor.u32 s26, s2;
	v6 =	vadd.f32 v6, v5;
	v13 =	vld [tilespmem:s28+$0x0];
	[tilespmem:s13+$0x0] =	vst v8  }
0x4a7: {  	v8 =	vadd.f32 v9, v4;
	v14 =	vld [tilespmem:s2+$0x0];
	v4 =	vmov v10  }
.Ltmp6:
0x4a8: {  	s8 =	sor.u32 $0x3080, s25;
	[tilespmem:s9+$0x0] =	vst v6;
	v6 =	vadd.f32 v12, v2;
	v7 =	vld [tilespmem:s22+$0x0];
	(pc) =	sbr.rel @p1 .LBB2_15-.Ltmp6, $4  }
0x4a9: {  	s18 =	sor.u32 s21, s8;
	s9 =	sor.u32 $0x10080, s25;
	v10 =	vld [tilespmem:s1+$0x0];
	[tilespmem:s5+$0x0] =	vst v8;
	s5 =	sor.u32 s23, s8  }
0x4aa: {  	s8 =	sor.u32 s21, s9;
	s13 =	sor.u32 s23, s9;
	[tilespmem:s3+$0x0] =	vst v6;
	v6 =	vld [tilespmem:s5+$0x0];
	v8 =	vadd.f32 v11, v3  }
0x4ab: {  	v12 =	vadd.f32 v13, v4;
	v9 =	vld [tilespmem:s13+$0x0]  }
0x4ac: {  	s7 =	sadd.s32 $0x40, s7;
	s3 =	sor.u32 $0x11000, s6;
	v11 =	vld [tilespmem:s16+$0x0];
	[tilespmem:s4+$0x0] =	vst v8;
	v8 =	vadd.f32 v14, v1;
	s4 =	smov.u32 s8  }
0x4ad: {  	_ = 	snop  }
0x4ae: {  	[tilespmem:s28+$0x0] =	vst v12;
	s5 =	sor.u32 s17, s3;
	v10 =	vadd.f32 v10, v5  }
0x4af: {  	v12 =	vld [tilespmem:s5+$0x0]  }
0x4b0: {  	s20 =	sor.u32 s0, s3;
	[tilespmem:s1+$0x0] =	vst v10  }
0x4b1: {  	v10 =	vld [tilespmem:s20+$0x0];
	_ =	sdelay $0x2  }
0x4b2: {  	v12 =	vadd.f32 v12, v4  }
0x4b3: {  	s28 =	sor.u32 $0x11800, s6  }
0x4b4: {  	s29 =	sor.u32 s17, s28;
	[tilespmem:s5+$0x0] =	vst v12;
	v10 =	vadd.f32 v10, v5  }
0x4b5: {  	v12 =	vld [tilespmem:s29+$0x0]  }
0x4b6: {  	s1 =	sor.u32 s0, s28;
	[tilespmem:s20+$0x0] =	vst v10  }
0x4b7: {  	v10 =	vld [tilespmem:s1+$0x0]  }
0x4b8: {  	v2 =	vadd.f32 v11, v2;
	_ =	sdelay $0x1  }
0x4b9: {  	[tilespmem:s16+$0x0] =	vst v2;
	v2 =	vadd.f32 v12, v4  }
0x4ba: {  	s30 =	sor.u32 $0x3080, s6;
	v11 =	vld [tilespmem:s4+$0x0]  }
0x4bb: {  	s7 =	sor.u32 $0x10080, s6;
	s8 =	sor.u32 s17, s30;
	v4 =	vld [tilespmem:s18+$0x0];
	[tilespmem:s29+$0x0] =	vst v2;
	v2 =	vadd.f32 v10, v5  }
0x4bc: {  	s9 =	sor.u32 s17, s7;
	v5 =	vld [tilespmem:s8+$0x0]  }
0x4bd: {  	s3 =	sor.u32 s0, s30;
	v10 =	vld [tilespmem:s9+$0x0];
	[tilespmem:s1+$0x0] =	vst v2  }
0x4be: {  	s15 =	sor.u32 s0, s7;
	v2 =	vld [tilespmem:s3+$0x0]  }
0x4bf: {  	v12 =	vld [tilespmem:s15+$0x0]  }
0x4c0: {  	v9 =	vadd.f32 v9, v6  }
0x4c1: {  	s16 =	sor.u32 $0x10880, s25  }
0x4c2: {  	[tilespmem:s13+$0x0] =	vst v9;
	s18 =	sor.u32 s23, s16;
	v9 =	vadd.f32 v10, v5  }
0x4c3: {  	s8 =	sor.u32 $0x10880, s6;
	v11 =	vadd.f32 v11, v4;
	v10 =	vld [tilespmem:s18+$0x0]  }
0x4c4: {  	v13 =	vld [tilespmem:s10+$0x0];
	s20 =	sor.u32 s17, s8;
	[tilespmem:s9+$0x0] =	vst v9;
	v9 =	vadd.f32 v12, v2  }
0x4c5: {  	s3 =	sor.u32 s21, s16;
	[tilespmem:s4+$0x0] =	vst v11;
	v11 =	vld [tilespmem:s20+$0x0]  }
0x4c6: {  	s28 =	sor.u32 s0, s8;
	v12 =	vld [tilespmem:s3+$0x0];
	[tilespmem:s15+$0x0] =	vst v9  }
0x4c7: {  	v9 =	vld [tilespmem:s28+$0x0]  }
0x4c8: {  	v10 =	vadd.f32 v10, v6  }
0x4c9: {  	v13 =	vadd.f32 v13, v3;
	s29 =	sor.u32 $0x11080, s25  }
0x4ca: {  	s30 =	sor.u32 s23, s29;
	[tilespmem:s18+$0x0] =	vst v10;
	v10 =	vadd.f32 v11, v5  }
0x4cb: {  	[tilespmem:s10+$0x0] =	vst v13;
	s9 =	sor.u32 $0x11080, s6;
	v11 =	vld [tilespmem:s30+$0x0];
	v12 =	vadd.f32 v12, v4  }
0x4cc: {  	v13 =	vld [tilespmem:s11+$0x0];
	s10 =	sor.u32 s17, s9;
	[tilespmem:s20+$0x0] =	vst v10;
	v9 =	vadd.f32 v9, v2  }
0x4cd: {  	s1 =	sor.u32 s21, s29;
	[tilespmem:s3+$0x0] =	vst v12;
	v10 =	vld [tilespmem:s10+$0x0]  }
0x4ce: {  	s13 =	sor.u32 s0, s9;
	v12 =	vld [tilespmem:s1+$0x0];
	[tilespmem:s28+$0x0] =	vst v9  }
0x4cf: {  	v7 =	vadd.f32 v7, v0;
	s15 =	sor.u32 $0x11880, s24;
	v9 =	vld [tilespmem:s13+$0x0]  }
0x4d0: {  	[tilespmem:s2+$0x0] =	vst v8;
	s16 =	sor.u32 s26, s15;
	v8 =	vadd.f32 v11, v6  }
0x4d1: {  	[tilespmem:s22+$0x0] =	vst v7;
	v7 =	vadd.f32 v13, v3;
	s18 =	sor.u32 $0x11880, s25;
	v11 =	vld [tilespmem:s16+$0x0]  }
0x4d2: {  	v13 =	vld [tilespmem:s19+$0x0];
	s20 =	sor.u32 s23, s18;
	[tilespmem:s30+$0x0] =	vst v8;
	v8 =	vadd.f32 v10, v5  }
0x4d3: {  	s22 =	sor.u32 $0x11880, s6;
	[tilespmem:s11+$0x0] =	vst v7;
	s4 =	sor.u32 s12, s15;
	v10 =	vld [tilespmem:s20+$0x0];
	v7 =	vadd.f32 v12, v4  }
0x4d4: {  	s23 =	sor.u32 s17, s22;
	v12 =	vld [tilespmem:s4+$0x0];
	[tilespmem:s10+$0x0] =	vst v8;
	v8 =	vadd.f32 v9, v2  }
0x4d5: {  	s8 =	sor.u32 s21, s18;
	[tilespmem:s1+$0x0] =	vst v7;
	v9 =	vld [tilespmem:s23+$0x0]  }
0x4d6: {  	s24 =	sor.u32 s0, s22;
	v1 =	vadd.f32 v11, v1;
	v7 =	vld [tilespmem:s8+$0x0];
	[tilespmem:s13+$0x0] =	vst v8  }
0x4d7: {  	v0 =	vadd.f32 v13, v0;
	v8 =	vld [tilespmem:s24+$0x0]  }
0x4d8: {  	[tilespmem:s16+$0x0] =	vst v1;
	v1 =	vadd.f32 v10, v6  }
0x4d9: {  	[tilespmem:s19+$0x0] =	vst v0;
	v0 =	vadd.f32 v12, v3  }
0x4da: {  	[tilespmem:s20+$0x0] =	vst v1;
	v1 =	vadd.f32 v9, v5  }
0x4db: {  	[tilespmem:s4+$0x0] =	vst v0;
	v0 =	vadd.f32 v7, v4  }
0x4dc: {  	[tilespmem:s23+$0x0] =	vst v1;
	v1 =	vadd.f32 v8, v2  }
0x4dd: {  	[tilespmem:s8+$0x0] =	vst v0  }
0x4de: {  	[tilespmem:s24+$0x0] =	vst v1  }
0x4df: {  	s1 =	sld [smem:$0x7F7];
	_ =	sdelay $0x1  }
0x4e0: {  	s31 =	simm.s32 $0x100;
	s25 =	rddreg [dreg:$0x2]  }
0x4e1: {  	s26 =	simm.s32 $0x400;
	s28 =	simm.s32 $0x10000;
	s0 =	sadd.s32 s25, s1  }
0x4e2: {  	[hbm4b:s0+s31] =	stream.strided.scatter [tilespmem:s28], [sflag:$0xF], $0x800, s26, s31, $0x38;
	[tilespmem:$0x14000] =	vst v63  }
0x4e3: {  	s30 =	simm.s32 $0x10800;
	s29 =	sadd.s32 $0x80000, s0  }
0x4e4: {  	[hbm4b:s29+s31] =	stream.strided.scatter [tilespmem:s30], [sflag:$0xF], $0x800, s26, s31, $0x38;
	[tilespmem:$0x14000] =	vst v63  }
0x4e5: {  	s4 =	simm.s32 $0x11000;
	s3 =	sadd.s32 $0x100000, s0  }
0x4e6: {  	[hbm4b:s3+s31] =	stream.strided.scatter [tilespmem:s4], [sflag:$0xF], $0x800, s26, s31, $0x38;
	[tilespmem:$0x14000] =	vst v63  }
0x4e7: {  	s5 =	simm.s32 $0x11800;
	s6 =	simm.s32 $0xC;
	s0 =	sadd.s32 $0x180000, s0  }
0x4e8: {  	[hbm4b:s0+s31] =	stream.strided.scatter [tilespmem:s5], [sflag:$0xF], $0x800, s26, s31, $0x38;
	[tilespmem:$0x14000] =	vst v63  }
0x4e9: {  	_ =	swait.ge [sflag:s6], $0x2000  }
0x4ea: {  	[sflag:s6] =	ssyncset.done $0x0  }
0x4eb: {  	[sflag:s6] =	ssyncadd.s32 $0xFFFFE000  }
0x4ec: {  	s2 =	simm.s32 @!p0 $0x100;
	s0 =	sor.u32 @!p0 $0x60, s14;
	s1 =	rddreg [dreg:$0x1]  }
0x4ed: {  	s3 =	simm.s32 @!p0 $0x400;
	s4 =	simm.s32 @!p0 $0x1800;
	s1 =	sadd.s32 @!p0 s1, s0  }
0x4ee: {  	[tilespmem:s4], [sflag:$0x4] =	stream.strided.gather @!p0 [hbm4b:s1+s2], $0x800, s3, s2, $0x38;
	[tilespmem:$0x14000] =	vst v63  }
0x4ef: {  	s1 =	rddreg [dreg:$0x0]  }
0x4f0: {  	s0 =	sadd.s32 @!p0 s1, s0;
	s1 =	simm.s32 @!p0 $0xA000  }
0x4f1: {  	[tilespmem:s1], [sflag:$0x4] =	stream.strided.gather @!p0 [hbm4b:s0+s2], $0x800, s3, s2, $0x38;
	[tilespmem:$0x14000] =	vst v63  }
0x4f2: {  	s4 =	simm.s32 @!p0 $0xA800;
	s1 =	sadd.s32 @!p0 $0x80000, s0  }
0x4f3: {  	[tilespmem:s4], [sflag:$0x4] =	stream.strided.gather @!p0 [hbm4b:s1+s2], $0x800, s3, s2, $0x38;
	[tilespmem:$0x14000] =	vst v63  }
0x4f4: {  	s1 =	sadd.s32 @!p0 $0x100000, s0;
	s4 =	simm.s32 @!p0 $0xB000  }
0x4f5: {  	[tilespmem:s4], [sflag:$0x4] =	stream.strided.gather @!p0 [hbm4b:s1+s2], $0x800, s3, s2, $0x38;
	[tilespmem:$0x14000] =	vst v63  }
0x4f6: {  	s7 =	simm.s32 $0x8;
	s0 =	sadd.s32 @!p0 $0x180000, s0;
	s1 =	simm.s32 @!p0 $0xB800  }
0x4f7: {  	[tilespmem:s1], [sflag:$0x4] =	stream.strided.gather @!p0 [hbm4b:s0+s2], $0x800, s3, s2, $0x38;
	[tilespmem:$0x14000] =	vst v63  }
0x4f8: {  	_ =	swait.ge [sflag:s7], $0x800  }
0x4f9: {  	[sflag:s7] =	ssyncset.done $0x0  }
0x4fa: {  	s9 =	simm.s32 $0x0;
	s8 =	simm.s32 $0x0;
	[sflag:s7] =	ssyncadd.s32 $0xFFFFF800  }
0x4fb: {  	s4 =	sand.u32 $0x60, s9;
	s0 =	sand.u32 $0x700, s8;
	_ =	swait.ge [sflag:s7], $0x2000  }
0x4fc: {  	s2 =	sor.u32 $0x10, s4;
	s10 =	sor.u32 $0x3800, s0;
	[sflag:s7] =	ssyncset.done $0x0  }
0x4fd: {  	s11 =	sor.u32 $0x12000, s0;
	s12 =	sor.u32 s2, s10;
	[sflag:s7] =	ssyncadd.s32 $0xFFFFE000  }
0x4fe: {  	s13 =	sor.u32 s2, s11;
	v0 =	vld [tilespmem:s12+$0x0]  }
0x4ff: {  	v1 =	vld [tilespmem:s13+$0x0];
	_ =	sdelay $0x4  }
0x500: {  	v1 =	vadd.f32 v1, v0  }
0x501: {  	s14 =	sor.u32 $0x12800, s0  }
0x502: {  	s15 =	sor.u32 s2, s14;
	[tilespmem:s13+$0x0] =	vst v1  }
0x503: {  	v1 =	vld [tilespmem:s15+$0x0];
	_ =	sdelay $0x1  }
0x504: {  	s1 =	sor.u32 s4, s10  }
0x505: {  	s3 =	sor.u32 s4, s11;
	v3 =	vld [tilespmem:s1+$0x0]  }
0x506: {  	v2 =	vld [tilespmem:s3+$0x0]  }
0x507: {  	s17 =	simm.s32 $0x40;
	s18 =	simm.s32 $0x20;
	v1 =	vadd.f32 v1, v0  }
0x508: {  	s21 =	sand.u32 $0x700, s17;
	s9 =	sand.u32 $0x60, s18;
	s16 =	sor.u32 $0x13000, s0  }
0x509: {  	s20 =	sor.u32 $0x12000, s21;
	s24 =	sor.u32 $0x10, s9;
	s19 =	sor.u32 s2, s16;
	[tilespmem:s15+$0x0] =	vst v1  }
0x50a: {  	s23 =	sor.u32 s24, s20;
	s7 =	sor.u32 $0x3800, s21;
	v1 =	vld [tilespmem:s19+$0x0]  }
0x50b: {  	s22 =	sor.u32 s24, s7;
	v5 =	vld [tilespmem:s23+$0x0];
	v2 =	vadd.f32 v2, v3  }
0x50c: {  	v4 =	vld [tilespmem:s22+$0x0]  }
0x50d: {  	s6 =	sor.u32 s4, s14;
	[tilespmem:s3+$0x0] =	vst v2  }
0x50e: {  	v2 =	vld [tilespmem:s6+$0x0]  }
0x50f: {  	v1 =	vadd.f32 v1, v0  }
0x510: {  	s25 =	sor.u32 $0x13800, s0  }
0x511: {  	s28 =	sor.u32 s2, s25;
	v5 =	vadd.f32 v5, v4;
	[tilespmem:s19+$0x0] =	vst v1  }
0x512: {  	s29 =	sor.u32 $0x12800, s21;
	s7 =	sor.u32 s9, s7;
	v1 =	vld [tilespmem:s28+$0x0]  }
0x513: {  	s30 =	sor.u32 s24, s29;
	v7 =	vld [tilespmem:s7+$0x0];
	[tilespmem:s23+$0x0] =	vst v5;
	v2 =	vadd.f32 v2, v3  }
0x514: {  	s8 =	sor.u32 s9, s20;
	v5 =	vld [tilespmem:s30+$0x0]  }
0x515: {  	s1 =	sor.u32 s4, s16;
	[tilespmem:s6+$0x0] =	vst v2;
	v2 =	vld [tilespmem:s8+$0x0]  }
0x516: {  	v8 =	vld [tilespmem:s1+$0x0]  }
0x517: {  	v0 =	vadd.f32 v1, v0  }
0x518: {  	s6 =	sor.u32 $0x3880, s0  }
0x519: {  	s10 =	sor.u32 $0x12080, s0;
	s12 =	sor.u32 s2, s6;
	[tilespmem:s28+$0x0] =	vst v0;
	v0 =	vadd.f32 v5, v4  }
0x51a: {  	s26 =	sor.u32 $0x13000, s21;
	s13 =	sor.u32 s2, s10;
	v1 =	vadd.f32 v2, v7;
	v6 =	vld [tilespmem:s12+$0x0]  }
0x51b: {  	s17 =	simm.s32 $0x40;
	s18 =	sor.u32 s24, s26;
	s16 =	simm.s32 $0x80;
	v5 =	vadd.f32 v8, v3;
	v2 =	vld [tilespmem:s13+$0x0];
	[tilespmem:s30+$0x0] =	vst v0  }
0x51c: {  	s11 =	sor.u32 s9, s29;
	s23 =	sand.u32 $0x700, s16;
	[tilespmem:s8+$0x0] =	vst v1;
	s12 =	sand.u32 $0x60, s17;
	v0 =	vld [tilespmem:s18+$0x0]  }
0x51d: {  	s3 =	sor.u32 s4, s25;
	s19 =	sor.u32 $0x3800, s23;
	v1 =	vld [tilespmem:s11+$0x0];
	[tilespmem:s1+$0x0] =	vst v5;
	s14 =	sor.u32 $0x10, s12  }
0x51e: {  	s20 =	sor.u32 $0x12000, s23;
	v5 =	vld [tilespmem:s3+$0x0];
	s15 =	sor.u32 s14, s19  }
0x51f: {  	s22 =	sor.u32 s14, s20;
	v8 =	vld [tilespmem:s15+$0x0]  }
0x520: {  	v9 =	vld [tilespmem:s22+$0x0];
	v2 =	vadd.f32 v2, v6  }
0x521: {  	s25 =	sor.u32 $0x12880, s0;
	s1 =	sor.u32 s12, s19;
	v0 =	vadd.f32 v0, v4  }
0x522: {  	s29 =	sor.u32 $0x13800, s21;
	s28 =	sor.u32 s2, s25;
	[tilespmem:s13+$0x0] =	vst v2;
	v2 =	vld [tilespmem:s1+$0x0]  }
0x523: {  	s30 =	sor.u32 s24, s29;
	v1 =	vadd.f32 v1, v7;
	v10 =	vld [tilespmem:s28+$0x0];
	[tilespmem:s18+$0x0] =	vst v0  }
0x524: {  	s8 =	sor.u32 s12, s20;
	v0 =	vadd.f32 v5, v3;
	v3 =	vld [tilespmem:s30+$0x0]  }
0x525: {  	s13 =	sor.u32 s9, s26;
	[tilespmem:s11+$0x0] =	vst v1;
	v1 =	vld [tilespmem:s8+$0x0];
	v5 =	vadd.f32 v9, v8  }
0x526: {  	s19 =	sor.u32 $0x12800, s23;
	s18 =	sor.u32 s4, s6;
	v9 =	vld [tilespmem:s13+$0x0];
	[tilespmem:s3+$0x0] =	vst v0  }
0x527: {  	s20 =	sor.u32 s14, s19;
	[tilespmem:s22+$0x0] =	vst v5;
	v0 =	vld [tilespmem:s18+$0x0]  }
0x528: {  	s10 =	sor.u32 s4, s10;
	v5 =	vld [tilespmem:s20+$0x0];
	v10 =	vadd.f32 v10, v6  }
0x529: {  	s1 =	sor.u32 $0x13080, s0;
	v11 =	vld [tilespmem:s10+$0x0];
	v3 =	vadd.f32 v3, v4  }
0x52a: {  	s11 =	sor.u32 $0x3880, s21;
	s22 =	sor.u32 s2, s1;
	[tilespmem:s28+$0x0] =	vst v10  }
0x52b: {  	s15 =	sor.u32 $0x12080, s21;
	s26 =	sor.u32 s24, s11;
	v10 =	vadd.f32 v1, v2;
	v4 =	vld [tilespmem:s22+$0x0];
	[tilespmem:s30+$0x0] =	vst v3  }
0x52c: {  	s7 =	sor.u32 s4, s25;
	s18 =	sor.u32 s24, s15;
	v3 =	vadd.f32 v9, v7;
	v1 =	vld [tilespmem:s26+$0x0]  }
0x52d: {  	s25 =	simm.s32 $0x60;
	s19 =	sor.u32 s12, s19;
	s3 =	sor.u32 $0x13880, s0;
	[tilespmem:s8+$0x0] =	vst v10;
	v5 =	vadd.f32 v5, v8;
	v9 =	vld [tilespmem:s18+$0x0]  }
0x52e: {  	s28 =	simm.s32 $0xC0;
	s8 =	sor.u32 s9, s29;
	v10 =	vld [tilespmem:s19+$0x0];
	[tilespmem:s13+$0x0] =	vst v3;
	v3 =	vadd.f32 v11, v0;
	s13 =	sor.u32 $0x13000, s23  }
0x52f: {  	s0 =	sand.u32 $0x60, s25;
	s6 =	sand.u32 $0x700, s28;
	[tilespmem:s20+$0x0] =	vst v5;
	v11 =	vld [tilespmem:s8+$0x0];
	s20 =	sor.u32 s14, s13  }
0x530: {  	s17 =	sor.u32 $0x10, s0;
	s30 =	sor.u32 $0x12000, s6;
	v4 =	vadd.f32 v4, v6;
	[tilespmem:s10+$0x0] =	vst v3;
	v3 =	vld [tilespmem:s20+$0x0]  }
0x531: {  	s26 =	sor.u32 s17, s30;
	v12 =	vld [tilespmem:s7+$0x0]  }
0x532: {  	s5 =	sor.u32 s2, s3;
	s29 =	sor.u32 $0x3800, s6;
	[tilespmem:s22+$0x0] =	vst v4;
	v5 =	vadd.f32 v9, v1;
	v9 =	vld [tilespmem:s26+$0x0]  }
0x533: {  	s28 =	sor.u32 $0x12880, s21;
	s22 =	sor.u32 s17, s29;
	v13 =	vld [tilespmem:s5+$0x0]  }
0x534: {  	v10 =	vadd.f32 v10, v2;
	v4 =	vld [tilespmem:s22+$0x0];
	s22 =	sor.u32 s24, s28;
	[tilespmem:s18+$0x0] =	vst v5  }
0x535: {  	s2 =	sor.u32 s0, s29;
	v3 =	vadd.f32 v3, v8;
	v14 =	vld [tilespmem:s22+$0x0]  }
0x536: {  	s10 =	sor.u32 s0, s30;
	s29 =	sor.u32 $0x13800, s23;
	v5 =	vld [tilespmem:s2+$0x0];
	v7 =	vadd.f32 v11, v7;
	[tilespmem:s19+$0x0] =	vst v10  }
0x537: {  	v11 =	vld [tilespmem:s10+$0x0];
	[tilespmem:s20+$0x0] =	vst v3;
	s20 =	sor.u32 s14, s29  }
0x538: {  	s11 =	sor.u32 s9, s11;
	[tilespmem:s8+$0x0] =	vst v7;
	v10 =	vld [tilespmem:s20+$0x0]  }
0x539: {  	s30 =	sor.u32 s12, s13;
	v3 =	vld [tilespmem:s11+$0x0];
	v7 =	vadd.f32 v9, v4  }
0x53a: {  	s13 =	sor.u32 $0x12800, s6;
	s8 =	sor.u32 s9, s15;
	v9 =	vld [tilespmem:s30+$0x0];
	v14 =	vadd.f32 v14, v1  }
0x53b: {  	v12 =	vadd.f32 v12, v0;
	s15 =	sor.u32 $0x13080, s21;
	v15 =	vld [tilespmem:s8+$0x0];
	[tilespmem:s26+$0x0] =	vst v7;
	s26 =	sor.u32 s17, s13  }
0x53c: {  	s2 =	sor.u32 s24, s15;
	v7 =	vadd.f32 v11, v5;
	v11 =	vld [tilespmem:s26+$0x0];
	[tilespmem:s22+$0x0] =	vst v14  }
0x53d: {  	[tilespmem:s7+$0x0] =	vst v12;
	s22 =	sor.u32 s4, s1;
	v8 =	vadd.f32 v10, v8;
	v14 =	vld [tilespmem:s2+$0x0]  }
0x53e: {  	s18 =	sor.u32 $0x3880, s23;
	v6 =	vadd.f32 v13, v6;
	s1 =	sor.u32 s0, s13;
	[tilespmem:s10+$0x0] =	vst v7;
	v7 =	vld [tilespmem:s22+$0x0]  }
0x53f: {  	s10 =	sor.u32 $0x12080, s23;
	v9 =	vadd.f32 v9, v2;
	v10 =	vld [tilespmem:s1+$0x0];
	[tilespmem:s20+$0x0] =	vst v8;
	s20 =	sor.u32 s14, s18  }
0x540: {  	s16 =	sor.u32 s12, s29;
	s19 =	sor.u32 s4, s3;
	[tilespmem:s5+$0x0] =	vst v6;
	s13 =	sor.u32 s14, s10;
	v8 =	vadd.f32 v15, v3;
	v6 =	vld [tilespmem:s20+$0x0]  }
0x541: {  	s3 =	sor.u32 $0x13000, s6;
	s11 =	sor.u32 s9, s15;
	s7 =	simm.s32 $0x100;
	[tilespmem:s30+$0x0] =	vst v9;
	v9 =	vld [tilespmem:s13+$0x0];
	v12 =	vadd.f32 v11, v4  }
0x542: {  	s4 =	sor.u32 s9, s28;
	s10 =	sor.u32 s12, s10;
	s18 =	sor.u32 s12, s18;
	v11 =	vld [tilespmem:s16+$0x0];
	[tilespmem:s8+$0x0] =	vst v8;
	v8 =	vadd.f32 v14, v1  }
.LBB2_17:
0x543: {  	s25 =	sadd.s32 $0x20, s25;
	[tilespmem:s26+$0x0] =	vst v12;
	s5 =	sor.u32 s17, s3;
	v12 =	vld [tilespmem:s4+$0x0];
	s8 =	sor.u32 $0x13880, s21;
	v7 =	vadd.f32 v7, v0  }
0x544: {  	s20 =	sand.u32 $0x700, s7;
	s15 =	sand.u32 $0x60, s25;
	v10 =	vadd.f32 v10, v5;
	v13 =	vld [tilespmem:s5+$0x0];
	[tilespmem:s2+$0x0] =	vst v8;
	s2 =	sor.u32 s24, s8  }
0x545: {  	s3 =	sor.u32 s0, s3;
	s21 =	sor.u32 $0x3800, s20;
	s26 =	sor.u32 $0x10, s15;
	v8 =	vld [tilespmem:s2+$0x0];
	[tilespmem:s22+$0x0] =	vst v7  }
0x546: {  	s24 =	sor.u32 $0x12000, s20;
	s22 =	sor.u32 s15, s21;
	s21 =	sor.u32 s26, s21;
	[tilespmem:s1+$0x0] =	vst v10;
	v7 =	vadd.f32 v9, v6;
	v9 =	vld [tilespmem:s19+$0x0]  }
0x547: {  	s28 =	sor.u32 s15, s24;
	s29 =	sor.u32 s26, s24;
	s1 =	sor.u32 $0x12880, s23;
	v10 =	vld [tilespmem:s21+$0x0];
	v11 =	vadd.f32 v11, v2;
	v2 =	vmov v5  }
0x548: {  	s30 =	sor.u32 s12, s1;
	v14 =	vld [tilespmem:s29+$0x0];
	[tilespmem:s13+$0x0] =	vst v7;
	s13 =	sor.u32 s14, s1;
	v7 =	vadd.f32 v12, v3;
	s1 =	sor.u32 s9, s8  }
0x549: {  	p0 =	slt.u32 s25, $0x3E0;
	s9 =	smov.u32 s12;
	s12 =	smov.u32 s0;
	v12 =	vadd.f32 v13, v4;
	[tilespmem:s16+$0x0] =	vst v11;
	v11 =	vld [tilespmem:s13+$0x0]  }
0x54a: {  	s21 =	smov.u32 s23;
	s8 =	sor.u32 $0x13800, s6;
	s0 =	smov.u32 s15;
	v5 =	vld [tilespmem:s22+$0x0];
	[tilespmem:s4+$0x0] =	vst v7;
	v7 =	vadd.f32 v8, v1;
	v1 =	vmov v6  }
0x54b: {  	s23 =	smov.u32 s6;
	s16 =	sor.u32 s12, s8;
	v6 =	vld [tilespmem:s28+$0x0];
	[tilespmem:s5+$0x0] =	vst v12;
	s5 =	sor.u32 s17, s8;
	v8 =	vadd.f32 v9, v0;
	v0 =	vmov v3  }
0x54c: {  	s24 =	smov.u32 s14;
	s6 =	smov.u32 s20;
	s14 =	smov.u32 s17;
	v9 =	vld [tilespmem:s5+$0x0];
	[tilespmem:s2+$0x0] =	vst v7  }
0x54d: {  	s4 =	smov.u32 s30;
	s17 =	smov.u32 s26;
	v7 =	vadd.f32 v14, v10;
	v12 =	vld [tilespmem:s3+$0x0];
	[tilespmem:s19+$0x0] =	vst v8;
	s19 =	smov.u32 s1  }
0x54e: {  	s22 =	smov.u32 s11;
	s2 =	sor.u32 $0x12800, s6;
	v3 =	vld [tilespmem:s18+$0x0];
	v8 =	vadd.f32 v11, v1  }
0x54f: {  	s1 =	sor.u32 s0, s2;
	s26 =	sor.u32 s17, s2;
	s2 =	sor.u32 $0x13080, s21;
	[tilespmem:s29+$0x0] =	vst v7;
	v11 =	vld [tilespmem:s10+$0x0]  }
0x550: {  	s11 =	sor.u32 s9, s2;
	s2 =	sor.u32 s24, s2;
	v6 =	vadd.f32 v6, v5;
	v13 =	vld [tilespmem:s26+$0x0];
	[tilespmem:s13+$0x0] =	vst v8  }
0x551: {  	v8 =	vadd.f32 v9, v4;
	v14 =	vld [tilespmem:s2+$0x0];
	v4 =	vmov v10  }
.Ltmp7:
0x552: {  	s8 =	sor.u32 $0x3880, s23;
	[tilespmem:s28+$0x0] =	vst v6;
	v6 =	vadd.f32 v12, v2;
	v7 =	vld [tilespmem:s22+$0x0];
	(pc) =	sbr.rel @p0 .LBB2_17-.Ltmp7, $4  }
0x553: {  	s18 =	sor.u32 s12, s8;
	s13 =	sor.u32 $0x12080, s23;
	v10 =	vld [tilespmem:s1+$0x0];
	[tilespmem:s5+$0x0] =	vst v8;
	s5 =	sor.u32 s14, s8  }
0x554: {  	s8 =	sor.u32 s12, s13;
	s13 =	sor.u32 s14, s13;
	[tilespmem:s3+$0x0] =	vst v6;
	v6 =	vld [tilespmem:s5+$0x0];
	v8 =	vadd.f32 v11, v3  }
0x555: {  	v12 =	vadd.f32 v13, v4;
	v9 =	vld [tilespmem:s13+$0x0]  }
0x556: {  	s7 =	sadd.s32 $0x40, s7;
	s3 =	sor.u32 $0x13000, s6;
	v11 =	vld [tilespmem:s16+$0x0];
	[tilespmem:s10+$0x0] =	vst v8;
	v8 =	vadd.f32 v14, v1;
	s10 =	smov.u32 s8  }
0x557: {  	_ = 	snop  }
0x558: {  	[tilespmem:s26+$0x0] =	vst v12;
	s5 =	sor.u32 s17, s3;
	v10 =	vadd.f32 v10, v5  }
0x559: {  	v12 =	vld [tilespmem:s5+$0x0]  }
0x55a: {  	s26 =	sor.u32 s0, s3;
	[tilespmem:s1+$0x0] =	vst v10  }
0x55b: {  	v10 =	vld [tilespmem:s26+$0x0];
	_ =	sdelay $0x2  }
0x55c: {  	v12 =	vadd.f32 v12, v4  }
0x55d: {  	s28 =	sor.u32 $0x13800, s6  }
0x55e: {  	s29 =	sor.u32 s17, s28;
	[tilespmem:s5+$0x0] =	vst v12;
	v10 =	vadd.f32 v10, v5  }
0x55f: {  	v12 =	vld [tilespmem:s29+$0x0]  }
0x560: {  	s1 =	sor.u32 s0, s28;
	[tilespmem:s26+$0x0] =	vst v10  }
0x561: {  	v10 =	vld [tilespmem:s1+$0x0]  }
0x562: {  	v2 =	vadd.f32 v11, v2;
	_ =	sdelay $0x1  }
0x563: {  	[tilespmem:s16+$0x0] =	vst v2;
	v33 =	vadd.f32 v12, v4  }
0x564: {  	s30 =	sor.u32 $0x3880, s6;
	v34 =	vld [tilespmem:s18+$0x0]  }
0x565: {  	s7 =	sor.u32 $0x12080, s6;
	s8 =	sor.u32 s17, s30;
	v35 =	vld [tilespmem:s10+$0x0];
	[tilespmem:s29+$0x0] =	vst v33;
	v36 =	vadd.f32 v10, v5  }
0x566: {  	s15 =	sor.u32 s17, s7;
	v37 =	vld [tilespmem:s8+$0x0]  }
0x567: {  	s3 =	sor.u32 s0, s30;
	v38 =	vld [tilespmem:s15+$0x0];
	[tilespmem:s1+$0x0] =	vst v36  }
0x568: {  	s16 =	sor.u32 s0, s7;
	v2 =	vld [tilespmem:s3+$0x0]  }
0x569: {  	v39 =	vld [tilespmem:s16+$0x0];
	_ =	sdelay $0x1  }
0x56a: {  	v9 =	vadd.f32 v9, v6  }
0x56b: {  	v13 =	vld [tilespmem:s4+$0x0];
	s18 =	sor.u32 $0x12880, s23;
	v11 =	vadd.f32 v35, v34  }
0x56c: {  	[tilespmem:s13+$0x0] =	vst v9;
	s20 =	sor.u32 s14, s18;
	v40 =	vadd.f32 v38, v37  }
0x56d: {  	v41 =	vld [tilespmem:s20+$0x0];
	[tilespmem:s10+$0x0] =	vst v11;
	s8 =	sor.u32 $0x12880, s6;
	s3 =	sor.u32 s12, s18;
	v42 =	vadd.f32 v39, v2  }
0x56e: {  	s25 =	sor.u32 s17, s8;
	v44 =	vld [tilespmem:s3+$0x0];
	[tilespmem:s15+$0x0] =	vst v40  }
0x56f: {  	s8 =	sor.u32 s0, s8;
	v43 =	vld [tilespmem:s25+$0x0];
	[tilespmem:s16+$0x0] =	vst v42  }
0x570: {  	v13 =	vadd.f32 v13, v3;
	v9 =	vld [tilespmem:s8+$0x0];
	_ =	sdelay $0x1  }
0x571: {  	[tilespmem:s4+$0x0] =	vst v13;
	v10 =	vadd.f32 v41, v6  }
0x572: {  	v13 =	vld [tilespmem:s11+$0x0];
	s26 =	sor.u32 $0x13080, s23;
	v12 =	vadd.f32 v44, v34  }
0x573: {  	s28 =	sor.u32 s14, s26;
	[tilespmem:s20+$0x0] =	vst v10;
	v45 =	vadd.f32 v43, v37  }
0x574: {  	s29 =	sor.u32 $0x13080, s6;
	s1 =	sor.u32 s12, s26;
	v46 =	vld [tilespmem:s28+$0x0];
	[tilespmem:s3+$0x0] =	vst v12;
	v9 =	vadd.f32 v9, v2  }
0x575: {  	s30 =	sor.u32 s17, s29;
	v47 =	vld [tilespmem:s1+$0x0];
	[tilespmem:s25+$0x0] =	vst v45  }
0x576: {  	v7 =	vadd.f32 v7, v0;
	s10 =	sor.u32 s0, s29;
	v10 =	vld [tilespmem:s30+$0x0];
	[tilespmem:s8+$0x0] =	vst v9  }
0x577: {  	v51 =	vadd.f32 v13, v3;
	v48 =	vld [tilespmem:s10+$0x0]  }
0x578: {  	[tilespmem:s22+$0x0] =	vst v7;
	s13 =	sor.u32 $0x13880, s21  }
0x579: {  	v52 =	vld [tilespmem:s19+$0x0];
	s4 =	sor.u32 s9, s13;
	[tilespmem:s11+$0x0] =	vst v51;
	v49 =	vadd.f32 v46, v6  }
0x57a: {  	[tilespmem:s2+$0x0] =	vst v8;
	v54 =	vld [tilespmem:s4+$0x0];
	s15 =	sor.u32 s24, s13;
	s16 =	sor.u32 $0x13880, s23;
	v9 =	vadd.f32 v47, v34  }
0x57b: {  	v50 =	vld [tilespmem:s15+$0x0];
	[tilespmem:s28+$0x0] =	vst v49;
	s18 =	sor.u32 s14, s16;
	v10 =	vadd.f32 v10, v37  }
0x57c: {  	s20 =	sor.u32 $0x13880, s6;
	v53 =	vld [tilespmem:s18+$0x0];
	s8 =	sor.u32 s12, s16;
	[tilespmem:s1+$0x0] =	vst v9;
	v12 =	vadd.f32 v48, v2  }
0x57d: {  	s21 =	sor.u32 s17, s20;
	v56 =	vld [tilespmem:s8+$0x0];
	[tilespmem:s30+$0x0] =	vst v10  }
0x57e: {  	v57 =	vadd.f32 v52, v0;
	s22 =	sor.u32 s0, s20;
	v55 =	vld [tilespmem:s21+$0x0];
	[tilespmem:s10+$0x0] =	vst v12  }
0x57f: {  	v60 =	vadd.f32 v54, v3;
	v58 =	vld [tilespmem:s22+$0x0]  }
0x580: {  	[tilespmem:s19+$0x0] =	vst v57;
	v1 =	vadd.f32 v50, v1  }
0x581: {  	[tilespmem:s4+$0x0] =	vst v60;
	v59 =	vadd.f32 v53, v6  }
0x582: {  	[tilespmem:s15+$0x0] =	vst v1;
	v62 =	vadd.f32 v56, v34  }
0x583: {  	[tilespmem:s18+$0x0] =	vst v59;
	v61 =	vadd.f32 v55, v37  }
0x584: {  	[tilespmem:s8+$0x0] =	vst v62;
	v63 =	vadd.f32 v58, v2  }
0x585: {  	[tilespmem:s21+$0x0] =	vst v61  }
0x586: {  	[tilespmem:s22+$0x0] =	vst v63  }
0x587: {  	s1 =	sld [smem:$0x7F6];
	_ =	sdelay $0x1  }
0x588: {  	s23 =	rddreg [dreg:$0x2]  }
0x589: {  	s2 =	simm.s32 $0x400;
	s24 =	simm.s32 $0x12000;
	s0 =	sadd.s32 s23, s1  }
0x58a: {  	[hbm4b:s0+s31] =	stream.strided.scatter [tilespmem:s24], [sflag:$0x10], $0x800, s2, s31, $0x38;
	[tilespmem:$0x14000] =	vst v63  }
0x58b: {  	s26 =	simm.s32 $0x12800;
	s25 =	sadd.s32 $0x80000, s0  }
0x58c: {  	[hbm4b:s25+s31] =	stream.strided.scatter [tilespmem:s26], [sflag:$0x10], $0x800, s2, s31, $0x38;
	[tilespmem:$0x14000] =	vst v63  }
0x58d: {  	s29 =	simm.s32 $0x13000;
	s28 =	sadd.s32 $0x100000, s0  }
0x58e: {  	[hbm4b:s28+s31] =	stream.strided.scatter [tilespmem:s29], [sflag:$0x10], $0x800, s2, s31, $0x38;
	[tilespmem:$0x14000] =	vst v63  }
0x58f: {  	s30 =	simm.s32 $0x13800;
	s0 =	sadd.s32 $0x180000, s0  }
0x590: {  	[hbm4b:s0+s31] =	stream.strided.scatter [tilespmem:s30], [sflag:$0x10], $0x800, s2, s31, $0x38;
	[tilespmem:$0x14000] =	vst v63  }
0x591: {  	s0 =	sld [smem:$0x7F5];
	_ =	sdelay $0x2  }
0x592: {  	p0 =	sne.s32 s0, $0x8  }
.Ltmp8:
0x593: {  	_ = 	snop;
	(pc) =	sbr.rel @p0 .LBB2_2-.Ltmp8, $1  }
0x594: {  	_ =	sdelay $0x3  }
0x595: {  	s0 =	simm.s32 $0xD  }
0x596: {  	_ =	swait.ge [sflag:s0], $0x2000  }
0x597: {  	[sflag:s0] =	ssyncset.done $0x0  }
0x598: {  	s28 =	simm.s32 $0xE;
	[sflag:s0] =	ssyncadd.s32 $0xFFFFE000  }
0x599: {  	_ =	swait.ge [sflag:s28], $0x2000  }
0x59a: {  	[sflag:s28] =	ssyncset.done $0x0  }
0x59b: {  	s29 =	simm.s32 $0xF;
	[sflag:s28] =	ssyncadd.s32 $0xFFFFE000  }
0x59c: {  	_ =	swait.ge [sflag:s29], $0x2000  }
0x59d: {  	[sflag:s29] =	ssyncset.done $0x0  }
0x59e: {  	s1 =	simm.s32 $0x10;
	[sflag:s29] =	ssyncadd.s32 $0xFFFFE000  }
0x59f: {  	_ =	swait.ge [sflag:s1], $0x2000  }
0x5a0: {  	s3 =	rddreg [dreg:$0x1f]  }
0x5a1: {  	s30 =	rddreg [dreg:$0x12];
	s3 =	sadd.s32 $0x1, s3  }
0x5a2: {  	p0 =	sne.s32 s3, s30  }
.Ltmp9:
0x5a3: {  	_ = 	snop;
	(pc) =	sbr.rel @p0 .LBB2_1-.Ltmp9, $3  }
0x5a4: {  	_ =	sdelay $0x1  }
0x5a5: {  	[sflag:s1] =	ssyncset.done $0x0  }
0x5a6: {  	[sflag:s1] =	ssyncadd.s32 $0xFFFFE000  }
0x5a7: {  	_ =	sfence.sel $0x180000  }
0x5a8: {  	[bflag:$0x0] =	sbarrier.arrive $0xFFFF  }
0x5a9: {  	_ =	strace $0x90000047  }
0x5aa: {  	s0 =	stileid.u32;
	[bflag:$0x2] =	sbarrier.arrive $0xFFFF  }
0x5ab: {  	p0 =	sne.s32 s0, $0x0;
	s0 =	rddreg [dreg:$0x3]  }
0x5ac: {  	s0 =	sadd.s32 @!p0 $0x100000, s0  }
0x5ad: {  	[sflag:s0] =	ssyncadd.tile.s32 @!p0 $0x1;
	_ =	shalt  }
.Lfunc_end2:
_tile_overlayer_lowered:
.L_overlay_start_2:
0x5ae: {  	(tag) =	ssettag $0x2  }
0x5af: {  	s0 =	rddreg [dreg:$0x0];
	s2 =	stileid.u32  }
0x5b0: {  	s1 =	rddreg [dreg:$0x1];
	p0 =	sne.s32 s2, $0x0  }
0x5b1: {  	s3 =	rddreg [dreg:$0x2];
	[bflag:$0x3] =	sbarrier.arrive $0xFFFF;
	s2 =	simm.s32 @!p0 $0x1C11  }
0x5b2: {  	[timem:s3], [sflag:s2] =	dma.local @!p0 [hbm:s0], s1  }
0x5b3: {  	s0 =	simm.s32 @!p0 $0x11  }
0x5b4: {  	_ =	swait.ge @!p0 [sflag:s0], s1  }
0x5b5: {  	s1 =	ssub.s32 @!p0 $0x0, s1;
	[sflag:s0] =	ssyncset.done @!p0 $0x0  }
0x5b6: {  	[sflag:s0] =	ssyncadd.s32 @!p0 s1  }
0x5b7: {  	[bflag:$0x3] =	sbarrier.arrive $0xFFFF  }
0x5b8: {  	_ =	shalt  }

</sc_bundles>
